<compile_context>
chip_gen: v7x
topology: tpu7x:2x2x1
jax: 0.10.2.dev20260603
libtpu: 0.0.44.dev20260713+nightly
codegen_flags: <defaults>
</compile_context>

<pallas_src>
import functools

import jax
import jax.numpy as jnp
from jax import lax
from jax.experimental import pallas as pl
from jax.experimental.pallas import tpu as pltpu
from jax.experimental.pallas import tpu_sc as plsc

N = 10000
E = 160000
NP = 10240
CH = 128
NCH = 40
NW = 32
EP = NW * NCH * CH
RPT = NP // 16

@functools.lru_cache(maxsize=None)
def _mesh():
    return plsc.VectorSubcoreMesh(
        core_axis_name="c", subcore_axis_name="s",
        num_cores=2, num_subcores=16)



@functools.lru_cache(maxsize=None)
def _make_deg_kernel():
    @functools.partial(
        pl.kernel,
        out_type=jax.ShapeDtypeStruct((2, NP, 16), jnp.float32),
        mesh=_mesh(),
        compiler_params=pltpu.CompilerParams(use_tc_tiling_on_sc=False),
        scratch_types=[
            pltpu.VMEM((NCH, CH), jnp.int32),
            pltpu.VMEM((CH, 16), jnp.float32),
            pltpu.VMEM_SHARED((NP, 16), jnp.float32),
        ],
    )
    def deg_kernel(dst_hbm, ones_hbm, zblk_hbm, out_hbm, didx, ones_v, acc):
        c = lax.axis_index("c")
        s = lax.axis_index("s")
        w = c * 16 + s
        pltpu.sync_copy(zblk_hbm, acc.at[pl.ds(s * RPT, RPT)])
        pltpu.sync_copy(ones_hbm, ones_v)
        pltpu.sync_copy(dst_hbm.at[pl.ds(w * NCH, NCH)], didx)
        plsc.subcore_barrier()

        def body(j, carry):
            pltpu.sync_copy(ones_v, acc.at[didx.at[j]], add=True)
            return carry

        lax.fori_loop(0, NCH, body, 0)
        plsc.subcore_barrier()
        pltpu.sync_copy(acc.at[pl.ds(s * RPT, RPT)],
                        out_hbm.at[c, pl.ds(s * RPT, RPT)])

    return deg_kernel


NCH2 = 2 * NCH
K_SLOW = 40
K_FAST = NCH2 - K_SLOW
SLOW_CORE = 1
_OWN0 = K_SLOW if SLOW_CORE == 0 else K_FAST


_DEPTH = 4


def _ring(h_hbm, acc, sidx, didx, rows, gsems, ssems, nch):
    dp = _DEPTH
    for b in range(dp - 1):
        pltpu.async_copy(h_hbm.at[sidx.at[b]], rows[b], gsems[b])

    def body(i, carry):
        for b in range(dp):
            j = dp * i + b
            bn = (b + dp - 1) % dp
            pltpu.make_async_copy(
                h_hbm.at[sidx.at[j]], rows[b], gsems[b]).wait()
            pltpu.async_copy(rows[b], acc.at[didx.at[j]], ssems[b],
                             add=True)

            @pl.when(j + dp - 1 < nch)
            def _():
                @pl.when(j >= 1)
                def _():
                    pltpu.make_async_copy(
                        rows[bn], acc.at[didx.at[j - 1]],
                        ssems[bn]).wait()
                pltpu.async_copy(
                    h_hbm.at[sidx.at[j + dp - 1]], rows[bn], gsems[bn])
        return carry

    lax.fori_loop(0, nch // dp, body, 0)
    for b in range(dp):
        pltpu.make_async_copy(
            rows[b], acc.at[didx.at[nch - dp + b]], ssems[b]).wait()


@functools.lru_cache(maxsize=None)
def _make_agg_kernel(H, dtype=jnp.bfloat16):
    @functools.partial(
        pl.kernel,
        out_type=jax.ShapeDtypeStruct((2, NP, H), dtype),
        mesh=_mesh(),
        compiler_params=pltpu.CompilerParams(use_tc_tiling_on_sc=False),
        scratch_types=[
            pltpu.VMEM((K_FAST, CH), jnp.int32),
            pltpu.VMEM((K_FAST, CH), jnp.int32),
            [pltpu.VMEM((CH, H), dtype) for _ in range(_DEPTH)],
            pltpu.VMEM_SHARED((NP, H), dtype),
            pltpu.VMEM_SHARED((N, H), dtype),
            [pltpu.SemaphoreType.DMA for _ in range(_DEPTH)],
            [pltpu.SemaphoreType.DMA for _ in range(_DEPTH)],
        ],
    )
    def agg_kernel(h_hbm, src_hbm, dst_hbm, zblk_hbm, out_hbm,
                   sidx, didx, rows, acc, tbl, gsems, ssems):
        c = lax.axis_index("c")
        s = lax.axis_index("s")
        base = s * NCH2 + c * _OWN0
        pltpu.sync_copy(zblk_hbm, acc.at[pl.ds(s * RPT, RPT)])
        pltpu.sync_copy(h_hbm.at[pl.ds(s * 625, 625)],
                        tbl.at[pl.ds(s * 625, 625)])

        @pl.when(c == SLOW_CORE)
        def _():
            pltpu.sync_copy(src_hbm.at[pl.ds(base, K_SLOW)],
                            sidx.at[pl.ds(0, K_SLOW)])
            pltpu.sync_copy(dst_hbm.at[pl.ds(base, K_SLOW)],
                            didx.at[pl.ds(0, K_SLOW)])

        @pl.when(c != SLOW_CORE)
        def _():
            pltpu.sync_copy(src_hbm.at[pl.ds(base, K_FAST)], sidx)
            pltpu.sync_copy(dst_hbm.at[pl.ds(base, K_FAST)], didx)

        plsc.subcore_barrier()

        @pl.when(c == SLOW_CORE)
        def _():
            _ring(tbl, acc, sidx, didx, rows, gsems, ssems, K_SLOW)

        @pl.when(c != SLOW_CORE)
        def _():
            _ring(tbl, acc, sidx, didx, rows, gsems, ssems, K_FAST)

        plsc.subcore_barrier()
        pltpu.sync_copy(acc.at[pl.ds(s * RPT, RPT)],
                        out_hbm.at[c, pl.ds(s * RPT, RPT)])

    return agg_kernel


def _deg_sc(dstp, ones16, zblk):
    return _make_deg_kernel()(dstp, ones16, zblk)


def _agg_sc(h, srcp, dstp, zblk):
    return _make_agg_kernel(h.shape[1])(h, srcp, dstp, zblk)



_RB = 2000


def _mm_body(x_ref, w_ref, o_ref):
    o_ref[...] = jnp.dot(x_ref[...], w_ref[...],
                         preferred_element_type=jnp.float32)


def _mm(x, w):
    n, d = x.shape
    h = w.shape[1]
    return pl.pallas_call(
        _mm_body,
        grid=(n // _RB,),
        in_specs=[pl.BlockSpec((_RB, d), lambda i: (i, 0)),
                  pl.BlockSpec((d, h), lambda i: (0, 0))],
        out_specs=pl.BlockSpec((_RB, h), lambda i: (i, 0)),
        out_shape=jax.ShapeDtypeStruct((n, h), jnp.float32),
    )(x, w)


def _dinv_body(s_ref, p_ref, dinv_ref, hs_ref):
    cnt = s_ref[0, :, 0:1] + s_ref[1, :, 0:1]
    dinv = lax.rsqrt(cnt + 1.0)
    dinv_ref[...] = dinv
    hs_ref[...] = (p_ref[...] * dinv).astype(jnp.bfloat16)


def _dinv_stage(cnt_part, p1):
    h = p1.shape[1]
    return pl.pallas_call(
        _dinv_body,
        grid=(N // _RB,),
        in_specs=[pl.BlockSpec((2, _RB, 16), lambda i: (0, i, 0)),
                  pl.BlockSpec((_RB, h), lambda i: (i, 0))],
        out_specs=[pl.BlockSpec((_RB, 1), lambda i: (i, 0)),
                   pl.BlockSpec((_RB, h), lambda i: (i, 0))],
        out_shape=[jax.ShapeDtypeStruct((N, 1), jnp.float32),
                   jax.ShapeDtypeStruct((N, h), jnp.bfloat16)],
    )(cnt_part, p1)


def _junction_body(s_ref, p_ref, dinv_ref, b_ref, w_ref, pn_ref, hs_ref):
    dinv = dinv_ref[...]
    agg = s_ref[0].astype(jnp.float32) + s_ref[1].astype(jnp.float32)
    g = agg * dinv + p_ref[...] * (dinv * dinv) + b_ref[...]
    g = jnp.maximum(g, 0.0)
    pn = jnp.dot(g, w_ref[...], preferred_element_type=jnp.float32)
    pn_ref[...] = pn
    hs_ref[...] = (pn * dinv).astype(jnp.bfloat16)


def _junction(s_part, p, dinv, b, w):
    hi = p.shape[1]
    ho = w.shape[1]
    return pl.pallas_call(
        _junction_body,
        grid=(N // _RB,),
        in_specs=[pl.BlockSpec((2, _RB, hi), lambda i: (0, i, 0)),
                  pl.BlockSpec((_RB, hi), lambda i: (i, 0)),
                  pl.BlockSpec((_RB, 1), lambda i: (i, 0)),
                  pl.BlockSpec((1, hi), lambda i: (0, 0)),
                  pl.BlockSpec((hi, ho), lambda i: (0, 0))],
        out_specs=[pl.BlockSpec((_RB, ho), lambda i: (i, 0)),
                   pl.BlockSpec((_RB, ho), lambda i: (i, 0))],
        out_shape=[jax.ShapeDtypeStruct((N, ho), jnp.float32),
                   jax.ShapeDtypeStruct((N, ho), jnp.bfloat16)],
    )(s_part, p, dinv, b, w)


def _final_body(s_ref, p_ref, dinv_ref, b_ref, w_ref, bfc_ref, o_ref):
    dinv = dinv_ref[...]
    agg = s_ref[0].astype(jnp.float32) + s_ref[1].astype(jnp.float32)
    g = agg * dinv + p_ref[...] * (dinv * dinv) + b_ref[...]
    g = jnp.maximum(g, 0.0)
    logits = jnp.dot(g, w_ref[...],
                     preferred_element_type=jnp.float32) + bfc_ref[...]
    m = jnp.max(logits, axis=1, keepdims=True)
    lse = jnp.log(jnp.sum(jnp.exp(logits - m), axis=1, keepdims=True)) + m
    o_ref[...] = logits - lse


def _final(s_part, p, dinv, b, wfc, bfc):
    hi = p.shape[1]
    cc = wfc.shape[1]
    return pl.pallas_call(
        _final_body,
        grid=(N // _RB,),
        in_specs=[pl.BlockSpec((2, _RB, hi), lambda i: (0, i, 0)),
                  pl.BlockSpec((_RB, hi), lambda i: (i, 0)),
                  pl.BlockSpec((_RB, 1), lambda i: (i, 0)),
                  pl.BlockSpec((1, hi), lambda i: (0, 0)),
                  pl.BlockSpec((hi, cc), lambda i: (0, 0)),
                  pl.BlockSpec((1, cc), lambda i: (0, 0))],
        out_specs=pl.BlockSpec((_RB, cc), lambda i: (i, 0)),
        out_shape=jax.ShapeDtypeStruct((N, cc), jnp.float32),
    )(s_part, p, dinv, b, wfc, bfc)


def _aggregate(h, srcp, dstp, zblk):
    return _agg_sc(h, srcp, dstp, zblk)



def kernel(x, edge_index, W1, b1, W2, b2, W3, b3, Wfc, bfc):
    src = edge_index[0]
    dst = edge_index[1]
    pad = EP - E
    srcp = jnp.concatenate(
        [src, jnp.zeros((pad,), jnp.int32)]).reshape(NW * NCH, CH)
    dstp = jnp.concatenate(
        [dst, jnp.full((pad,), N, jnp.int32)]).reshape(NW * NCH, CH)

    ones16 = jnp.ones((CH, 16), jnp.float32)
    z16 = jnp.zeros((RPT, 16), jnp.float32)
    z64 = jnp.zeros((RPT, 64), jnp.bfloat16)
    z128 = jnp.zeros((RPT, 128), jnp.bfloat16)

    cnt_part = _deg_sc(dstp, ones16, z16)
    p1 = _mm(x, W1)
    dinv, hs1 = _dinv_stage(cnt_part, p1)

    s1 = _aggregate(hs1, srcp, dstp, z64)
    p2, hs2 = _junction(s1, p1, dinv, b1.reshape(1, -1), W2)

    s2 = _aggregate(hs2, srcp, dstp, z128)
    p3, hs3 = _junction(s2, p2, dinv, b2.reshape(1, -1), W3)

    s3 = _aggregate(hs3, srcp, dstp, z64)
    out = _final(s3, p3, dinv, b3.reshape(1, -1), Wfc, bfc.reshape(1, -1))
    return out

# --- scband reference (transcript-rebuilt; emitter-appended) ---
"""Pipeline reference for scband-simple-gcn-56324201119981 (READ-ONLY COPY).

The authoritative reference and input builder live on the scoring server;
editing this copy changes nothing except your own understanding.
"""

import jax, jax.numpy as jnp
import numpy as np

N = 10000
E = 160000
D = 256
H1, H2, H3 = 64, 128, 64
C = 40


def _glorot(key, fan_in, fan_out):
    lim = jnp.sqrt(6.0 / (fan_in + fan_out))
    return jax.random.uniform(key, (fan_in, fan_out), dtype=jnp.float32, minval=-lim, maxval=lim)


def setup_inputs(seed: int = 0) -> dict:
    key = jax.random.key(seed)
    ks = jax.random.split(key, 10)
    x = jax.random.normal(ks[0], (N, D), dtype=jnp.float32)
    edge_index = jax.random.randint(ks[1], (2, E), 0, N, dtype=jnp.int32)
    return {
        'x': x,
        'edge_index': edge_index,
        'W1': _glorot(ks[2], D, H1), 'b1': jnp.zeros((H1,), jnp.float32),
        'W2': _glorot(ks[3], H1, H2), 'b2': jnp.zeros((H2,), jnp.float32),
        'W3': _glorot(ks[4], H2, H3), 'b3': jnp.zeros((H3,), jnp.float32),
        'Wfc': _glorot(ks[5], H3, C), 'bfc': jnp.zeros((C,), jnp.float32),
    }


def gcn_conv(x, edge_index, W, b):
    # GCNConv: out = D^{-1/2} (A + I) D^{-1/2} (x W) + b
    n = x.shape[0]
    h = x @ W
    src = edge_index[0]
    dst = edge_index[1]
    loop = jnp.arange(n, dtype=src.dtype)
    src = jnp.concatenate([src, loop])
    dst = jnp.concatenate([dst, loop])
    deg = jnp.zeros((n,), dtype=h.dtype).at[dst].add(1.0)
    dinv = jnp.where(deg > 0, jax.lax.rsqrt(deg), 0.0)
    norm = dinv[src] * dinv[dst]
    msg = jnp.take(h, src, axis=0) * norm[:, None]
    out = jax.ops.segment_sum(msg, dst, num_segments=n)
    return out + b


def reference(x, edge_index, W1, b1, W2, b2, W3, b3, Wfc, bfc):
    h = gcn_conv(x, edge_index, W1, b1)
    h = jax.nn.relu(h)
    # dropout p=0.5 with training=self.training -> identity in eval mode
    h = gcn_conv(h, edge_index, W2, b2)
    h = jax.nn.relu(h)
    h = gcn_conv(h, edge_index, W3, b3)
    h = jax.nn.relu(h)
    logits = h @ Wfc + bfc
    return jax.nn.log_softmax(logits, axis=1)

if __name__ == "__main__":
    import jax
    _d = setup_inputs()
    print(jax.jit(kernel)(*tuple(_d.values())))

</pallas_src>

<mosaic_0001>
#map = affine_map<(d0, d1) -> (0, 0)>
#map1 = affine_map<(d0, d1) -> (0, 0, 0)>
module attributes {stable_mosaic.version = 14 : i64} {
  func.func @agg_kernel(%arg0: i32, %arg1: i32, %arg2: memref<10000x128xbf16, #tpu.memory_space<hbm>>, %arg3: memref<1280x128xi32, #tpu.memory_space<hbm>>, %arg4: memref<1280x128xi32, #tpu.memory_space<hbm>>, %arg5: memref<640x128xbf16, #tpu.memory_space<hbm>>, %arg6: memref<2x10240x128xbf16, #tpu.memory_space<hbm>>, %arg7: memref<40x128xi32, #tpu.memory_space<vmem>>, %arg8: memref<40x128xi32, #tpu.memory_space<vmem>>, %arg9: memref<128x128xbf16, #tpu.memory_space<vmem>>, %arg10: memref<128x128xbf16, #tpu.memory_space<vmem>>, %arg11: memref<128x128xbf16, #tpu.memory_space<vmem>>, %arg12: memref<128x128xbf16, #tpu.memory_space<vmem>>, %arg13: memref<10240x128xbf16, #tpu.memory_space<vmem_shared>>, %arg14: memref<10000x128xbf16, #tpu.memory_space<vmem_shared>>, %arg15: memref<!tpu.dma_semaphore, #tpu.memory_space<semaphore_mem>>, %arg16: memref<!tpu.dma_semaphore, #tpu.memory_space<semaphore_mem>>, %arg17: memref<!tpu.dma_semaphore, #tpu.memory_space<semaphore_mem>>, %arg18: memref<!tpu.dma_semaphore, #tpu.memory_space<semaphore_mem>>, %arg19: memref<!tpu.dma_semaphore, #tpu.memory_space<semaphore_mem>>, %arg20: memref<!tpu.dma_semaphore, #tpu.memory_space<semaphore_mem>>, %arg21: memref<!tpu.dma_semaphore, #tpu.memory_space<semaphore_mem>>, %arg22: memref<!tpu.dma_semaphore, #tpu.memory_space<semaphore_mem>>) attributes {dimension_semantics = [#tpu.dimension_semantics<core_parallel>, #tpu.dimension_semantics<subcore_parallel>], iteration_bounds = array<i64: 2, 16>, scalar_prefetch = 0 : i64, scratch_operands = 16 : i64, tpu.core_type = #tpu.core_type<sc_vector_subcore>, window_params = [{transform_indices = #map}, {transform_indices = #map}, {transform_indices = #map}, {transform_indices = #map}, {transform_indices = #map1}]} {
    %mul3A = arith.constant 80 : i32
    %mul3A_0 = arith.muli %arg1, %mul3A : i32
    %mul3A_1 = arith.constant 40 : i32
    %mul3A_2 = arith.muli %arg0, %mul3A_1 : i32
    %add3A = arith.addi %mul3A_0, %mul3A_2 : i32
    %mul3A_3 = arith.constant 640 : i32
    %mul3A_4 = arith.muli %arg1, %mul3A_3 : i32
    "tpu.region"() ({
      %run_scoped3A = tpu.sem_alloc : memref<!tpu.dma_semaphore, #tpu.memory_space<semaphore_mem>>
      %dma_start3A = arith.constant 0 : i32
      %dma_start3A_30 = tpu.memref_slice %arg13[%mul3A_4, %dma_start3A] : memref<10240x128xbf16, #tpu.memory_space<vmem_shared>> -> memref<640x128xbf16, #tpu.memory_space<vmem_shared>>
      tpu.enqueue_dma source(%arg5 : memref<640x128xbf16, #tpu.memory_space<hbm>>) target(%dma_start3A_30 : memref<640x128xbf16, #tpu.memory_space<vmem_shared>>) target_semaphore(%run_scoped3A : memref<!tpu.dma_semaphore, #tpu.memory_space<semaphore_mem>>)
      %dma_wait3A = arith.constant 0 : i32
      %dma_wait3A_31 = tpu.memref_slice %arg13[%mul3A_4, %dma_wait3A] : memref<10240x128xbf16, #tpu.memory_space<vmem_shared>> -> memref<640x128xbf16, #tpu.memory_space<vmem_shared>>
      tpu.wait_dma2 semaphore(%run_scoped3A : memref<!tpu.dma_semaphore, #tpu.memory_space<semaphore_mem>>) src(%arg5 : memref<640x128xbf16, #tpu.memory_space<hbm>>) dst(%dma_wait3A_31 : memref<640x128xbf16, #tpu.memory_space<vmem_shared>>)
      tpu.yield
    }) : () -> ()
    %mul3A_5 = arith.constant 625 : i32
    %mul3A_6 = arith.muli %arg1, %mul3A_5 : i32
    %mul3A_7 = arith.constant 625 : i32
    %mul3A_8 = arith.muli %arg1, %mul3A_7 : i32
    "tpu.region"() ({
      %run_scoped3A = tpu.sem_alloc : memref<!tpu.dma_semaphore, #tpu.memory_space<semaphore_mem>>
      %dma_start3A = arith.constant 0 : i32
      %dma_start3A_30 = tpu.memref_slice %arg14[%mul3A_8, %dma_start3A] : memref<10000x128xbf16, #tpu.memory_space<vmem_shared>> -> memref<625x128xbf16, #tpu.memory_space<vmem_shared>>
      %dma_start3A_31 = arith.constant 0 : i32
      %dma_start3A_32 = tpu.memref_slice %arg2[%mul3A_6, %dma_start3A_31] : memref<10000x128xbf16, #tpu.memory_space<hbm>> -> memref<625x128xbf16, #tpu.memory_space<hbm>>
      tpu.enqueue_dma source(%dma_start3A_32 : memref<625x128xbf16, #tpu.memory_space<hbm>>) target(%dma_start3A_30 : memref<625x128xbf16, #tpu.memory_space<vmem_shared>>) target_semaphore(%run_scoped3A : memref<!tpu.dma_semaphore, #tpu.memory_space<semaphore_mem>>)
      %dma_wait3A = arith.constant 0 : i32
      %dma_wait3A_33 = tpu.memref_slice %arg14[%mul3A_8, %dma_wait3A] : memref<10000x128xbf16, #tpu.memory_space<vmem_shared>> -> memref<625x128xbf16, #tpu.memory_space<vmem_shared>>
      %dma_wait3A_34 = arith.constant 0 : i32
      %dma_wait3A_35 = tpu.memref_slice %arg2[%mul3A_6, %dma_wait3A_34] : memref<10000x128xbf16, #tpu.memory_space<hbm>> -> memref<625x128xbf16, #tpu.memory_space<hbm>>
      tpu.wait_dma2 semaphore(%run_scoped3A : memref<!tpu.dma_semaphore, #tpu.memory_space<semaphore_mem>>) src(%dma_wait3A_35 : memref<625x128xbf16, #tpu.memory_space<hbm>>) dst(%dma_wait3A_33 : memref<625x128xbf16, #tpu.memory_space<vmem_shared>>)
      tpu.yield
    }) : () -> ()
    %eq3A = arith.constant 1 : i32
    %eq3A_9 = arith.cmpi eq, %arg0, %eq3A : i32
    %convert_element_type3A = arith.extui %eq3A_9 : i1 to i32
    %cond3A = arith.constant 0 : i32
    %cond3A_10 = arith.cmpi ne, %convert_element_type3A, %cond3A : i32
    scf.if %cond3A_10 {
      "tpu.region"() ({
        %run_scoped3A = tpu.sem_alloc : memref<!tpu.dma_semaphore, #tpu.memory_space<semaphore_mem>>
        %dma_start3A = arith.constant 0 : i32
        %dma_start3A_30 = arith.constant 0 : i32
        %dma_start3A_31 = tpu.memref_slice %arg7[%dma_start3A, %dma_start3A_30] : memref<40x128xi32, #tpu.memory_space<vmem>> -> memref<40x128xi32, #tpu.memory_space<vmem>>
        %dma_start3A_32 = arith.constant 0 : i32
        %dma_start3A_33 = tpu.memref_slice %arg3[%add3A, %dma_start3A_32] : memref<1280x128xi32, #tpu.memory_space<hbm>> -> memref<40x128xi32, #tpu.memory_space<hbm>>
        %dma_start3A_34 = arith.constant 0 : i32
        %dma_start3A_35 = arith.constant 0 : i32
        %dma_start3A_36 = tpu.memref_slice %arg7[%dma_start3A_34, %dma_start3A_35] : memref<40x128xi32, #tpu.memory_space<vmem>> -> memref<40x128xi32, #tpu.memory_space<vmem>>
        %dma_start3A_37 = arith.constant 0 : i32
        %dma_start3A_38 = tpu.memref_slice %arg3[%add3A, %dma_start3A_37] : memref<1280x128xi32, #tpu.memory_space<hbm>> -> memref<40x128xi32, #tpu.memory_space<hbm>>
        tpu.enqueue_dma source(%dma_start3A_38 : memref<40x128xi32, #tpu.memory_space<hbm>>) target(%dma_start3A_36 : memref<40x128xi32, #tpu.memory_space<vmem>>) target_semaphore(%run_scoped3A : memref<!tpu.dma_semaphore, #tpu.memory_space<semaphore_mem>>)
        %dma_wait3A = arith.constant 0 : i32
        %dma_wait3A_39 = arith.constant 0 : i32
        %dma_wait3A_40 = tpu.memref_slice %arg7[%dma_wait3A, %dma_wait3A_39] : memref<40x128xi32, #tpu.memory_space<vmem>> -> memref<40x128xi32, #tpu.memory_space<vmem>>
        %dma_wait3A_41 = arith.constant 0 : i32
        %dma_wait3A_42 = tpu.memref_slice %arg3[%add3A, %dma_wait3A_41] : memref<1280x128xi32, #tpu.memory_space<hbm>> -> memref<40x128xi32, #tpu.memory_space<hbm>>
        %dma_wait3A_43 = arith.constant 0 : i32
        %dma_wait3A_44 = arith.constant 0 : i32
        %dma_wait3A_45 = tpu.memref_slice %arg7[%dma_wait3A_43, %dma_wait3A_44] : memref<40x128xi32, #tpu.memory_space<vmem>> -> memref<40x128xi32, #tpu.memory_space<vmem>>
        %dma_wait3A_46 = arith.constant 0 : i32
        %dma_wait3A_47 = tpu.memref_slice %arg3[%add3A, %dma_wait3A_46] : memref<1280x128xi32, #tpu.memory_space<hbm>> -> memref<40x128xi32, #tpu.memory_space<hbm>>
        tpu.wait_dma2 semaphore(%run_scoped3A : memref<!tpu.dma_semaphore, #tpu.memory_space<semaphore_mem>>) src(%dma_wait3A_47 : memref<40x128xi32, #tpu.memory_space<hbm>>) dst(%dma_wait3A_45 : memref<40x128xi32, #tpu.memory_space<vmem>>)
        tpu.yield
      }) : () -> ()
      "tpu.region"() ({
        %run_scoped3A = tpu.sem_alloc : memref<!tpu.dma_semaphore, #tpu.memory_space<semaphore_mem>>
        %dma_start3A = arith.constant 0 : i32
        %dma_start3A_30 = arith.constant 0 : i32
        %dma_start3A_31 = tpu.memref_slice %arg8[%dma_start3A, %dma_start3A_30] : memref<40x128xi32, #tpu.memory_space<vmem>> -> memref<40x128xi32, #tpu.memory_space<vmem>>
        %dma_start3A_32 = arith.constant 0 : i32
        %dma_start3A_33 = tpu.memref_slice %arg4[%add3A, %dma_start3A_32] : memref<1280x128xi32, #tpu.memory_space<hbm>> -> memref<40x128xi32, #tpu.memory_space<hbm>>
        %dma_start3A_34 = arith.constant 0 : i32
        %dma_start3A_35 = arith.constant 0 : i32
        %dma_start3A_36 = tpu.memref_slice %arg8[%dma_start3A_34, %dma_start3A_35] : memref<40x128xi32, #tpu.memory_space<vmem>> -> memref<40x128xi32, #tpu.memory_space<vmem>>
        %dma_start3A_37 = arith.constant 0 : i32
        %dma_start3A_38 = tpu.memref_slice %arg4[%add3A, %dma_start3A_37] : memref<1280x128xi32, #tpu.memory_space<hbm>> -> memref<40x128xi32, #tpu.memory_space<hbm>>
        tpu.enqueue_dma source(%dma_start3A_38 : memref<40x128xi32, #tpu.memory_space<hbm>>) target(%dma_start3A_36 : memref<40x128xi32, #tpu.memory_space<vmem>>) target_semaphore(%run_scoped3A : memref<!tpu.dma_semaphore, #tpu.memory_space<semaphore_mem>>)
        %dma_wait3A = arith.constant 0 : i32
        %dma_wait3A_39 = arith.constant 0 : i32
        %dma_wait3A_40 = tpu.memref_slice %arg8[%dma_wait3A, %dma_wait3A_39] : memref<40x128xi32, #tpu.memory_space<vmem>> -> memref<40x128xi32, #tpu.memory_space<vmem>>
        %dma_wait3A_41 = arith.constant 0 : i32
        %dma_wait3A_42 = tpu.memref_slice %arg4[%add3A, %dma_wait3A_41] : memref<1280x128xi32, #tpu.memory_space<hbm>> -> memref<40x128xi32, #tpu.memory_space<hbm>>
        %dma_wait3A_43 = arith.constant 0 : i32
        %dma_wait3A_44 = arith.constant 0 : i32
        %dma_wait3A_45 = tpu.memref_slice %arg8[%dma_wait3A_43, %dma_wait3A_44] : memref<40x128xi32, #tpu.memory_space<vmem>> -> memref<40x128xi32, #tpu.memory_space<vmem>>
        %dma_wait3A_46 = arith.constant 0 : i32
        %dma_wait3A_47 = tpu.memref_slice %arg4[%add3A, %dma_wait3A_46] : memref<1280x128xi32, #tpu.memory_space<hbm>> -> memref<40x128xi32, #tpu.memory_space<hbm>>
        tpu.wait_dma2 semaphore(%run_scoped3A : memref<!tpu.dma_semaphore, #tpu.memory_space<semaphore_mem>>) src(%dma_wait3A_47 : memref<40x128xi32, #tpu.memory_space<hbm>>) dst(%dma_wait3A_45 : memref<40x128xi32, #tpu.memory_space<vmem>>)
        tpu.yield
      }) : () -> ()
    } else {
    }
    %ne3A = arith.constant 1 : i32
    %ne3A_11 = arith.cmpi ne, %arg0, %ne3A : i32
    %convert_element_type3A_12 = arith.extui %ne3A_11 : i1 to i32
    %cond3A_13 = arith.constant 0 : i32
    %cond3A_14 = arith.cmpi ne, %convert_element_type3A_12, %cond3A_13 : i32
    scf.if %cond3A_14 {
      "tpu.region"() ({
        %run_scoped3A = tpu.sem_alloc : memref<!tpu.dma_semaphore, #tpu.memory_space<semaphore_mem>>
        %dma_start3A = arith.constant 0 : i32
        %dma_start3A_30 = tpu.memref_slice %arg3[%add3A, %dma_start3A] : memref<1280x128xi32, #tpu.memory_space<hbm>> -> memref<40x128xi32, #tpu.memory_space<hbm>>
        %dma_start3A_31 = arith.constant 0 : i32
        %dma_start3A_32 = tpu.memref_slice %arg3[%add3A, %dma_start3A_31] : memref<1280x128xi32, #tpu.memory_space<hbm>> -> memref<40x128xi32, #tpu.memory_space<hbm>>
        tpu.enqueue_dma source(%dma_start3A_32 : memref<40x128xi32, #tpu.memory_space<hbm>>) target(%arg7 : memref<40x128xi32, #tpu.memory_space<vmem>>) target_semaphore(%run_scoped3A : memref<!tpu.dma_semaphore, #tpu.memory_space<semaphore_mem>>)
        %dma_wait3A = arith.constant 0 : i32
        %dma_wait3A_33 = tpu.memref_slice %arg3[%add3A, %dma_wait3A] : memref<1280x128xi32, #tpu.memory_space<hbm>> -> memref<40x128xi32, #tpu.memory_space<hbm>>
        %dma_wait3A_34 = arith.constant 0 : i32
        %dma_wait3A_35 = tpu.memref_slice %arg3[%add3A, %dma_wait3A_34] : memref<1280x128xi32, #tpu.memory_space<hbm>> -> memref<40x128xi32, #tpu.memory_space<hbm>>
        tpu.wait_dma2 semaphore(%run_scoped3A : memref<!tpu.dma_semaphore, #tpu.memory_space<semaphore_mem>>) src(%dma_wait3A_35 : memref<40x128xi32, #tpu.memory_space<hbm>>) dst(%arg7 : memref<40x128xi32, #tpu.memory_space<vmem>>)
        tpu.yield
      }) : () -> ()
      "tpu.region"() ({
        %run_scoped3A = tpu.sem_alloc : memref<!tpu.dma_semaphore, #tpu.memory_space<semaphore_mem>>
        %dma_start3A = arith.constant 0 : i32
        %dma_start3A_30 = tpu.memref_slice %arg4[%add3A, %dma_start3A] : memref<1280x128xi32, #tpu.memory_space<hbm>> -> memref<40x128xi32, #tpu.memory_space<hbm>>
        %dma_start3A_31 = arith.constant 0 : i32
        %dma_start3A_32 = tpu.memref_slice %arg4[%add3A, %dma_start3A_31] : memref<1280x128xi32, #tpu.memory_space<hbm>> -> memref<40x128xi32, #tpu.memory_space<hbm>>
        tpu.enqueue_dma source(%dma_start3A_32 : memref<40x128xi32, #tpu.memory_space<hbm>>) target(%arg8 : memref<40x128xi32, #tpu.memory_space<vmem>>) target_semaphore(%run_scoped3A : memref<!tpu.dma_semaphore, #tpu.memory_space<semaphore_mem>>)
        %dma_wait3A = arith.constant 0 : i32
        %dma_wait3A_33 = tpu.memref_slice %arg4[%add3A, %dma_wait3A] : memref<1280x128xi32, #tpu.memory_space<hbm>> -> memref<40x128xi32, #tpu.memory_space<hbm>>
        %dma_wait3A_34 = arith.constant 0 : i32
        %dma_wait3A_35 = tpu.memref_slice %arg4[%add3A, %dma_wait3A_34] : memref<1280x128xi32, #tpu.memory_space<hbm>> -> memref<40x128xi32, #tpu.memory_space<hbm>>
        tpu.wait_dma2 semaphore(%run_scoped3A : memref<!tpu.dma_semaphore, #tpu.memory_space<semaphore_mem>>) src(%dma_wait3A_35 : memref<40x128xi32, #tpu.memory_space<hbm>>) dst(%arg8 : memref<40x128xi32, #tpu.memory_space<vmem>>)
        tpu.yield
      }) : () -> ()
    } else {
    }
    %barrier3A = arith.constant 0 : index
    tpu.barrier barrier_id(%barrier3A)
    %eq3A_15 = arith.constant 1 : i32
    %eq3A_16 = arith.cmpi eq, %arg0, %eq3A_15 : i32
    %convert_element_type3A_17 = arith.extui %eq3A_16 : i1 to i32
    %cond3A_18 = arith.constant 0 : i32
    %cond3A_19 = arith.cmpi ne, %convert_element_type3A_17, %cond3A_18 : i32
    scf.if %cond3A_19 {
      %dma_start3A = arith.constant 0 : i32
      %dma_start3A_30 = arith.constant 0 : i32
      %dma_start3A_31 = tpu.memref_slice %arg7[%dma_start3A, %dma_start3A_30] : memref<40x128xi32, #tpu.memory_space<vmem>> -> memref<1x128xi32, #tpu.memory_space<vmem>>
      %dma_start3A_32 = tpu.memref_squeeze %dma_start3A_31 : memref<1x128xi32, #tpu.memory_space<vmem>> -> memref<128xi32, #tpu.memory_space<vmem>>
      %dma_start3A_33 = arith.constant 0 : i32
      %dma_start3A_34 = arith.constant 0 : i32
      %dma_start3A_35 = tpu.memref_slice %arg14[%dma_start3A_33, %dma_start3A_34] : memref<10000x128xbf16, #tpu.memory_space<vmem_shared>> -> memref<10000x128xbf16, #tpu.memory_space<vmem_shared>>
      tpu.enqueue_indirect_dma source(%dma_start3A_35 : memref<10000x128xbf16, #tpu.memory_space<vmem_shared>>) target(%arg9 : memref<128x128xbf16, #tpu.memory_space<vmem>>) offsets(%dma_start3A_32 : memref<128xi32, #tpu.memory_space<vmem>>) semaphore(%arg15 : memref<!tpu.dma_semaphore, #tpu.memory_space<semaphore_mem>>)
      %dma_start3A_36 = arith.constant 1 : i32
      %dma_start3A_37 = arith.constant 0 : i32
      %dma_start3A_38 = tpu.memref_slice %arg7[%dma_start3A_36, %dma_start3A_37] : memref<40x128xi32, #tpu.memory_space<vmem>> -> memref<1x128xi32, #tpu.memory_space<vmem>>
      %dma_start3A_39 = tpu.memref_squeeze %dma_start3A_38 : memref<1x128xi32, #tpu.memory_space<vmem>> -> memref<128xi32, #tpu.memory_space<vmem>>
      %dma_start3A_40 = arith.constant 0 : i32
      %dma_start3A_41 = arith.constant 0 : i32
      %dma_start3A_42 = tpu.memref_slice %arg14[%dma_start3A_40, %dma_start3A_41] : memref<10000x128xbf16, #tpu.memory_space<vmem_shared>> -> memref<10000x128xbf16, #tpu.memory_space<vmem_shared>>
      tpu.enqueue_indirect_dma source(%dma_start3A_42 : memref<10000x128xbf16, #tpu.memory_space<vmem_shared>>) target(%arg10 : memref<128x128xbf16, #tpu.memory_space<vmem>>) offsets(%dma_start3A_39 : memref<128xi32, #tpu.memory_space<vmem>>) semaphore(%arg16 : memref<!tpu.dma_semaphore, #tpu.memory_space<semaphore_mem>>)
      %dma_start3A_43 = arith.constant 2 : i32
      %dma_start3A_44 = arith.constant 0 : i32
      %dma_start3A_45 = tpu.memref_slice %arg7[%dma_start3A_43, %dma_start3A_44] : memref<40x128xi32, #tpu.memory_space<vmem>> -> memref<1x128xi32, #tpu.memory_space<vmem>>
      %dma_start3A_46 = tpu.memref_squeeze %dma_start3A_45 : memref<1x128xi32, #tpu.memory_space<vmem>> -> memref<128xi32, #tpu.memory_space<vmem>>
      %dma_start3A_47 = arith.constant 0 : i32
      %dma_start3A_48 = arith.constant 0 : i32
      %dma_start3A_49 = tpu.memref_slice %arg14[%dma_start3A_47, %dma_start3A_48] : memref<10000x128xbf16, #tpu.memory_space<vmem_shared>> -> memref<10000x128xbf16, #tpu.memory_space<vmem_shared>>
      tpu.enqueue_indirect_dma source(%dma_start3A_49 : memref<10000x128xbf16, #tpu.memory_space<vmem_shared>>) target(%arg11 : memref<128x128xbf16, #tpu.memory_space<vmem>>) offsets(%dma_start3A_46 : memref<128xi32, #tpu.memory_space<vmem>>) semaphore(%arg17 : memref<!tpu.dma_semaphore, #tpu.memory_space<semaphore_mem>>)
      %scan3A = arith.constant 0 : i32
      %scan3A_50 = arith.constant 0 : i32
      %scan3A_51 = arith.constant 10 : i32
      %scan3A_52 = arith.addi %scan3A_50, %scan3A_51 : i32
      %scan3A_53 = arith.constant 1 : i32
      scf.for %scan3A_82 = %scan3A_50 to %scan3A_52 step %scan3A_53  : i32 {
        %mul3A_83 = arith.constant 4 : i32
        %mul3A_84 = arith.muli %mul3A_83, %scan3A_82 : i32
        %add3A_85 = arith.constant 0 : i32
        %add3A_86 = arith.addi %mul3A_84, %add3A_85 : i32
        %dma_wait3A_87 = arith.constant 0 : i32
        %dma_wait3A_88 = tpu.memref_slice %arg7[%add3A_86, %dma_wait3A_87] : memref<40x128xi32, #tpu.memory_space<vmem>> -> memref<1x128xi32, #tpu.memory_space<vmem>>
        %dma_wait3A_89 = tpu.memref_squeeze %dma_wait3A_88 : memref<1x128xi32, #tpu.memory_space<vmem>> -> memref<128xi32, #tpu.memory_space<vmem>>
        %dma_wait3A_90 = arith.constant 0 : i32
        %dma_wait3A_91 = arith.constant 0 : i32
        %dma_wait3A_92 = tpu.memref_slice %arg14[%dma_wait3A_90, %dma_wait3A_91] : memref<10000x128xbf16, #tpu.memory_space<vmem_shared>> -> memref<10000x128xbf16, #tpu.memory_space<vmem_shared>>
        tpu.wait_indirect_dma semaphore(%arg15 : memref<!tpu.dma_semaphore, #tpu.memory_space<semaphore_mem>>) src(%dma_wait3A_92 : memref<10000x128xbf16, #tpu.memory_space<vmem_shared>>) dst(%arg9 : memref<128x128xbf16, #tpu.memory_space<vmem>>)
        %dma_start3A_93 = arith.constant 0 : i32
        %dma_start3A_94 = tpu.memref_slice %arg8[%add3A_86, %dma_start3A_93] : memref<40x128xi32, #tpu.memory_space<vmem>> -> memref<1x128xi32, #tpu.memory_space<vmem>>
        %dma_start3A_95 = tpu.memref_squeeze %dma_start3A_94 : memref<1x128xi32, #tpu.memory_space<vmem>> -> memref<128xi32, #tpu.memory_space<vmem>>
        %dma_start3A_96 = arith.constant 0 : i32
        %dma_start3A_97 = arith.constant 0 : i32
        %dma_start3A_98 = tpu.memref_slice %arg13[%dma_start3A_96, %dma_start3A_97] : memref<10240x128xbf16, #tpu.memory_space<vmem_shared>> -> memref<10240x128xbf16, #tpu.memory_space<vmem_shared>>
        tpu.enqueue_indirect_dma source(%arg9 : memref<128x128xbf16, #tpu.memory_space<vmem>>) target(%dma_start3A_98 : memref<10240x128xbf16, #tpu.memory_space<vmem_shared>>) offsets(%dma_start3A_95 : memref<128xi32, #tpu.memory_space<vmem>>) semaphore(%arg19 : memref<!tpu.dma_semaphore, #tpu.memory_space<semaphore_mem>>) {add = true}
        %add3A_99 = arith.constant 4 : i32
        %add3A_100 = arith.addi %add3A_86, %add3A_99 : i32
        %sub3A = arith.constant 1 : i32
        %sub3A_101 = arith.subi %add3A_100, %sub3A : i32
        %lt3A = arith.constant 40 : i32
        %lt3A_102 = arith.cmpi slt, %sub3A_101, %lt3A : i32
        %convert_element_type3A_103 = arith.extui %lt3A_102 : i1 to i32
        %cond3A_104 = arith.constant 0 : i32
        %cond3A_105 = arith.cmpi ne, %convert_element_type3A_103, %cond3A_104 : i32
        scf.if %cond3A_105 {
          %ge3A = arith.constant 1 : i32
          %ge3A_181 = arith.cmpi sge, %add3A_86, %ge3A : i32
          %convert_element_type3A_182 = arith.extui %ge3A_181 : i1 to i32
          %cond3A_183 = arith.constant 0 : i32
          %cond3A_184 = arith.cmpi ne, %convert_element_type3A_182, %cond3A_183 : i32
          scf.if %cond3A_184 {
            %sub3A_195 = arith.constant 1 : i32
            %sub3A_196 = arith.subi %add3A_86, %sub3A_195 : i32
            %dma_wait3A_197 = arith.constant 0 : i32
            %dma_wait3A_198 = tpu.memref_slice %arg8[%sub3A_196, %dma_wait3A_197] : memref<40x128xi32, #tpu.memory_space<vmem>> -> memref<1x128xi32, #tpu.memory_space<vmem>>
            %dma_wait3A_199 = tpu.memref_squeeze %dma_wait3A_198 : memref<1x128xi32, #tpu.memory_space<vmem>> -> memref<128xi32, #tpu.memory_space<vmem>>
            %dma_wait3A_200 = arith.constant 0 : i32
            %dma_wait3A_201 = arith.constant 0 : i32
            %dma_wait3A_202 = tpu.memref_slice %arg13[%dma_wait3A_200, %dma_wait3A_201] : memref<10240x128xbf16, #tpu.memory_space<vmem_shared>> -> memref<10240x128xbf16, #tpu.memory_space<vmem_shared>>
            tpu.wait_indirect_dma semaphore(%arg22 : memref<!tpu.dma_semaphore, #tpu.memory_space<semaphore_mem>>) src(%arg12 : memref<128x128xbf16, #tpu.memory_space<vmem>>) dst(%dma_wait3A_202 : memref<10240x128xbf16, #tpu.memory_space<vmem_shared>>)
          } else {
          }
          %add3A_185 = arith.constant 4 : i32
          %add3A_186 = arith.addi %add3A_86, %add3A_185 : i32
          %sub3A_187 = arith.constant 1 : i32
          %sub3A_188 = arith.subi %add3A_186, %sub3A_187 : i32
          %dma_start3A_189 = arith.constant 0 : i32
          %dma_start3A_190 = tpu.memref_slice %arg7[%sub3A_188, %dma_start3A_189] : memref<40x128xi32, #tpu.memory_space<vmem>> -> memref<1x128xi32, #tpu.memory_space<vmem>>
          %dma_start3A_191 = tpu.memref_squeeze %dma_start3A_190 : memref<1x128xi32, #tpu.memory_space<vmem>> -> memref<128xi32, #tpu.memory_space<vmem>>
          %dma_start3A_192 = arith.constant 0 : i32
          %dma_start3A_193 = arith.constant 0 : i32
          %dma_start3A_194 = tpu.memref_slice %arg14[%dma_start3A_192, %dma_start3A_193] : memref<10000x128xbf16, #tpu.memory_space<vmem_shared>> -> memref<10000x128xbf16, #tpu.memory_space<vmem_shared>>
          tpu.enqueue_indirect_dma source(%dma_start3A_194 : memref<10000x128xbf16, #tpu.memory_space<vmem_shared>>) target(%arg12 : memref<128x128xbf16, #tpu.memory_space<vmem>>) offsets(%dma_start3A_191 : memref<128xi32, #tpu.memory_space<vmem>>) semaphore(%arg18 : memref<!tpu.dma_semaphore, #tpu.memory_space<semaphore_mem>>)
        } else {
        }
        %mul3A_106 = arith.constant 4 : i32
        %mul3A_107 = arith.muli %mul3A_106, %scan3A_82 : i32
        %add3A_108 = arith.constant 1 : i32
        %add3A_109 = arith.addi %mul3A_107, %add3A_108 : i32
        %dma_wait3A_110 = arith.constant 0 : i32
        %dma_wait3A_111 = tpu.memref_slice %arg7[%add3A_109, %dma_wait3A_110] : memref<40x128xi32, #tpu.memory_space<vmem>> -> memref<1x128xi32, #tpu.memory_space<vmem>>
        %dma_wait3A_112 = tpu.memref_squeeze %dma_wait3A_111 : memref<1x128xi32, #tpu.memory_space<vmem>> -> memref<128xi32, #tpu.memory_space<vmem>>
        %dma_wait3A_113 = arith.constant 0 : i32
        %dma_wait3A_114 = arith.constant 0 : i32
        %dma_wait3A_115 = tpu.memref_slice %arg14[%dma_wait3A_113, %dma_wait3A_114] : memref<10000x128xbf16, #tpu.memory_space<vmem_shared>> -> memref<10000x128xbf16, #tpu.memory_space<vmem_shared>>
        tpu.wait_indirect_dma semaphore(%arg16 : memref<!tpu.dma_semaphore, #tpu.memory_space<semaphore_mem>>) src(%dma_wait3A_115 : memref<10000x128xbf16, #tpu.memory_space<vmem_shared>>) dst(%arg10 : memref<128x128xbf16, #tpu.memory_space<vmem>>)
        %dma_start3A_116 = arith.constant 0 : i32
        %dma_start3A_117 = tpu.memref_slice %arg8[%add3A_109, %dma_start3A_116] : memref<40x128xi32, #tpu.memory_space<vmem>> -> memref<1x128xi32, #tpu.memory_space<vmem>>
        %dma_start3A_118 = tpu.memref_squeeze %dma_start3A_117 : memref<1x128xi32, #tpu.memory_space<vmem>> -> memref<128xi32, #tpu.memory_space<vmem>>
        %dma_start3A_119 = arith.constant 0 : i32
        %dma_start3A_120 = arith.constant 0 : i32
        %dma_start3A_121 = tpu.memref_slice %arg13[%dma_start3A_119, %dma_start3A_120] : memref<10240x128xbf16, #tpu.memory_space<vmem_shared>> -> memref<10240x128xbf16, #tpu.memory_space<vmem_shared>>
        tpu.enqueue_indirect_dma source(%arg10 : memref<128x128xbf16, #tpu.memory_space<vmem>>) target(%dma_start3A_121 : memref<10240x128xbf16, #tpu.memory_space<vmem_shared>>) offsets(%dma_start3A_118 : memref<128xi32, #tpu.memory_space<vmem>>) semaphore(%arg20 : memref<!tpu.dma_semaphore, #tpu.memory_space<semaphore_mem>>) {add = true}
        %add3A_122 = arith.constant 4 : i32
        %add3A_123 = arith.addi %add3A_109, %add3A_122 : i32
        %sub3A_124 = arith.constant 1 : i32
        %sub3A_125 = arith.subi %add3A_123, %sub3A_124 : i32
        %lt3A_126 = arith.constant 40 : i32
        %lt3A_127 = arith.cmpi slt, %sub3A_125, %lt3A_126 : i32
        %convert_element_type3A_128 = arith.extui %lt3A_127 : i1 to i32
        %cond3A_129 = arith.constant 0 : i32
        %cond3A_130 = arith.cmpi ne, %convert_element_type3A_128, %cond3A_129 : i32
        scf.if %cond3A_130 {
          %ge3A = arith.constant 1 : i32
          %ge3A_181 = arith.cmpi sge, %add3A_109, %ge3A : i32
          %convert_element_type3A_182 = arith.extui %ge3A_181 : i1 to i32
          %cond3A_183 = arith.constant 0 : i32
          %cond3A_184 = arith.cmpi ne, %convert_element_type3A_182, %cond3A_183 : i32
          scf.if %cond3A_184 {
            %sub3A_195 = arith.constant 1 : i32
            %sub3A_196 = arith.subi %add3A_109, %sub3A_195 : i32
            %dma_wait3A_197 = arith.constant 0 : i32
            %dma_wait3A_198 = tpu.memref_slice %arg8[%sub3A_196, %dma_wait3A_197] : memref<40x128xi32, #tpu.memory_space<vmem>> -> memref<1x128xi32, #tpu.memory_space<vmem>>
            %dma_wait3A_199 = tpu.memref_squeeze %dma_wait3A_198 : memref<1x128xi32, #tpu.memory_space<vmem>> -> memref<128xi32, #tpu.memory_space<vmem>>
            %dma_wait3A_200 = arith.constant 0 : i32
            %dma_wait3A_201 = arith.constant 0 : i32
            %dma_wait3A_202 = tpu.memref_slice %arg13[%dma_wait3A_200, %dma_wait3A_201] : memref<10240x128xbf16, #tpu.memory_space<vmem_shared>> -> memref<10240x128xbf16, #tpu.memory_space<vmem_shared>>
            tpu.wait_indirect_dma semaphore(%arg19 : memref<!tpu.dma_semaphore, #tpu.memory_space<semaphore_mem>>) src(%arg9 : memref<128x128xbf16, #tpu.memory_space<vmem>>) dst(%dma_wait3A_202 : memref<10240x128xbf16, #tpu.memory_space<vmem_shared>>)
          } else {
          }
          %add3A_185 = arith.constant 4 : i32
          %add3A_186 = arith.addi %add3A_109, %add3A_185 : i32
          %sub3A_187 = arith.constant 1 : i32
          %sub3A_188 = arith.subi %add3A_186, %sub3A_187 : i32
          %dma_start3A_189 = arith.constant 0 : i32
          %dma_start3A_190 = tpu.memref_slice %arg7[%sub3A_188, %dma_start3A_189] : memref<40x128xi32, #tpu.memory_space<vmem>> -> memref<1x128xi32, #tpu.memory_space<vmem>>
          %dma_start3A_191 = tpu.memref_squeeze %dma_start3A_190 : memref<1x128xi32, #tpu.memory_space<vmem>> -> memref<128xi32, #tpu.memory_space<vmem>>
          %dma_start3A_192 = arith.constant 0 : i32
          %dma_start3A_193 = arith.constant 0 : i32
          %dma_start3A_194 = tpu.memref_slice %arg14[%dma_start3A_192, %dma_start3A_193] : memref<10000x128xbf16, #tpu.memory_space<vmem_shared>> -> memref<10000x128xbf16, #tpu.memory_space<vmem_shared>>
          tpu.enqueue_indirect_dma source(%dma_start3A_194 : memref<10000x128xbf16, #tpu.memory_space<vmem_shared>>) target(%arg9 : memref<128x128xbf16, #tpu.memory_space<vmem>>) offsets(%dma_start3A_191 : memref<128xi32, #tpu.memory_space<vmem>>) semaphore(%arg15 : memref<!tpu.dma_semaphore, #tpu.memory_space<semaphore_mem>>)
        } else {
        }
        %mul3A_131 = arith.constant 4 : i32
        %mul3A_132 = arith.muli %mul3A_131, %scan3A_82 : i32
        %add3A_133 = arith.constant 2 : i32
        %add3A_134 = arith.addi %mul3A_132, %add3A_133 : i32
        %dma_wait3A_135 = arith.constant 0 : i32
        %dma_wait3A_136 = tpu.memref_slice %arg7[%add3A_134, %dma_wait3A_135] : memref<40x128xi32, #tpu.memory_space<vmem>> -> memref<1x128xi32, #tpu.memory_space<vmem>>
        %dma_wait3A_137 = tpu.memref_squeeze %dma_wait3A_136 : memref<1x128xi32, #tpu.memory_space<vmem>> -> memref<128xi32, #tpu.memory_space<vmem>>
        %dma_wait3A_138 = arith.constant 0 : i32
        %dma_wait3A_139 = arith.constant 0 : i32
        %dma_wait3A_140 = tpu.memref_slice %arg14[%dma_wait3A_138, %dma_wait3A_139] : memref<10000x128xbf16, #tpu.memory_space<vmem_shared>> -> memref<10000x128xbf16, #tpu.memory_space<vmem_shared>>
        tpu.wait_indirect_dma semaphore(%arg17 : memref<!tpu.dma_semaphore, #tpu.memory_space<semaphore_mem>>) src(%dma_wait3A_140 : memref<10000x128xbf16, #tpu.memory_space<vmem_shared>>) dst(%arg11 : memref<128x128xbf16, #tpu.memory_space<vmem>>)
        %dma_start3A_141 = arith.constant 0 : i32
        %dma_start3A_142 = tpu.memref_slice %arg8[%add3A_134, %dma_start3A_141] : memref<40x128xi32, #tpu.memory_space<vmem>> -> memref<1x128xi32, #tpu.memory_space<vmem>>
        %dma_start3A_143 = tpu.memref_squeeze %dma_start3A_142 : memref<1x128xi32, #tpu.memory_space<vmem>> -> memref<128xi32, #tpu.memory_space<vmem>>
        %dma_start3A_144 = arith.constant 0 : i32
        %dma_start3A_145 = arith.constant 0 : i32
        %dma_start3A_146 = tpu.memref_slice %arg13[%dma_start3A_144, %dma_start3A_145] : memref<10240x128xbf16, #tpu.memory_space<vmem_shared>> -> memref<10240x128xbf16, #tpu.memory_space<vmem_shared>>
        tpu.enqueue_indirect_dma source(%arg11 : memref<128x128xbf16, #tpu.memory_space<vmem>>) target(%dma_start3A_146 : memref<10240x128xbf16, #tpu.memory_space<vmem_shared>>) offsets(%dma_start3A_143 : memref<128xi32, #tpu.memory_space<vmem>>) semaphore(%arg21 : memref<!tpu.dma_semaphore, #tpu.memory_space<semaphore_mem>>) {add = true}
        %add3A_147 = arith.constant 4 : i32
        %add3A_148 = arith.addi %add3A_134, %add3A_147 : i32
        %sub3A_149 = arith.constant 1 : i32
        %sub3A_150 = arith.subi %add3A_148, %sub3A_149 : i32
        %lt3A_151 = arith.constant 40 : i32
        %lt3A_152 = arith.cmpi slt, %sub3A_150, %lt3A_151 : i32
        %convert_element_type3A_153 = arith.extui %lt3A_152 : i1 to i32
        %cond3A_154 = arith.constant 0 : i32
        %cond3A_155 = arith.cmpi ne, %convert_element_type3A_153, %cond3A_154 : i32
        scf.if %cond3A_155 {
          %ge3A = arith.constant 1 : i32
          %ge3A_181 = arith.cmpi sge, %add3A_134, %ge3A : i32
          %convert_element_type3A_182 = arith.extui %ge3A_181 : i1 to i32
          %cond3A_183 = arith.constant 0 : i32
          %cond3A_184 = arith.cmpi ne, %convert_element_type3A_182, %cond3A_183 : i32
          scf.if %cond3A_184 {
            %sub3A_195 = arith.constant 1 : i32
            %sub3A_196 = arith.subi %add3A_134, %sub3A_195 : i32
            %dma_wait3A_197 = arith.constant 0 : i32
            %dma_wait3A_198 = tpu.memref_slice %arg8[%sub3A_196, %dma_wait3A_197] : memref<40x128xi32, #tpu.memory_space<vmem>> -> memref<1x128xi32, #tpu.memory_space<vmem>>
            %dma_wait3A_199 = tpu.memref_squeeze %dma_wait3A_198 : memref<1x128xi32, #tpu.memory_space<vmem>> -> memref<128xi32, #tpu.memory_space<vmem>>
            %dma_wait3A_200 = arith.constant 0 : i32
            %dma_wait3A_201 = arith.constant 0 : i32
            %dma_wait3A_202 = tpu.memref_slice %arg13[%dma_wait3A_200, %dma_wait3A_201] : memref<10240x128xbf16, #tpu.memory_space<vmem_shared>> -> memref<10240x128xbf16, #tpu.memory_space<vmem_shared>>
            tpu.wait_indirect_dma semaphore(%arg20 : memref<!tpu.dma_semaphore, #tpu.memory_space<semaphore_mem>>) src(%arg10 : memref<128x128xbf16, #tpu.memory_space<vmem>>) dst(%dma_wait3A_202 : memref<10240x128xbf16, #tpu.memory_space<vmem_shared>>)
          } else {
          }
          %add3A_185 = arith.constant 4 : i32
          %add3A_186 = arith.addi %add3A_134, %add3A_185 : i32
          %sub3A_187 = arith.constant 1 : i32
          %sub3A_188 = arith.subi %add3A_186, %sub3A_187 : i32
          %dma_start3A_189 = arith.constant 0 : i32
          %dma_start3A_190 = tpu.memref_slice %arg7[%sub3A_188, %dma_start3A_189] : memref<40x128xi32, #tpu.memory_space<vmem>> -> memref<1x128xi32, #tpu.memory_space<vmem>>
          %dma_start3A_191 = tpu.memref_squeeze %dma_start3A_190 : memref<1x128xi32, #tpu.memory_space<vmem>> -> memref<128xi32, #tpu.memory_space<vmem>>
          %dma_start3A_192 = arith.constant 0 : i32
          %dma_start3A_193 = arith.constant 0 : i32
          %dma_start3A_194 = tpu.memref_slice %arg14[%dma_start3A_192, %dma_start3A_193] : memref<10000x128xbf16, #tpu.memory_space<vmem_shared>> -> memref<10000x128xbf16, #tpu.memory_space<vmem_shared>>
          tpu.enqueue_indirect_dma source(%dma_start3A_194 : memref<10000x128xbf16, #tpu.memory_space<vmem_shared>>) target(%arg10 : memref<128x128xbf16, #tpu.memory_space<vmem>>) offsets(%dma_start3A_191 : memref<128xi32, #tpu.memory_space<vmem>>) semaphore(%arg16 : memref<!tpu.dma_semaphore, #tpu.memory_space<semaphore_mem>>)
        } else {
        }
        %mul3A_156 = arith.constant 4 : i32
        %mul3A_157 = arith.muli %mul3A_156, %scan3A_82 : i32
        %add3A_158 = arith.constant 3 : i32
        %add3A_159 = arith.addi %mul3A_157, %add3A_158 : i32
        %dma_wait3A_160 = arith.constant 0 : i32
        %dma_wait3A_161 = tpu.memref_slice %arg7[%add3A_159, %dma_wait3A_160] : memref<40x128xi32, #tpu.memory_space<vmem>> -> memref<1x128xi32, #tpu.memory_space<vmem>>
        %dma_wait3A_162 = tpu.memref_squeeze %dma_wait3A_161 : memref<1x128xi32, #tpu.memory_space<vmem>> -> memref<128xi32, #tpu.memory_space<vmem>>
        %dma_wait3A_163 = arith.constant 0 : i32
        %dma_wait3A_164 = arith.constant 0 : i32
        %dma_wait3A_165 = tpu.memref_slice %arg14[%dma_wait3A_163, %dma_wait3A_164] : memref<10000x128xbf16, #tpu.memory_space<vmem_shared>> -> memref<10000x128xbf16, #tpu.memory_space<vmem_shared>>
        tpu.wait_indirect_dma semaphore(%arg18 : memref<!tpu.dma_semaphore, #tpu.memory_space<semaphore_mem>>) src(%dma_wait3A_165 : memref<10000x128xbf16, #tpu.memory_space<vmem_shared>>) dst(%arg12 : memref<128x128xbf16, #tpu.memory_space<vmem>>)
        %dma_start3A_166 = arith.constant 0 : i32
        %dma_start3A_167 = tpu.memref_slice %arg8[%add3A_159, %dma_start3A_166] : memref<40x128xi32, #tpu.memory_space<vmem>> -> memref<1x128xi32, #tpu.memory_space<vmem>>
        %dma_start3A_168 = tpu.memref_squeeze %dma_start3A_167 : memref<1x128xi32, #tpu.memory_space<vmem>> -> memref<128xi32, #tpu.memory_space<vmem>>
        %dma_start3A_169 = arith.constant 0 : i32
        %dma_start3A_170 = arith.constant 0 : i32
        %dma_start3A_171 = tpu.memref_slice %arg13[%dma_start3A_169, %dma_start3A_170] : memref<10240x128xbf16, #tpu.memory_space<vmem_shared>> -> memref<10240x128xbf16, #tpu.memory_space<vmem_shared>>
        tpu.enqueue_indirect_dma source(%arg12 : memref<128x128xbf16, #tpu.memory_space<vmem>>) target(%dma_start3A_171 : memref<10240x128xbf16, #tpu.memory_space<vmem_shared>>) offsets(%dma_start3A_168 : memref<128xi32, #tpu.memory_space<vmem>>) semaphore(%arg22 : memref<!tpu.dma_semaphore, #tpu.memory_space<semaphore_mem>>) {add = true}
        %add3A_172 = arith.constant 4 : i32
        %add3A_173 = arith.addi %add3A_159, %add3A_172 : i32
        %sub3A_174 = arith.constant 1 : i32
        %sub3A_175 = arith.subi %add3A_173, %sub3A_174 : i32
        %lt3A_176 = arith.constant 40 : i32
        %lt3A_177 = arith.cmpi slt, %sub3A_175, %lt3A_176 : i32
        %convert_element_type3A_178 = arith.extui %lt3A_177 : i1 to i32
        %cond3A_179 = arith.constant 0 : i32
        %cond3A_180 = arith.cmpi ne, %convert_element_type3A_178, %cond3A_179 : i32
        scf.if %cond3A_180 {
          %ge3A = arith.constant 1 : i32
          %ge3A_181 = arith.cmpi sge, %add3A_159, %ge3A : i32
          %convert_element_type3A_182 = arith.extui %ge3A_181 : i1 to i32
          %cond3A_183 = arith.constant 0 : i32
          %cond3A_184 = arith.cmpi ne, %convert_element_type3A_182, %cond3A_183 : i32
          scf.if %cond3A_184 {
            %sub3A_195 = arith.constant 1 : i32
            %sub3A_196 = arith.subi %add3A_159, %sub3A_195 : i32
            %dma_wait3A_197 = arith.constant 0 : i32
            %dma_wait3A_198 = tpu.memref_slice %arg8[%sub3A_196, %dma_wait3A_197] : memref<40x128xi32, #tpu.memory_space<vmem>> -> memref<1x128xi32, #tpu.memory_space<vmem>>
            %dma_wait3A_199 = tpu.memref_squeeze %dma_wait3A_198 : memref<1x128xi32, #tpu.memory_space<vmem>> -> memref<128xi32, #tpu.memory_space<vmem>>
            %dma_wait3A_200 = arith.constant 0 : i32
            %dma_wait3A_201 = arith.constant 0 : i32
            %dma_wait3A_202 = tpu.memref_slice %arg13[%dma_wait3A_200, %dma_wait3A_201] : memref<10240x128xbf16, #tpu.memory_space<vmem_shared>> -> memref<10240x128xbf16, #tpu.memory_space<vmem_shared>>
            tpu.wait_indirect_dma semaphore(%arg21 : memref<!tpu.dma_semaphore, #tpu.memory_space<semaphore_mem>>) src(%arg11 : memref<128x128xbf16, #tpu.memory_space<vmem>>) dst(%dma_wait3A_202 : memref<10240x128xbf16, #tpu.memory_space<vmem_shared>>)
          } else {
          }
          %add3A_185 = arith.constant 4 : i32
          %add3A_186 = arith.addi %add3A_159, %add3A_185 : i32
          %sub3A_187 = arith.constant 1 : i32
          %sub3A_188 = arith.subi %add3A_186, %sub3A_187 : i32
          %dma_start3A_189 = arith.constant 0 : i32
          %dma_start3A_190 = tpu.memref_slice %arg7[%sub3A_188, %dma_start3A_189] : memref<40x128xi32, #tpu.memory_space<vmem>> -> memref<1x128xi32, #tpu.memory_space<vmem>>
          %dma_start3A_191 = tpu.memref_squeeze %dma_start3A_190 : memref<1x128xi32, #tpu.memory_space<vmem>> -> memref<128xi32, #tpu.memory_space<vmem>>
          %dma_start3A_192 = arith.constant 0 : i32
          %dma_start3A_193 = arith.constant 0 : i32
          %dma_start3A_194 = tpu.memref_slice %arg14[%dma_start3A_192, %dma_start3A_193] : memref<10000x128xbf16, #tpu.memory_space<vmem_shared>> -> memref<10000x128xbf16, #tpu.memory_space<vmem_shared>>
          tpu.enqueue_indirect_dma source(%dma_start3A_194 : memref<10000x128xbf16, #tpu.memory_space<vmem_shared>>) target(%arg11 : memref<128x128xbf16, #tpu.memory_space<vmem>>) offsets(%dma_start3A_191 : memref<128xi32, #tpu.memory_space<vmem>>) semaphore(%arg17 : memref<!tpu.dma_semaphore, #tpu.memory_space<semaphore_mem>>)
        } else {
        }
      }
      %scan3A_54 = arith.constant 10 : i32
      %dma_wait3A = arith.constant 36 : i32
      %dma_wait3A_55 = arith.constant 0 : i32
      %dma_wait3A_56 = tpu.memref_slice %arg8[%dma_wait3A, %dma_wait3A_55] : memref<40x128xi32, #tpu.memory_space<vmem>> -> memref<1x128xi32, #tpu.memory_space<vmem>>
      %dma_wait3A_57 = tpu.memref_squeeze %dma_wait3A_56 : memref<1x128xi32, #tpu.memory_space<vmem>> -> memref<128xi32, #tpu.memory_space<vmem>>
      %dma_wait3A_58 = arith.constant 0 : i32
      %dma_wait3A_59 = arith.constant 0 : i32
      %dma_wait3A_60 = tpu.memref_slice %arg13[%dma_wait3A_58, %dma_wait3A_59] : memref<10240x128xbf16, #tpu.memory_space<vmem_shared>> -> memref<10240x128xbf16, #tpu.memory_space<vmem_shared>>
      tpu.wait_indirect_dma semaphore(%arg19 : memref<!tpu.dma_semaphore, #tpu.memory_space<semaphore_mem>>) src(%arg9 : memref<128x128xbf16, #tpu.memory_space<vmem>>) dst(%dma_wait3A_60 : memref<10240x128xbf16, #tpu.memory_space<vmem_shared>>)
      %dma_wait3A_61 = arith.constant 37 : i32
      %dma_wait3A_62 = arith.constant 0 : i32
      %dma_wait3A_63 = tpu.memref_slice %arg8[%dma_wait3A_61, %dma_wait3A_62] : memref<40x128xi32, #tpu.memory_space<vmem>> -> memref<1x128xi32, #tpu.memory_space<vmem>>
      %dma_wait3A_64 = tpu.memref_squeeze %dma_wait3A_63 : memref<1x128xi32, #tpu.memory_space<vmem>> -> memref<128xi32, #tpu.memory_space<vmem>>
      %dma_wait3A_65 = arith.constant 0 : i32
      %dma_wait3A_66 = arith.constant 0 : i32
      %dma_wait3A_67 = tpu.memref_slice %arg13[%dma_wait3A_65, %dma_wait3A_66] : memref<10240x128xbf16, #tpu.memory_space<vmem_shared>> -> memref<10240x128xbf16, #tpu.memory_space<vmem_shared>>
      tpu.wait_indirect_dma semaphore(%arg20 : memref<!tpu.dma_semaphore, #tpu.memory_space<semaphore_mem>>) src(%arg10 : memref<128x128xbf16, #tpu.memory_space<vmem>>) dst(%dma_wait3A_67 : memref<10240x128xbf16, #tpu.memory_space<vmem_shared>>)
      %dma_wait3A_68 = arith.constant 38 : i32
      %dma_wait3A_69 = arith.constant 0 : i32
      %dma_wait3A_70 = tpu.memref_slice %arg8[%dma_wait3A_68, %dma_wait3A_69] : memref<40x128xi32, #tpu.memory_space<vmem>> -> memref<1x128xi32, #tpu.memory_space<vmem>>
      %dma_wait3A_71 = tpu.memref_squeeze %dma_wait3A_70 : memref<1x128xi32, #tpu.memory_space<vmem>> -> memref<128xi32, #tpu.memory_space<vmem>>
      %dma_wait3A_72 = arith.constant 0 : i32
      %dma_wait3A_73 = arith.constant 0 : i32
      %dma_wait3A_74 = tpu.memref_slice %arg13[%dma_wait3A_72, %dma_wait3A_73] : memref<10240x128xbf16, #tpu.memory_space<vmem_shared>> -> memref<10240x128xbf16, #tpu.memory_space<vmem_shared>>
      tpu.wait_indirect_dma semaphore(%arg21 : memref<!tpu.dma_semaphore, #tpu.memory_space<semaphore_mem>>) src(%arg11 : memref<128x128xbf16, #tpu.memory_space<vmem>>) dst(%dma_wait3A_74 : memref<10240x128xbf16, #tpu.memory_space<vmem_shared>>)
      %dma_wait3A_75 = arith.constant 39 : i32
      %dma_wait3A_76 = arith.constant 0 : i32
      %dma_wait3A_77 = tpu.memref_slice %arg8[%dma_wait3A_75, %dma_wait3A_76] : memref<40x128xi32, #tpu.memory_space<vmem>> -> memref<1x128xi32, #tpu.memory_space<vmem>>
      %dma_wait3A_78 = tpu.memref_squeeze %dma_wait3A_77 : memref<1x128xi32, #tpu.memory_space<vmem>> -> memref<128xi32, #tpu.memory_space<vmem>>
      %dma_wait3A_79 = arith.constant 0 : i32
      %dma_wait3A_80 = arith.constant 0 : i32
      %dma_wait3A_81 = tpu.memref_slice %arg13[%dma_wait3A_79, %dma_wait3A_80] : memref<10240x128xbf16, #tpu.memory_space<vmem_shared>> -> memref<10240x128xbf16, #tpu.memory_space<vmem_shared>>
      tpu.wait_indirect_dma semaphore(%arg22 : memref<!tpu.dma_semaphore, #tpu.memory_space<semaphore_mem>>) src(%arg12 : memref<128x128xbf16, #tpu.memory_space<vmem>>) dst(%dma_wait3A_81 : memref<10240x128xbf16, #tpu.memory_space<vmem_shared>>)
    } else {
    }
    %ne3A_20 = arith.constant 1 : i32
    %ne3A_21 = arith.cmpi ne, %arg0, %ne3A_20 : i32
    %convert_element_type3A_22 = arith.extui %ne3A_21 : i1 to i32
    %cond3A_23 = arith.constant 0 : i32
    %cond3A_24 = arith.cmpi ne, %convert_element_type3A_22, %cond3A_23 : i32
    scf.if %cond3A_24 {
      %dma_start3A = arith.constant 0 : i32
      %dma_start3A_30 = arith.constant 0 : i32
      %dma_start3A_31 = tpu.memref_slice %arg7[%dma_start3A, %dma_start3A_30] : memref<40x128xi32, #tpu.memory_space<vmem>> -> memref<1x128xi32, #tpu.memory_space<vmem>>
      %dma_start3A_32 = tpu.memref_squeeze %dma_start3A_31 : memref<1x128xi32, #tpu.memory_space<vmem>> -> memref<128xi32, #tpu.memory_space<vmem>>
      %dma_start3A_33 = arith.constant 0 : i32
      %dma_start3A_34 = arith.constant 0 : i32
      %dma_start3A_35 = tpu.memref_slice %arg14[%dma_start3A_33, %dma_start3A_34] : memref<10000x128xbf16, #tpu.memory_space<vmem_shared>> -> memref<10000x128xbf16, #tpu.memory_space<vmem_shared>>
      tpu.enqueue_indirect_dma source(%dma_start3A_35 : memref<10000x128xbf16, #tpu.memory_space<vmem_shared>>) target(%arg9 : memref<128x128xbf16, #tpu.memory_space<vmem>>) offsets(%dma_start3A_32 : memref<128xi32, #tpu.memory_space<vmem>>) semaphore(%arg15 : memref<!tpu.dma_semaphore, #tpu.memory_space<semaphore_mem>>)
      %dma_start3A_36 = arith.constant 1 : i32
      %dma_start3A_37 = arith.constant 0 : i32
      %dma_start3A_38 = tpu.memref_slice %arg7[%dma_start3A_36, %dma_start3A_37] : memref<40x128xi32, #tpu.memory_space<vmem>> -> memref<1x128xi32, #tpu.memory_space<vmem>>
      %dma_start3A_39 = tpu.memref_squeeze %dma_start3A_38 : memref<1x128xi32, #tpu.memory_space<vmem>> -> memref<128xi32, #tpu.memory_space<vmem>>
      %dma_start3A_40 = arith.constant 0 : i32
      %dma_start3A_41 = arith.constant 0 : i32
      %dma_start3A_42 = tpu.memref_slice %arg14[%dma_start3A_40, %dma_start3A_41] : memref<10000x128xbf16, #tpu.memory_space<vmem_shared>> -> memref<10000x128xbf16, #tpu.memory_space<vmem_shared>>
      tpu.enqueue_indirect_dma source(%dma_start3A_42 : memref<10000x128xbf16, #tpu.memory_space<vmem_shared>>) target(%arg10 : memref<128x128xbf16, #tpu.memory_space<vmem>>) offsets(%dma_start3A_39 : memref<128xi32, #tpu.memory_space<vmem>>) semaphore(%arg16 : memref<!tpu.dma_semaphore, #tpu.memory_space<semaphore_mem>>)
      %dma_start3A_43 = arith.constant 2 : i32
      %dma_start3A_44 = arith.constant 0 : i32
      %dma_start3A_45 = tpu.memref_slice %arg7[%dma_start3A_43, %dma_start3A_44] : memref<40x128xi32, #tpu.memory_space<vmem>> -> memref<1x128xi32, #tpu.memory_space<vmem>>
      %dma_start3A_46 = tpu.memref_squeeze %dma_start3A_45 : memref<1x128xi32, #tpu.memory_space<vmem>> -> memref<128xi32, #tpu.memory_space<vmem>>
      %dma_start3A_47 = arith.constant 0 : i32
      %dma_start3A_48 = arith.constant 0 : i32
      %dma_start3A_49 = tpu.memref_slice %arg14[%dma_start3A_47, %dma_start3A_48] : memref<10000x128xbf16, #tpu.memory_space<vmem_shared>> -> memref<10000x128xbf16, #tpu.memory_space<vmem_shared>>
      tpu.enqueue_indirect_dma source(%dma_start3A_49 : memref<10000x128xbf16, #tpu.memory_space<vmem_shared>>) target(%arg11 : memref<128x128xbf16, #tpu.memory_space<vmem>>) offsets(%dma_start3A_46 : memref<128xi32, #tpu.memory_space<vmem>>) semaphore(%arg17 : memref<!tpu.dma_semaphore, #tpu.memory_space<semaphore_mem>>)
      %scan3A = arith.constant 0 : i32
      %scan3A_50 = arith.constant 0 : i32
      %scan3A_51 = arith.constant 10 : i32
      %scan3A_52 = arith.addi %scan3A_50, %scan3A_51 : i32
      %scan3A_53 = arith.constant 1 : i32
      scf.for %scan3A_82 = %scan3A_50 to %scan3A_52 step %scan3A_53  : i32 {
        %mul3A_83 = arith.constant 4 : i32
        %mul3A_84 = arith.muli %mul3A_83, %scan3A_82 : i32
        %add3A_85 = arith.constant 0 : i32
        %add3A_86 = arith.addi %mul3A_84, %add3A_85 : i32
        %dma_wait3A_87 = arith.constant 0 : i32
        %dma_wait3A_88 = tpu.memref_slice %arg7[%add3A_86, %dma_wait3A_87] : memref<40x128xi32, #tpu.memory_space<vmem>> -> memref<1x128xi32, #tpu.memory_space<vmem>>
        %dma_wait3A_89 = tpu.memref_squeeze %dma_wait3A_88 : memref<1x128xi32, #tpu.memory_space<vmem>> -> memref<128xi32, #tpu.memory_space<vmem>>
        %dma_wait3A_90 = arith.constant 0 : i32
        %dma_wait3A_91 = arith.constant 0 : i32
        %dma_wait3A_92 = tpu.memref_slice %arg14[%dma_wait3A_90, %dma_wait3A_91] : memref<10000x128xbf16, #tpu.memory_space<vmem_shared>> -> memref<10000x128xbf16, #tpu.memory_space<vmem_shared>>
        tpu.wait_indirect_dma semaphore(%arg15 : memref<!tpu.dma_semaphore, #tpu.memory_space<semaphore_mem>>) src(%dma_wait3A_92 : memref<10000x128xbf16, #tpu.memory_space<vmem_shared>>) dst(%arg9 : memref<128x128xbf16, #tpu.memory_space<vmem>>)
        %dma_start3A_93 = arith.constant 0 : i32
        %dma_start3A_94 = tpu.memref_slice %arg8[%add3A_86, %dma_start3A_93] : memref<40x128xi32, #tpu.memory_space<vmem>> -> memref<1x128xi32, #tpu.memory_space<vmem>>
        %dma_start3A_95 = tpu.memref_squeeze %dma_start3A_94 : memref<1x128xi32, #tpu.memory_space<vmem>> -> memref<128xi32, #tpu.memory_space<vmem>>
        %dma_start3A_96 = arith.constant 0 : i32
        %dma_start3A_97 = arith.constant 0 : i32
        %dma_start3A_98 = tpu.memref_slice %arg13[%dma_start3A_96, %dma_start3A_97] : memref<10240x128xbf16, #tpu.memory_space<vmem_shared>> -> memref<10240x128xbf16, #tpu.memory_space<vmem_shared>>
        tpu.enqueue_indirect_dma source(%arg9 : memref<128x128xbf16, #tpu.memory_space<vmem>>) target(%dma_start3A_98 : memref<10240x128xbf16, #tpu.memory_space<vmem_shared>>) offsets(%dma_start3A_95 : memref<128xi32, #tpu.memory_space<vmem>>) semaphore(%arg19 : memref<!tpu.dma_semaphore, #tpu.memory_space<semaphore_mem>>) {add = true}
        %add3A_99 = arith.constant 4 : i32
        %add3A_100 = arith.addi %add3A_86, %add3A_99 : i32
        %sub3A = arith.constant 1 : i32
        %sub3A_101 = arith.subi %add3A_100, %sub3A : i32
        %lt3A = arith.constant 40 : i32
        %lt3A_102 = arith.cmpi slt, %sub3A_101, %lt3A : i32
        %convert_element_type3A_103 = arith.extui %lt3A_102 : i1 to i32
        %cond3A_104 = arith.constant 0 : i32
        %cond3A_105 = arith.cmpi ne, %convert_element_type3A_103, %cond3A_104 : i32
        scf.if %cond3A_105 {
          %ge3A = arith.constant 1 : i32
          %ge3A_181 = arith.cmpi sge, %add3A_86, %ge3A : i32
          %convert_element_type3A_182 = arith.extui %ge3A_181 : i1 to i32
          %cond3A_183 = arith.constant 0 : i32
          %cond3A_184 = arith.cmpi ne, %convert_element_type3A_182, %cond3A_183 : i32
          scf.if %cond3A_184 {
            %sub3A_195 = arith.constant 1 : i32
            %sub3A_196 = arith.subi %add3A_86, %sub3A_195 : i32
            %dma_wait3A_197 = arith.constant 0 : i32
            %dma_wait3A_198 = tpu.memref_slice %arg8[%sub3A_196, %dma_wait3A_197] : memref<40x128xi32, #tpu.memory_space<vmem>> -> memref<1x128xi32, #tpu.memory_space<vmem>>
            %dma_wait3A_199 = tpu.memref_squeeze %dma_wait3A_198 : memref<1x128xi32, #tpu.memory_space<vmem>> -> memref<128xi32, #tpu.memory_space<vmem>>
            %dma_wait3A_200 = arith.constant 0 : i32
            %dma_wait3A_201 = arith.constant 0 : i32
            %dma_wait3A_202 = tpu.memref_slice %arg13[%dma_wait3A_200, %dma_wait3A_201] : memref<10240x128xbf16, #tpu.memory_space<vmem_shared>> -> memref<10240x128xbf16, #tpu.memory_space<vmem_shared>>
            tpu.wait_indirect_dma semaphore(%arg22 : memref<!tpu.dma_semaphore, #tpu.memory_space<semaphore_mem>>) src(%arg12 : memref<128x128xbf16, #tpu.memory_space<vmem>>) dst(%dma_wait3A_202 : memref<10240x128xbf16, #tpu.memory_space<vmem_shared>>)
          } else {
          }
          %add3A_185 = arith.constant 4 : i32
          %add3A_186 = arith.addi %add3A_86, %add3A_185 : i32
          %sub3A_187 = arith.constant 1 : i32
          %sub3A_188 = arith.subi %add3A_186, %sub3A_187 : i32
          %dma_start3A_189 = arith.constant 0 : i32
          %dma_start3A_190 = tpu.memref_slice %arg7[%sub3A_188, %dma_start3A_189] : memref<40x128xi32, #tpu.memory_space<vmem>> -> memref<1x128xi32, #tpu.memory_space<vmem>>
          %dma_start3A_191 = tpu.memref_squeeze %dma_start3A_190 : memref<1x128xi32, #tpu.memory_space<vmem>> -> memref<128xi32, #tpu.memory_space<vmem>>
          %dma_start3A_192 = arith.constant 0 : i32
          %dma_start3A_193 = arith.constant 0 : i32
          %dma_start3A_194 = tpu.memref_slice %arg14[%dma_start3A_192, %dma_start3A_193] : memref<10000x128xbf16, #tpu.memory_space<vmem_shared>> -> memref<10000x128xbf16, #tpu.memory_space<vmem_shared>>
          tpu.enqueue_indirect_dma source(%dma_start3A_194 : memref<10000x128xbf16, #tpu.memory_space<vmem_shared>>) target(%arg12 : memref<128x128xbf16, #tpu.memory_space<vmem>>) offsets(%dma_start3A_191 : memref<128xi32, #tpu.memory_space<vmem>>) semaphore(%arg18 : memref<!tpu.dma_semaphore, #tpu.memory_space<semaphore_mem>>)
        } else {
        }
        %mul3A_106 = arith.constant 4 : i32
        %mul3A_107 = arith.muli %mul3A_106, %scan3A_82 : i32
        %add3A_108 = arith.constant 1 : i32
        %add3A_109 = arith.addi %mul3A_107, %add3A_108 : i32
        %dma_wait3A_110 = arith.constant 0 : i32
        %dma_wait3A_111 = tpu.memref_slice %arg7[%add3A_109, %dma_wait3A_110] : memref<40x128xi32, #tpu.memory_space<vmem>> -> memref<1x128xi32, #tpu.memory_space<vmem>>
        %dma_wait3A_112 = tpu.memref_squeeze %dma_wait3A_111 : memref<1x128xi32, #tpu.memory_space<vmem>> -> memref<128xi32, #tpu.memory_space<vmem>>
        %dma_wait3A_113 = arith.constant 0 : i32
        %dma_wait3A_114 = arith.constant 0 : i32
        %dma_wait3A_115 = tpu.memref_slice %arg14[%dma_wait3A_113, %dma_wait3A_114] : memref<10000x128xbf16, #tpu.memory_space<vmem_shared>> -> memref<10000x128xbf16, #tpu.memory_space<vmem_shared>>
        tpu.wait_indirect_dma semaphore(%arg16 : memref<!tpu.dma_semaphore, #tpu.memory_space<semaphore_mem>>) src(%dma_wait3A_115 : memref<10000x128xbf16, #tpu.memory_space<vmem_shared>>) dst(%arg10 : memref<128x128xbf16, #tpu.memory_space<vmem>>)
        %dma_start3A_116 = arith.constant 0 : i32
        %dma_start3A_117 = tpu.memref_slice %arg8[%add3A_109, %dma_start3A_116] : memref<40x128xi32, #tpu.memory_space<vmem>> -> memref<1x128xi32, #tpu.memory_space<vmem>>
        %dma_start3A_118 = tpu.memref_squeeze %dma_start3A_117 : memref<1x128xi32, #tpu.memory_space<vmem>> -> memref<128xi32, #tpu.memory_space<vmem>>
        %dma_start3A_119 = arith.constant 0 : i32
        %dma_start3A_120 = arith.constant 0 : i32
        %dma_start3A_121 = tpu.memref_slice %arg13[%dma_start3A_119, %dma_start3A_120] : memref<10240x128xbf16, #tpu.memory_space<vmem_shared>> -> memref<10240x128xbf16, #tpu.memory_space<vmem_shared>>
        tpu.enqueue_indirect_dma source(%arg10 : memref<128x128xbf16, #tpu.memory_space<vmem>>) target(%dma_start3A_121 : memref<10240x128xbf16, #tpu.memory_space<vmem_shared>>) offsets(%dma_start3A_118 : memref<128xi32, #tpu.memory_space<vmem>>) semaphore(%arg20 : memref<!tpu.dma_semaphore, #tpu.memory_space<semaphore_mem>>) {add = true}
        %add3A_122 = arith.constant 4 : i32
        %add3A_123 = arith.addi %add3A_109, %add3A_122 : i32
        %sub3A_124 = arith.constant 1 : i32
        %sub3A_125 = arith.subi %add3A_123, %sub3A_124 : i32
        %lt3A_126 = arith.constant 40 : i32
        %lt3A_127 = arith.cmpi slt, %sub3A_125, %lt3A_126 : i32
        %convert_element_type3A_128 = arith.extui %lt3A_127 : i1 to i32
        %cond3A_129 = arith.constant 0 : i32
        %cond3A_130 = arith.cmpi ne, %convert_element_type3A_128, %cond3A_129 : i32
        scf.if %cond3A_130 {
          %ge3A = arith.constant 1 : i32
          %ge3A_181 = arith.cmpi sge, %add3A_109, %ge3A : i32
          %convert_element_type3A_182 = arith.extui %ge3A_181 : i1 to i32
          %cond3A_183 = arith.constant 0 : i32
          %cond3A_184 = arith.cmpi ne, %convert_element_type3A_182, %cond3A_183 : i32
          scf.if %cond3A_184 {
            %sub3A_195 = arith.constant 1 : i32
            %sub3A_196 = arith.subi %add3A_109, %sub3A_195 : i32
            %dma_wait3A_197 = arith.constant 0 : i32
            %dma_wait3A_198 = tpu.memref_slice %arg8[%sub3A_196, %dma_wait3A_197] : memref<40x128xi32, #tpu.memory_space<vmem>> -> memref<1x128xi32, #tpu.memory_space<vmem>>
            %dma_wait3A_199 = tpu.memref_squeeze %dma_wait3A_198 : memref<1x128xi32, #tpu.memory_space<vmem>> -> memref<128xi32, #tpu.memory_space<vmem>>
            %dma_wait3A_200 = arith.constant 0 : i32
            %dma_wait3A_201 = arith.constant 0 : i32
            %dma_wait3A_202 = tpu.memref_slice %arg13[%dma_wait3A_200, %dma_wait3A_201] : memref<10240x128xbf16, #tpu.memory_space<vmem_shared>> -> memref<10240x128xbf16, #tpu.memory_space<vmem_shared>>
            tpu.wait_indirect_dma semaphore(%arg19 : memref<!tpu.dma_semaphore, #tpu.memory_space<semaphore_mem>>) src(%arg9 : memref<128x128xbf16, #tpu.memory_space<vmem>>) dst(%dma_wait3A_202 : memref<10240x128xbf16, #tpu.memory_space<vmem_shared>>)
          } else {
          }
          %add3A_185 = arith.constant 4 : i32
          %add3A_186 = arith.addi %add3A_109, %add3A_185 : i32
          %sub3A_187 = arith.constant 1 : i32
          %sub3A_188 = arith.subi %add3A_186, %sub3A_187 : i32
          %dma_start3A_189 = arith.constant 0 : i32
          %dma_start3A_190 = tpu.memref_slice %arg7[%sub3A_188, %dma_start3A_189] : memref<40x128xi32, #tpu.memory_space<vmem>> -> memref<1x128xi32, #tpu.memory_space<vmem>>
          %dma_start3A_191 = tpu.memref_squeeze %dma_start3A_190 : memref<1x128xi32, #tpu.memory_space<vmem>> -> memref<128xi32, #tpu.memory_space<vmem>>
          %dma_start3A_192 = arith.constant 0 : i32
          %dma_start3A_193 = arith.constant 0 : i32
          %dma_start3A_194 = tpu.memref_slice %arg14[%dma_start3A_192, %dma_start3A_193] : memref<10000x128xbf16, #tpu.memory_space<vmem_shared>> -> memref<10000x128xbf16, #tpu.memory_space<vmem_shared>>
          tpu.enqueue_indirect_dma source(%dma_start3A_194 : memref<10000x128xbf16, #tpu.memory_space<vmem_shared>>) target(%arg9 : memref<128x128xbf16, #tpu.memory_space<vmem>>) offsets(%dma_start3A_191 : memref<128xi32, #tpu.memory_space<vmem>>) semaphore(%arg15 : memref<!tpu.dma_semaphore, #tpu.memory_space<semaphore_mem>>)
        } else {
        }
        %mul3A_131 = arith.constant 4 : i32
        %mul3A_132 = arith.muli %mul3A_131, %scan3A_82 : i32
        %add3A_133 = arith.constant 2 : i32
        %add3A_134 = arith.addi %mul3A_132, %add3A_133 : i32
        %dma_wait3A_135 = arith.constant 0 : i32
        %dma_wait3A_136 = tpu.memref_slice %arg7[%add3A_134, %dma_wait3A_135] : memref<40x128xi32, #tpu.memory_space<vmem>> -> memref<1x128xi32, #tpu.memory_space<vmem>>
        %dma_wait3A_137 = tpu.memref_squeeze %dma_wait3A_136 : memref<1x128xi32, #tpu.memory_space<vmem>> -> memref<128xi32, #tpu.memory_space<vmem>>
        %dma_wait3A_138 = arith.constant 0 : i32
        %dma_wait3A_139 = arith.constant 0 : i32
        %dma_wait3A_140 = tpu.memref_slice %arg14[%dma_wait3A_138, %dma_wait3A_139] : memref<10000x128xbf16, #tpu.memory_space<vmem_shared>> -> memref<10000x128xbf16, #tpu.memory_space<vmem_shared>>
        tpu.wait_indirect_dma semaphore(%arg17 : memref<!tpu.dma_semaphore, #tpu.memory_space<semaphore_mem>>) src(%dma_wait3A_140 : memref<10000x128xbf16, #tpu.memory_space<vmem_shared>>) dst(%arg11 : memref<128x128xbf16, #tpu.memory_space<vmem>>)
        %dma_start3A_141 = arith.constant 0 : i32
        %dma_start3A_142 = tpu.memref_slice %arg8[%add3A_134, %dma_start3A_141] : memref<40x128xi32, #tpu.memory_space<vmem>> -> memref<1x128xi32, #tpu.memory_space<vmem>>
        %dma_start3A_143 = tpu.memref_squeeze %dma_start3A_142 : memref<1x128xi32, #tpu.memory_space<vmem>> -> memref<128xi32, #tpu.memory_space<vmem>>
        %dma_start3A_144 = arith.constant 0 : i32
        %dma_start3A_145 = arith.constant 0 : i32
        %dma_start3A_146 = tpu.memref_slice %arg13[%dma_start3A_144, %dma_start3A_145] : memref<10240x128xbf16, #tpu.memory_space<vmem_shared>> -> memref<10240x128xbf16, #tpu.memory_space<vmem_shared>>
        tpu.enqueue_indirect_dma source(%arg11 : memref<128x128xbf16, #tpu.memory_space<vmem>>) target(%dma_start3A_146 : memref<10240x128xbf16, #tpu.memory_space<vmem_shared>>) offsets(%dma_start3A_143 : memref<128xi32, #tpu.memory_space<vmem>>) semaphore(%arg21 : memref<!tpu.dma_semaphore, #tpu.memory_space<semaphore_mem>>) {add = true}
        %add3A_147 = arith.constant 4 : i32
        %add3A_148 = arith.addi %add3A_134, %add3A_147 : i32
        %sub3A_149 = arith.constant 1 : i32
        %sub3A_150 = arith.subi %add3A_148, %sub3A_149 : i32
        %lt3A_151 = arith.constant 40 : i32
        %lt3A_152 = arith.cmpi slt, %sub3A_150, %lt3A_151 : i32
        %convert_element_type3A_153 = arith.extui %lt3A_152 : i1 to i32
        %cond3A_154 = arith.constant 0 : i32
        %cond3A_155 = arith.cmpi ne, %convert_element_type3A_153, %cond3A_154 : i32
        scf.if %cond3A_155 {
          %ge3A = arith.constant 1 : i32
          %ge3A_181 = arith.cmpi sge, %add3A_134, %ge3A : i32
          %convert_element_type3A_182 = arith.extui %ge3A_181 : i1 to i32
          %cond3A_183 = arith.constant 0 : i32
          %cond3A_184 = arith.cmpi ne, %convert_element_type3A_182, %cond3A_183 : i32
          scf.if %cond3A_184 {
            %sub3A_195 = arith.constant 1 : i32
            %sub3A_196 = arith.subi %add3A_134, %sub3A_195 : i32
            %dma_wait3A_197 = arith.constant 0 : i32
            %dma_wait3A_198 = tpu.memref_slice %arg8[%sub3A_196, %dma_wait3A_197] : memref<40x128xi32, #tpu.memory_space<vmem>> -> memref<1x128xi32, #tpu.memory_space<vmem>>
            %dma_wait3A_199 = tpu.memref_squeeze %dma_wait3A_198 : memref<1x128xi32, #tpu.memory_space<vmem>> -> memref<128xi32, #tpu.memory_space<vmem>>
            %dma_wait3A_200 = arith.constant 0 : i32
            %dma_wait3A_201 = arith.constant 0 : i32
            %dma_wait3A_202 = tpu.memref_slice %arg13[%dma_wait3A_200, %dma_wait3A_201] : memref<10240x128xbf16, #tpu.memory_space<vmem_shared>> -> memref<10240x128xbf16, #tpu.memory_space<vmem_shared>>
            tpu.wait_indirect_dma semaphore(%arg20 : memref<!tpu.dma_semaphore, #tpu.memory_space<semaphore_mem>>) src(%arg10 : memref<128x128xbf16, #tpu.memory_space<vmem>>) dst(%dma_wait3A_202 : memref<10240x128xbf16, #tpu.memory_space<vmem_shared>>)
          } else {
          }
          %add3A_185 = arith.constant 4 : i32
          %add3A_186 = arith.addi %add3A_134, %add3A_185 : i32
          %sub3A_187 = arith.constant 1 : i32
          %sub3A_188 = arith.subi %add3A_186, %sub3A_187 : i32
          %dma_start3A_189 = arith.constant 0 : i32
          %dma_start3A_190 = tpu.memref_slice %arg7[%sub3A_188, %dma_start3A_189] : memref<40x128xi32, #tpu.memory_space<vmem>> -> memref<1x128xi32, #tpu.memory_space<vmem>>
          %dma_start3A_191 = tpu.memref_squeeze %dma_start3A_190 : memref<1x128xi32, #tpu.memory_space<vmem>> -> memref<128xi32, #tpu.memory_space<vmem>>
          %dma_start3A_192 = arith.constant 0 : i32
          %dma_start3A_193 = arith.constant 0 : i32
          %dma_start3A_194 = tpu.memref_slice %arg14[%dma_start3A_192, %dma_start3A_193] : memref<10000x128xbf16, #tpu.memory_space<vmem_shared>> -> memref<10000x128xbf16, #tpu.memory_space<vmem_shared>>
          tpu.enqueue_indirect_dma source(%dma_start3A_194 : memref<10000x128xbf16, #tpu.memory_space<vmem_shared>>) target(%arg10 : memref<128x128xbf16, #tpu.memory_space<vmem>>) offsets(%dma_start3A_191 : memref<128xi32, #tpu.memory_space<vmem>>) semaphore(%arg16 : memref<!tpu.dma_semaphore, #tpu.memory_space<semaphore_mem>>)
        } else {
        }
        %mul3A_156 = arith.constant 4 : i32
        %mul3A_157 = arith.muli %mul3A_156, %scan3A_82 : i32
        %add3A_158 = arith.constant 3 : i32
        %add3A_159 = arith.addi %mul3A_157, %add3A_158 : i32
        %dma_wait3A_160 = arith.constant 0 : i32
        %dma_wait3A_161 = tpu.memref_slice %arg7[%add3A_159, %dma_wait3A_160] : memref<40x128xi32, #tpu.memory_space<vmem>> -> memref<1x128xi32, #tpu.memory_space<vmem>>
        %dma_wait3A_162 = tpu.memref_squeeze %dma_wait3A_161 : memref<1x128xi32, #tpu.memory_space<vmem>> -> memref<128xi32, #tpu.memory_space<vmem>>
        %dma_wait3A_163 = arith.constant 0 : i32
        %dma_wait3A_164 = arith.constant 0 : i32
        %dma_wait3A_165 = tpu.memref_slice %arg14[%dma_wait3A_163, %dma_wait3A_164] : memref<10000x128xbf16, #tpu.memory_space<vmem_shared>> -> memref<10000x128xbf16, #tpu.memory_space<vmem_shared>>
        tpu.wait_indirect_dma semaphore(%arg18 : memref<!tpu.dma_semaphore, #tpu.memory_space<semaphore_mem>>) src(%dma_wait3A_165 : memref<10000x128xbf16, #tpu.memory_space<vmem_shared>>) dst(%arg12 : memref<128x128xbf16, #tpu.memory_space<vmem>>)
        %dma_start3A_166 = arith.constant 0 : i32
        %dma_start3A_167 = tpu.memref_slice %arg8[%add3A_159, %dma_start3A_166] : memref<40x128xi32, #tpu.memory_space<vmem>> -> memref<1x128xi32, #tpu.memory_space<vmem>>
        %dma_start3A_168 = tpu.memref_squeeze %dma_start3A_167 : memref<1x128xi32, #tpu.memory_space<vmem>> -> memref<128xi32, #tpu.memory_space<vmem>>
        %dma_start3A_169 = arith.constant 0 : i32
        %dma_start3A_170 = arith.constant 0 : i32
        %dma_start3A_171 = tpu.memref_slice %arg13[%dma_start3A_169, %dma_start3A_170] : memref<10240x128xbf16, #tpu.memory_space<vmem_shared>> -> memref<10240x128xbf16, #tpu.memory_space<vmem_shared>>
        tpu.enqueue_indirect_dma source(%arg12 : memref<128x128xbf16, #tpu.memory_space<vmem>>) target(%dma_start3A_171 : memref<10240x128xbf16, #tpu.memory_space<vmem_shared>>) offsets(%dma_start3A_168 : memref<128xi32, #tpu.memory_space<vmem>>) semaphore(%arg22 : memref<!tpu.dma_semaphore, #tpu.memory_space<semaphore_mem>>) {add = true}
        %add3A_172 = arith.constant 4 : i32
        %add3A_173 = arith.addi %add3A_159, %add3A_172 : i32
        %sub3A_174 = arith.constant 1 : i32
        %sub3A_175 = arith.subi %add3A_173, %sub3A_174 : i32
        %lt3A_176 = arith.constant 40 : i32
        %lt3A_177 = arith.cmpi slt, %sub3A_175, %lt3A_176 : i32
        %convert_element_type3A_178 = arith.extui %lt3A_177 : i1 to i32
        %cond3A_179 = arith.constant 0 : i32
        %cond3A_180 = arith.cmpi ne, %convert_element_type3A_178, %cond3A_179 : i32
        scf.if %cond3A_180 {
          %ge3A = arith.constant 1 : i32
          %ge3A_181 = arith.cmpi sge, %add3A_159, %ge3A : i32
          %convert_element_type3A_182 = arith.extui %ge3A_181 : i1 to i32
          %cond3A_183 = arith.constant 0 : i32
          %cond3A_184 = arith.cmpi ne, %convert_element_type3A_182, %cond3A_183 : i32
          scf.if %cond3A_184 {
            %sub3A_195 = arith.constant 1 : i32
            %sub3A_196 = arith.subi %add3A_159, %sub3A_195 : i32
            %dma_wait3A_197 = arith.constant 0 : i32
            %dma_wait3A_198 = tpu.memref_slice %arg8[%sub3A_196, %dma_wait3A_197] : memref<40x128xi32, #tpu.memory_space<vmem>> -> memref<1x128xi32, #tpu.memory_space<vmem>>
            %dma_wait3A_199 = tpu.memref_squeeze %dma_wait3A_198 : memref<1x128xi32, #tpu.memory_space<vmem>> -> memref<128xi32, #tpu.memory_space<vmem>>
            %dma_wait3A_200 = arith.constant 0 : i32
            %dma_wait3A_201 = arith.constant 0 : i32
            %dma_wait3A_202 = tpu.memref_slice %arg13[%dma_wait3A_200, %dma_wait3A_201] : memref<10240x128xbf16, #tpu.memory_space<vmem_shared>> -> memref<10240x128xbf16, #tpu.memory_space<vmem_shared>>
            tpu.wait_indirect_dma semaphore(%arg21 : memref<!tpu.dma_semaphore, #tpu.memory_space<semaphore_mem>>) src(%arg11 : memref<128x128xbf16, #tpu.memory_space<vmem>>) dst(%dma_wait3A_202 : memref<10240x128xbf16, #tpu.memory_space<vmem_shared>>)
          } else {
          }
          %add3A_185 = arith.constant 4 : i32
          %add3A_186 = arith.addi %add3A_159, %add3A_185 : i32
          %sub3A_187 = arith.constant 1 : i32
          %sub3A_188 = arith.subi %add3A_186, %sub3A_187 : i32
          %dma_start3A_189 = arith.constant 0 : i32
          %dma_start3A_190 = tpu.memref_slice %arg7[%sub3A_188, %dma_start3A_189] : memref<40x128xi32, #tpu.memory_space<vmem>> -> memref<1x128xi32, #tpu.memory_space<vmem>>
          %dma_start3A_191 = tpu.memref_squeeze %dma_start3A_190 : memref<1x128xi32, #tpu.memory_space<vmem>> -> memref<128xi32, #tpu.memory_space<vmem>>
          %dma_start3A_192 = arith.constant 0 : i32
          %dma_start3A_193 = arith.constant 0 : i32
          %dma_start3A_194 = tpu.memref_slice %arg14[%dma_start3A_192, %dma_start3A_193] : memref<10000x128xbf16, #tpu.memory_space<vmem_shared>> -> memref<10000x128xbf16, #tpu.memory_space<vmem_shared>>
          tpu.enqueue_indirect_dma source(%dma_start3A_194 : memref<10000x128xbf16, #tpu.memory_space<vmem_shared>>) target(%arg11 : memref<128x128xbf16, #tpu.memory_space<vmem>>) offsets(%dma_start3A_191 : memref<128xi32, #tpu.memory_space<vmem>>) semaphore(%arg17 : memref<!tpu.dma_semaphore, #tpu.memory_space<semaphore_mem>>)
        } else {
        }
      }
      %scan3A_54 = arith.constant 10 : i32
      %dma_wait3A = arith.constant 36 : i32
      %dma_wait3A_55 = arith.constant 0 : i32
      %dma_wait3A_56 = tpu.memref_slice %arg8[%dma_wait3A, %dma_wait3A_55] : memref<40x128xi32, #tpu.memory_space<vmem>> -> memref<1x128xi32, #tpu.memory_space<vmem>>
      %dma_wait3A_57 = tpu.memref_squeeze %dma_wait3A_56 : memref<1x128xi32, #tpu.memory_space<vmem>> -> memref<128xi32, #tpu.memory_space<vmem>>
      %dma_wait3A_58 = arith.constant 0 : i32
      %dma_wait3A_59 = arith.constant 0 : i32
      %dma_wait3A_60 = tpu.memref_slice %arg13[%dma_wait3A_58, %dma_wait3A_59] : memref<10240x128xbf16, #tpu.memory_space<vmem_shared>> -> memref<10240x128xbf16, #tpu.memory_space<vmem_shared>>
      tpu.wait_indirect_dma semaphore(%arg19 : memref<!tpu.dma_semaphore, #tpu.memory_space<semaphore_mem>>) src(%arg9 : memref<128x128xbf16, #tpu.memory_space<vmem>>) dst(%dma_wait3A_60 : memref<10240x128xbf16, #tpu.memory_space<vmem_shared>>)
      %dma_wait3A_61 = arith.constant 37 : i32
      %dma_wait3A_62 = arith.constant 0 : i32
      %dma_wait3A_63 = tpu.memref_slice %arg8[%dma_wait3A_61, %dma_wait3A_62] : memref<40x128xi32, #tpu.memory_space<vmem>> -> memref<1x128xi32, #tpu.memory_space<vmem>>
      %dma_wait3A_64 = tpu.memref_squeeze %dma_wait3A_63 : memref<1x128xi32, #tpu.memory_space<vmem>> -> memref<128xi32, #tpu.memory_space<vmem>>
      %dma_wait3A_65 = arith.constant 0 : i32
      %dma_wait3A_66 = arith.constant 0 : i32
      %dma_wait3A_67 = tpu.memref_slice %arg13[%dma_wait3A_65, %dma_wait3A_66] : memref<10240x128xbf16, #tpu.memory_space<vmem_shared>> -> memref<10240x128xbf16, #tpu.memory_space<vmem_shared>>
      tpu.wait_indirect_dma semaphore(%arg20 : memref<!tpu.dma_semaphore, #tpu.memory_space<semaphore_mem>>) src(%arg10 : memref<128x128xbf16, #tpu.memory_space<vmem>>) dst(%dma_wait3A_67 : memref<10240x128xbf16, #tpu.memory_space<vmem_shared>>)
      %dma_wait3A_68 = arith.constant 38 : i32
      %dma_wait3A_69 = arith.constant 0 : i32
      %dma_wait3A_70 = tpu.memref_slice %arg8[%dma_wait3A_68, %dma_wait3A_69] : memref<40x128xi32, #tpu.memory_space<vmem>> -> memref<1x128xi32, #tpu.memory_space<vmem>>
      %dma_wait3A_71 = tpu.memref_squeeze %dma_wait3A_70 : memref<1x128xi32, #tpu.memory_space<vmem>> -> memref<128xi32, #tpu.memory_space<vmem>>
      %dma_wait3A_72 = arith.constant 0 : i32
      %dma_wait3A_73 = arith.constant 0 : i32
      %dma_wait3A_74 = tpu.memref_slice %arg13[%dma_wait3A_72, %dma_wait3A_73] : memref<10240x128xbf16, #tpu.memory_space<vmem_shared>> -> memref<10240x128xbf16, #tpu.memory_space<vmem_shared>>
      tpu.wait_indirect_dma semaphore(%arg21 : memref<!tpu.dma_semaphore, #tpu.memory_space<semaphore_mem>>) src(%arg11 : memref<128x128xbf16, #tpu.memory_space<vmem>>) dst(%dma_wait3A_74 : memref<10240x128xbf16, #tpu.memory_space<vmem_shared>>)
      %dma_wait3A_75 = arith.constant 39 : i32
      %dma_wait3A_76 = arith.constant 0 : i32
      %dma_wait3A_77 = tpu.memref_slice %arg8[%dma_wait3A_75, %dma_wait3A_76] : memref<40x128xi32, #tpu.memory_space<vmem>> -> memref<1x128xi32, #tpu.memory_space<vmem>>
      %dma_wait3A_78 = tpu.memref_squeeze %dma_wait3A_77 : memref<1x128xi32, #tpu.memory_space<vmem>> -> memref<128xi32, #tpu.memory_space<vmem>>
      %dma_wait3A_79 = arith.constant 0 : i32
      %dma_wait3A_80 = arith.constant 0 : i32
      %dma_wait3A_81 = tpu.memref_slice %arg13[%dma_wait3A_79, %dma_wait3A_80] : memref<10240x128xbf16, #tpu.memory_space<vmem_shared>> -> memref<10240x128xbf16, #tpu.memory_space<vmem_shared>>
      tpu.wait_indirect_dma semaphore(%arg22 : memref<!tpu.dma_semaphore, #tpu.memory_space<semaphore_mem>>) src(%arg12 : memref<128x128xbf16, #tpu.memory_space<vmem>>) dst(%dma_wait3A_81 : memref<10240x128xbf16, #tpu.memory_space<vmem_shared>>)
    } else {
    }
    %barrier3A_25 = arith.constant 0 : index
    tpu.barrier barrier_id(%barrier3A_25)
    %mul3A_26 = arith.constant 640 : i32
    %mul3A_27 = arith.muli %arg1, %mul3A_26 : i32
    %mul3A_28 = arith.constant 640 : i32
    %mul3A_29 = arith.muli %arg1, %mul3A_28 : i32
    "tpu.region"() ({
      %run_scoped3A = tpu.sem_alloc : memref<!tpu.dma_semaphore, #tpu.memory_space<semaphore_mem>>
      %dma_start3A = arith.constant 0 : i32
      %dma_start3A_30 = tpu.memref_slice %arg6[%arg0, %mul3A_29, %dma_start3A] : memref<2x10240x128xbf16, #tpu.memory_space<hbm>> -> memref<1x640x128xbf16, #tpu.memory_space<hbm>>
      %dma_start3A_31 = tpu.memref_squeeze %dma_start3A_30 : memref<1x640x128xbf16, #tpu.memory_space<hbm>> -> memref<640x128xbf16, #tpu.memory_space<hbm>>
      %dma_start3A_32 = arith.constant 0 : i32
      %dma_start3A_33 = tpu.memref_slice %arg13[%mul3A_27, %dma_start3A_32] : memref<10240x128xbf16, #tpu.memory_space<vmem_shared>> -> memref<640x128xbf16, #tpu.memory_space<vmem_shared>>
      tpu.enqueue_dma source(%dma_start3A_33 : memref<640x128xbf16, #tpu.memory_space<vmem_shared>>) target(%dma_start3A_31 : memref<640x128xbf16, #tpu.memory_space<hbm>>) target_semaphore(%run_scoped3A : memref<!tpu.dma_semaphore, #tpu.memory_space<semaphore_mem>>)
      %dma_wait3A = arith.constant 0 : i32
      %dma_wait3A_34 = tpu.memref_slice %arg6[%arg0, %mul3A_29, %dma_wait3A] : memref<2x10240x128xbf16, #tpu.memory_space<hbm>> -> memref<1x640x128xbf16, #tpu.memory_space<hbm>>
      %dma_wait3A_35 = tpu.memref_squeeze %dma_wait3A_34 : memref<1x640x128xbf16, #tpu.memory_space<hbm>> -> memref<640x128xbf16, #tpu.memory_space<hbm>>
      %dma_wait3A_36 = arith.constant 0 : i32
      %dma_wait3A_37 = tpu.memref_slice %arg13[%mul3A_27, %dma_wait3A_36] : memref<10240x128xbf16, #tpu.memory_space<vmem_shared>> -> memref<640x128xbf16, #tpu.memory_space<vmem_shared>>
      tpu.wait_dma2 semaphore(%run_scoped3A : memref<!tpu.dma_semaphore, #tpu.memory_space<semaphore_mem>>) src(%dma_wait3A_37 : memref<640x128xbf16, #tpu.memory_space<vmem_shared>>) dst(%dma_wait3A_35 : memref<640x128xbf16, #tpu.memory_space<hbm>>)
      tpu.yield
    }) : () -> ()
    return
  }
}

#map = affine_map<(d0, d1) -> (0, 0)>
#map1 = affine_map<(d0, d1) -> (0, 0, 0)>
module attributes {stable_mosaic.version = 14 : i64} {
  func.func @deg_kernel(%arg0: i32, %arg1: i32, %arg2: memref<1280x128xi32, #tpu.memory_space<hbm>>, %arg3: memref<128x16xf32, #tpu.memory_space<hbm>>, %arg4: memref<640x16xf32, #tpu.memory_space<hbm>>, %arg5: memref<2x10240x16xf32, #tpu.memory_space<hbm>>, %arg6: memref<40x128xi32, #tpu.memory_space<vmem>>, %arg7: memref<128x16xf32, #tpu.memory_space<vmem>>, %arg8: memref<10240x16xf32, #tpu.memory_space<vmem_shared>>) attributes {dimension_semantics = [#tpu.dimension_semantics<core_parallel>, #tpu.dimension_semantics<subcore_parallel>], iteration_bounds = array<i64: 2, 16>, scalar_prefetch = 0 : i64, scratch_operands = 3 : i64, tpu.core_type = #tpu.core_type<sc_vector_subcore>, window_params = [{transform_indices = #map}, {transform_indices = #map}, {transform_indices = #map}, {transform_indices = #map1}]} {
    %mul3A = arith.constant 16 : i32
    %mul3A_0 = arith.muli %arg0, %mul3A : i32
    %add3A = arith.addi %mul3A_0, %arg1 : i32
    %mul3A_1 = arith.constant 640 : i32
    %mul3A_2 = arith.muli %arg1, %mul3A_1 : i32
    "tpu.region"() ({
      %run_scoped3A = tpu.sem_alloc : memref<!tpu.dma_semaphore, #tpu.memory_space<semaphore_mem>>
      %dma_start3A = arith.constant 0 : i32
      %dma_start3A_15 = tpu.memref_slice %arg8[%mul3A_2, %dma_start3A] : memref<10240x16xf32, #tpu.memory_space<vmem_shared>> -> memref<640x16xf32, #tpu.memory_space<vmem_shared>>
      tpu.enqueue_dma source(%arg4 : memref<640x16xf32, #tpu.memory_space<hbm>>) target(%dma_start3A_15 : memref<640x16xf32, #tpu.memory_space<vmem_shared>>) target_semaphore(%run_scoped3A : memref<!tpu.dma_semaphore, #tpu.memory_space<semaphore_mem>>)
      %dma_wait3A = arith.constant 0 : i32
      %dma_wait3A_16 = tpu.memref_slice %arg8[%mul3A_2, %dma_wait3A] : memref<10240x16xf32, #tpu.memory_space<vmem_shared>> -> memref<640x16xf32, #tpu.memory_space<vmem_shared>>
      tpu.wait_dma2 semaphore(%run_scoped3A : memref<!tpu.dma_semaphore, #tpu.memory_space<semaphore_mem>>) src(%arg4 : memref<640x16xf32, #tpu.memory_space<hbm>>) dst(%dma_wait3A_16 : memref<640x16xf32, #tpu.memory_space<vmem_shared>>)
      tpu.yield
    }) : () -> ()
    "tpu.region"() ({
      %run_scoped3A = tpu.sem_alloc : memref<!tpu.dma_semaphore, #tpu.memory_space<semaphore_mem>>
      tpu.enqueue_dma source(%arg3 : memref<128x16xf32, #tpu.memory_space<hbm>>) target(%arg7 : memref<128x16xf32, #tpu.memory_space<vmem>>) target_semaphore(%run_scoped3A : memref<!tpu.dma_semaphore, #tpu.memory_space<semaphore_mem>>)
      tpu.wait_dma2 semaphore(%run_scoped3A : memref<!tpu.dma_semaphore, #tpu.memory_space<semaphore_mem>>) src(%arg3 : memref<128x16xf32, #tpu.memory_space<hbm>>) dst(%arg7 : memref<128x16xf32, #tpu.memory_space<vmem>>)
      tpu.yield
    }) : () -> ()
    %mul3A_3 = arith.constant 40 : i32
    %mul3A_4 = arith.muli %add3A, %mul3A_3 : i32
    "tpu.region"() ({
      %run_scoped3A = tpu.sem_alloc : memref<!tpu.dma_semaphore, #tpu.memory_space<semaphore_mem>>
      %dma_start3A = arith.constant 0 : i32
      %dma_start3A_15 = tpu.memref_slice %arg2[%mul3A_4, %dma_start3A] : memref<1280x128xi32, #tpu.memory_space<hbm>> -> memref<40x128xi32, #tpu.memory_space<hbm>>
      %dma_start3A_16 = arith.constant 0 : i32
      %dma_start3A_17 = tpu.memref_slice %arg2[%mul3A_4, %dma_start3A_16] : memref<1280x128xi32, #tpu.memory_space<hbm>> -> memref<40x128xi32, #tpu.memory_space<hbm>>
      tpu.enqueue_dma source(%dma_start3A_17 : memref<40x128xi32, #tpu.memory_space<hbm>>) target(%arg6 : memref<40x128xi32, #tpu.memory_space<vmem>>) target_semaphore(%run_scoped3A : memref<!tpu.dma_semaphore, #tpu.memory_space<semaphore_mem>>)
      %dma_wait3A = arith.constant 0 : i32
      %dma_wait3A_18 = tpu.memref_slice %arg2[%mul3A_4, %dma_wait3A] : memref<1280x128xi32, #tpu.memory_space<hbm>> -> memref<40x128xi32, #tpu.memory_space<hbm>>
      %dma_wait3A_19 = arith.constant 0 : i32
      %dma_wait3A_20 = tpu.memref_slice %arg2[%mul3A_4, %dma_wait3A_19] : memref<1280x128xi32, #tpu.memory_space<hbm>> -> memref<40x128xi32, #tpu.memory_space<hbm>>
      tpu.wait_dma2 semaphore(%run_scoped3A : memref<!tpu.dma_semaphore, #tpu.memory_space<semaphore_mem>>) src(%dma_wait3A_20 : memref<40x128xi32, #tpu.memory_space<hbm>>) dst(%arg6 : memref<40x128xi32, #tpu.memory_space<vmem>>)
      tpu.yield
    }) : () -> ()
    %barrier3A = arith.constant 0 : index
    tpu.barrier barrier_id(%barrier3A)
    %scan3A = arith.constant 0 : i32
    %scan3A_5 = arith.constant 0 : i32
    %scan3A_6 = arith.constant 40 : i32
    %scan3A_7 = arith.addi %scan3A_5, %scan3A_6 : i32
    %scan3A_8 = arith.constant 1 : i32
    scf.for %scan3A_15 = %scan3A_5 to %scan3A_7 step %scan3A_8  : i32 {
      "tpu.region"() ({
        %run_scoped3A = tpu.sem_alloc : memref<!tpu.dma_semaphore, #tpu.memory_space<semaphore_mem>>
        %dma_start3A = arith.constant 0 : i32
        %dma_start3A_16 = tpu.memref_slice %arg6[%scan3A_15, %dma_start3A] : memref<40x128xi32, #tpu.memory_space<vmem>> -> memref<1x128xi32, #tpu.memory_space<vmem>>
        %dma_start3A_17 = tpu.memref_squeeze %dma_start3A_16 : memref<1x128xi32, #tpu.memory_space<vmem>> -> memref<128xi32, #tpu.memory_space<vmem>>
        %dma_start3A_18 = arith.constant 0 : i32
        %dma_start3A_19 = arith.constant 0 : i32
        %dma_start3A_20 = tpu.memref_slice %arg8[%dma_start3A_18, %dma_start3A_19] : memref<10240x16xf32, #tpu.memory_space<vmem_shared>> -> memref<10240x16xf32, #tpu.memory_space<vmem_shared>>
        tpu.enqueue_indirect_dma source(%arg7 : memref<128x16xf32, #tpu.memory_space<vmem>>) target(%dma_start3A_20 : memref<10240x16xf32, #tpu.memory_space<vmem_shared>>) offsets(%dma_start3A_17 : memref<128xi32, #tpu.memory_space<vmem>>) semaphore(%run_scoped3A : memref<!tpu.dma_semaphore, #tpu.memory_space<semaphore_mem>>) {add = true}
        %dma_wait3A = arith.constant 0 : i32
        %dma_wait3A_21 = tpu.memref_slice %arg6[%scan3A_15, %dma_wait3A] : memref<40x128xi32, #tpu.memory_space<vmem>> -> memref<1x128xi32, #tpu.memory_space<vmem>>
        %dma_wait3A_22 = tpu.memref_squeeze %dma_wait3A_21 : memref<1x128xi32, #tpu.memory_space<vmem>> -> memref<128xi32, #tpu.memory_space<vmem>>
        %dma_wait3A_23 = arith.constant 0 : i32
        %dma_wait3A_24 = arith.constant 0 : i32
        %dma_wait3A_25 = tpu.memref_slice %arg8[%dma_wait3A_23, %dma_wait3A_24] : memref<10240x16xf32, #tpu.memory_space<vmem_shared>> -> memref<10240x16xf32, #tpu.memory_space<vmem_shared>>
        tpu.wait_indirect_dma semaphore(%run_scoped3A : memref<!tpu.dma_semaphore, #tpu.memory_space<semaphore_mem>>) src(%arg7 : memref<128x16xf32, #tpu.memory_space<vmem>>) dst(%dma_wait3A_25 : memref<10240x16xf32, #tpu.memory_space<vmem_shared>>)
        tpu.yield
      }) : () -> ()
    }
    %scan3A_9 = arith.constant 40 : i32
    %barrier3A_10 = arith.constant 0 : index
    tpu.barrier barrier_id(%barrier3A_10)
    %mul3A_11 = arith.constant 640 : i32
    %mul3A_12 = arith.muli %arg1, %mul3A_11 : i32
    %mul3A_13 = arith.constant 640 : i32
    %mul3A_14 = arith.muli %arg1, %mul3A_13 : i32
    "tpu.region"() ({
      %run_scoped3A = tpu.sem_alloc : memref<!tpu.dma_semaphore, #tpu.memory_space<semaphore_mem>>
      %dma_start3A = arith.constant 0 : i32
      %dma_start3A_15 = tpu.memref_slice %arg5[%arg0, %mul3A_14, %dma_start3A] : memref<2x10240x16xf32, #tpu.memory_space<hbm>> -> memref<1x640x16xf32, #tpu.memory_space<hbm>>
      %dma_start3A_16 = tpu.memref_squeeze %dma_start3A_15 : memref<1x640x16xf32, #tpu.memory_space<hbm>> -> memref<640x16xf32, #tpu.memory_space<hbm>>
      %dma_start3A_17 = arith.constant 0 : i32
      %dma_start3A_18 = tpu.memref_slice %arg8[%mul3A_12, %dma_start3A_17] : memref<10240x16xf32, #tpu.memory_space<vmem_shared>> -> memref<640x16xf32, #tpu.memory_space<vmem_shared>>
      tpu.enqueue_dma source(%dma_start3A_18 : memref<640x16xf32, #tpu.memory_space<vmem_shared>>) target(%dma_start3A_16 : memref<640x16xf32, #tpu.memory_space<hbm>>) target_semaphore(%run_scoped3A : memref<!tpu.dma_semaphore, #tpu.memory_space<semaphore_mem>>)
      %dma_wait3A = arith.constant 0 : i32
      %dma_wait3A_19 = tpu.memref_slice %arg5[%arg0, %mul3A_14, %dma_wait3A] : memref<2x10240x16xf32, #tpu.memory_space<hbm>> -> memref<1x640x16xf32, #tpu.memory_space<hbm>>
      %dma_wait3A_20 = tpu.memref_squeeze %dma_wait3A_19 : memref<1x640x16xf32, #tpu.memory_space<hbm>> -> memref<640x16xf32, #tpu.memory_space<hbm>>
      %dma_wait3A_21 = arith.constant 0 : i32
      %dma_wait3A_22 = tpu.memref_slice %arg8[%mul3A_12, %dma_wait3A_21] : memref<10240x16xf32, #tpu.memory_space<vmem_shared>> -> memref<640x16xf32, #tpu.memory_space<vmem_shared>>
      tpu.wait_dma2 semaphore(%run_scoped3A : memref<!tpu.dma_semaphore, #tpu.memory_space<semaphore_mem>>) src(%dma_wait3A_22 : memref<640x16xf32, #tpu.memory_space<vmem_shared>>) dst(%dma_wait3A_20 : memref<640x16xf32, #tpu.memory_space<hbm>>)
      tpu.yield
    }) : () -> ()
    return
  }
}

#map = affine_map<(d0, d1) -> (0, 0)>
#map1 = affine_map<(d0, d1) -> (0, 0, 0)>
module attributes {stable_mosaic.version = 14 : i64} {
  func.func @agg_kernel(%arg0: i32, %arg1: i32, %arg2: memref<10000x64xbf16, #tpu.memory_space<hbm>>, %arg3: memref<1280x128xi32, #tpu.memory_space<hbm>>, %arg4: memref<1280x128xi32, #tpu.memory_space<hbm>>, %arg5: memref<640x64xbf16, #tpu.memory_space<hbm>>, %arg6: memref<2x10240x64xbf16, #tpu.memory_space<hbm>>, %arg7: memref<40x128xi32, #tpu.memory_space<vmem>>, %arg8: memref<40x128xi32, #tpu.memory_space<vmem>>, %arg9: memref<128x64xbf16, #tpu.memory_space<vmem>>, %arg10: memref<128x64xbf16, #tpu.memory_space<vmem>>, %arg11: memref<128x64xbf16, #tpu.memory_space<vmem>>, %arg12: memref<128x64xbf16, #tpu.memory_space<vmem>>, %arg13: memref<10240x64xbf16, #tpu.memory_space<vmem_shared>>, %arg14: memref<10000x64xbf16, #tpu.memory_space<vmem_shared>>, %arg15: memref<!tpu.dma_semaphore, #tpu.memory_space<semaphore_mem>>, %arg16: memref<!tpu.dma_semaphore, #tpu.memory_space<semaphore_mem>>, %arg17: memref<!tpu.dma_semaphore, #tpu.memory_space<semaphore_mem>>, %arg18: memref<!tpu.dma_semaphore, #tpu.memory_space<semaphore_mem>>, %arg19: memref<!tpu.dma_semaphore, #tpu.memory_space<semaphore_mem>>, %arg20: memref<!tpu.dma_semaphore, #tpu.memory_space<semaphore_mem>>, %arg21: memref<!tpu.dma_semaphore, #tpu.memory_space<semaphore_mem>>, %arg22: memref<!tpu.dma_semaphore, #tpu.memory_space<semaphore_mem>>) attributes {dimension_semantics = [#tpu.dimension_semantics<core_parallel>, #tpu.dimension_semantics<subcore_parallel>], iteration_bounds = array<i64: 2, 16>, scalar_prefetch = 0 : i64, scratch_operands = 16 : i64, tpu.core_type = #tpu.core_type<sc_vector_subcore>, window_params = [{transform_indices = #map}, {transform_indices = #map}, {transform_indices = #map}, {transform_indices = #map}, {transform_indices = #map1}]} {
    %mul3A = arith.constant 80 : i32
    %mul3A_0 = arith.muli %arg1, %mul3A : i32
    %mul3A_1 = arith.constant 40 : i32
    %mul3A_2 = arith.muli %arg0, %mul3A_1 : i32
    %add3A = arith.addi %mul3A_0, %mul3A_2 : i32
    %mul3A_3 = arith.constant 640 : i32
    %mul3A_4 = arith.muli %arg1, %mul3A_3 : i32
    "tpu.region"() ({
      %run_scoped3A = tpu.sem_alloc : memref<!tpu.dma_semaphore, #tpu.memory_space<semaphore_mem>>
      %dma_start3A = arith.constant 0 : i32
      %dma_start3A_30 = tpu.memref_slice %arg13[%mul3A_4, %dma_start3A] : memref<10240x64xbf16, #tpu.memory_space<vmem_shared>> -> memref<640x64xbf16, #tpu.memory_space<vmem_shared>>
      tpu.enqueue_dma source(%arg5 : memref<640x64xbf16, #tpu.memory_space<hbm>>) target(%dma_start3A_30 : memref<640x64xbf16, #tpu.memory_space<vmem_shared>>) target_semaphore(%run_scoped3A : memref<!tpu.dma_semaphore, #tpu.memory_space<semaphore_mem>>)
      %dma_wait3A = arith.constant 0 : i32
      %dma_wait3A_31 = tpu.memref_slice %arg13[%mul3A_4, %dma_wait3A] : memref<10240x64xbf16, #tpu.memory_space<vmem_shared>> -> memref<640x64xbf16, #tpu.memory_space<vmem_shared>>
      tpu.wait_dma2 semaphore(%run_scoped3A : memref<!tpu.dma_semaphore, #tpu.memory_space<semaphore_mem>>) src(%arg5 : memref<640x64xbf16, #tpu.memory_space<hbm>>) dst(%dma_wait3A_31 : memref<640x64xbf16, #tpu.memory_space<vmem_shared>>)
      tpu.yield
    }) : () -> ()
    %mul3A_5 = arith.constant 625 : i32
    %mul3A_6 = arith.muli %arg1, %mul3A_5 : i32
    %mul3A_7 = arith.constant 625 : i32
    %mul3A_8 = arith.muli %arg1, %mul3A_7 : i32
    "tpu.region"() ({
      %run_scoped3A = tpu.sem_alloc : memref<!tpu.dma_semaphore, #tpu.memory_space<semaphore_mem>>
      %dma_start3A = arith.constant 0 : i32
      %dma_start3A_30 = tpu.memref_slice %arg14[%mul3A_8, %dma_start3A] : memref<10000x64xbf16, #tpu.memory_space<vmem_shared>> -> memref<625x64xbf16, #tpu.memory_space<vmem_shared>>
      %dma_start3A_31 = arith.constant 0 : i32
      %dma_start3A_32 = tpu.memref_slice %arg2[%mul3A_6, %dma_start3A_31] : memref<10000x64xbf16, #tpu.memory_space<hbm>> -> memref<625x64xbf16, #tpu.memory_space<hbm>>
      tpu.enqueue_dma source(%dma_start3A_32 : memref<625x64xbf16, #tpu.memory_space<hbm>>) target(%dma_start3A_30 : memref<625x64xbf16, #tpu.memory_space<vmem_shared>>) target_semaphore(%run_scoped3A : memref<!tpu.dma_semaphore, #tpu.memory_space<semaphore_mem>>)
      %dma_wait3A = arith.constant 0 : i32
      %dma_wait3A_33 = tpu.memref_slice %arg14[%mul3A_8, %dma_wait3A] : memref<10000x64xbf16, #tpu.memory_space<vmem_shared>> -> memref<625x64xbf16, #tpu.memory_space<vmem_shared>>
      %dma_wait3A_34 = arith.constant 0 : i32
      %dma_wait3A_35 = tpu.memref_slice %arg2[%mul3A_6, %dma_wait3A_34] : memref<10000x64xbf16, #tpu.memory_space<hbm>> -> memref<625x64xbf16, #tpu.memory_space<hbm>>
      tpu.wait_dma2 semaphore(%run_scoped3A : memref<!tpu.dma_semaphore, #tpu.memory_space<semaphore_mem>>) src(%dma_wait3A_35 : memref<625x64xbf16, #tpu.memory_space<hbm>>) dst(%dma_wait3A_33 : memref<625x64xbf16, #tpu.memory_space<vmem_shared>>)
      tpu.yield
    }) : () -> ()
    %eq3A = arith.constant 1 : i32
    %eq3A_9 = arith.cmpi eq, %arg0, %eq3A : i32
    %convert_element_type3A = arith.extui %eq3A_9 : i1 to i32
    %cond3A = arith.constant 0 : i32
    %cond3A_10 = arith.cmpi ne, %convert_element_type3A, %cond3A : i32
    scf.if %cond3A_10 {
      "tpu.region"() ({
        %run_scoped3A = tpu.sem_alloc : memref<!tpu.dma_semaphore, #tpu.memory_space<semaphore_mem>>
        %dma_start3A = arith.constant 0 : i32
        %dma_start3A_30 = arith.constant 0 : i32
        %dma_start3A_31 = tpu.memref_slice %arg7[%dma_start3A, %dma_start3A_30] : memref<40x128xi32, #tpu.memory_space<vmem>> -> memref<40x128xi32, #tpu.memory_space<vmem>>
        %dma_start3A_32 = arith.constant 0 : i32
        %dma_start3A_33 = tpu.memref_slice %arg3[%add3A, %dma_start3A_32] : memref<1280x128xi32, #tpu.memory_space<hbm>> -> memref<40x128xi32, #tpu.memory_space<hbm>>
        %dma_start3A_34 = arith.constant 0 : i32
        %dma_start3A_35 = arith.constant 0 : i32
        %dma_start3A_36 = tpu.memref_slice %arg7[%dma_start3A_34, %dma_start3A_35] : memref<40x128xi32, #tpu.memory_space<vmem>> -> memref<40x128xi32, #tpu.memory_space<vmem>>
        %dma_start3A_37 = arith.constant 0 : i32
        %dma_start3A_38 = tpu.memref_slice %arg3[%add3A, %dma_start3A_37] : memref<1280x128xi32, #tpu.memory_space<hbm>> -> memref<40x128xi32, #tpu.memory_space<hbm>>
        tpu.enqueue_dma source(%dma_start3A_38 : memref<40x128xi32, #tpu.memory_space<hbm>>) target(%dma_start3A_36 : memref<40x128xi32, #tpu.memory_space<vmem>>) target_semaphore(%run_scoped3A : memref<!tpu.dma_semaphore, #tpu.memory_space<semaphore_mem>>)
        %dma_wait3A = arith.constant 0 : i32
        %dma_wait3A_39 = arith.constant 0 : i32
        %dma_wait3A_40 = tpu.memref_slice %arg7[%dma_wait3A, %dma_wait3A_39] : memref<40x128xi32, #tpu.memory_space<vmem>> -> memref<40x128xi32, #tpu.memory_space<vmem>>
        %dma_wait3A_41 = arith.constant 0 : i32
        %dma_wait3A_42 = tpu.memref_slice %arg3[%add3A, %dma_wait3A_41] : memref<1280x128xi32, #tpu.memory_space<hbm>> -> memref<40x128xi32, #tpu.memory_space<hbm>>
        %dma_wait3A_43 = arith.constant 0 : i32
        %dma_wait3A_44 = arith.constant 0 : i32
        %dma_wait3A_45 = tpu.memref_slice %arg7[%dma_wait3A_43, %dma_wait3A_44] : memref<40x128xi32, #tpu.memory_space<vmem>> -> memref<40x128xi32, #tpu.memory_space<vmem>>
        %dma_wait3A_46 = arith.constant 0 : i32
        %dma_wait3A_47 = tpu.memref_slice %arg3[%add3A, %dma_wait3A_46] : memref<1280x128xi32, #tpu.memory_space<hbm>> -> memref<40x128xi32, #tpu.memory_space<hbm>>
        tpu.wait_dma2 semaphore(%run_scoped3A : memref<!tpu.dma_semaphore, #tpu.memory_space<semaphore_mem>>) src(%dma_wait3A_47 : memref<40x128xi32, #tpu.memory_space<hbm>>) dst(%dma_wait3A_45 : memref<40x128xi32, #tpu.memory_space<vmem>>)
        tpu.yield
      }) : () -> ()
      "tpu.region"() ({
        %run_scoped3A = tpu.sem_alloc : memref<!tpu.dma_semaphore, #tpu.memory_space<semaphore_mem>>
        %dma_start3A = arith.constant 0 : i32
        %dma_start3A_30 = arith.constant 0 : i32
        %dma_start3A_31 = tpu.memref_slice %arg8[%dma_start3A, %dma_start3A_30] : memref<40x128xi32, #tpu.memory_space<vmem>> -> memref<40x128xi32, #tpu.memory_space<vmem>>
        %dma_start3A_32 = arith.constant 0 : i32
        %dma_start3A_33 = tpu.memref_slice %arg4[%add3A, %dma_start3A_32] : memref<1280x128xi32, #tpu.memory_space<hbm>> -> memref<40x128xi32, #tpu.memory_space<hbm>>
        %dma_start3A_34 = arith.constant 0 : i32
        %dma_start3A_35 = arith.constant 0 : i32
        %dma_start3A_36 = tpu.memref_slice %arg8[%dma_start3A_34, %dma_start3A_35] : memref<40x128xi32, #tpu.memory_space<vmem>> -> memref<40x128xi32, #tpu.memory_space<vmem>>
        %dma_start3A_37 = arith.constant 0 : i32
        %dma_start3A_38 = tpu.memref_slice %arg4[%add3A, %dma_start3A_37] : memref<1280x128xi32, #tpu.memory_space<hbm>> -> memref<40x128xi32, #tpu.memory_space<hbm>>
        tpu.enqueue_dma source(%dma_start3A_38 : memref<40x128xi32, #tpu.memory_space<hbm>>) target(%dma_start3A_36 : memref<40x128xi32, #tpu.memory_space<vmem>>) target_semaphore(%run_scoped3A : memref<!tpu.dma_semaphore, #tpu.memory_space<semaphore_mem>>)
        %dma_wait3A = arith.constant 0 : i32
        %dma_wait3A_39 = arith.constant 0 : i32
        %dma_wait3A_40 = tpu.memref_slice %arg8[%dma_wait3A, %dma_wait3A_39] : memref<40x128xi32, #tpu.memory_space<vmem>> -> memref<40x128xi32, #tpu.memory_space<vmem>>
        %dma_wait3A_41 = arith.constant 0 : i32
        %dma_wait3A_42 = tpu.memref_slice %arg4[%add3A, %dma_wait3A_41] : memref<1280x128xi32, #tpu.memory_space<hbm>> -> memref<40x128xi32, #tpu.memory_space<hbm>>
        %dma_wait3A_43 = arith.constant 0 : i32
        %dma_wait3A_44 = arith.constant 0 : i32
        %dma_wait3A_45 = tpu.memref_slice %arg8[%dma_wait3A_43, %dma_wait3A_44] : memref<40x128xi32, #tpu.memory_space<vmem>> -> memref<40x128xi32, #tpu.memory_space<vmem>>
        %dma_wait3A_46 = arith.constant 0 : i32
        %dma_wait3A_47 = tpu.memref_slice %arg4[%add3A, %dma_wait3A_46] : memref<1280x128xi32, #tpu.memory_space<hbm>> -> memref<40x128xi32, #tpu.memory_space<hbm>>
        tpu.wait_dma2 semaphore(%run_scoped3A : memref<!tpu.dma_semaphore, #tpu.memory_space<semaphore_mem>>) src(%dma_wait3A_47 : memref<40x128xi32, #tpu.memory_space<hbm>>) dst(%dma_wait3A_45 : memref<40x128xi32, #tpu.memory_space<vmem>>)
        tpu.yield
      }) : () -> ()
    } else {
    }
    %ne3A = arith.constant 1 : i32
    %ne3A_11 = arith.cmpi ne, %arg0, %ne3A : i32
    %convert_element_type3A_12 = arith.extui %ne3A_11 : i1 to i32
    %cond3A_13 = arith.constant 0 : i32
    %cond3A_14 = arith.cmpi ne, %convert_element_type3A_12, %cond3A_13 : i32
    scf.if %cond3A_14 {
      "tpu.region"() ({
        %run_scoped3A = tpu.sem_alloc : memref<!tpu.dma_semaphore, #tpu.memory_space<semaphore_mem>>
        %dma_start3A = arith.constant 0 : i32
        %dma_start3A_30 = tpu.memref_slice %arg3[%add3A, %dma_start3A] : memref<1280x128xi32, #tpu.memory_space<hbm>> -> memref<40x128xi32, #tpu.memory_space<hbm>>
        %dma_start3A_31 = arith.constant 0 : i32
        %dma_start3A_32 = tpu.memref_slice %arg3[%add3A, %dma_start3A_31] : memref<1280x128xi32, #tpu.memory_space<hbm>> -> memref<40x128xi32, #tpu.memory_space<hbm>>
        tpu.enqueue_dma source(%dma_start3A_32 : memref<40x128xi32, #tpu.memory_space<hbm>>) target(%arg7 : memref<40x128xi32, #tpu.memory_space<vmem>>) target_semaphore(%run_scoped3A : memref<!tpu.dma_semaphore, #tpu.memory_space<semaphore_mem>>)
        %dma_wait3A = arith.constant 0 : i32
        %dma_wait3A_33 = tpu.memref_slice %arg3[%add3A, %dma_wait3A] : memref<1280x128xi32, #tpu.memory_space<hbm>> -> memref<40x128xi32, #tpu.memory_space<hbm>>
        %dma_wait3A_34 = arith.constant 0 : i32
        %dma_wait3A_35 = tpu.memref_slice %arg3[%add3A, %dma_wait3A_34] : memref<1280x128xi32, #tpu.memory_space<hbm>> -> memref<40x128xi32, #tpu.memory_space<hbm>>
        tpu.wait_dma2 semaphore(%run_scoped3A : memref<!tpu.dma_semaphore, #tpu.memory_space<semaphore_mem>>) src(%dma_wait3A_35 : memref<40x128xi32, #tpu.memory_space<hbm>>) dst(%arg7 : memref<40x128xi32, #tpu.memory_space<vmem>>)
        tpu.yield
      }) : () -> ()
      "tpu.region"() ({
        %run_scoped3A = tpu.sem_alloc : memref<!tpu.dma_semaphore, #tpu.memory_space<semaphore_mem>>
        %dma_start3A = arith.constant 0 : i32
        %dma_start3A_30 = tpu.memref_slice %arg4[%add3A, %dma_start3A] : memref<1280x128xi32, #tpu.memory_space<hbm>> -> memref<40x128xi32, #tpu.memory_space<hbm>>
        %dma_start3A_31 = arith.constant 0 : i32
        %dma_start3A_32 = tpu.memref_slice %arg4[%add3A, %dma_start3A_31] : memref<1280x128xi32, #tpu.memory_space<hbm>> -> memref<40x128xi32, #tpu.memory_space<hbm>>
        tpu.enqueue_dma source(%dma_start3A_32 : memref<40x128xi32, #tpu.memory_space<hbm>>) target(%arg8 : memref<40x128xi32, #tpu.memory_space<vmem>>) target_semaphore(%run_scoped3A : memref<!tpu.dma_semaphore, #tpu.memory_space<semaphore_mem>>)
        %dma_wait3A = arith.constant 0 : i32
        %dma_wait3A_33 = tpu.memref_slice %arg4[%add3A, %dma_wait3A] : memref<1280x128xi32, #tpu.memory_space<hbm>> -> memref<40x128xi32, #tpu.memory_space<hbm>>
        %dma_wait3A_34 = arith.constant 0 : i32
        %dma_wait3A_35 = tpu.memref_slice %arg4[%add3A, %dma_wait3A_34] : memref<1280x128xi32, #tpu.memory_space<hbm>> -> memref<40x128xi32, #tpu.memory_space<hbm>>
        tpu.wait_dma2 semaphore(%run_scoped3A : memref<!tpu.dma_semaphore, #tpu.memory_space<semaphore_mem>>) src(%dma_wait3A_35 : memref<40x128xi32, #tpu.memory_space<hbm>>) dst(%arg8 : memref<40x128xi32, #tpu.memory_space<vmem>>)
        tpu.yield
      }) : () -> ()
    } else {
    }
    %barrier3A = arith.constant 0 : index
    tpu.barrier barrier_id(%barrier3A)
    %eq3A_15 = arith.constant 1 : i32
    %eq3A_16 = arith.cmpi eq, %arg0, %eq3A_15 : i32
    %convert_element_type3A_17 = arith.extui %eq3A_16 : i1 to i32
    %cond3A_18 = arith.constant 0 : i32
    %cond3A_19 = arith.cmpi ne, %convert_element_type3A_17, %cond3A_18 : i32
    scf.if %cond3A_19 {
      %dma_start3A = arith.constant 0 : i32
      %dma_start3A_30 = arith.constant 0 : i32
      %dma_start3A_31 = tpu.memref_slice %arg7[%dma_start3A, %dma_start3A_30] : memref<40x128xi32, #tpu.memory_space<vmem>> -> memref<1x128xi32, #tpu.memory_space<vmem>>
      %dma_start3A_32 = tpu.memref_squeeze %dma_start3A_31 : memref<1x128xi32, #tpu.memory_space<vmem>> -> memref<128xi32, #tpu.memory_space<vmem>>
      %dma_start3A_33 = arith.constant 0 : i32
      %dma_start3A_34 = arith.constant 0 : i32
      %dma_start3A_35 = tpu.memref_slice %arg14[%dma_start3A_33, %dma_start3A_34] : memref<10000x64xbf16, #tpu.memory_space<vmem_shared>> -> memref<10000x64xbf16, #tpu.memory_space<vmem_shared>>
      tpu.enqueue_indirect_dma source(%dma_start3A_35 : memref<10000x64xbf16, #tpu.memory_space<vmem_shared>>) target(%arg9 : memref<128x64xbf16, #tpu.memory_space<vmem>>) offsets(%dma_start3A_32 : memref<128xi32, #tpu.memory_space<vmem>>) semaphore(%arg15 : memref<!tpu.dma_semaphore, #tpu.memory_space<semaphore_mem>>)
      %dma_start3A_36 = arith.constant 1 : i32
      %dma_start3A_37 = arith.constant 0 : i32
      %dma_start3A_38 = tpu.memref_slice %arg7[%dma_start3A_36, %dma_start3A_37] : memref<40x128xi32, #tpu.memory_space<vmem>> -> memref<1x128xi32, #tpu.memory_space<vmem>>
      %dma_start3A_39 = tpu.memref_squeeze %dma_start3A_38 : memref<1x128xi32, #tpu.memory_space<vmem>> -> memref<128xi32, #tpu.memory_space<vmem>>
      %dma_start3A_40 = arith.constant 0 : i32
      %dma_start3A_41 = arith.constant 0 : i32
      %dma_start3A_42 = tpu.memref_slice %arg14[%dma_start3A_40, %dma_start3A_41] : memref<10000x64xbf16, #tpu.memory_space<vmem_shared>> -> memref<10000x64xbf16, #tpu.memory_space<vmem_shared>>
      tpu.enqueue_indirect_dma source(%dma_start3A_42 : memref<10000x64xbf16, #tpu.memory_space<vmem_shared>>) target(%arg10 : memref<128x64xbf16, #tpu.memory_space<vmem>>) offsets(%dma_start3A_39 : memref<128xi32, #tpu.memory_space<vmem>>) semaphore(%arg16 : memref<!tpu.dma_semaphore, #tpu.memory_space<semaphore_mem>>)
      %dma_start3A_43 = arith.constant 2 : i32
      %dma_start3A_44 = arith.constant 0 : i32
      %dma_start3A_45 = tpu.memref_slice %arg7[%dma_start3A_43, %dma_start3A_44] : memref<40x128xi32, #tpu.memory_space<vmem>> -> memref<1x128xi32, #tpu.memory_space<vmem>>
      %dma_start3A_46 = tpu.memref_squeeze %dma_start3A_45 : memref<1x128xi32, #tpu.memory_space<vmem>> -> memref<128xi32, #tpu.memory_space<vmem>>
      %dma_start3A_47 = arith.constant 0 : i32
      %dma_start3A_48 = arith.constant 0 : i32
      %dma_start3A_49 = tpu.memref_slice %arg14[%dma_start3A_47, %dma_start3A_48] : memref<10000x64xbf16, #tpu.memory_space<vmem_shared>> -> memref<10000x64xbf16, #tpu.memory_space<vmem_shared>>
      tpu.enqueue_indirect_dma source(%dma_start3A_49 : memref<10000x64xbf16, #tpu.memory_space<vmem_shared>>) target(%arg11 : memref<128x64xbf16, #tpu.memory_space<vmem>>) offsets(%dma_start3A_46 : memref<128xi32, #tpu.memory_space<vmem>>) semaphore(%arg17 : memref<!tpu.dma_semaphore, #tpu.memory_space<semaphore_mem>>)
      %scan3A = arith.constant 0 : i32
      %scan3A_50 = arith.constant 0 : i32
      %scan3A_51 = arith.constant 10 : i32
      %scan3A_52 = arith.addi %scan3A_50, %scan3A_51 : i32
      %scan3A_53 = arith.constant 1 : i32
      scf.for %scan3A_82 = %scan3A_50 to %scan3A_52 step %scan3A_53  : i32 {
        %mul3A_83 = arith.constant 4 : i32
        %mul3A_84 = arith.muli %mul3A_83, %scan3A_82 : i32
        %add3A_85 = arith.constant 0 : i32
        %add3A_86 = arith.addi %mul3A_84, %add3A_85 : i32
        %dma_wait3A_87 = arith.constant 0 : i32
        %dma_wait3A_88 = tpu.memref_slice %arg7[%add3A_86, %dma_wait3A_87] : memref<40x128xi32, #tpu.memory_space<vmem>> -> memref<1x128xi32, #tpu.memory_space<vmem>>
        %dma_wait3A_89 = tpu.memref_squeeze %dma_wait3A_88 : memref<1x128xi32, #tpu.memory_space<vmem>> -> memref<128xi32, #tpu.memory_space<vmem>>
        %dma_wait3A_90 = arith.constant 0 : i32
        %dma_wait3A_91 = arith.constant 0 : i32
        %dma_wait3A_92 = tpu.memref_slice %arg14[%dma_wait3A_90, %dma_wait3A_91] : memref<10000x64xbf16, #tpu.memory_space<vmem_shared>> -> memref<10000x64xbf16, #tpu.memory_space<vmem_shared>>
        tpu.wait_indirect_dma semaphore(%arg15 : memref<!tpu.dma_semaphore, #tpu.memory_space<semaphore_mem>>) src(%dma_wait3A_92 : memref<10000x64xbf16, #tpu.memory_space<vmem_shared>>) dst(%arg9 : memref<128x64xbf16, #tpu.memory_space<vmem>>)
        %dma_start3A_93 = arith.constant 0 : i32
        %dma_start3A_94 = tpu.memref_slice %arg8[%add3A_86, %dma_start3A_93] : memref<40x128xi32, #tpu.memory_space<vmem>> -> memref<1x128xi32, #tpu.memory_space<vmem>>
        %dma_start3A_95 = tpu.memref_squeeze %dma_start3A_94 : memref<1x128xi32, #tpu.memory_space<vmem>> -> memref<128xi32, #tpu.memory_space<vmem>>
        %dma_start3A_96 = arith.constant 0 : i32
        %dma_start3A_97 = arith.constant 0 : i32
        %dma_start3A_98 = tpu.memref_slice %arg13[%dma_start3A_96, %dma_start3A_97] : memref<10240x64xbf16, #tpu.memory_space<vmem_shared>> -> memref<10240x64xbf16, #tpu.memory_space<vmem_shared>>
        tpu.enqueue_indirect_dma source(%arg9 : memref<128x64xbf16, #tpu.memory_space<vmem>>) target(%dma_start3A_98 : memref<10240x64xbf16, #tpu.memory_space<vmem_shared>>) offsets(%dma_start3A_95 : memref<128xi32, #tpu.memory_space<vmem>>) semaphore(%arg19 : memref<!tpu.dma_semaphore, #tpu.memory_space<semaphore_mem>>) {add = true}
        %add3A_99 = arith.constant 4 : i32
        %add3A_100 = arith.addi %add3A_86, %add3A_99 : i32
        %sub3A = arith.constant 1 : i32
        %sub3A_101 = arith.subi %add3A_100, %sub3A : i32
        %lt3A = arith.constant 40 : i32
        %lt3A_102 = arith.cmpi slt, %sub3A_101, %lt3A : i32
        %convert_element_type3A_103 = arith.extui %lt3A_102 : i1 to i32
        %cond3A_104 = arith.constant 0 : i32
        %cond3A_105 = arith.cmpi ne, %convert_element_type3A_103, %cond3A_104 : i32
        scf.if %cond3A_105 {
          %ge3A = arith.constant 1 : i32
          %ge3A_181 = arith.cmpi sge, %add3A_86, %ge3A : i32
          %convert_element_type3A_182 = arith.extui %ge3A_181 : i1 to i32
          %cond3A_183 = arith.constant 0 : i32
          %cond3A_184 = arith.cmpi ne, %convert_element_type3A_182, %cond3A_183 : i32
          scf.if %cond3A_184 {
            %sub3A_195 = arith.constant 1 : i32
            %sub3A_196 = arith.subi %add3A_86, %sub3A_195 : i32
            %dma_wait3A_197 = arith.constant 0 : i32
            %dma_wait3A_198 = tpu.memref_slice %arg8[%sub3A_196, %dma_wait3A_197] : memref<40x128xi32, #tpu.memory_space<vmem>> -> memref<1x128xi32, #tpu.memory_space<vmem>>
            %dma_wait3A_199 = tpu.memref_squeeze %dma_wait3A_198 : memref<1x128xi32, #tpu.memory_space<vmem>> -> memref<128xi32, #tpu.memory_space<vmem>>
            %dma_wait3A_200 = arith.constant 0 : i32
            %dma_wait3A_201 = arith.constant 0 : i32
            %dma_wait3A_202 = tpu.memref_slice %arg13[%dma_wait3A_200, %dma_wait3A_201] : memref<10240x64xbf16, #tpu.memory_space<vmem_shared>> -> memref<10240x64xbf16, #tpu.memory_space<vmem_shared>>
            tpu.wait_indirect_dma semaphore(%arg22 : memref<!tpu.dma_semaphore, #tpu.memory_space<semaphore_mem>>) src(%arg12 : memref<128x64xbf16, #tpu.memory_space<vmem>>) dst(%dma_wait3A_202 : memref<10240x64xbf16, #tpu.memory_space<vmem_shared>>)
          } else {
          }
          %add3A_185 = arith.constant 4 : i32
          %add3A_186 = arith.addi %add3A_86, %add3A_185 : i32
          %sub3A_187 = arith.constant 1 : i32
          %sub3A_188 = arith.subi %add3A_186, %sub3A_187 : i32
          %dma_start3A_189 = arith.constant 0 : i32
          %dma_start3A_190 = tpu.memref_slice %arg7[%sub3A_188, %dma_start3A_189] : memref<40x128xi32, #tpu.memory_space<vmem>> -> memref<1x128xi32, #tpu.memory_space<vmem>>
          %dma_start3A_191 = tpu.memref_squeeze %dma_start3A_190 : memref<1x128xi32, #tpu.memory_space<vmem>> -> memref<128xi32, #tpu.memory_space<vmem>>
          %dma_start3A_192 = arith.constant 0 : i32
          %dma_start3A_193 = arith.constant 0 : i32
          %dma_start3A_194 = tpu.memref_slice %arg14[%dma_start3A_192, %dma_start3A_193] : memref<10000x64xbf16, #tpu.memory_space<vmem_shared>> -> memref<10000x64xbf16, #tpu.memory_space<vmem_shared>>
          tpu.enqueue_indirect_dma source(%dma_start3A_194 : memref<10000x64xbf16, #tpu.memory_space<vmem_shared>>) target(%arg12 : memref<128x64xbf16, #tpu.memory_space<vmem>>) offsets(%dma_start3A_191 : memref<128xi32, #tpu.memory_space<vmem>>) semaphore(%arg18 : memref<!tpu.dma_semaphore, #tpu.memory_space<semaphore_mem>>)
        } else {
        }
        %mul3A_106 = arith.constant 4 : i32
        %mul3A_107 = arith.muli %mul3A_106, %scan3A_82 : i32
        %add3A_108 = arith.constant 1 : i32
        %add3A_109 = arith.addi %mul3A_107, %add3A_108 : i32
        %dma_wait3A_110 = arith.constant 0 : i32
        %dma_wait3A_111 = tpu.memref_slice %arg7[%add3A_109, %dma_wait3A_110] : memref<40x128xi32, #tpu.memory_space<vmem>> -> memref<1x128xi32, #tpu.memory_space<vmem>>
        %dma_wait3A_112 = tpu.memref_squeeze %dma_wait3A_111 : memref<1x128xi32, #tpu.memory_space<vmem>> -> memref<128xi32, #tpu.memory_space<vmem>>
        %dma_wait3A_113 = arith.constant 0 : i32
        %dma_wait3A_114 = arith.constant 0 : i32
        %dma_wait3A_115 = tpu.memref_slice %arg14[%dma_wait3A_113, %dma_wait3A_114] : memref<10000x64xbf16, #tpu.memory_space<vmem_shared>> -> memref<10000x64xbf16, #tpu.memory_space<vmem_shared>>
        tpu.wait_indirect_dma semaphore(%arg16 : memref<!tpu.dma_semaphore, #tpu.memory_space<semaphore_mem>>) src(%dma_wait3A_115 : memref<10000x64xbf16, #tpu.memory_space<vmem_shared>>) dst(%arg10 : memref<128x64xbf16, #tpu.memory_space<vmem>>)
        %dma_start3A_116 = arith.constant 0 : i32
        %dma_start3A_117 = tpu.memref_slice %arg8[%add3A_109, %dma_start3A_116] : memref<40x128xi32, #tpu.memory_space<vmem>> -> memref<1x128xi32, #tpu.memory_space<vmem>>
        %dma_start3A_118 = tpu.memref_squeeze %dma_start3A_117 : memref<1x128xi32, #tpu.memory_space<vmem>> -> memref<128xi32, #tpu.memory_space<vmem>>
        %dma_start3A_119 = arith.constant 0 : i32
        %dma_start3A_120 = arith.constant 0 : i32
        %dma_start3A_121 = tpu.memref_slice %arg13[%dma_start3A_119, %dma_start3A_120] : memref<10240x64xbf16, #tpu.memory_space<vmem_shared>> -> memref<10240x64xbf16, #tpu.memory_space<vmem_shared>>
        tpu.enqueue_indirect_dma source(%arg10 : memref<128x64xbf16, #tpu.memory_space<vmem>>) target(%dma_start3A_121 : memref<10240x64xbf16, #tpu.memory_space<vmem_shared>>) offsets(%dma_start3A_118 : memref<128xi32, #tpu.memory_space<vmem>>) semaphore(%arg20 : memref<!tpu.dma_semaphore, #tpu.memory_space<semaphore_mem>>) {add = true}
        %add3A_122 = arith.constant 4 : i32
        %add3A_123 = arith.addi %add3A_109, %add3A_122 : i32
        %sub3A_124 = arith.constant 1 : i32
        %sub3A_125 = arith.subi %add3A_123, %sub3A_124 : i32
        %lt3A_126 = arith.constant 40 : i32
        %lt3A_127 = arith.cmpi slt, %sub3A_125, %lt3A_126 : i32
        %convert_element_type3A_128 = arith.extui %lt3A_127 : i1 to i32
        %cond3A_129 = arith.constant 0 : i32
        %cond3A_130 = arith.cmpi ne, %convert_element_type3A_128, %cond3A_129 : i32
        scf.if %cond3A_130 {
          %ge3A = arith.constant 1 : i32
          %ge3A_181 = arith.cmpi sge, %add3A_109, %ge3A : i32
          %convert_element_type3A_182 = arith.extui %ge3A_181 : i1 to i32
          %cond3A_183 = arith.constant 0 : i32
          %cond3A_184 = arith.cmpi ne, %convert_element_type3A_182, %cond3A_183 : i32
          scf.if %cond3A_184 {
            %sub3A_195 = arith.constant 1 : i32
            %sub3A_196 = arith.subi %add3A_109, %sub3A_195 : i32
            %dma_wait3A_197 = arith.constant 0 : i32
            %dma_wait3A_198 = tpu.memref_slice %arg8[%sub3A_196, %dma_wait3A_197] : memref<40x128xi32, #tpu.memory_space<vmem>> -> memref<1x128xi32, #tpu.memory_space<vmem>>
            %dma_wait3A_199 = tpu.memref_squeeze %dma_wait3A_198 : memref<1x128xi32, #tpu.memory_space<vmem>> -> memref<128xi32, #tpu.memory_space<vmem>>
            %dma_wait3A_200 = arith.constant 0 : i32
            %dma_wait3A_201 = arith.constant 0 : i32
            %dma_wait3A_202 = tpu.memref_slice %arg13[%dma_wait3A_200, %dma_wait3A_201] : memref<10240x64xbf16, #tpu.memory_space<vmem_shared>> -> memref<10240x64xbf16, #tpu.memory_space<vmem_shared>>
            tpu.wait_indirect_dma semaphore(%arg19 : memref<!tpu.dma_semaphore, #tpu.memory_space<semaphore_mem>>) src(%arg9 : memref<128x64xbf16, #tpu.memory_space<vmem>>) dst(%dma_wait3A_202 : memref<10240x64xbf16, #tpu.memory_space<vmem_shared>>)
          } else {
          }
          %add3A_185 = arith.constant 4 : i32
          %add3A_186 = arith.addi %add3A_109, %add3A_185 : i32
          %sub3A_187 = arith.constant 1 : i32
          %sub3A_188 = arith.subi %add3A_186, %sub3A_187 : i32
          %dma_start3A_189 = arith.constant 0 : i32
          %dma_start3A_190 = tpu.memref_slice %arg7[%sub3A_188, %dma_start3A_189] : memref<40x128xi32, #tpu.memory_space<vmem>> -> memref<1x128xi32, #tpu.memory_space<vmem>>
          %dma_start3A_191 = tpu.memref_squeeze %dma_start3A_190 : memref<1x128xi32, #tpu.memory_space<vmem>> -> memref<128xi32, #tpu.memory_space<vmem>>
          %dma_start3A_192 = arith.constant 0 : i32
          %dma_start3A_193 = arith.constant 0 : i32
          %dma_start3A_194 = tpu.memref_slice %arg14[%dma_start3A_192, %dma_start3A_193] : memref<10000x64xbf16, #tpu.memory_space<vmem_shared>> -> memref<10000x64xbf16, #tpu.memory_space<vmem_shared>>
          tpu.enqueue_indirect_dma source(%dma_start3A_194 : memref<10000x64xbf16, #tpu.memory_space<vmem_shared>>) target(%arg9 : memref<128x64xbf16, #tpu.memory_space<vmem>>) offsets(%dma_start3A_191 : memref<128xi32, #tpu.memory_space<vmem>>) semaphore(%arg15 : memref<!tpu.dma_semaphore, #tpu.memory_space<semaphore_mem>>)
        } else {
        }
        %mul3A_131 = arith.constant 4 : i32
        %mul3A_132 = arith.muli %mul3A_131, %scan3A_82 : i32
        %add3A_133 = arith.constant 2 : i32
        %add3A_134 = arith.addi %mul3A_132, %add3A_133 : i32
        %dma_wait3A_135 = arith.constant 0 : i32
        %dma_wait3A_136 = tpu.memref_slice %arg7[%add3A_134, %dma_wait3A_135] : memref<40x128xi32, #tpu.memory_space<vmem>> -> memref<1x128xi32, #tpu.memory_space<vmem>>
        %dma_wait3A_137 = tpu.memref_squeeze %dma_wait3A_136 : memref<1x128xi32, #tpu.memory_space<vmem>> -> memref<128xi32, #tpu.memory_space<vmem>>
        %dma_wait3A_138 = arith.constant 0 : i32
        %dma_wait3A_139 = arith.constant 0 : i32
        %dma_wait3A_140 = tpu.memref_slice %arg14[%dma_wait3A_138, %dma_wait3A_139] : memref<10000x64xbf16, #tpu.memory_space<vmem_shared>> -> memref<10000x64xbf16, #tpu.memory_space<vmem_shared>>
        tpu.wait_indirect_dma semaphore(%arg17 : memref<!tpu.dma_semaphore, #tpu.memory_space<semaphore_mem>>) src(%dma_wait3A_140 : memref<10000x64xbf16, #tpu.memory_space<vmem_shared>>) dst(%arg11 : memref<128x64xbf16, #tpu.memory_space<vmem>>)
        %dma_start3A_141 = arith.constant 0 : i32
        %dma_start3A_142 = tpu.memref_slice %arg8[%add3A_134, %dma_start3A_141] : memref<40x128xi32, #tpu.memory_space<vmem>> -> memref<1x128xi32, #tpu.memory_space<vmem>>
        %dma_start3A_143 = tpu.memref_squeeze %dma_start3A_142 : memref<1x128xi32, #tpu.memory_space<vmem>> -> memref<128xi32, #tpu.memory_space<vmem>>
        %dma_start3A_144 = arith.constant 0 : i32
        %dma_start3A_145 = arith.constant 0 : i32
        %dma_start3A_146 = tpu.memref_slice %arg13[%dma_start3A_144, %dma_start3A_145] : memref<10240x64xbf16, #tpu.memory_space<vmem_shared>> -> memref<10240x64xbf16, #tpu.memory_space<vmem_shared>>
        tpu.enqueue_indirect_dma source(%arg11 : memref<128x64xbf16, #tpu.memory_space<vmem>>) target(%dma_start3A_146 : memref<10240x64xbf16, #tpu.memory_space<vmem_shared>>) offsets(%dma_start3A_143 : memref<128xi32, #tpu.memory_space<vmem>>) semaphore(%arg21 : memref<!tpu.dma_semaphore, #tpu.memory_space<semaphore_mem>>) {add = true}
        %add3A_147 = arith.constant 4 : i32
        %add3A_148 = arith.addi %add3A_134, %add3A_147 : i32
        %sub3A_149 = arith.constant 1 : i32
        %sub3A_150 = arith.subi %add3A_148, %sub3A_149 : i32
        %lt3A_151 = arith.constant 40 : i32
        %lt3A_152 = arith.cmpi slt, %sub3A_150, %lt3A_151 : i32
        %convert_element_type3A_153 = arith.extui %lt3A_152 : i1 to i32
        %cond3A_154 = arith.constant 0 : i32
        %cond3A_155 = arith.cmpi ne, %convert_element_type3A_153, %cond3A_154 : i32
        scf.if %cond3A_155 {
          %ge3A = arith.constant 1 : i32
          %ge3A_181 = arith.cmpi sge, %add3A_134, %ge3A : i32
          %convert_element_type3A_182 = arith.extui %ge3A_181 : i1 to i32
          %cond3A_183 = arith.constant 0 : i32
          %cond3A_184 = arith.cmpi ne, %convert_element_type3A_182, %cond3A_183 : i32
          scf.if %cond3A_184 {
            %sub3A_195 = arith.constant 1 : i32
            %sub3A_196 = arith.subi %add3A_134, %sub3A_195 : i32
            %dma_wait3A_197 = arith.constant 0 : i32
            %dma_wait3A_198 = tpu.memref_slice %arg8[%sub3A_196, %dma_wait3A_197] : memref<40x128xi32, #tpu.memory_space<vmem>> -> memref<1x128xi32, #tpu.memory_space<vmem>>
            %dma_wait3A_199 = tpu.memref_squeeze %dma_wait3A_198 : memref<1x128xi32, #tpu.memory_space<vmem>> -> memref<128xi32, #tpu.memory_space<vmem>>
            %dma_wait3A_200 = arith.constant 0 : i32
            %dma_wait3A_201 = arith.constant 0 : i32
            %dma_wait3A_202 = tpu.memref_slice %arg13[%dma_wait3A_200, %dma_wait3A_201] : memref<10240x64xbf16, #tpu.memory_space<vmem_shared>> -> memref<10240x64xbf16, #tpu.memory_space<vmem_shared>>
            tpu.wait_indirect_dma semaphore(%arg20 : memref<!tpu.dma_semaphore, #tpu.memory_space<semaphore_mem>>) src(%arg10 : memref<128x64xbf16, #tpu.memory_space<vmem>>) dst(%dma_wait3A_202 : memref<10240x64xbf16, #tpu.memory_space<vmem_shared>>)
          } else {
          }
          %add3A_185 = arith.constant 4 : i32
          %add3A_186 = arith.addi %add3A_134, %add3A_185 : i32
          %sub3A_187 = arith.constant 1 : i32
          %sub3A_188 = arith.subi %add3A_186, %sub3A_187 : i32
          %dma_start3A_189 = arith.constant 0 : i32
          %dma_start3A_190 = tpu.memref_slice %arg7[%sub3A_188, %dma_start3A_189] : memref<40x128xi32, #tpu.memory_space<vmem>> -> memref<1x128xi32, #tpu.memory_space<vmem>>
          %dma_start3A_191 = tpu.memref_squeeze %dma_start3A_190 : memref<1x128xi32, #tpu.memory_space<vmem>> -> memref<128xi32, #tpu.memory_space<vmem>>
          %dma_start3A_192 = arith.constant 0 : i32
          %dma_start3A_193 = arith.constant 0 : i32
          %dma_start3A_194 = tpu.memref_slice %arg14[%dma_start3A_192, %dma_start3A_193] : memref<10000x64xbf16, #tpu.memory_space<vmem_shared>> -> memref<10000x64xbf16, #tpu.memory_space<vmem_shared>>
          tpu.enqueue_indirect_dma source(%dma_start3A_194 : memref<10000x64xbf16, #tpu.memory_space<vmem_shared>>) target(%arg10 : memref<128x64xbf16, #tpu.memory_space<vmem>>) offsets(%dma_start3A_191 : memref<128xi32, #tpu.memory_space<vmem>>) semaphore(%arg16 : memref<!tpu.dma_semaphore, #tpu.memory_space<semaphore_mem>>)
        } else {
        }
        %mul3A_156 = arith.constant 4 : i32
        %mul3A_157 = arith.muli %mul3A_156, %scan3A_82 : i32
        %add3A_158 = arith.constant 3 : i32
        %add3A_159 = arith.addi %mul3A_157, %add3A_158 : i32
        %dma_wait3A_160 = arith.constant 0 : i32
        %dma_wait3A_161 = tpu.memref_slice %arg7[%add3A_159, %dma_wait3A_160] : memref<40x128xi32, #tpu.memory_space<vmem>> -> memref<1x128xi32, #tpu.memory_space<vmem>>
        %dma_wait3A_162 = tpu.memref_squeeze %dma_wait3A_161 : memref<1x128xi32, #tpu.memory_space<vmem>> -> memref<128xi32, #tpu.memory_space<vmem>>
        %dma_wait3A_163 = arith.constant 0 : i32
        %dma_wait3A_164 = arith.constant 0 : i32
        %dma_wait3A_165 = tpu.memref_slice %arg14[%dma_wait3A_163, %dma_wait3A_164] : memref<10000x64xbf16, #tpu.memory_space<vmem_shared>> -> memref<10000x64xbf16, #tpu.memory_space<vmem_shared>>
        tpu.wait_indirect_dma semaphore(%arg18 : memref<!tpu.dma_semaphore, #tpu.memory_space<semaphore_mem>>) src(%dma_wait3A_165 : memref<10000x64xbf16, #tpu.memory_space<vmem_shared>>) dst(%arg12 : memref<128x64xbf16, #tpu.memory_space<vmem>>)
        %dma_start3A_166 = arith.constant 0 : i32
        %dma_start3A_167 = tpu.memref_slice %arg8[%add3A_159, %dma_start3A_166] : memref<40x128xi32, #tpu.memory_space<vmem>> -> memref<1x128xi32, #tpu.memory_space<vmem>>
        %dma_start3A_168 = tpu.memref_squeeze %dma_start3A_167 : memref<1x128xi32, #tpu.memory_space<vmem>> -> memref<128xi32, #tpu.memory_space<vmem>>
        %dma_start3A_169 = arith.constant 0 : i32
        %dma_start3A_170 = arith.constant 0 : i32
        %dma_start3A_171 = tpu.memref_slice %arg13[%dma_start3A_169, %dma_start3A_170] : memref<10240x64xbf16, #tpu.memory_space<vmem_shared>> -> memref<10240x64xbf16, #tpu.memory_space<vmem_shared>>
        tpu.enqueue_indirect_dma source(%arg12 : memref<128x64xbf16, #tpu.memory_space<vmem>>) target(%dma_start3A_171 : memref<10240x64xbf16, #tpu.memory_space<vmem_shared>>) offsets(%dma_start3A_168 : memref<128xi32, #tpu.memory_space<vmem>>) semaphore(%arg22 : memref<!tpu.dma_semaphore, #tpu.memory_space<semaphore_mem>>) {add = true}
        %add3A_172 = arith.constant 4 : i32
        %add3A_173 = arith.addi %add3A_159, %add3A_172 : i32
        %sub3A_174 = arith.constant 1 : i32
        %sub3A_175 = arith.subi %add3A_173, %sub3A_174 : i32
        %lt3A_176 = arith.constant 40 : i32
        %lt3A_177 = arith.cmpi slt, %sub3A_175, %lt3A_176 : i32
        %convert_element_type3A_178 = arith.extui %lt3A_177 : i1 to i32
        %cond3A_179 = arith.constant 0 : i32
        %cond3A_180 = arith.cmpi ne, %convert_element_type3A_178, %cond3A_179 : i32
        scf.if %cond3A_180 {
          %ge3A = arith.constant 1 : i32
          %ge3A_181 = arith.cmpi sge, %add3A_159, %ge3A : i32
          %convert_element_type3A_182 = arith.extui %ge3A_181 : i1 to i32
          %cond3A_183 = arith.constant 0 : i32
          %cond3A_184 = arith.cmpi ne, %convert_element_type3A_182, %cond3A_183 : i32
          scf.if %cond3A_184 {
            %sub3A_195 = arith.constant 1 : i32
            %sub3A_196 = arith.subi %add3A_159, %sub3A_195 : i32
            %dma_wait3A_197 = arith.constant 0 : i32
            %dma_wait3A_198 = tpu.memref_slice %arg8[%sub3A_196, %dma_wait3A_197] : memref<40x128xi32, #tpu.memory_space<vmem>> -> memref<1x128xi32, #tpu.memory_space<vmem>>
            %dma_wait3A_199 = tpu.memref_squeeze %dma_wait3A_198 : memref<1x128xi32, #tpu.memory_space<vmem>> -> memref<128xi32, #tpu.memory_space<vmem>>
            %dma_wait3A_200 = arith.constant 0 : i32
            %dma_wait3A_201 = arith.constant 0 : i32
            %dma_wait3A_202 = tpu.memref_slice %arg13[%dma_wait3A_200, %dma_wait3A_201] : memref<10240x64xbf16, #tpu.memory_space<vmem_shared>> -> memref<10240x64xbf16, #tpu.memory_space<vmem_shared>>
            tpu.wait_indirect_dma semaphore(%arg21 : memref<!tpu.dma_semaphore, #tpu.memory_space<semaphore_mem>>) src(%arg11 : memref<128x64xbf16, #tpu.memory_space<vmem>>) dst(%dma_wait3A_202 : memref<10240x64xbf16, #tpu.memory_space<vmem_shared>>)
          } else {
          }
          %add3A_185 = arith.constant 4 : i32
          %add3A_186 = arith.addi %add3A_159, %add3A_185 : i32
          %sub3A_187 = arith.constant 1 : i32
          %sub3A_188 = arith.subi %add3A_186, %sub3A_187 : i32
          %dma_start3A_189 = arith.constant 0 : i32
          %dma_start3A_190 = tpu.memref_slice %arg7[%sub3A_188, %dma_start3A_189] : memref<40x128xi32, #tpu.memory_space<vmem>> -> memref<1x128xi32, #tpu.memory_space<vmem>>
          %dma_start3A_191 = tpu.memref_squeeze %dma_start3A_190 : memref<1x128xi32, #tpu.memory_space<vmem>> -> memref<128xi32, #tpu.memory_space<vmem>>
          %dma_start3A_192 = arith.constant 0 : i32
          %dma_start3A_193 = arith.constant 0 : i32
          %dma_start3A_194 = tpu.memref_slice %arg14[%dma_start3A_192, %dma_start3A_193] : memref<10000x64xbf16, #tpu.memory_space<vmem_shared>> -> memref<10000x64xbf16, #tpu.memory_space<vmem_shared>>
          tpu.enqueue_indirect_dma source(%dma_start3A_194 : memref<10000x64xbf16, #tpu.memory_space<vmem_shared>>) target(%arg11 : memref<128x64xbf16, #tpu.memory_space<vmem>>) offsets(%dma_start3A_191 : memref<128xi32, #tpu.memory_space<vmem>>) semaphore(%arg17 : memref<!tpu.dma_semaphore, #tpu.memory_space<semaphore_mem>>)
        } else {
        }
      }
      %scan3A_54 = arith.constant 10 : i32
      %dma_wait3A = arith.constant 36 : i32
      %dma_wait3A_55 = arith.constant 0 : i32
      %dma_wait3A_56 = tpu.memref_slice %arg8[%dma_wait3A, %dma_wait3A_55] : memref<40x128xi32, #tpu.memory_space<vmem>> -> memref<1x128xi32, #tpu.memory_space<vmem>>
      %dma_wait3A_57 = tpu.memref_squeeze %dma_wait3A_56 : memref<1x128xi32, #tpu.memory_space<vmem>> -> memref<128xi32, #tpu.memory_space<vmem>>
      %dma_wait3A_58 = arith.constant 0 : i32
      %dma_wait3A_59 = arith.constant 0 : i32
      %dma_wait3A_60 = tpu.memref_slice %arg13[%dma_wait3A_58, %dma_wait3A_59] : memref<10240x64xbf16, #tpu.memory_space<vmem_shared>> -> memref<10240x64xbf16, #tpu.memory_space<vmem_shared>>
      tpu.wait_indirect_dma semaphore(%arg19 : memref<!tpu.dma_semaphore, #tpu.memory_space<semaphore_mem>>) src(%arg9 : memref<128x64xbf16, #tpu.memory_space<vmem>>) dst(%dma_wait3A_60 : memref<10240x64xbf16, #tpu.memory_space<vmem_shared>>)
      %dma_wait3A_61 = arith.constant 37 : i32
      %dma_wait3A_62 = arith.constant 0 : i32
      %dma_wait3A_63 = tpu.memref_slice %arg8[%dma_wait3A_61, %dma_wait3A_62] : memref<40x128xi32, #tpu.memory_space<vmem>> -> memref<1x128xi32, #tpu.memory_space<vmem>>
      %dma_wait3A_64 = tpu.memref_squeeze %dma_wait3A_63 : memref<1x128xi32, #tpu.memory_space<vmem>> -> memref<128xi32, #tpu.memory_space<vmem>>
      %dma_wait3A_65 = arith.constant 0 : i32
      %dma_wait3A_66 = arith.constant 0 : i32
      %dma_wait3A_67 = tpu.memref_slice %arg13[%dma_wait3A_65, %dma_wait3A_66] : memref<10240x64xbf16, #tpu.memory_space<vmem_shared>> -> memref<10240x64xbf16, #tpu.memory_space<vmem_shared>>
      tpu.wait_indirect_dma semaphore(%arg20 : memref<!tpu.dma_semaphore, #tpu.memory_space<semaphore_mem>>) src(%arg10 : memref<128x64xbf16, #tpu.memory_space<vmem>>) dst(%dma_wait3A_67 : memref<10240x64xbf16, #tpu.memory_space<vmem_shared>>)
      %dma_wait3A_68 = arith.constant 38 : i32
      %dma_wait3A_69 = arith.constant 0 : i32
      %dma_wait3A_70 = tpu.memref_slice %arg8[%dma_wait3A_68, %dma_wait3A_69] : memref<40x128xi32, #tpu.memory_space<vmem>> -> memref<1x128xi32, #tpu.memory_space<vmem>>
      %dma_wait3A_71 = tpu.memref_squeeze %dma_wait3A_70 : memref<1x128xi32, #tpu.memory_space<vmem>> -> memref<128xi32, #tpu.memory_space<vmem>>
      %dma_wait3A_72 = arith.constant 0 : i32
      %dma_wait3A_73 = arith.constant 0 : i32
      %dma_wait3A_74 = tpu.memref_slice %arg13[%dma_wait3A_72, %dma_wait3A_73] : memref<10240x64xbf16, #tpu.memory_space<vmem_shared>> -> memref<10240x64xbf16, #tpu.memory_space<vmem_shared>>
      tpu.wait_indirect_dma semaphore(%arg21 : memref<!tpu.dma_semaphore, #tpu.memory_space<semaphore_mem>>) src(%arg11 : memref<128x64xbf16, #tpu.memory_space<vmem>>) dst(%dma_wait3A_74 : memref<10240x64xbf16, #tpu.memory_space<vmem_shared>>)
      %dma_wait3A_75 = arith.constant 39 : i32
      %dma_wait3A_76 = arith.constant 0 : i32
      %dma_wait3A_77 = tpu.memref_slice %arg8[%dma_wait3A_75, %dma_wait3A_76] : memref<40x128xi32, #tpu.memory_space<vmem>> -> memref<1x128xi32, #tpu.memory_space<vmem>>
      %dma_wait3A_78 = tpu.memref_squeeze %dma_wait3A_77 : memref<1x128xi32, #tpu.memory_space<vmem>> -> memref<128xi32, #tpu.memory_space<vmem>>
      %dma_wait3A_79 = arith.constant 0 : i32
      %dma_wait3A_80 = arith.constant 0 : i32
      %dma_wait3A_81 = tpu.memref_slice %arg13[%dma_wait3A_79, %dma_wait3A_80] : memref<10240x64xbf16, #tpu.memory_space<vmem_shared>> -> memref<10240x64xbf16, #tpu.memory_space<vmem_shared>>
      tpu.wait_indirect_dma semaphore(%arg22 : memref<!tpu.dma_semaphore, #tpu.memory_space<semaphore_mem>>) src(%arg12 : memref<128x64xbf16, #tpu.memory_space<vmem>>) dst(%dma_wait3A_81 : memref<10240x64xbf16, #tpu.memory_space<vmem_shared>>)
    } else {
    }
    %ne3A_20 = arith.constant 1 : i32
    %ne3A_21 = arith.cmpi ne, %arg0, %ne3A_20 : i32
    %convert_element_type3A_22 = arith.extui %ne3A_21 : i1 to i32
    %cond3A_23 = arith.constant 0 : i32
    %cond3A_24 = arith.cmpi ne, %convert_element_type3A_22, %cond3A_23 : i32
    scf.if %cond3A_24 {
      %dma_start3A = arith.constant 0 : i32
      %dma_start3A_30 = arith.constant 0 : i32
      %dma_start3A_31 = tpu.memref_slice %arg7[%dma_start3A, %dma_start3A_30] : memref<40x128xi32, #tpu.memory_space<vmem>> -> memref<1x128xi32, #tpu.memory_space<vmem>>
      %dma_start3A_32 = tpu.memref_squeeze %dma_start3A_31 : memref<1x128xi32, #tpu.memory_space<vmem>> -> memref<128xi32, #tpu.memory_space<vmem>>
      %dma_start3A_33 = arith.constant 0 : i32
      %dma_start3A_34 = arith.constant 0 : i32
      %dma_start3A_35 = tpu.memref_slice %arg14[%dma_start3A_33, %dma_start3A_34] : memref<10000x64xbf16, #tpu.memory_space<vmem_shared>> -> memref<10000x64xbf16, #tpu.memory_space<vmem_shared>>
      tpu.enqueue_indirect_dma source(%dma_start3A_35 : memref<10000x64xbf16, #tpu.memory_space<vmem_shared>>) target(%arg9 : memref<128x64xbf16, #tpu.memory_space<vmem>>) offsets(%dma_start3A_32 : memref<128xi32, #tpu.memory_space<vmem>>) semaphore(%arg15 : memref<!tpu.dma_semaphore, #tpu.memory_space<semaphore_mem>>)
      %dma_start3A_36 = arith.constant 1 : i32
      %dma_start3A_37 = arith.constant 0 : i32
      %dma_start3A_38 = tpu.memref_slice %arg7[%dma_start3A_36, %dma_start3A_37] : memref<40x128xi32, #tpu.memory_space<vmem>> -> memref<1x128xi32, #tpu.memory_space<vmem>>
      %dma_start3A_39 = tpu.memref_squeeze %dma_start3A_38 : memref<1x128xi32, #tpu.memory_space<vmem>> -> memref<128xi32, #tpu.memory_space<vmem>>
      %dma_start3A_40 = arith.constant 0 : i32
      %dma_start3A_41 = arith.constant 0 : i32
      %dma_start3A_42 = tpu.memref_slice %arg14[%dma_start3A_40, %dma_start3A_41] : memref<10000x64xbf16, #tpu.memory_space<vmem_shared>> -> memref<10000x64xbf16, #tpu.memory_space<vmem_shared>>
      tpu.enqueue_indirect_dma source(%dma_start3A_42 : memref<10000x64xbf16, #tpu.memory_space<vmem_shared>>) target(%arg10 : memref<128x64xbf16, #tpu.memory_space<vmem>>) offsets(%dma_start3A_39 : memref<128xi32, #tpu.memory_space<vmem>>) semaphore(%arg16 : memref<!tpu.dma_semaphore, #tpu.memory_space<semaphore_mem>>)
      %dma_start3A_43 = arith.constant 2 : i32
      %dma_start3A_44 = arith.constant 0 : i32
      %dma_start3A_45 = tpu.memref_slice %arg7[%dma_start3A_43, %dma_start3A_44] : memref<40x128xi32, #tpu.memory_space<vmem>> -> memref<1x128xi32, #tpu.memory_space<vmem>>
      %dma_start3A_46 = tpu.memref_squeeze %dma_start3A_45 : memref<1x128xi32, #tpu.memory_space<vmem>> -> memref<128xi32, #tpu.memory_space<vmem>>
      %dma_start3A_47 = arith.constant 0 : i32
      %dma_start3A_48 = arith.constant 0 : i32
      %dma_start3A_49 = tpu.memref_slice %arg14[%dma_start3A_47, %dma_start3A_48] : memref<10000x64xbf16, #tpu.memory_space<vmem_shared>> -> memref<10000x64xbf16, #tpu.memory_space<vmem_shared>>
      tpu.enqueue_indirect_dma source(%dma_start3A_49 : memref<10000x64xbf16, #tpu.memory_space<vmem_shared>>) target(%arg11 : memref<128x64xbf16, #tpu.memory_space<vmem>>) offsets(%dma_start3A_46 : memref<128xi32, #tpu.memory_space<vmem>>) semaphore(%arg17 : memref<!tpu.dma_semaphore, #tpu.memory_space<semaphore_mem>>)
      %scan3A = arith.constant 0 : i32
      %scan3A_50 = arith.constant 0 : i32
      %scan3A_51 = arith.constant 10 : i32
      %scan3A_52 = arith.addi %scan3A_50, %scan3A_51 : i32
      %scan3A_53 = arith.constant 1 : i32
      scf.for %scan3A_82 = %scan3A_50 to %scan3A_52 step %scan3A_53  : i32 {
        %mul3A_83 = arith.constant 4 : i32
        %mul3A_84 = arith.muli %mul3A_83, %scan3A_82 : i32
        %add3A_85 = arith.constant 0 : i32
        %add3A_86 = arith.addi %mul3A_84, %add3A_85 : i32
        %dma_wait3A_87 = arith.constant 0 : i32
        %dma_wait3A_88 = tpu.memref_slice %arg7[%add3A_86, %dma_wait3A_87] : memref<40x128xi32, #tpu.memory_space<vmem>> -> memref<1x128xi32, #tpu.memory_space<vmem>>
        %dma_wait3A_89 = tpu.memref_squeeze %dma_wait3A_88 : memref<1x128xi32, #tpu.memory_space<vmem>> -> memref<128xi32, #tpu.memory_space<vmem>>
        %dma_wait3A_90 = arith.constant 0 : i32
        %dma_wait3A_91 = arith.constant 0 : i32
        %dma_wait3A_92 = tpu.memref_slice %arg14[%dma_wait3A_90, %dma_wait3A_91] : memref<10000x64xbf16, #tpu.memory_space<vmem_shared>> -> memref<10000x64xbf16, #tpu.memory_space<vmem_shared>>
        tpu.wait_indirect_dma semaphore(%arg15 : memref<!tpu.dma_semaphore, #tpu.memory_space<semaphore_mem>>) src(%dma_wait3A_92 : memref<10000x64xbf16, #tpu.memory_space<vmem_shared>>) dst(%arg9 : memref<128x64xbf16, #tpu.memory_space<vmem>>)
        %dma_start3A_93 = arith.constant 0 : i32
        %dma_start3A_94 = tpu.memref_slice %arg8[%add3A_86, %dma_start3A_93] : memref<40x128xi32, #tpu.memory_space<vmem>> -> memref<1x128xi32, #tpu.memory_space<vmem>>
        %dma_start3A_95 = tpu.memref_squeeze %dma_start3A_94 : memref<1x128xi32, #tpu.memory_space<vmem>> -> memref<128xi32, #tpu.memory_space<vmem>>
        %dma_start3A_96 = arith.constant 0 : i32
        %dma_start3A_97 = arith.constant 0 : i32
        %dma_start3A_98 = tpu.memref_slice %arg13[%dma_start3A_96, %dma_start3A_97] : memref<10240x64xbf16, #tpu.memory_space<vmem_shared>> -> memref<10240x64xbf16, #tpu.memory_space<vmem_shared>>
        tpu.enqueue_indirect_dma source(%arg9 : memref<128x64xbf16, #tpu.memory_space<vmem>>) target(%dma_start3A_98 : memref<10240x64xbf16, #tpu.memory_space<vmem_shared>>) offsets(%dma_start3A_95 : memref<128xi32, #tpu.memory_space<vmem>>) semaphore(%arg19 : memref<!tpu.dma_semaphore, #tpu.memory_space<semaphore_mem>>) {add = true}
        %add3A_99 = arith.constant 4 : i32
        %add3A_100 = arith.addi %add3A_86, %add3A_99 : i32
        %sub3A = arith.constant 1 : i32
        %sub3A_101 = arith.subi %add3A_100, %sub3A : i32
        %lt3A = arith.constant 40 : i32
        %lt3A_102 = arith.cmpi slt, %sub3A_101, %lt3A : i32
        %convert_element_type3A_103 = arith.extui %lt3A_102 : i1 to i32
        %cond3A_104 = arith.constant 0 : i32
        %cond3A_105 = arith.cmpi ne, %convert_element_type3A_103, %cond3A_104 : i32
        scf.if %cond3A_105 {
          %ge3A = arith.constant 1 : i32
          %ge3A_181 = arith.cmpi sge, %add3A_86, %ge3A : i32
          %convert_element_type3A_182 = arith.extui %ge3A_181 : i1 to i32
          %cond3A_183 = arith.constant 0 : i32
          %cond3A_184 = arith.cmpi ne, %convert_element_type3A_182, %cond3A_183 : i32
          scf.if %cond3A_184 {
            %sub3A_195 = arith.constant 1 : i32
            %sub3A_196 = arith.subi %add3A_86, %sub3A_195 : i32
            %dma_wait3A_197 = arith.constant 0 : i32
            %dma_wait3A_198 = tpu.memref_slice %arg8[%sub3A_196, %dma_wait3A_197] : memref<40x128xi32, #tpu.memory_space<vmem>> -> memref<1x128xi32, #tpu.memory_space<vmem>>
            %dma_wait3A_199 = tpu.memref_squeeze %dma_wait3A_198 : memref<1x128xi32, #tpu.memory_space<vmem>> -> memref<128xi32, #tpu.memory_space<vmem>>
            %dma_wait3A_200 = arith.constant 0 : i32
            %dma_wait3A_201 = arith.constant 0 : i32
            %dma_wait3A_202 = tpu.memref_slice %arg13[%dma_wait3A_200, %dma_wait3A_201] : memref<10240x64xbf16, #tpu.memory_space<vmem_shared>> -> memref<10240x64xbf16, #tpu.memory_space<vmem_shared>>
            tpu.wait_indirect_dma semaphore(%arg22 : memref<!tpu.dma_semaphore, #tpu.memory_space<semaphore_mem>>) src(%arg12 : memref<128x64xbf16, #tpu.memory_space<vmem>>) dst(%dma_wait3A_202 : memref<10240x64xbf16, #tpu.memory_space<vmem_shared>>)
          } else {
          }
          %add3A_185 = arith.constant 4 : i32
          %add3A_186 = arith.addi %add3A_86, %add3A_185 : i32
          %sub3A_187 = arith.constant 1 : i32
          %sub3A_188 = arith.subi %add3A_186, %sub3A_187 : i32
          %dma_start3A_189 = arith.constant 0 : i32
          %dma_start3A_190 = tpu.memref_slice %arg7[%sub3A_188, %dma_start3A_189] : memref<40x128xi32, #tpu.memory_space<vmem>> -> memref<1x128xi32, #tpu.memory_space<vmem>>
          %dma_start3A_191 = tpu.memref_squeeze %dma_start3A_190 : memref<1x128xi32, #tpu.memory_space<vmem>> -> memref<128xi32, #tpu.memory_space<vmem>>
          %dma_start3A_192 = arith.constant 0 : i32
          %dma_start3A_193 = arith.constant 0 : i32
          %dma_start3A_194 = tpu.memref_slice %arg14[%dma_start3A_192, %dma_start3A_193] : memref<10000x64xbf16, #tpu.memory_space<vmem_shared>> -> memref<10000x64xbf16, #tpu.memory_space<vmem_shared>>
          tpu.enqueue_indirect_dma source(%dma_start3A_194 : memref<10000x64xbf16, #tpu.memory_space<vmem_shared>>) target(%arg12 : memref<128x64xbf16, #tpu.memory_space<vmem>>) offsets(%dma_start3A_191 : memref<128xi32, #tpu.memory_space<vmem>>) semaphore(%arg18 : memref<!tpu.dma_semaphore, #tpu.memory_space<semaphore_mem>>)
        } else {
        }
        %mul3A_106 = arith.constant 4 : i32
        %mul3A_107 = arith.muli %mul3A_106, %scan3A_82 : i32
        %add3A_108 = arith.constant 1 : i32
        %add3A_109 = arith.addi %mul3A_107, %add3A_108 : i32
        %dma_wait3A_110 = arith.constant 0 : i32
        %dma_wait3A_111 = tpu.memref_slice %arg7[%add3A_109, %dma_wait3A_110] : memref<40x128xi32, #tpu.memory_space<vmem>> -> memref<1x128xi32, #tpu.memory_space<vmem>>
        %dma_wait3A_112 = tpu.memref_squeeze %dma_wait3A_111 : memref<1x128xi32, #tpu.memory_space<vmem>> -> memref<128xi32, #tpu.memory_space<vmem>>
        %dma_wait3A_113 = arith.constant 0 : i32
        %dma_wait3A_114 = arith.constant 0 : i32
        %dma_wait3A_115 = tpu.memref_slice %arg14[%dma_wait3A_113, %dma_wait3A_114] : memref<10000x64xbf16, #tpu.memory_space<vmem_shared>> -> memref<10000x64xbf16, #tpu.memory_space<vmem_shared>>
        tpu.wait_indirect_dma semaphore(%arg16 : memref<!tpu.dma_semaphore, #tpu.memory_space<semaphore_mem>>) src(%dma_wait3A_115 : memref<10000x64xbf16, #tpu.memory_space<vmem_shared>>) dst(%arg10 : memref<128x64xbf16, #tpu.memory_space<vmem>>)
        %dma_start3A_116 = arith.constant 0 : i32
        %dma_start3A_117 = tpu.memref_slice %arg8[%add3A_109, %dma_start3A_116] : memref<40x128xi32, #tpu.memory_space<vmem>> -> memref<1x128xi32, #tpu.memory_space<vmem>>
        %dma_start3A_118 = tpu.memref_squeeze %dma_start3A_117 : memref<1x128xi32, #tpu.memory_space<vmem>> -> memref<128xi32, #tpu.memory_space<vmem>>
        %dma_start3A_119 = arith.constant 0 : i32
        %dma_start3A_120 = arith.constant 0 : i32
        %dma_start3A_121 = tpu.memref_slice %arg13[%dma_start3A_119, %dma_start3A_120] : memref<10240x64xbf16, #tpu.memory_space<vmem_shared>> -> memref<10240x64xbf16, #tpu.memory_space<vmem_shared>>
        tpu.enqueue_indirect_dma source(%arg10 : memref<128x64xbf16, #tpu.memory_space<vmem>>) target(%dma_start3A_121 : memref<10240x64xbf16, #tpu.memory_space<vmem_shared>>) offsets(%dma_start3A_118 : memref<128xi32, #tpu.memory_space<vmem>>) semaphore(%arg20 : memref<!tpu.dma_semaphore, #tpu.memory_space<semaphore_mem>>) {add = true}
        %add3A_122 = arith.constant 4 : i32
        %add3A_123 = arith.addi %add3A_109, %add3A_122 : i32
        %sub3A_124 = arith.constant 1 : i32
        %sub3A_125 = arith.subi %add3A_123, %sub3A_124 : i32
        %lt3A_126 = arith.constant 40 : i32
        %lt3A_127 = arith.cmpi slt, %sub3A_125, %lt3A_126 : i32
        %convert_element_type3A_128 = arith.extui %lt3A_127 : i1 to i32
        %cond3A_129 = arith.constant 0 : i32
        %cond3A_130 = arith.cmpi ne, %convert_element_type3A_128, %cond3A_129 : i32
        scf.if %cond3A_130 {
          %ge3A = arith.constant 1 : i32
          %ge3A_181 = arith.cmpi sge, %add3A_109, %ge3A : i32
          %convert_element_type3A_182 = arith.extui %ge3A_181 : i1 to i32
          %cond3A_183 = arith.constant 0 : i32
          %cond3A_184 = arith.cmpi ne, %convert_element_type3A_182, %cond3A_183 : i32
          scf.if %cond3A_184 {
            %sub3A_195 = arith.constant 1 : i32
            %sub3A_196 = arith.subi %add3A_109, %sub3A_195 : i32
            %dma_wait3A_197 = arith.constant 0 : i32
            %dma_wait3A_198 = tpu.memref_slice %arg8[%sub3A_196, %dma_wait3A_197] : memref<40x128xi32, #tpu.memory_space<vmem>> -> memref<1x128xi32, #tpu.memory_space<vmem>>
            %dma_wait3A_199 = tpu.memref_squeeze %dma_wait3A_198 : memref<1x128xi32, #tpu.memory_space<vmem>> -> memref<128xi32, #tpu.memory_space<vmem>>
            %dma_wait3A_200 = arith.constant 0 : i32
            %dma_wait3A_201 = arith.constant 0 : i32
            %dma_wait3A_202 = tpu.memref_slice %arg13[%dma_wait3A_200, %dma_wait3A_201] : memref<10240x64xbf16, #tpu.memory_space<vmem_shared>> -> memref<10240x64xbf16, #tpu.memory_space<vmem_shared>>
            tpu.wait_indirect_dma semaphore(%arg19 : memref<!tpu.dma_semaphore, #tpu.memory_space<semaphore_mem>>) src(%arg9 : memref<128x64xbf16, #tpu.memory_space<vmem>>) dst(%dma_wait3A_202 : memref<10240x64xbf16, #tpu.memory_space<vmem_shared>>)
          } else {
          }
          %add3A_185 = arith.constant 4 : i32
          %add3A_186 = arith.addi %add3A_109, %add3A_185 : i32
          %sub3A_187 = arith.constant 1 : i32
          %sub3A_188 = arith.subi %add3A_186, %sub3A_187 : i32
          %dma_start3A_189 = arith.constant 0 : i32
          %dma_start3A_190 = tpu.memref_slice %arg7[%sub3A_188, %dma_start3A_189] : memref<40x128xi32, #tpu.memory_space<vmem>> -> memref<1x128xi32, #tpu.memory_space<vmem>>
          %dma_start3A_191 = tpu.memref_squeeze %dma_start3A_190 : memref<1x128xi32, #tpu.memory_space<vmem>> -> memref<128xi32, #tpu.memory_space<vmem>>
          %dma_start3A_192 = arith.constant 0 : i32
          %dma_start3A_193 = arith.constant 0 : i32
          %dma_start3A_194 = tpu.memref_slice %arg14[%dma_start3A_192, %dma_start3A_193] : memref<10000x64xbf16, #tpu.memory_space<vmem_shared>> -> memref<10000x64xbf16, #tpu.memory_space<vmem_shared>>
          tpu.enqueue_indirect_dma source(%dma_start3A_194 : memref<10000x64xbf16, #tpu.memory_space<vmem_shared>>) target(%arg9 : memref<128x64xbf16, #tpu.memory_space<vmem>>) offsets(%dma_start3A_191 : memref<128xi32, #tpu.memory_space<vmem>>) semaphore(%arg15 : memref<!tpu.dma_semaphore, #tpu.memory_space<semaphore_mem>>)
        } else {
        }
        %mul3A_131 = arith.constant 4 : i32
        %mul3A_132 = arith.muli %mul3A_131, %scan3A_82 : i32
        %add3A_133 = arith.constant 2 : i32
        %add3A_134 = arith.addi %mul3A_132, %add3A_133 : i32
        %dma_wait3A_135 = arith.constant 0 : i32
        %dma_wait3A_136 = tpu.memref_slice %arg7[%add3A_134, %dma_wait3A_135] : memref<40x128xi32, #tpu.memory_space<vmem>> -> memref<1x128xi32, #tpu.memory_space<vmem>>
        %dma_wait3A_137 = tpu.memref_squeeze %dma_wait3A_136 : memref<1x128xi32, #tpu.memory_space<vmem>> -> memref<128xi32, #tpu.memory_space<vmem>>
        %dma_wait3A_138 = arith.constant 0 : i32
        %dma_wait3A_139 = arith.constant 0 : i32
        %dma_wait3A_140 = tpu.memref_slice %arg14[%dma_wait3A_138, %dma_wait3A_139] : memref<10000x64xbf16, #tpu.memory_space<vmem_shared>> -> memref<10000x64xbf16, #tpu.memory_space<vmem_shared>>
        tpu.wait_indirect_dma semaphore(%arg17 : memref<!tpu.dma_semaphore, #tpu.memory_space<semaphore_mem>>) src(%dma_wait3A_140 : memref<10000x64xbf16, #tpu.memory_space<vmem_shared>>) dst(%arg11 : memref<128x64xbf16, #tpu.memory_space<vmem>>)
        %dma_start3A_141 = arith.constant 0 : i32
        %dma_start3A_142 = tpu.memref_slice %arg8[%add3A_134, %dma_start3A_141] : memref<40x128xi32, #tpu.memory_space<vmem>> -> memref<1x128xi32, #tpu.memory_space<vmem>>
        %dma_start3A_143 = tpu.memref_squeeze %dma_start3A_142 : memref<1x128xi32, #tpu.memory_space<vmem>> -> memref<128xi32, #tpu.memory_space<vmem>>
        %dma_start3A_144 = arith.constant 0 : i32
        %dma_start3A_145 = arith.constant 0 : i32
        %dma_start3A_146 = tpu.memref_slice %arg13[%dma_start3A_144, %dma_start3A_145] : memref<10240x64xbf16, #tpu.memory_space<vmem_shared>> -> memref<10240x64xbf16, #tpu.memory_space<vmem_shared>>
        tpu.enqueue_indirect_dma source(%arg11 : memref<128x64xbf16, #tpu.memory_space<vmem>>) target(%dma_start3A_146 : memref<10240x64xbf16, #tpu.memory_space<vmem_shared>>) offsets(%dma_start3A_143 : memref<128xi32, #tpu.memory_space<vmem>>) semaphore(%arg21 : memref<!tpu.dma_semaphore, #tpu.memory_space<semaphore_mem>>) {add = true}
        %add3A_147 = arith.constant 4 : i32
        %add3A_148 = arith.addi %add3A_134, %add3A_147 : i32
        %sub3A_149 = arith.constant 1 : i32
        %sub3A_150 = arith.subi %add3A_148, %sub3A_149 : i32
        %lt3A_151 = arith.constant 40 : i32
        %lt3A_152 = arith.cmpi slt, %sub3A_150, %lt3A_151 : i32
        %convert_element_type3A_153 = arith.extui %lt3A_152 : i1 to i32
        %cond3A_154 = arith.constant 0 : i32
        %cond3A_155 = arith.cmpi ne, %convert_element_type3A_153, %cond3A_154 : i32
        scf.if %cond3A_155 {
          %ge3A = arith.constant 1 : i32
          %ge3A_181 = arith.cmpi sge, %add3A_134, %ge3A : i32
          %convert_element_type3A_182 = arith.extui %ge3A_181 : i1 to i32
          %cond3A_183 = arith.constant 0 : i32
          %cond3A_184 = arith.cmpi ne, %convert_element_type3A_182, %cond3A_183 : i32
          scf.if %cond3A_184 {
            %sub3A_195 = arith.constant 1 : i32
            %sub3A_196 = arith.subi %add3A_134, %sub3A_195 : i32
            %dma_wait3A_197 = arith.constant 0 : i32
            %dma_wait3A_198 = tpu.memref_slice %arg8[%sub3A_196, %dma_wait3A_197] : memref<40x128xi32, #tpu.memory_space<vmem>> -> memref<1x128xi32, #tpu.memory_space<vmem>>
            %dma_wait3A_199 = tpu.memref_squeeze %dma_wait3A_198 : memref<1x128xi32, #tpu.memory_space<vmem>> -> memref<128xi32, #tpu.memory_space<vmem>>
            %dma_wait3A_200 = arith.constant 0 : i32
            %dma_wait3A_201 = arith.constant 0 : i32
            %dma_wait3A_202 = tpu.memref_slice %arg13[%dma_wait3A_200, %dma_wait3A_201] : memref<10240x64xbf16, #tpu.memory_space<vmem_shared>> -> memref<10240x64xbf16, #tpu.memory_space<vmem_shared>>
            tpu.wait_indirect_dma semaphore(%arg20 : memref<!tpu.dma_semaphore, #tpu.memory_space<semaphore_mem>>) src(%arg10 : memref<128x64xbf16, #tpu.memory_space<vmem>>) dst(%dma_wait3A_202 : memref<10240x64xbf16, #tpu.memory_space<vmem_shared>>)
          } else {
          }
          %add3A_185 = arith.constant 4 : i32
          %add3A_186 = arith.addi %add3A_134, %add3A_185 : i32
          %sub3A_187 = arith.constant 1 : i32
          %sub3A_188 = arith.subi %add3A_186, %sub3A_187 : i32
          %dma_start3A_189 = arith.constant 0 : i32
          %dma_start3A_190 = tpu.memref_slice %arg7[%sub3A_188, %dma_start3A_189] : memref<40x128xi32, #tpu.memory_space<vmem>> -> memref<1x128xi32, #tpu.memory_space<vmem>>
          %dma_start3A_191 = tpu.memref_squeeze %dma_start3A_190 : memref<1x128xi32, #tpu.memory_space<vmem>> -> memref<128xi32, #tpu.memory_space<vmem>>
          %dma_start3A_192 = arith.constant 0 : i32
          %dma_start3A_193 = arith.constant 0 : i32
          %dma_start3A_194 = tpu.memref_slice %arg14[%dma_start3A_192, %dma_start3A_193] : memref<10000x64xbf16, #tpu.memory_space<vmem_shared>> -> memref<10000x64xbf16, #tpu.memory_space<vmem_shared>>
          tpu.enqueue_indirect_dma source(%dma_start3A_194 : memref<10000x64xbf16, #tpu.memory_space<vmem_shared>>) target(%arg10 : memref<128x64xbf16, #tpu.memory_space<vmem>>) offsets(%dma_start3A_191 : memref<128xi32, #tpu.memory_space<vmem>>) semaphore(%arg16 : memref<!tpu.dma_semaphore, #tpu.memory_space<semaphore_mem>>)
        } else {
        }
        %mul3A_156 = arith.constant 4 : i32
        %mul3A_157 = arith.muli %mul3A_156, %scan3A_82 : i32
        %add3A_158 = arith.constant 3 : i32
        %add3A_159 = arith.addi %mul3A_157, %add3A_158 : i32
        %dma_wait3A_160 = arith.constant 0 : i32
        %dma_wait3A_161 = tpu.memref_slice %arg7[%add3A_159, %dma_wait3A_160] : memref<40x128xi32, #tpu.memory_space<vmem>> -> memref<1x128xi32, #tpu.memory_space<vmem>>
        %dma_wait3A_162 = tpu.memref_squeeze %dma_wait3A_161 : memref<1x128xi32, #tpu.memory_space<vmem>> -> memref<128xi32, #tpu.memory_space<vmem>>
        %dma_wait3A_163 = arith.constant 0 : i32
        %dma_wait3A_164 = arith.constant 0 : i32
        %dma_wait3A_165 = tpu.memref_slice %arg14[%dma_wait3A_163, %dma_wait3A_164] : memref<10000x64xbf16, #tpu.memory_space<vmem_shared>> -> memref<10000x64xbf16, #tpu.memory_space<vmem_shared>>
        tpu.wait_indirect_dma semaphore(%arg18 : memref<!tpu.dma_semaphore, #tpu.memory_space<semaphore_mem>>) src(%dma_wait3A_165 : memref<10000x64xbf16, #tpu.memory_space<vmem_shared>>) dst(%arg12 : memref<128x64xbf16, #tpu.memory_space<vmem>>)
        %dma_start3A_166 = arith.constant 0 : i32
        %dma_start3A_167 = tpu.memref_slice %arg8[%add3A_159, %dma_start3A_166] : memref<40x128xi32, #tpu.memory_space<vmem>> -> memref<1x128xi32, #tpu.memory_space<vmem>>
        %dma_start3A_168 = tpu.memref_squeeze %dma_start3A_167 : memref<1x128xi32, #tpu.memory_space<vmem>> -> memref<128xi32, #tpu.memory_space<vmem>>
        %dma_start3A_169 = arith.constant 0 : i32
        %dma_start3A_170 = arith.constant 0 : i32
        %dma_start3A_171 = tpu.memref_slice %arg13[%dma_start3A_169, %dma_start3A_170] : memref<10240x64xbf16, #tpu.memory_space<vmem_shared>> -> memref<10240x64xbf16, #tpu.memory_space<vmem_shared>>
        tpu.enqueue_indirect_dma source(%arg12 : memref<128x64xbf16, #tpu.memory_space<vmem>>) target(%dma_start3A_171 : memref<10240x64xbf16, #tpu.memory_space<vmem_shared>>) offsets(%dma_start3A_168 : memref<128xi32, #tpu.memory_space<vmem>>) semaphore(%arg22 : memref<!tpu.dma_semaphore, #tpu.memory_space<semaphore_mem>>) {add = true}
        %add3A_172 = arith.constant 4 : i32
        %add3A_173 = arith.addi %add3A_159, %add3A_172 : i32
        %sub3A_174 = arith.constant 1 : i32
        %sub3A_175 = arith.subi %add3A_173, %sub3A_174 : i32
        %lt3A_176 = arith.constant 40 : i32
        %lt3A_177 = arith.cmpi slt, %sub3A_175, %lt3A_176 : i32
        %convert_element_type3A_178 = arith.extui %lt3A_177 : i1 to i32
        %cond3A_179 = arith.constant 0 : i32
        %cond3A_180 = arith.cmpi ne, %convert_element_type3A_178, %cond3A_179 : i32
        scf.if %cond3A_180 {
          %ge3A = arith.constant 1 : i32
          %ge3A_181 = arith.cmpi sge, %add3A_159, %ge3A : i32
          %convert_element_type3A_182 = arith.extui %ge3A_181 : i1 to i32
          %cond3A_183 = arith.constant 0 : i32
          %cond3A_184 = arith.cmpi ne, %convert_element_type3A_182, %cond3A_183 : i32
          scf.if %cond3A_184 {
            %sub3A_195 = arith.constant 1 : i32
            %sub3A_196 = arith.subi %add3A_159, %sub3A_195 : i32
            %dma_wait3A_197 = arith.constant 0 : i32
            %dma_wait3A_198 = tpu.memref_slice %arg8[%sub3A_196, %dma_wait3A_197] : memref<40x128xi32, #tpu.memory_space<vmem>> -> memref<1x128xi32, #tpu.memory_space<vmem>>
            %dma_wait3A_199 = tpu.memref_squeeze %dma_wait3A_198 : memref<1x128xi32, #tpu.memory_space<vmem>> -> memref<128xi32, #tpu.memory_space<vmem>>
            %dma_wait3A_200 = arith.constant 0 : i32
            %dma_wait3A_201 = arith.constant 0 : i32
            %dma_wait3A_202 = tpu.memref_slice %arg13[%dma_wait3A_200, %dma_wait3A_201] : memref<10240x64xbf16, #tpu.memory_space<vmem_shared>> -> memref<10240x64xbf16, #tpu.memory_space<vmem_shared>>
            tpu.wait_indirect_dma semaphore(%arg21 : memref<!tpu.dma_semaphore, #tpu.memory_space<semaphore_mem>>) src(%arg11 : memref<128x64xbf16, #tpu.memory_space<vmem>>) dst(%dma_wait3A_202 : memref<10240x64xbf16, #tpu.memory_space<vmem_shared>>)
          } else {
          }
          %add3A_185 = arith.constant 4 : i32
          %add3A_186 = arith.addi %add3A_159, %add3A_185 : i32
          %sub3A_187 = arith.constant 1 : i32
          %sub3A_188 = arith.subi %add3A_186, %sub3A_187 : i32
          %dma_start3A_189 = arith.constant 0 : i32
          %dma_start3A_190 = tpu.memref_slice %arg7[%sub3A_188, %dma_start3A_189] : memref<40x128xi32, #tpu.memory_space<vmem>> -> memref<1x128xi32, #tpu.memory_space<vmem>>
          %dma_start3A_191 = tpu.memref_squeeze %dma_start3A_190 : memref<1x128xi32, #tpu.memory_space<vmem>> -> memref<128xi32, #tpu.memory_space<vmem>>
          %dma_start3A_192 = arith.constant 0 : i32
          %dma_start3A_193 = arith.constant 0 : i32
          %dma_start3A_194 = tpu.memref_slice %arg14[%dma_start3A_192, %dma_start3A_193] : memref<10000x64xbf16, #tpu.memory_space<vmem_shared>> -> memref<10000x64xbf16, #tpu.memory_space<vmem_shared>>
          tpu.enqueue_indirect_dma source(%dma_start3A_194 : memref<10000x64xbf16, #tpu.memory_space<vmem_shared>>) target(%arg11 : memref<128x64xbf16, #tpu.memory_space<vmem>>) offsets(%dma_start3A_191 : memref<128xi32, #tpu.memory_space<vmem>>) semaphore(%arg17 : memref<!tpu.dma_semaphore, #tpu.memory_space<semaphore_mem>>)
        } else {
        }
      }
      %scan3A_54 = arith.constant 10 : i32
      %dma_wait3A = arith.constant 36 : i32
      %dma_wait3A_55 = arith.constant 0 : i32
      %dma_wait3A_56 = tpu.memref_slice %arg8[%dma_wait3A, %dma_wait3A_55] : memref<40x128xi32, #tpu.memory_space<vmem>> -> memref<1x128xi32, #tpu.memory_space<vmem>>
      %dma_wait3A_57 = tpu.memref_squeeze %dma_wait3A_56 : memref<1x128xi32, #tpu.memory_space<vmem>> -> memref<128xi32, #tpu.memory_space<vmem>>
      %dma_wait3A_58 = arith.constant 0 : i32
      %dma_wait3A_59 = arith.constant 0 : i32
      %dma_wait3A_60 = tpu.memref_slice %arg13[%dma_wait3A_58, %dma_wait3A_59] : memref<10240x64xbf16, #tpu.memory_space<vmem_shared>> -> memref<10240x64xbf16, #tpu.memory_space<vmem_shared>>
      tpu.wait_indirect_dma semaphore(%arg19 : memref<!tpu.dma_semaphore, #tpu.memory_space<semaphore_mem>>) src(%arg9 : memref<128x64xbf16, #tpu.memory_space<vmem>>) dst(%dma_wait3A_60 : memref<10240x64xbf16, #tpu.memory_space<vmem_shared>>)
      %dma_wait3A_61 = arith.constant 37 : i32
      %dma_wait3A_62 = arith.constant 0 : i32
      %dma_wait3A_63 = tpu.memref_slice %arg8[%dma_wait3A_61, %dma_wait3A_62] : memref<40x128xi32, #tpu.memory_space<vmem>> -> memref<1x128xi32, #tpu.memory_space<vmem>>
      %dma_wait3A_64 = tpu.memref_squeeze %dma_wait3A_63 : memref<1x128xi32, #tpu.memory_space<vmem>> -> memref<128xi32, #tpu.memory_space<vmem>>
      %dma_wait3A_65 = arith.constant 0 : i32
      %dma_wait3A_66 = arith.constant 0 : i32
      %dma_wait3A_67 = tpu.memref_slice %arg13[%dma_wait3A_65, %dma_wait3A_66] : memref<10240x64xbf16, #tpu.memory_space<vmem_shared>> -> memref<10240x64xbf16, #tpu.memory_space<vmem_shared>>
      tpu.wait_indirect_dma semaphore(%arg20 : memref<!tpu.dma_semaphore, #tpu.memory_space<semaphore_mem>>) src(%arg10 : memref<128x64xbf16, #tpu.memory_space<vmem>>) dst(%dma_wait3A_67 : memref<10240x64xbf16, #tpu.memory_space<vmem_shared>>)
      %dma_wait3A_68 = arith.constant 38 : i32
      %dma_wait3A_69 = arith.constant 0 : i32
      %dma_wait3A_70 = tpu.memref_slice %arg8[%dma_wait3A_68, %dma_wait3A_69] : memref<40x128xi32, #tpu.memory_space<vmem>> -> memref<1x128xi32, #tpu.memory_space<vmem>>
      %dma_wait3A_71 = tpu.memref_squeeze %dma_wait3A_70 : memref<1x128xi32, #tpu.memory_space<vmem>> -> memref<128xi32, #tpu.memory_space<vmem>>
      %dma_wait3A_72 = arith.constant 0 : i32
      %dma_wait3A_73 = arith.constant 0 : i32
      %dma_wait3A_74 = tpu.memref_slice %arg13[%dma_wait3A_72, %dma_wait3A_73] : memref<10240x64xbf16, #tpu.memory_space<vmem_shared>> -> memref<10240x64xbf16, #tpu.memory_space<vmem_shared>>
      tpu.wait_indirect_dma semaphore(%arg21 : memref<!tpu.dma_semaphore, #tpu.memory_space<semaphore_mem>>) src(%arg11 : memref<128x64xbf16, #tpu.memory_space<vmem>>) dst(%dma_wait3A_74 : memref<10240x64xbf16, #tpu.memory_space<vmem_shared>>)
      %dma_wait3A_75 = arith.constant 39 : i32
      %dma_wait3A_76 = arith.constant 0 : i32
      %dma_wait3A_77 = tpu.memref_slice %arg8[%dma_wait3A_75, %dma_wait3A_76] : memref<40x128xi32, #tpu.memory_space<vmem>> -> memref<1x128xi32, #tpu.memory_space<vmem>>
      %dma_wait3A_78 = tpu.memref_squeeze %dma_wait3A_77 : memref<1x128xi32, #tpu.memory_space<vmem>> -> memref<128xi32, #tpu.memory_space<vmem>>
      %dma_wait3A_79 = arith.constant 0 : i32
      %dma_wait3A_80 = arith.constant 0 : i32
      %dma_wait3A_81 = tpu.memref_slice %arg13[%dma_wait3A_79, %dma_wait3A_80] : memref<10240x64xbf16, #tpu.memory_space<vmem_shared>> -> memref<10240x64xbf16, #tpu.memory_space<vmem_shared>>
      tpu.wait_indirect_dma semaphore(%arg22 : memref<!tpu.dma_semaphore, #tpu.memory_space<semaphore_mem>>) src(%arg12 : memref<128x64xbf16, #tpu.memory_space<vmem>>) dst(%dma_wait3A_81 : memref<10240x64xbf16, #tpu.memory_space<vmem_shared>>)
    } else {
    }
    %barrier3A_25 = arith.constant 0 : index
    tpu.barrier barrier_id(%barrier3A_25)
    %mul3A_26 = arith.constant 640 : i32
    %mul3A_27 = arith.muli %arg1, %mul3A_26 : i32
    %mul3A_28 = arith.constant 640 : i32
    %mul3A_29 = arith.muli %arg1, %mul3A_28 : i32
    "tpu.region"() ({
      %run_scoped3A = tpu.sem_alloc : memref<!tpu.dma_semaphore, #tpu.memory_space<semaphore_mem>>
      %dma_start3A = arith.constant 0 : i32
      %dma_start3A_30 = tpu.memref_slice %arg6[%arg0, %mul3A_29, %dma_start3A] : memref<2x10240x64xbf16, #tpu.memory_space<hbm>> -> memref<1x640x64xbf16, #tpu.memory_space<hbm>>
      %dma_start3A_31 = tpu.memref_squeeze %dma_start3A_30 : memref<1x640x64xbf16, #tpu.memory_space<hbm>> -> memref<640x64xbf16, #tpu.memory_space<hbm>>
      %dma_start3A_32 = arith.constant 0 : i32
      %dma_start3A_33 = tpu.memref_slice %arg13[%mul3A_27, %dma_start3A_32] : memref<10240x64xbf16, #tpu.memory_space<vmem_shared>> -> memref<640x64xbf16, #tpu.memory_space<vmem_shared>>
      tpu.enqueue_dma source(%dma_start3A_33 : memref<640x64xbf16, #tpu.memory_space<vmem_shared>>) target(%dma_start3A_31 : memref<640x64xbf16, #tpu.memory_space<hbm>>) target_semaphore(%run_scoped3A : memref<!tpu.dma_semaphore, #tpu.memory_space<semaphore_mem>>)
      %dma_wait3A = arith.constant 0 : i32
      %dma_wait3A_34 = tpu.memref_slice %arg6[%arg0, %mul3A_29, %dma_wait3A] : memref<2x10240x64xbf16, #tpu.memory_space<hbm>> -> memref<1x640x64xbf16, #tpu.memory_space<hbm>>
      %dma_wait3A_35 = tpu.memref_squeeze %dma_wait3A_34 : memref<1x640x64xbf16, #tpu.memory_space<hbm>> -> memref<640x64xbf16, #tpu.memory_space<hbm>>
      %dma_wait3A_36 = arith.constant 0 : i32
      %dma_wait3A_37 = tpu.memref_slice %arg13[%mul3A_27, %dma_wait3A_36] : memref<10240x64xbf16, #tpu.memory_space<vmem_shared>> -> memref<640x64xbf16, #tpu.memory_space<vmem_shared>>
      tpu.wait_dma2 semaphore(%run_scoped3A : memref<!tpu.dma_semaphore, #tpu.memory_space<semaphore_mem>>) src(%dma_wait3A_37 : memref<640x64xbf16, #tpu.memory_space<vmem_shared>>) dst(%dma_wait3A_35 : memref<640x64xbf16, #tpu.memory_space<hbm>>)
      tpu.yield
    }) : () -> ()
    return
  }
}

#map = affine_map<(d0, d1) -> (0, 0)>
#map1 = affine_map<(d0, d1) -> (0, 0, 0)>
module attributes {stable_mosaic.version = 14 : i64} {
  func.func @agg_kernel(%arg0: i32, %arg1: i32, %arg2: memref<10000x64xbf16, #tpu.memory_space<hbm>>, %arg3: memref<1280x128xi32, #tpu.memory_space<hbm>>, %arg4: memref<1280x128xi32, #tpu.memory_space<hbm>>, %arg5: memref<640x64xbf16, #tpu.memory_space<hbm>>, %arg6: memref<2x10240x64xbf16, #tpu.memory_space<hbm>>, %arg7: memref<40x128xi32, #tpu.memory_space<vmem>>, %arg8: memref<40x128xi32, #tpu.memory_space<vmem>>, %arg9: memref<128x64xbf16, #tpu.memory_space<vmem>>, %arg10: memref<128x64xbf16, #tpu.memory_space<vmem>>, %arg11: memref<128x64xbf16, #tpu.memory_space<vmem>>, %arg12: memref<128x64xbf16, #tpu.memory_space<vmem>>, %arg13: memref<10240x64xbf16, #tpu.memory_space<vmem_shared>>, %arg14: memref<10000x64xbf16, #tpu.memory_space<vmem_shared>>, %arg15: memref<!tpu.dma_semaphore, #tpu.memory_space<semaphore_mem>>, %arg16: memref<!tpu.dma_semaphore, #tpu.memory_space<semaphore_mem>>, %arg17: memref<!tpu.dma_semaphore, #tpu.memory_space<semaphore_mem>>, %arg18: memref<!tpu.dma_semaphore, #tpu.memory_space<semaphore_mem>>, %arg19: memref<!tpu.dma_semaphore, #tpu.memory_space<semaphore_mem>>, %arg20: memref<!tpu.dma_semaphore, #tpu.memory_space<semaphore_mem>>, %arg21: memref<!tpu.dma_semaphore, #tpu.memory_space<semaphore_mem>>, %arg22: memref<!tpu.dma_semaphore, #tpu.memory_space<semaphore_mem>>) attributes {dimension_semantics = [#tpu.dimension_semantics<core_parallel>, #tpu.dimension_semantics<subcore_parallel>], iteration_bounds = array<i64: 2, 16>, scalar_prefetch = 0 : i64, scratch_operands = 16 : i64, tpu.core_type = #tpu.core_type<sc_vector_subcore>, window_params = [{transform_indices = #map}, {transform_indices = #map}, {transform_indices = #map}, {transform_indices = #map}, {transform_indices = #map1}]} {
    %mul3A = arith.constant 80 : i32
    %mul3A_0 = arith.muli %arg1, %mul3A : i32
    %mul3A_1 = arith.constant 40 : i32
    %mul3A_2 = arith.muli %arg0, %mul3A_1 : i32
    %add3A = arith.addi %mul3A_0, %mul3A_2 : i32
    %mul3A_3 = arith.constant 640 : i32
    %mul3A_4 = arith.muli %arg1, %mul3A_3 : i32
    "tpu.region"() ({
      %run_scoped3A = tpu.sem_alloc : memref<!tpu.dma_semaphore, #tpu.memory_space<semaphore_mem>>
      %dma_start3A = arith.constant 0 : i32
      %dma_start3A_30 = tpu.memref_slice %arg13[%mul3A_4, %dma_start3A] : memref<10240x64xbf16, #tpu.memory_space<vmem_shared>> -> memref<640x64xbf16, #tpu.memory_space<vmem_shared>>
      tpu.enqueue_dma source(%arg5 : memref<640x64xbf16, #tpu.memory_space<hbm>>) target(%dma_start3A_30 : memref<640x64xbf16, #tpu.memory_space<vmem_shared>>) target_semaphore(%run_scoped3A : memref<!tpu.dma_semaphore, #tpu.memory_space<semaphore_mem>>)
      %dma_wait3A = arith.constant 0 : i32
      %dma_wait3A_31 = tpu.memref_slice %arg13[%mul3A_4, %dma_wait3A] : memref<10240x64xbf16, #tpu.memory_space<vmem_shared>> -> memref<640x64xbf16, #tpu.memory_space<vmem_shared>>
      tpu.wait_dma2 semaphore(%run_scoped3A : memref<!tpu.dma_semaphore, #tpu.memory_space<semaphore_mem>>) src(%arg5 : memref<640x64xbf16, #tpu.memory_space<hbm>>) dst(%dma_wait3A_31 : memref<640x64xbf16, #tpu.memory_space<vmem_shared>>)
      tpu.yield
    }) : () -> ()
    %mul3A_5 = arith.constant 625 : i32
    %mul3A_6 = arith.muli %arg1, %mul3A_5 : i32
    %mul3A_7 = arith.constant 625 : i32
    %mul3A_8 = arith.muli %arg1, %mul3A_7 : i32
    "tpu.region"() ({
      %run_scoped3A = tpu.sem_alloc : memref<!tpu.dma_semaphore, #tpu.memory_space<semaphore_mem>>
      %dma_start3A = arith.constant 0 : i32
      %dma_start3A_30 = tpu.memref_slice %arg14[%mul3A_8, %dma_start3A] : memref<10000x64xbf16, #tpu.memory_space<vmem_shared>> -> memref<625x64xbf16, #tpu.memory_space<vmem_shared>>
      %dma_start3A_31 = arith.constant 0 : i32
      %dma_start3A_32 = tpu.memref_slice %arg2[%mul3A_6, %dma_start3A_31] : memref<10000x64xbf16, #tpu.memory_space<hbm>> -> memref<625x64xbf16, #tpu.memory_space<hbm>>
      tpu.enqueue_dma source(%dma_start3A_32 : memref<625x64xbf16, #tpu.memory_space<hbm>>) target(%dma_start3A_30 : memref<625x64xbf16, #tpu.memory_space<vmem_shared>>) target_semaphore(%run_scoped3A : memref<!tpu.dma_semaphore, #tpu.memory_space<semaphore_mem>>)
      %dma_wait3A = arith.constant 0 : i32
      %dma_wait3A_33 = tpu.memref_slice %arg14[%mul3A_8, %dma_wait3A] : memref<10000x64xbf16, #tpu.memory_space<vmem_shared>> -> memref<625x64xbf16, #tpu.memory_space<vmem_shared>>
      %dma_wait3A_34 = arith.constant 0 : i32
      %dma_wait3A_35 = tpu.memref_slice %arg2[%mul3A_6, %dma_wait3A_34] : memref<10000x64xbf16, #tpu.memory_space<hbm>> -> memref<625x64xbf16, #tpu.memory_space<hbm>>
      tpu.wait_dma2 semaphore(%run_scoped3A : memref<!tpu.dma_semaphore, #tpu.memory_space<semaphore_mem>>) src(%dma_wait3A_35 : memref<625x64xbf16, #tpu.memory_space<hbm>>) dst(%dma_wait3A_33 : memref<625x64xbf16, #tpu.memory_space<vmem_shared>>)
      tpu.yield
    }) : () -> ()
    %eq3A = arith.constant 1 : i32
    %eq3A_9 = arith.cmpi eq, %arg0, %eq3A : i32
    %convert_element_type3A = arith.extui %eq3A_9 : i1 to i32
    %cond3A = arith.constant 0 : i32
    %cond3A_10 = arith.cmpi ne, %convert_element_type3A, %cond3A : i32
    scf.if %cond3A_10 {
      "tpu.region"() ({
        %run_scoped3A = tpu.sem_alloc : memref<!tpu.dma_semaphore, #tpu.memory_space<semaphore_mem>>
        %dma_start3A = arith.constant 0 : i32
        %dma_start3A_30 = arith.constant 0 : i32
        %dma_start3A_31 = tpu.memref_slice %arg7[%dma_start3A, %dma_start3A_30] : memref<40x128xi32, #tpu.memory_space<vmem>> -> memref<40x128xi32, #tpu.memory_space<vmem>>
        %dma_start3A_32 = arith.constant 0 : i32
        %dma_start3A_33 = tpu.memref_slice %arg3[%add3A, %dma_start3A_32] : memref<1280x128xi32, #tpu.memory_space<hbm>> -> memref<40x128xi32, #tpu.memory_space<hbm>>
        %dma_start3A_34 = arith.constant 0 : i32
        %dma_start3A_35 = arith.constant 0 : i32
        %dma_start3A_36 = tpu.memref_slice %arg7[%dma_start3A_34, %dma_start3A_35] : memref<40x128xi32, #tpu.memory_space<vmem>> -> memref<40x128xi32, #tpu.memory_space<vmem>>
        %dma_start3A_37 = arith.constant 0 : i32
        %dma_start3A_38 = tpu.memref_slice %arg3[%add3A, %dma_start3A_37] : memref<1280x128xi32, #tpu.memory_space<hbm>> -> memref<40x128xi32, #tpu.memory_space<hbm>>
        tpu.enqueue_dma source(%dma_start3A_38 : memref<40x128xi32, #tpu.memory_space<hbm>>) target(%dma_start3A_36 : memref<40x128xi32, #tpu.memory_space<vmem>>) target_semaphore(%run_scoped3A : memref<!tpu.dma_semaphore, #tpu.memory_space<semaphore_mem>>)
        %dma_wait3A = arith.constant 0 : i32
        %dma_wait3A_39 = arith.constant 0 : i32
        %dma_wait3A_40 = tpu.memref_slice %arg7[%dma_wait3A, %dma_wait3A_39] : memref<40x128xi32, #tpu.memory_space<vmem>> -> memref<40x128xi32, #tpu.memory_space<vmem>>
        %dma_wait3A_41 = arith.constant 0 : i32
        %dma_wait3A_42 = tpu.memref_slice %arg3[%add3A, %dma_wait3A_41] : memref<1280x128xi32, #tpu.memory_space<hbm>> -> memref<40x128xi32, #tpu.memory_space<hbm>>
        %dma_wait3A_43 = arith.constant 0 : i32
        %dma_wait3A_44 = arith.constant 0 : i32
        %dma_wait3A_45 = tpu.memref_slice %arg7[%dma_wait3A_43, %dma_wait3A_44] : memref<40x128xi32, #tpu.memory_space<vmem>> -> memref<40x128xi32, #tpu.memory_space<vmem>>
        %dma_wait3A_46 = arith.constant 0 : i32
        %dma_wait3A_47 = tpu.memref_slice %arg3[%add3A, %dma_wait3A_46] : memref<1280x128xi32, #tpu.memory_space<hbm>> -> memref<40x128xi32, #tpu.memory_space<hbm>>
        tpu.wait_dma2 semaphore(%run_scoped3A : memref<!tpu.dma_semaphore, #tpu.memory_space<semaphore_mem>>) src(%dma_wait3A_47 : memref<40x128xi32, #tpu.memory_space<hbm>>) dst(%dma_wait3A_45 : memref<40x128xi32, #tpu.memory_space<vmem>>)
        tpu.yield
      }) : () -> ()
      "tpu.region"() ({
        %run_scoped3A = tpu.sem_alloc : memref<!tpu.dma_semaphore, #tpu.memory_space<semaphore_mem>>
        %dma_start3A = arith.constant 0 : i32
        %dma_start3A_30 = arith.constant 0 : i32
        %dma_start3A_31 = tpu.memref_slice %arg8[%dma_start3A, %dma_start3A_30] : memref<40x128xi32, #tpu.memory_space<vmem>> -> memref<40x128xi32, #tpu.memory_space<vmem>>
        %dma_start3A_32 = arith.constant 0 : i32
        %dma_start3A_33 = tpu.memref_slice %arg4[%add3A, %dma_start3A_32] : memref<1280x128xi32, #tpu.memory_space<hbm>> -> memref<40x128xi32, #tpu.memory_space<hbm>>
        %dma_start3A_34 = arith.constant 0 : i32
        %dma_start3A_35 = arith.constant 0 : i32
        %dma_start3A_36 = tpu.memref_slice %arg8[%dma_start3A_34, %dma_start3A_35] : memref<40x128xi32, #tpu.memory_space<vmem>> -> memref<40x128xi32, #tpu.memory_space<vmem>>
        %dma_start3A_37 = arith.constant 0 : i32
        %dma_start3A_38 = tpu.memref_slice %arg4[%add3A, %dma_start3A_37] : memref<1280x128xi32, #tpu.memory_space<hbm>> -> memref<40x128xi32, #tpu.memory_space<hbm>>
        tpu.enqueue_dma source(%dma_start3A_38 : memref<40x128xi32, #tpu.memory_space<hbm>>) target(%dma_start3A_36 : memref<40x128xi32, #tpu.memory_space<vmem>>) target_semaphore(%run_scoped3A : memref<!tpu.dma_semaphore, #tpu.memory_space<semaphore_mem>>)
        %dma_wait3A = arith.constant 0 : i32
        %dma_wait3A_39 = arith.constant 0 : i32
        %dma_wait3A_40 = tpu.memref_slice %arg8[%dma_wait3A, %dma_wait3A_39] : memref<40x128xi32, #tpu.memory_space<vmem>> -> memref<40x128xi32, #tpu.memory_space<vmem>>
        %dma_wait3A_41 = arith.constant 0 : i32
        %dma_wait3A_42 = tpu.memref_slice %arg4[%add3A, %dma_wait3A_41] : memref<1280x128xi32, #tpu.memory_space<hbm>> -> memref<40x128xi32, #tpu.memory_space<hbm>>
        %dma_wait3A_43 = arith.constant 0 : i32
        %dma_wait3A_44 = arith.constant 0 : i32
        %dma_wait3A_45 = tpu.memref_slice %arg8[%dma_wait3A_43, %dma_wait3A_44] : memref<40x128xi32, #tpu.memory_space<vmem>> -> memref<40x128xi32, #tpu.memory_space<vmem>>
        %dma_wait3A_46 = arith.constant 0 : i32
        %dma_wait3A_47 = tpu.memref_slice %arg4[%add3A, %dma_wait3A_46] : memref<1280x128xi32, #tpu.memory_space<hbm>> -> memref<40x128xi32, #tpu.memory_space<hbm>>
        tpu.wait_dma2 semaphore(%run_scoped3A : memref<!tpu.dma_semaphore, #tpu.memory_space<semaphore_mem>>) src(%dma_wait3A_47 : memref<40x128xi32, #tpu.memory_space<hbm>>) dst(%dma_wait3A_45 : memref<40x128xi32, #tpu.memory_space<vmem>>)
        tpu.yield
      }) : () -> ()
    } else {
    }
    %ne3A = arith.constant 1 : i32
    %ne3A_11 = arith.cmpi ne, %arg0, %ne3A : i32
    %convert_element_type3A_12 = arith.extui %ne3A_11 : i1 to i32
    %cond3A_13 = arith.constant 0 : i32
    %cond3A_14 = arith.cmpi ne, %convert_element_type3A_12, %cond3A_13 : i32
    scf.if %cond3A_14 {
      "tpu.region"() ({
        %run_scoped3A = tpu.sem_alloc : memref<!tpu.dma_semaphore, #tpu.memory_space<semaphore_mem>>
        %dma_start3A = arith.constant 0 : i32
        %dma_start3A_30 = tpu.memref_slice %arg3[%add3A, %dma_start3A] : memref<1280x128xi32, #tpu.memory_space<hbm>> -> memref<40x128xi32, #tpu.memory_space<hbm>>
        %dma_start3A_31 = arith.constant 0 : i32
        %dma_start3A_32 = tpu.memref_slice %arg3[%add3A, %dma_start3A_31] : memref<1280x128xi32, #tpu.memory_space<hbm>> -> memref<40x128xi32, #tpu.memory_space<hbm>>
        tpu.enqueue_dma source(%dma_start3A_32 : memref<40x128xi32, #tpu.memory_space<hbm>>) target(%arg7 : memref<40x128xi32, #tpu.memory_space<vmem>>) target_semaphore(%run_scoped3A : memref<!tpu.dma_semaphore, #tpu.memory_space<semaphore_mem>>)
        %dma_wait3A = arith.constant 0 : i32
        %dma_wait3A_33 = tpu.memref_slice %arg3[%add3A, %dma_wait3A] : memref<1280x128xi32, #tpu.memory_space<hbm>> -> memref<40x128xi32, #tpu.memory_space<hbm>>
        %dma_wait3A_34 = arith.constant 0 : i32
        %dma_wait3A_35 = tpu.memref_slice %arg3[%add3A, %dma_wait3A_34] : memref<1280x128xi32, #tpu.memory_space<hbm>> -> memref<40x128xi32, #tpu.memory_space<hbm>>
        tpu.wait_dma2 semaphore(%run_scoped3A : memref<!tpu.dma_semaphore, #tpu.memory_space<semaphore_mem>>) src(%dma_wait3A_35 : memref<40x128xi32, #tpu.memory_space<hbm>>) dst(%arg7 : memref<40x128xi32, #tpu.memory_space<vmem>>)
        tpu.yield
      }) : () -> ()
      "tpu.region"() ({
        %run_scoped3A = tpu.sem_alloc : memref<!tpu.dma_semaphore, #tpu.memory_space<semaphore_mem>>
        %dma_start3A = arith.constant 0 : i32
        %dma_start3A_30 = tpu.memref_slice %arg4[%add3A, %dma_start3A] : memref<1280x128xi32, #tpu.memory_space<hbm>> -> memref<40x128xi32, #tpu.memory_space<hbm>>
        %dma_start3A_31 = arith.constant 0 : i32
        %dma_start3A_32 = tpu.memref_slice %arg4[%add3A, %dma_start3A_31] : memref<1280x128xi32, #tpu.memory_space<hbm>> -> memref<40x128xi32, #tpu.memory_space<hbm>>
        tpu.enqueue_dma source(%dma_start3A_32 : memref<40x128xi32, #tpu.memory_space<hbm>>) target(%arg8 : memref<40x128xi32, #tpu.memory_space<vmem>>) target_semaphore(%run_scoped3A : memref<!tpu.dma_semaphore, #tpu.memory_space<semaphore_mem>>)
        %dma_wait3A = arith.constant 0 : i32
        %dma_wait3A_33 = tpu.memref_slice %arg4[%add3A, %dma_wait3A] : memref<1280x128xi32, #tpu.memory_space<hbm>> -> memref<40x128xi32, #tpu.memory_space<hbm>>
        %dma_wait3A_34 = arith.constant 0 : i32
        %dma_wait3A_35 = tpu.memref_slice %arg4[%add3A, %dma_wait3A_34] : memref<1280x128xi32, #tpu.memory_space<hbm>> -> memref<40x128xi32, #tpu.memory_space<hbm>>
        tpu.wait_dma2 semaphore(%run_scoped3A : memref<!tpu.dma_semaphore, #tpu.memory_space<semaphore_mem>>) src(%dma_wait3A_35 : memref<40x128xi32, #tpu.memory_space<hbm>>) dst(%arg8 : memref<40x128xi32, #tpu.memory_space<vmem>>)
        tpu.yield
      }) : () -> ()
    } else {
    }
    %barrier3A = arith.constant 0 : index
    tpu.barrier barrier_id(%barrier3A)
    %eq3A_15 = arith.constant 1 : i32
    %eq3A_16 = arith.cmpi eq, %arg0, %eq3A_15 : i32
    %convert_element_type3A_17 = arith.extui %eq3A_16 : i1 to i32
    %cond3A_18 = arith.constant 0 : i32
    %cond3A_19 = arith.cmpi ne, %convert_element_type3A_17, %cond3A_18 : i32
    scf.if %cond3A_19 {
      %dma_start3A = arith.constant 0 : i32
      %dma_start3A_30 = arith.constant 0 : i32
      %dma_start3A_31 = tpu.memref_slice %arg7[%dma_start3A, %dma_start3A_30] : memref<40x128xi32, #tpu.memory_space<vmem>> -> memref<1x128xi32, #tpu.memory_space<vmem>>
      %dma_start3A_32 = tpu.memref_squeeze %dma_start3A_31 : memref<1x128xi32, #tpu.memory_space<vmem>> -> memref<128xi32, #tpu.memory_space<vmem>>
      %dma_start3A_33 = arith.constant 0 : i32
      %dma_start3A_34 = arith.constant 0 : i32
      %dma_start3A_35 = tpu.memref_slice %arg14[%dma_start3A_33, %dma_start3A_34] : memref<10000x64xbf16, #tpu.memory_space<vmem_shared>> -> memref<10000x64xbf16, #tpu.memory_space<vmem_shared>>
      tpu.enqueue_indirect_dma source(%dma_start3A_35 : memref<10000x64xbf16, #tpu.memory_space<vmem_shared>>) target(%arg9 : memref<128x64xbf16, #tpu.memory_space<vmem>>) offsets(%dma_start3A_32 : memref<128xi32, #tpu.memory_space<vmem>>) semaphore(%arg15 : memref<!tpu.dma_semaphore, #tpu.memory_space<semaphore_mem>>)
      %dma_start3A_36 = arith.constant 1 : i32
      %dma_start3A_37 = arith.constant 0 : i32
      %dma_start3A_38 = tpu.memref_slice %arg7[%dma_start3A_36, %dma_start3A_37] : memref<40x128xi32, #tpu.memory_space<vmem>> -> memref<1x128xi32, #tpu.memory_space<vmem>>
      %dma_start3A_39 = tpu.memref_squeeze %dma_start3A_38 : memref<1x128xi32, #tpu.memory_space<vmem>> -> memref<128xi32, #tpu.memory_space<vmem>>
      %dma_start3A_40 = arith.constant 0 : i32
      %dma_start3A_41 = arith.constant 0 : i32
      %dma_start3A_42 = tpu.memref_slice %arg14[%dma_start3A_40, %dma_start3A_41] : memref<10000x64xbf16, #tpu.memory_space<vmem_shared>> -> memref<10000x64xbf16, #tpu.memory_space<vmem_shared>>
      tpu.enqueue_indirect_dma source(%dma_start3A_42 : memref<10000x64xbf16, #tpu.memory_space<vmem_shared>>) target(%arg10 : memref<128x64xbf16, #tpu.memory_space<vmem>>) offsets(%dma_start3A_39 : memref<128xi32, #tpu.memory_space<vmem>>) semaphore(%arg16 : memref<!tpu.dma_semaphore, #tpu.memory_space<semaphore_mem>>)
      %dma_start3A_43 = arith.constant 2 : i32
      %dma_start3A_44 = arith.constant 0 : i32
      %dma_start3A_45 = tpu.memref_slice %arg7[%dma_start3A_43, %dma_start3A_44] : memref<40x128xi32, #tpu.memory_space<vmem>> -> memref<1x128xi32, #tpu.memory_space<vmem>>
      %dma_start3A_46 = tpu.memref_squeeze %dma_start3A_45 : memref<1x128xi32, #tpu.memory_space<vmem>> -> memref<128xi32, #tpu.memory_space<vmem>>
      %dma_start3A_47 = arith.constant 0 : i32
      %dma_start3A_48 = arith.constant 0 : i32
      %dma_start3A_49 = tpu.memref_slice %arg14[%dma_start3A_47, %dma_start3A_48] : memref<10000x64xbf16, #tpu.memory_space<vmem_shared>> -> memref<10000x64xbf16, #tpu.memory_space<vmem_shared>>
      tpu.enqueue_indirect_dma source(%dma_start3A_49 : memref<10000x64xbf16, #tpu.memory_space<vmem_shared>>) target(%arg11 : memref<128x64xbf16, #tpu.memory_space<vmem>>) offsets(%dma_start3A_46 : memref<128xi32, #tpu.memory_space<vmem>>) semaphore(%arg17 : memref<!tpu.dma_semaphore, #tpu.memory_space<semaphore_mem>>)
      %scan3A = arith.constant 0 : i32
      %scan3A_50 = arith.constant 0 : i32
      %scan3A_51 = arith.constant 10 : i32
      %scan3A_52 = arith.addi %scan3A_50, %scan3A_51 : i32
      %scan3A_53 = arith.constant 1 : i32
      scf.for %scan3A_82 = %scan3A_50 to %scan3A_52 step %scan3A_53  : i32 {
        %mul3A_83 = arith.constant 4 : i32
        %mul3A_84 = arith.muli %mul3A_83, %scan3A_82 : i32
        %add3A_85 = arith.constant 0 : i32
        %add3A_86 = arith.addi %mul3A_84, %add3A_85 : i32
        %dma_wait3A_87 = arith.constant 0 : i32
        %dma_wait3A_88 = tpu.memref_slice %arg7[%add3A_86, %dma_wait3A_87] : memref<40x128xi32, #tpu.memory_space<vmem>> -> memref<1x128xi32, #tpu.memory_space<vmem>>
        %dma_wait3A_89 = tpu.memref_squeeze %dma_wait3A_88 : memref<1x128xi32, #tpu.memory_space<vmem>> -> memref<128xi32, #tpu.memory_space<vmem>>
        %dma_wait3A_90 = arith.constant 0 : i32
        %dma_wait3A_91 = arith.constant 0 : i32
        %dma_wait3A_92 = tpu.memref_slice %arg14[%dma_wait3A_90, %dma_wait3A_91] : memref<10000x64xbf16, #tpu.memory_space<vmem_shared>> -> memref<10000x64xbf16, #tpu.memory_space<vmem_shared>>
        tpu.wait_indirect_dma semaphore(%arg15 : memref<!tpu.dma_semaphore, #tpu.memory_space<semaphore_mem>>) src(%dma_wait3A_92 : memref<10000x64xbf16, #tpu.memory_space<vmem_shared>>) dst(%arg9 : memref<128x64xbf16, #tpu.memory_space<vmem>>)
        %dma_start3A_93 = arith.constant 0 : i32
        %dma_start3A_94 = tpu.memref_slice %arg8[%add3A_86, %dma_start3A_93] : memref<40x128xi32, #tpu.memory_space<vmem>> -> memref<1x128xi32, #tpu.memory_space<vmem>>
        %dma_start3A_95 = tpu.memref_squeeze %dma_start3A_94 : memref<1x128xi32, #tpu.memory_space<vmem>> -> memref<128xi32, #tpu.memory_space<vmem>>
        %dma_start3A_96 = arith.constant 0 : i32
        %dma_start3A_97 = arith.constant 0 : i32
        %dma_start3A_98 = tpu.memref_slice %arg13[%dma_start3A_96, %dma_start3A_97] : memref<10240x64xbf16, #tpu.memory_space<vmem_shared>> -> memref<10240x64xbf16, #tpu.memory_space<vmem_shared>>
        tpu.enqueue_indirect_dma source(%arg9 : memref<128x64xbf16, #tpu.memory_space<vmem>>) target(%dma_start3A_98 : memref<10240x64xbf16, #tpu.memory_space<vmem_shared>>) offsets(%dma_start3A_95 : memref<128xi32, #tpu.memory_space<vmem>>) semaphore(%arg19 : memref<!tpu.dma_semaphore, #tpu.memory_space<semaphore_mem>>) {add = true}
        %add3A_99 = arith.constant 4 : i32
        %add3A_100 = arith.addi %add3A_86, %add3A_99 : i32
        %sub3A = arith.constant 1 : i32
        %sub3A_101 = arith.subi %add3A_100, %sub3A : i32
        %lt3A = arith.constant 40 : i32
        %lt3A_102 = arith.cmpi slt, %sub3A_101, %lt3A : i32
        %convert_element_type3A_103 = arith.extui %lt3A_102 : i1 to i32
        %cond3A_104 = arith.constant 0 : i32
        %cond3A_105 = arith.cmpi ne, %convert_element_type3A_103, %cond3A_104 : i32
        scf.if %cond3A_105 {
          %ge3A = arith.constant 1 : i32
          %ge3A_181 = arith.cmpi sge, %add3A_86, %ge3A : i32
          %convert_element_type3A_182 = arith.extui %ge3A_181 : i1 to i32
          %cond3A_183 = arith.constant 0 : i32
          %cond3A_184 = arith.cmpi ne, %convert_element_type3A_182, %cond3A_183 : i32
          scf.if %cond3A_184 {
            %sub3A_195 = arith.constant 1 : i32
            %sub3A_196 = arith.subi %add3A_86, %sub3A_195 : i32
            %dma_wait3A_197 = arith.constant 0 : i32
            %dma_wait3A_198 = tpu.memref_slice %arg8[%sub3A_196, %dma_wait3A_197] : memref<40x128xi32, #tpu.memory_space<vmem>> -> memref<1x128xi32, #tpu.memory_space<vmem>>
            %dma_wait3A_199 = tpu.memref_squeeze %dma_wait3A_198 : memref<1x128xi32, #tpu.memory_space<vmem>> -> memref<128xi32, #tpu.memory_space<vmem>>
            %dma_wait3A_200 = arith.constant 0 : i32
            %dma_wait3A_201 = arith.constant 0 : i32
            %dma_wait3A_202 = tpu.memref_slice %arg13[%dma_wait3A_200, %dma_wait3A_201] : memref<10240x64xbf16, #tpu.memory_space<vmem_shared>> -> memref<10240x64xbf16, #tpu.memory_space<vmem_shared>>
            tpu.wait_indirect_dma semaphore(%arg22 : memref<!tpu.dma_semaphore, #tpu.memory_space<semaphore_mem>>) src(%arg12 : memref<128x64xbf16, #tpu.memory_space<vmem>>) dst(%dma_wait3A_202 : memref<10240x64xbf16, #tpu.memory_space<vmem_shared>>)
          } else {
          }
          %add3A_185 = arith.constant 4 : i32
          %add3A_186 = arith.addi %add3A_86, %add3A_185 : i32
          %sub3A_187 = arith.constant 1 : i32
          %sub3A_188 = arith.subi %add3A_186, %sub3A_187 : i32
          %dma_start3A_189 = arith.constant 0 : i32
          %dma_start3A_190 = tpu.memref_slice %arg7[%sub3A_188, %dma_start3A_189] : memref<40x128xi32, #tpu.memory_space<vmem>> -> memref<1x128xi32, #tpu.memory_space<vmem>>
          %dma_start3A_191 = tpu.memref_squeeze %dma_start3A_190 : memref<1x128xi32, #tpu.memory_space<vmem>> -> memref<128xi32, #tpu.memory_space<vmem>>
          %dma_start3A_192 = arith.constant 0 : i32
          %dma_start3A_193 = arith.constant 0 : i32
          %dma_start3A_194 = tpu.memref_slice %arg14[%dma_start3A_192, %dma_start3A_193] : memref<10000x64xbf16, #tpu.memory_space<vmem_shared>> -> memref<10000x64xbf16, #tpu.memory_space<vmem_shared>>
          tpu.enqueue_indirect_dma source(%dma_start3A_194 : memref<10000x64xbf16, #tpu.memory_space<vmem_shared>>) target(%arg12 : memref<128x64xbf16, #tpu.memory_space<vmem>>) offsets(%dma_start3A_191 : memref<128xi32, #tpu.memory_space<vmem>>) semaphore(%arg18 : memref<!tpu.dma_semaphore, #tpu.memory_space<semaphore_mem>>)
        } else {
        }
        %mul3A_106 = arith.constant 4 : i32
        %mul3A_107 = arith.muli %mul3A_106, %scan3A_82 : i32
        %add3A_108 = arith.constant 1 : i32
        %add3A_109 = arith.addi %mul3A_107, %add3A_108 : i32
        %dma_wait3A_110 = arith.constant 0 : i32
        %dma_wait3A_111 = tpu.memref_slice %arg7[%add3A_109, %dma_wait3A_110] : memref<40x128xi32, #tpu.memory_space<vmem>> -> memref<1x128xi32, #tpu.memory_space<vmem>>
        %dma_wait3A_112 = tpu.memref_squeeze %dma_wait3A_111 : memref<1x128xi32, #tpu.memory_space<vmem>> -> memref<128xi32, #tpu.memory_space<vmem>>
        %dma_wait3A_113 = arith.constant 0 : i32
        %dma_wait3A_114 = arith.constant 0 : i32
        %dma_wait3A_115 = tpu.memref_slice %arg14[%dma_wait3A_113, %dma_wait3A_114] : memref<10000x64xbf16, #tpu.memory_space<vmem_shared>> -> memref<10000x64xbf16, #tpu.memory_space<vmem_shared>>
        tpu.wait_indirect_dma semaphore(%arg16 : memref<!tpu.dma_semaphore, #tpu.memory_space<semaphore_mem>>) src(%dma_wait3A_115 : memref<10000x64xbf16, #tpu.memory_space<vmem_shared>>) dst(%arg10 : memref<128x64xbf16, #tpu.memory_space<vmem>>)
        %dma_start3A_116 = arith.constant 0 : i32
        %dma_start3A_117 = tpu.memref_slice %arg8[%add3A_109, %dma_start3A_116] : memref<40x128xi32, #tpu.memory_space<vmem>> -> memref<1x128xi32, #tpu.memory_space<vmem>>
        %dma_start3A_118 = tpu.memref_squeeze %dma_start3A_117 : memref<1x128xi32, #tpu.memory_space<vmem>> -> memref<128xi32, #tpu.memory_space<vmem>>
        %dma_start3A_119 = arith.constant 0 : i32
        %dma_start3A_120 = arith.constant 0 : i32
        %dma_start3A_121 = tpu.memref_slice %arg13[%dma_start3A_119, %dma_start3A_120] : memref<10240x64xbf16, #tpu.memory_space<vmem_shared>> -> memref<10240x64xbf16, #tpu.memory_space<vmem_shared>>
        tpu.enqueue_indirect_dma source(%arg10 : memref<128x64xbf16, #tpu.memory_space<vmem>>) target(%dma_start3A_121 : memref<10240x64xbf16, #tpu.memory_space<vmem_shared>>) offsets(%dma_start3A_118 : memref<128xi32, #tpu.memory_space<vmem>>) semaphore(%arg20 : memref<!tpu.dma_semaphore, #tpu.memory_space<semaphore_mem>>) {add = true}
        %add3A_122 = arith.constant 4 : i32
        %add3A_123 = arith.addi %add3A_109, %add3A_122 : i32
        %sub3A_124 = arith.constant 1 : i32
        %sub3A_125 = arith.subi %add3A_123, %sub3A_124 : i32
        %lt3A_126 = arith.constant 40 : i32
        %lt3A_127 = arith.cmpi slt, %sub3A_125, %lt3A_126 : i32
        %convert_element_type3A_128 = arith.extui %lt3A_127 : i1 to i32
        %cond3A_129 = arith.constant 0 : i32
        %cond3A_130 = arith.cmpi ne, %convert_element_type3A_128, %cond3A_129 : i32
        scf.if %cond3A_130 {
          %ge3A = arith.constant 1 : i32
          %ge3A_181 = arith.cmpi sge, %add3A_109, %ge3A : i32
          %convert_element_type3A_182 = arith.extui %ge3A_181 : i1 to i32
          %cond3A_183 = arith.constant 0 : i32
          %cond3A_184 = arith.cmpi ne, %convert_element_type3A_182, %cond3A_183 : i32
          scf.if %cond3A_184 {
            %sub3A_195 = arith.constant 1 : i32
            %sub3A_196 = arith.subi %add3A_109, %sub3A_195 : i32
            %dma_wait3A_197 = arith.constant 0 : i32
            %dma_wait3A_198 = tpu.memref_slice %arg8[%sub3A_196, %dma_wait3A_197] : memref<40x128xi32, #tpu.memory_space<vmem>> -> memref<1x128xi32, #tpu.memory_space<vmem>>
            %dma_wait3A_199 = tpu.memref_squeeze %dma_wait3A_198 : memref<1x128xi32, #tpu.memory_space<vmem>> -> memref<128xi32, #tpu.memory_space<vmem>>
            %dma_wait3A_200 = arith.constant 0 : i32
            %dma_wait3A_201 = arith.constant 0 : i32
            %dma_wait3A_202 = tpu.memref_slice %arg13[%dma_wait3A_200, %dma_wait3A_201] : memref<10240x64xbf16, #tpu.memory_space<vmem_shared>> -> memref<10240x64xbf16, #tpu.memory_space<vmem_shared>>
            tpu.wait_indirect_dma semaphore(%arg19 : memref<!tpu.dma_semaphore, #tpu.memory_space<semaphore_mem>>) src(%arg9 : memref<128x64xbf16, #tpu.memory_space<vmem>>) dst(%dma_wait3A_202 : memref<10240x64xbf16, #tpu.memory_space<vmem_shared>>)
          } else {
          }
          %add3A_185 = arith.constant 4 : i32
          %add3A_186 = arith.addi %add3A_109, %add3A_185 : i32
          %sub3A_187 = arith.constant 1 : i32
          %sub3A_188 = arith.subi %add3A_186, %sub3A_187 : i32
          %dma_start3A_189 = arith.constant 0 : i32
          %dma_start3A_190 = tpu.memref_slice %arg7[%sub3A_188, %dma_start3A_189] : memref<40x128xi32, #tpu.memory_space<vmem>> -> memref<1x128xi32, #tpu.memory_space<vmem>>
          %dma_start3A_191 = tpu.memref_squeeze %dma_start3A_190 : memref<1x128xi32, #tpu.memory_space<vmem>> -> memref<128xi32, #tpu.memory_space<vmem>>
          %dma_start3A_192 = arith.constant 0 : i32
          %dma_start3A_193 = arith.constant 0 : i32
          %dma_start3A_194 = tpu.memref_slice %arg14[%dma_start3A_192, %dma_start3A_193] : memref<10000x64xbf16, #tpu.memory_space<vmem_shared>> -> memref<10000x64xbf16, #tpu.memory_space<vmem_shared>>
          tpu.enqueue_indirect_dma source(%dma_start3A_194 : memref<10000x64xbf16, #tpu.memory_space<vmem_shared>>) target(%arg9 : memref<128x64xbf16, #tpu.memory_space<vmem>>) offsets(%dma_start3A_191 : memref<128xi32, #tpu.memory_space<vmem>>) semaphore(%arg15 : memref<!tpu.dma_semaphore, #tpu.memory_space<semaphore_mem>>)
        } else {
        }
        %mul3A_131 = arith.constant 4 : i32
        %mul3A_132 = arith.muli %mul3A_131, %scan3A_82 : i32
        %add3A_133 = arith.constant 2 : i32
        %add3A_134 = arith.addi %mul3A_132, %add3A_133 : i32
        %dma_wait3A_135 = arith.constant 0 : i32
        %dma_wait3A_136 = tpu.memref_slice %arg7[%add3A_134, %dma_wait3A_135] : memref<40x128xi32, #tpu.memory_space<vmem>> -> memref<1x128xi32, #tpu.memory_space<vmem>>
        %dma_wait3A_137 = tpu.memref_squeeze %dma_wait3A_136 : memref<1x128xi32, #tpu.memory_space<vmem>> -> memref<128xi32, #tpu.memory_space<vmem>>
        %dma_wait3A_138 = arith.constant 0 : i32
        %dma_wait3A_139 = arith.constant 0 : i32
        %dma_wait3A_140 = tpu.memref_slice %arg14[%dma_wait3A_138, %dma_wait3A_139] : memref<10000x64xbf16, #tpu.memory_space<vmem_shared>> -> memref<10000x64xbf16, #tpu.memory_space<vmem_shared>>
        tpu.wait_indirect_dma semaphore(%arg17 : memref<!tpu.dma_semaphore, #tpu.memory_space<semaphore_mem>>) src(%dma_wait3A_140 : memref<10000x64xbf16, #tpu.memory_space<vmem_shared>>) dst(%arg11 : memref<128x64xbf16, #tpu.memory_space<vmem>>)
        %dma_start3A_141 = arith.constant 0 : i32
        %dma_start3A_142 = tpu.memref_slice %arg8[%add3A_134, %dma_start3A_141] : memref<40x128xi32, #tpu.memory_space<vmem>> -> memref<1x128xi32, #tpu.memory_space<vmem>>
        %dma_start3A_143 = tpu.memref_squeeze %dma_start3A_142 : memref<1x128xi32, #tpu.memory_space<vmem>> -> memref<128xi32, #tpu.memory_space<vmem>>
        %dma_start3A_144 = arith.constant 0 : i32
        %dma_start3A_145 = arith.constant 0 : i32
        %dma_start3A_146 = tpu.memref_slice %arg13[%dma_start3A_144, %dma_start3A_145] : memref<10240x64xbf16, #tpu.memory_space<vmem_shared>> -> memref<10240x64xbf16, #tpu.memory_space<vmem_shared>>
        tpu.enqueue_indirect_dma source(%arg11 : memref<128x64xbf16, #tpu.memory_space<vmem>>) target(%dma_start3A_146 : memref<10240x64xbf16, #tpu.memory_space<vmem_shared>>) offsets(%dma_start3A_143 : memref<128xi32, #tpu.memory_space<vmem>>) semaphore(%arg21 : memref<!tpu.dma_semaphore, #tpu.memory_space<semaphore_mem>>) {add = true}
        %add3A_147 = arith.constant 4 : i32
        %add3A_148 = arith.addi %add3A_134, %add3A_147 : i32
        %sub3A_149 = arith.constant 1 : i32
        %sub3A_150 = arith.subi %add3A_148, %sub3A_149 : i32
        %lt3A_151 = arith.constant 40 : i32
        %lt3A_152 = arith.cmpi slt, %sub3A_150, %lt3A_151 : i32
        %convert_element_type3A_153 = arith.extui %lt3A_152 : i1 to i32
        %cond3A_154 = arith.constant 0 : i32
        %cond3A_155 = arith.cmpi ne, %convert_element_type3A_153, %cond3A_154 : i32
        scf.if %cond3A_155 {
          %ge3A = arith.constant 1 : i32
          %ge3A_181 = arith.cmpi sge, %add3A_134, %ge3A : i32
          %convert_element_type3A_182 = arith.extui %ge3A_181 : i1 to i32
          %cond3A_183 = arith.constant 0 : i32
          %cond3A_184 = arith.cmpi ne, %convert_element_type3A_182, %cond3A_183 : i32
          scf.if %cond3A_184 {
            %sub3A_195 = arith.constant 1 : i32
            %sub3A_196 = arith.subi %add3A_134, %sub3A_195 : i32
            %dma_wait3A_197 = arith.constant 0 : i32
            %dma_wait3A_198 = tpu.memref_slice %arg8[%sub3A_196, %dma_wait3A_197] : memref<40x128xi32, #tpu.memory_space<vmem>> -> memref<1x128xi32, #tpu.memory_space<vmem>>
            %dma_wait3A_199 = tpu.memref_squeeze %dma_wait3A_198 : memref<1x128xi32, #tpu.memory_space<vmem>> -> memref<128xi32, #tpu.memory_space<vmem>>
            %dma_wait3A_200 = arith.constant 0 : i32
            %dma_wait3A_201 = arith.constant 0 : i32
            %dma_wait3A_202 = tpu.memref_slice %arg13[%dma_wait3A_200, %dma_wait3A_201] : memref<10240x64xbf16, #tpu.memory_space<vmem_shared>> -> memref<10240x64xbf16, #tpu.memory_space<vmem_shared>>
            tpu.wait_indirect_dma semaphore(%arg20 : memref<!tpu.dma_semaphore, #tpu.memory_space<semaphore_mem>>) src(%arg10 : memref<128x64xbf16, #tpu.memory_space<vmem>>) dst(%dma_wait3A_202 : memref<10240x64xbf16, #tpu.memory_space<vmem_shared>>)
          } else {
          }
          %add3A_185 = arith.constant 4 : i32
          %add3A_186 = arith.addi %add3A_134, %add3A_185 : i32
          %sub3A_187 = arith.constant 1 : i32
          %sub3A_188 = arith.subi %add3A_186, %sub3A_187 : i32
          %dma_start3A_189 = arith.constant 0 : i32
          %dma_start3A_190 = tpu.memref_slice %arg7[%sub3A_188, %dma_start3A_189] : memref<40x128xi32, #tpu.memory_space<vmem>> -> memref<1x128xi32, #tpu.memory_space<vmem>>
          %dma_start3A_191 = tpu.memref_squeeze %dma_start3A_190 : memref<1x128xi32, #tpu.memory_space<vmem>> -> memref<128xi32, #tpu.memory_space<vmem>>
          %dma_start3A_192 = arith.constant 0 : i32
          %dma_start3A_193 = arith.constant 0 : i32
          %dma_start3A_194 = tpu.memref_slice %arg14[%dma_start3A_192, %dma_start3A_193] : memref<10000x64xbf16, #tpu.memory_space<vmem_shared>> -> memref<10000x64xbf16, #tpu.memory_space<vmem_shared>>
          tpu.enqueue_indirect_dma source(%dma_start3A_194 : memref<10000x64xbf16, #tpu.memory_space<vmem_shared>>) target(%arg10 : memref<128x64xbf16, #tpu.memory_space<vmem>>) offsets(%dma_start3A_191 : memref<128xi32, #tpu.memory_space<vmem>>) semaphore(%arg16 : memref<!tpu.dma_semaphore, #tpu.memory_space<semaphore_mem>>)
        } else {
        }
        %mul3A_156 = arith.constant 4 : i32
        %mul3A_157 = arith.muli %mul3A_156, %scan3A_82 : i32
        %add3A_158 = arith.constant 3 : i32
        %add3A_159 = arith.addi %mul3A_157, %add3A_158 : i32
        %dma_wait3A_160 = arith.constant 0 : i32
        %dma_wait3A_161 = tpu.memref_slice %arg7[%add3A_159, %dma_wait3A_160] : memref<40x128xi32, #tpu.memory_space<vmem>> -> memref<1x128xi32, #tpu.memory_space<vmem>>
        %dma_wait3A_162 = tpu.memref_squeeze %dma_wait3A_161 : memref<1x128xi32, #tpu.memory_space<vmem>> -> memref<128xi32, #tpu.memory_space<vmem>>
        %dma_wait3A_163 = arith.constant 0 : i32
        %dma_wait3A_164 = arith.constant 0 : i32
        %dma_wait3A_165 = tpu.memref_slice %arg14[%dma_wait3A_163, %dma_wait3A_164] : memref<10000x64xbf16, #tpu.memory_space<vmem_shared>> -> memref<10000x64xbf16, #tpu.memory_space<vmem_shared>>
        tpu.wait_indirect_dma semaphore(%arg18 : memref<!tpu.dma_semaphore, #tpu.memory_space<semaphore_mem>>) src(%dma_wait3A_165 : memref<10000x64xbf16, #tpu.memory_space<vmem_shared>>) dst(%arg12 : memref<128x64xbf16, #tpu.memory_space<vmem>>)
        %dma_start3A_166 = arith.constant 0 : i32
        %dma_start3A_167 = tpu.memref_slice %arg8[%add3A_159, %dma_start3A_166] : memref<40x128xi32, #tpu.memory_space<vmem>> -> memref<1x128xi32, #tpu.memory_space<vmem>>
        %dma_start3A_168 = tpu.memref_squeeze %dma_start3A_167 : memref<1x128xi32, #tpu.memory_space<vmem>> -> memref<128xi32, #tpu.memory_space<vmem>>
        %dma_start3A_169 = arith.constant 0 : i32
        %dma_start3A_170 = arith.constant 0 : i32
        %dma_start3A_171 = tpu.memref_slice %arg13[%dma_start3A_169, %dma_start3A_170] : memref<10240x64xbf16, #tpu.memory_space<vmem_shared>> -> memref<10240x64xbf16, #tpu.memory_space<vmem_shared>>
        tpu.enqueue_indirect_dma source(%arg12 : memref<128x64xbf16, #tpu.memory_space<vmem>>) target(%dma_start3A_171 : memref<10240x64xbf16, #tpu.memory_space<vmem_shared>>) offsets(%dma_start3A_168 : memref<128xi32, #tpu.memory_space<vmem>>) semaphore(%arg22 : memref<!tpu.dma_semaphore, #tpu.memory_space<semaphore_mem>>) {add = true}
        %add3A_172 = arith.constant 4 : i32
        %add3A_173 = arith.addi %add3A_159, %add3A_172 : i32
        %sub3A_174 = arith.constant 1 : i32
        %sub3A_175 = arith.subi %add3A_173, %sub3A_174 : i32
        %lt3A_176 = arith.constant 40 : i32
        %lt3A_177 = arith.cmpi slt, %sub3A_175, %lt3A_176 : i32
        %convert_element_type3A_178 = arith.extui %lt3A_177 : i1 to i32
        %cond3A_179 = arith.constant 0 : i32
        %cond3A_180 = arith.cmpi ne, %convert_element_type3A_178, %cond3A_179 : i32
        scf.if %cond3A_180 {
          %ge3A = arith.constant 1 : i32
          %ge3A_181 = arith.cmpi sge, %add3A_159, %ge3A : i32
          %convert_element_type3A_182 = arith.extui %ge3A_181 : i1 to i32
          %cond3A_183 = arith.constant 0 : i32
          %cond3A_184 = arith.cmpi ne, %convert_element_type3A_182, %cond3A_183 : i32
          scf.if %cond3A_184 {
            %sub3A_195 = arith.constant 1 : i32
            %sub3A_196 = arith.subi %add3A_159, %sub3A_195 : i32
            %dma_wait3A_197 = arith.constant 0 : i32
            %dma_wait3A_198 = tpu.memref_slice %arg8[%sub3A_196, %dma_wait3A_197] : memref<40x128xi32, #tpu.memory_space<vmem>> -> memref<1x128xi32, #tpu.memory_space<vmem>>
            %dma_wait3A_199 = tpu.memref_squeeze %dma_wait3A_198 : memref<1x128xi32, #tpu.memory_space<vmem>> -> memref<128xi32, #tpu.memory_space<vmem>>
            %dma_wait3A_200 = arith.constant 0 : i32
            %dma_wait3A_201 = arith.constant 0 : i32
            %dma_wait3A_202 = tpu.memref_slice %arg13[%dma_wait3A_200, %dma_wait3A_201] : memref<10240x64xbf16, #tpu.memory_space<vmem_shared>> -> memref<10240x64xbf16, #tpu.memory_space<vmem_shared>>
            tpu.wait_indirect_dma semaphore(%arg21 : memref<!tpu.dma_semaphore, #tpu.memory_space<semaphore_mem>>) src(%arg11 : memref<128x64xbf16, #tpu.memory_space<vmem>>) dst(%dma_wait3A_202 : memref<10240x64xbf16, #tpu.memory_space<vmem_shared>>)
          } else {
          }
          %add3A_185 = arith.constant 4 : i32
          %add3A_186 = arith.addi %add3A_159, %add3A_185 : i32
          %sub3A_187 = arith.constant 1 : i32
          %sub3A_188 = arith.subi %add3A_186, %sub3A_187 : i32
          %dma_start3A_189 = arith.constant 0 : i32
          %dma_start3A_190 = tpu.memref_slice %arg7[%sub3A_188, %dma_start3A_189] : memref<40x128xi32, #tpu.memory_space<vmem>> -> memref<1x128xi32, #tpu.memory_space<vmem>>
          %dma_start3A_191 = tpu.memref_squeeze %dma_start3A_190 : memref<1x128xi32, #tpu.memory_space<vmem>> -> memref<128xi32, #tpu.memory_space<vmem>>
          %dma_start3A_192 = arith.constant 0 : i32
          %dma_start3A_193 = arith.constant 0 : i32
          %dma_start3A_194 = tpu.memref_slice %arg14[%dma_start3A_192, %dma_start3A_193] : memref<10000x64xbf16, #tpu.memory_space<vmem_shared>> -> memref<10000x64xbf16, #tpu.memory_space<vmem_shared>>
          tpu.enqueue_indirect_dma source(%dma_start3A_194 : memref<10000x64xbf16, #tpu.memory_space<vmem_shared>>) target(%arg11 : memref<128x64xbf16, #tpu.memory_space<vmem>>) offsets(%dma_start3A_191 : memref<128xi32, #tpu.memory_space<vmem>>) semaphore(%arg17 : memref<!tpu.dma_semaphore, #tpu.memory_space<semaphore_mem>>)
        } else {
        }
      }
      %scan3A_54 = arith.constant 10 : i32
      %dma_wait3A = arith.constant 36 : i32
      %dma_wait3A_55 = arith.constant 0 : i32
      %dma_wait3A_56 = tpu.memref_slice %arg8[%dma_wait3A, %dma_wait3A_55] : memref<40x128xi32, #tpu.memory_space<vmem>> -> memref<1x128xi32, #tpu.memory_space<vmem>>
      %dma_wait3A_57 = tpu.memref_squeeze %dma_wait3A_56 : memref<1x128xi32, #tpu.memory_space<vmem>> -> memref<128xi32, #tpu.memory_space<vmem>>
      %dma_wait3A_58 = arith.constant 0 : i32
      %dma_wait3A_59 = arith.constant 0 : i32
      %dma_wait3A_60 = tpu.memref_slice %arg13[%dma_wait3A_58, %dma_wait3A_59] : memref<10240x64xbf16, #tpu.memory_space<vmem_shared>> -> memref<10240x64xbf16, #tpu.memory_space<vmem_shared>>
      tpu.wait_indirect_dma semaphore(%arg19 : memref<!tpu.dma_semaphore, #tpu.memory_space<semaphore_mem>>) src(%arg9 : memref<128x64xbf16, #tpu.memory_space<vmem>>) dst(%dma_wait3A_60 : memref<10240x64xbf16, #tpu.memory_space<vmem_shared>>)
      %dma_wait3A_61 = arith.constant 37 : i32
      %dma_wait3A_62 = arith.constant 0 : i32
      %dma_wait3A_63 = tpu.memref_slice %arg8[%dma_wait3A_61, %dma_wait3A_62] : memref<40x128xi32, #tpu.memory_space<vmem>> -> memref<1x128xi32, #tpu.memory_space<vmem>>
      %dma_wait3A_64 = tpu.memref_squeeze %dma_wait3A_63 : memref<1x128xi32, #tpu.memory_space<vmem>> -> memref<128xi32, #tpu.memory_space<vmem>>
      %dma_wait3A_65 = arith.constant 0 : i32
      %dma_wait3A_66 = arith.constant 0 : i32
      %dma_wait3A_67 = tpu.memref_slice %arg13[%dma_wait3A_65, %dma_wait3A_66] : memref<10240x64xbf16, #tpu.memory_space<vmem_shared>> -> memref<10240x64xbf16, #tpu.memory_space<vmem_shared>>
      tpu.wait_indirect_dma semaphore(%arg20 : memref<!tpu.dma_semaphore, #tpu.memory_space<semaphore_mem>>) src(%arg10 : memref<128x64xbf16, #tpu.memory_space<vmem>>) dst(%dma_wait3A_67 : memref<10240x64xbf16, #tpu.memory_space<vmem_shared>>)
      %dma_wait3A_68 = arith.constant 38 : i32
      %dma_wait3A_69 = arith.constant 0 : i32
      %dma_wait3A_70 = tpu.memref_slice %arg8[%dma_wait3A_68, %dma_wait3A_69] : memref<40x128xi32, #tpu.memory_space<vmem>> -> memref<1x128xi32, #tpu.memory_space<vmem>>
      %dma_wait3A_71 = tpu.memref_squeeze %dma_wait3A_70 : memref<1x128xi32, #tpu.memory_space<vmem>> -> memref<128xi32, #tpu.memory_space<vmem>>
      %dma_wait3A_72 = arith.constant 0 : i32
      %dma_wait3A_73 = arith.constant 0 : i32
      %dma_wait3A_74 = tpu.memref_slice %arg13[%dma_wait3A_72, %dma_wait3A_73] : memref<10240x64xbf16, #tpu.memory_space<vmem_shared>> -> memref<10240x64xbf16, #tpu.memory_space<vmem_shared>>
      tpu.wait_indirect_dma semaphore(%arg21 : memref<!tpu.dma_semaphore, #tpu.memory_space<semaphore_mem>>) src(%arg11 : memref<128x64xbf16, #tpu.memory_space<vmem>>) dst(%dma_wait3A_74 : memref<10240x64xbf16, #tpu.memory_space<vmem_shared>>)
      %dma_wait3A_75 = arith.constant 39 : i32
      %dma_wait3A_76 = arith.constant 0 : i32
      %dma_wait3A_77 = tpu.memref_slice %arg8[%dma_wait3A_75, %dma_wait3A_76] : memref<40x128xi32, #tpu.memory_space<vmem>> -> memref<1x128xi32, #tpu.memory_space<vmem>>
      %dma_wait3A_78 = tpu.memref_squeeze %dma_wait3A_77 : memref<1x128xi32, #tpu.memory_space<vmem>> -> memref<128xi32, #tpu.memory_space<vmem>>
      %dma_wait3A_79 = arith.constant 0 : i32
      %dma_wait3A_80 = arith.constant 0 : i32
      %dma_wait3A_81 = tpu.memref_slice %arg13[%dma_wait3A_79, %dma_wait3A_80] : memref<10240x64xbf16, #tpu.memory_space<vmem_shared>> -> memref<10240x64xbf16, #tpu.memory_space<vmem_shared>>
      tpu.wait_indirect_dma semaphore(%arg22 : memref<!tpu.dma_semaphore, #tpu.memory_space<semaphore_mem>>) src(%arg12 : memref<128x64xbf16, #tpu.memory_space<vmem>>) dst(%dma_wait3A_81 : memref<10240x64xbf16, #tpu.memory_space<vmem_shared>>)
    } else {
    }
    %ne3A_20 = arith.constant 1 : i32
    %ne3A_21 = arith.cmpi ne, %arg0, %ne3A_20 : i32
    %convert_element_type3A_22 = arith.extui %ne3A_21 : i1 to i32
    %cond3A_23 = arith.constant 0 : i32
    %cond3A_24 = arith.cmpi ne, %convert_element_type3A_22, %cond3A_23 : i32
    scf.if %cond3A_24 {
      %dma_start3A = arith.constant 0 : i32
      %dma_start3A_30 = arith.constant 0 : i32
      %dma_start3A_31 = tpu.memref_slice %arg7[%dma_start3A, %dma_start3A_30] : memref<40x128xi32, #tpu.memory_space<vmem>> -> memref<1x128xi32, #tpu.memory_space<vmem>>
      %dma_start3A_32 = tpu.memref_squeeze %dma_start3A_31 : memref<1x128xi32, #tpu.memory_space<vmem>> -> memref<128xi32, #tpu.memory_space<vmem>>
      %dma_start3A_33 = arith.constant 0 : i32
      %dma_start3A_34 = arith.constant 0 : i32
      %dma_start3A_35 = tpu.memref_slice %arg14[%dma_start3A_33, %dma_start3A_34] : memref<10000x64xbf16, #tpu.memory_space<vmem_shared>> -> memref<10000x64xbf16, #tpu.memory_space<vmem_shared>>
      tpu.enqueue_indirect_dma source(%dma_start3A_35 : memref<10000x64xbf16, #tpu.memory_space<vmem_shared>>) target(%arg9 : memref<128x64xbf16, #tpu.memory_space<vmem>>) offsets(%dma_start3A_32 : memref<128xi32, #tpu.memory_space<vmem>>) semaphore(%arg15 : memref<!tpu.dma_semaphore, #tpu.memory_space<semaphore_mem>>)
      %dma_start3A_36 = arith.constant 1 : i32
      %dma_start3A_37 = arith.constant 0 : i32
      %dma_start3A_38 = tpu.memref_slice %arg7[%dma_start3A_36, %dma_start3A_37] : memref<40x128xi32, #tpu.memory_space<vmem>> -> memref<1x128xi32, #tpu.memory_space<vmem>>
      %dma_start3A_39 = tpu.memref_squeeze %dma_start3A_38 : memref<1x128xi32, #tpu.memory_space<vmem>> -> memref<128xi32, #tpu.memory_space<vmem>>
      %dma_start3A_40 = arith.constant 0 : i32
      %dma_start3A_41 = arith.constant 0 : i32
      %dma_start3A_42 = tpu.memref_slice %arg14[%dma_start3A_40, %dma_start3A_41] : memref<10000x64xbf16, #tpu.memory_space<vmem_shared>> -> memref<10000x64xbf16, #tpu.memory_space<vmem_shared>>
      tpu.enqueue_indirect_dma source(%dma_start3A_42 : memref<10000x64xbf16, #tpu.memory_space<vmem_shared>>) target(%arg10 : memref<128x64xbf16, #tpu.memory_space<vmem>>) offsets(%dma_start3A_39 : memref<128xi32, #tpu.memory_space<vmem>>) semaphore(%arg16 : memref<!tpu.dma_semaphore, #tpu.memory_space<semaphore_mem>>)
      %dma_start3A_43 = arith.constant 2 : i32
      %dma_start3A_44 = arith.constant 0 : i32
      %dma_start3A_45 = tpu.memref_slice %arg7[%dma_start3A_43, %dma_start3A_44] : memref<40x128xi32, #tpu.memory_space<vmem>> -> memref<1x128xi32, #tpu.memory_space<vmem>>
      %dma_start3A_46 = tpu.memref_squeeze %dma_start3A_45 : memref<1x128xi32, #tpu.memory_space<vmem>> -> memref<128xi32, #tpu.memory_space<vmem>>
      %dma_start3A_47 = arith.constant 0 : i32
      %dma_start3A_48 = arith.constant 0 : i32
      %dma_start3A_49 = tpu.memref_slice %arg14[%dma_start3A_47, %dma_start3A_48] : memref<10000x64xbf16, #tpu.memory_space<vmem_shared>> -> memref<10000x64xbf16, #tpu.memory_space<vmem_shared>>
      tpu.enqueue_indirect_dma source(%dma_start3A_49 : memref<10000x64xbf16, #tpu.memory_space<vmem_shared>>) target(%arg11 : memref<128x64xbf16, #tpu.memory_space<vmem>>) offsets(%dma_start3A_46 : memref<128xi32, #tpu.memory_space<vmem>>) semaphore(%arg17 : memref<!tpu.dma_semaphore, #tpu.memory_space<semaphore_mem>>)
      %scan3A = arith.constant 0 : i32
      %scan3A_50 = arith.constant 0 : i32
      %scan3A_51 = arith.constant 10 : i32
      %scan3A_52 = arith.addi %scan3A_50, %scan3A_51 : i32
      %scan3A_53 = arith.constant 1 : i32
      scf.for %scan3A_82 = %scan3A_50 to %scan3A_52 step %scan3A_53  : i32 {
        %mul3A_83 = arith.constant 4 : i32
        %mul3A_84 = arith.muli %mul3A_83, %scan3A_82 : i32
        %add3A_85 = arith.constant 0 : i32
        %add3A_86 = arith.addi %mul3A_84, %add3A_85 : i32
        %dma_wait3A_87 = arith.constant 0 : i32
        %dma_wait3A_88 = tpu.memref_slice %arg7[%add3A_86, %dma_wait3A_87] : memref<40x128xi32, #tpu.memory_space<vmem>> -> memref<1x128xi32, #tpu.memory_space<vmem>>
        %dma_wait3A_89 = tpu.memref_squeeze %dma_wait3A_88 : memref<1x128xi32, #tpu.memory_space<vmem>> -> memref<128xi32, #tpu.memory_space<vmem>>
        %dma_wait3A_90 = arith.constant 0 : i32
        %dma_wait3A_91 = arith.constant 0 : i32
        %dma_wait3A_92 = tpu.memref_slice %arg14[%dma_wait3A_90, %dma_wait3A_91] : memref<10000x64xbf16, #tpu.memory_space<vmem_shared>> -> memref<10000x64xbf16, #tpu.memory_space<vmem_shared>>
        tpu.wait_indirect_dma semaphore(%arg15 : memref<!tpu.dma_semaphore, #tpu.memory_space<semaphore_mem>>) src(%dma_wait3A_92 : memref<10000x64xbf16, #tpu.memory_space<vmem_shared>>) dst(%arg9 : memref<128x64xbf16, #tpu.memory_space<vmem>>)
        %dma_start3A_93 = arith.constant 0 : i32
        %dma_start3A_94 = tpu.memref_slice %arg8[%add3A_86, %dma_start3A_93] : memref<40x128xi32, #tpu.memory_space<vmem>> -> memref<1x128xi32, #tpu.memory_space<vmem>>
        %dma_start3A_95 = tpu.memref_squeeze %dma_start3A_94 : memref<1x128xi32, #tpu.memory_space<vmem>> -> memref<128xi32, #tpu.memory_space<vmem>>
        %dma_start3A_96 = arith.constant 0 : i32
        %dma_start3A_97 = arith.constant 0 : i32
        %dma_start3A_98 = tpu.memref_slice %arg13[%dma_start3A_96, %dma_start3A_97] : memref<10240x64xbf16, #tpu.memory_space<vmem_shared>> -> memref<10240x64xbf16, #tpu.memory_space<vmem_shared>>
        tpu.enqueue_indirect_dma source(%arg9 : memref<128x64xbf16, #tpu.memory_space<vmem>>) target(%dma_start3A_98 : memref<10240x64xbf16, #tpu.memory_space<vmem_shared>>) offsets(%dma_start3A_95 : memref<128xi32, #tpu.memory_space<vmem>>) semaphore(%arg19 : memref<!tpu.dma_semaphore, #tpu.memory_space<semaphore_mem>>) {add = true}
        %add3A_99 = arith.constant 4 : i32
        %add3A_100 = arith.addi %add3A_86, %add3A_99 : i32
        %sub3A = arith.constant 1 : i32
        %sub3A_101 = arith.subi %add3A_100, %sub3A : i32
        %lt3A = arith.constant 40 : i32
        %lt3A_102 = arith.cmpi slt, %sub3A_101, %lt3A : i32
        %convert_element_type3A_103 = arith.extui %lt3A_102 : i1 to i32
        %cond3A_104 = arith.constant 0 : i32
        %cond3A_105 = arith.cmpi ne, %convert_element_type3A_103, %cond3A_104 : i32
        scf.if %cond3A_105 {
          %ge3A = arith.constant 1 : i32
          %ge3A_181 = arith.cmpi sge, %add3A_86, %ge3A : i32
          %convert_element_type3A_182 = arith.extui %ge3A_181 : i1 to i32
          %cond3A_183 = arith.constant 0 : i32
          %cond3A_184 = arith.cmpi ne, %convert_element_type3A_182, %cond3A_183 : i32
          scf.if %cond3A_184 {
            %sub3A_195 = arith.constant 1 : i32
            %sub3A_196 = arith.subi %add3A_86, %sub3A_195 : i32
            %dma_wait3A_197 = arith.constant 0 : i32
            %dma_wait3A_198 = tpu.memref_slice %arg8[%sub3A_196, %dma_wait3A_197] : memref<40x128xi32, #tpu.memory_space<vmem>> -> memref<1x128xi32, #tpu.memory_space<vmem>>
            %dma_wait3A_199 = tpu.memref_squeeze %dma_wait3A_198 : memref<1x128xi32, #tpu.memory_space<vmem>> -> memref<128xi32, #tpu.memory_space<vmem>>
            %dma_wait3A_200 = arith.constant 0 : i32
            %dma_wait3A_201 = arith.constant 0 : i32
            %dma_wait3A_202 = tpu.memref_slice %arg13[%dma_wait3A_200, %dma_wait3A_201] : memref<10240x64xbf16, #tpu.memory_space<vmem_shared>> -> memref<10240x64xbf16, #tpu.memory_space<vmem_shared>>
            tpu.wait_indirect_dma semaphore(%arg22 : memref<!tpu.dma_semaphore, #tpu.memory_space<semaphore_mem>>) src(%arg12 : memref<128x64xbf16, #tpu.memory_space<vmem>>) dst(%dma_wait3A_202 : memref<10240x64xbf16, #tpu.memory_space<vmem_shared>>)
          } else {
          }
          %add3A_185 = arith.constant 4 : i32
          %add3A_186 = arith.addi %add3A_86, %add3A_185 : i32
          %sub3A_187 = arith.constant 1 : i32
          %sub3A_188 = arith.subi %add3A_186, %sub3A_187 : i32
          %dma_start3A_189 = arith.constant 0 : i32
          %dma_start3A_190 = tpu.memref_slice %arg7[%sub3A_188, %dma_start3A_189] : memref<40x128xi32, #tpu.memory_space<vmem>> -> memref<1x128xi32, #tpu.memory_space<vmem>>
          %dma_start3A_191 = tpu.memref_squeeze %dma_start3A_190 : memref<1x128xi32, #tpu.memory_space<vmem>> -> memref<128xi32, #tpu.memory_space<vmem>>
          %dma_start3A_192 = arith.constant 0 : i32
          %dma_start3A_193 = arith.constant 0 : i32
          %dma_start3A_194 = tpu.memref_slice %arg14[%dma_start3A_192, %dma_start3A_193] : memref<10000x64xbf16, #tpu.memory_space<vmem_shared>> -> memref<10000x64xbf16, #tpu.memory_space<vmem_shared>>
          tpu.enqueue_indirect_dma source(%dma_start3A_194 : memref<10000x64xbf16, #tpu.memory_space<vmem_shared>>) target(%arg12 : memref<128x64xbf16, #tpu.memory_space<vmem>>) offsets(%dma_start3A_191 : memref<128xi32, #tpu.memory_space<vmem>>) semaphore(%arg18 : memref<!tpu.dma_semaphore, #tpu.memory_space<semaphore_mem>>)
        } else {
        }
        %mul3A_106 = arith.constant 4 : i32
        %mul3A_107 = arith.muli %mul3A_106, %scan3A_82 : i32
        %add3A_108 = arith.constant 1 : i32
        %add3A_109 = arith.addi %mul3A_107, %add3A_108 : i32
        %dma_wait3A_110 = arith.constant 0 : i32
        %dma_wait3A_111 = tpu.memref_slice %arg7[%add3A_109, %dma_wait3A_110] : memref<40x128xi32, #tpu.memory_space<vmem>> -> memref<1x128xi32, #tpu.memory_space<vmem>>
        %dma_wait3A_112 = tpu.memref_squeeze %dma_wait3A_111 : memref<1x128xi32, #tpu.memory_space<vmem>> -> memref<128xi32, #tpu.memory_space<vmem>>
        %dma_wait3A_113 = arith.constant 0 : i32
        %dma_wait3A_114 = arith.constant 0 : i32
        %dma_wait3A_115 = tpu.memref_slice %arg14[%dma_wait3A_113, %dma_wait3A_114] : memref<10000x64xbf16, #tpu.memory_space<vmem_shared>> -> memref<10000x64xbf16, #tpu.memory_space<vmem_shared>>
        tpu.wait_indirect_dma semaphore(%arg16 : memref<!tpu.dma_semaphore, #tpu.memory_space<semaphore_mem>>) src(%dma_wait3A_115 : memref<10000x64xbf16, #tpu.memory_space<vmem_shared>>) dst(%arg10 : memref<128x64xbf16, #tpu.memory_space<vmem>>)
        %dma_start3A_116 = arith.constant 0 : i32
        %dma_start3A_117 = tpu.memref_slice %arg8[%add3A_109, %dma_start3A_116] : memref<40x128xi32, #tpu.memory_space<vmem>> -> memref<1x128xi32, #tpu.memory_space<vmem>>
        %dma_start3A_118 = tpu.memref_squeeze %dma_start3A_117 : memref<1x128xi32, #tpu.memory_space<vmem>> -> memref<128xi32, #tpu.memory_space<vmem>>
        %dma_start3A_119 = arith.constant 0 : i32
        %dma_start3A_120 = arith.constant 0 : i32
        %dma_start3A_121 = tpu.memref_slice %arg13[%dma_start3A_119, %dma_start3A_120] : memref<10240x64xbf16, #tpu.memory_space<vmem_shared>> -> memref<10240x64xbf16, #tpu.memory_space<vmem_shared>>
        tpu.enqueue_indirect_dma source(%arg10 : memref<128x64xbf16, #tpu.memory_space<vmem>>) target(%dma_start3A_121 : memref<10240x64xbf16, #tpu.memory_space<vmem_shared>>) offsets(%dma_start3A_118 : memref<128xi32, #tpu.memory_space<vmem>>) semaphore(%arg20 : memref<!tpu.dma_semaphore, #tpu.memory_space<semaphore_mem>>) {add = true}
        %add3A_122 = arith.constant 4 : i32
        %add3A_123 = arith.addi %add3A_109, %add3A_122 : i32
        %sub3A_124 = arith.constant 1 : i32
        %sub3A_125 = arith.subi %add3A_123, %sub3A_124 : i32
        %lt3A_126 = arith.constant 40 : i32
        %lt3A_127 = arith.cmpi slt, %sub3A_125, %lt3A_126 : i32
        %convert_element_type3A_128 = arith.extui %lt3A_127 : i1 to i32
        %cond3A_129 = arith.constant 0 : i32
        %cond3A_130 = arith.cmpi ne, %convert_element_type3A_128, %cond3A_129 : i32
        scf.if %cond3A_130 {
          %ge3A = arith.constant 1 : i32
          %ge3A_181 = arith.cmpi sge, %add3A_109, %ge3A : i32
          %convert_element_type3A_182 = arith.extui %ge3A_181 : i1 to i32
          %cond3A_183 = arith.constant 0 : i32
          %cond3A_184 = arith.cmpi ne, %convert_element_type3A_182, %cond3A_183 : i32
          scf.if %cond3A_184 {
            %sub3A_195 = arith.constant 1 : i32
            %sub3A_196 = arith.subi %add3A_109, %sub3A_195 : i32
            %dma_wait3A_197 = arith.constant 0 : i32
            %dma_wait3A_198 = tpu.memref_slice %arg8[%sub3A_196, %dma_wait3A_197] : memref<40x128xi32, #tpu.memory_space<vmem>> -> memref<1x128xi32, #tpu.memory_space<vmem>>
            %dma_wait3A_199 = tpu.memref_squeeze %dma_wait3A_198 : memref<1x128xi32, #tpu.memory_space<vmem>> -> memref<128xi32, #tpu.memory_space<vmem>>
            %dma_wait3A_200 = arith.constant 0 : i32
            %dma_wait3A_201 = arith.constant 0 : i32
            %dma_wait3A_202 = tpu.memref_slice %arg13[%dma_wait3A_200, %dma_wait3A_201] : memref<10240x64xbf16, #tpu.memory_space<vmem_shared>> -> memref<10240x64xbf16, #tpu.memory_space<vmem_shared>>
            tpu.wait_indirect_dma semaphore(%arg19 : memref<!tpu.dma_semaphore, #tpu.memory_space<semaphore_mem>>) src(%arg9 : memref<128x64xbf16, #tpu.memory_space<vmem>>) dst(%dma_wait3A_202 : memref<10240x64xbf16, #tpu.memory_space<vmem_shared>>)
          } else {
          }
          %add3A_185 = arith.constant 4 : i32
          %add3A_186 = arith.addi %add3A_109, %add3A_185 : i32
          %sub3A_187 = arith.constant 1 : i32
          %sub3A_188 = arith.subi %add3A_186, %sub3A_187 : i32
          %dma_start3A_189 = arith.constant 0 : i32
          %dma_start3A_190 = tpu.memref_slice %arg7[%sub3A_188, %dma_start3A_189] : memref<40x128xi32, #tpu.memory_space<vmem>> -> memref<1x128xi32, #tpu.memory_space<vmem>>
          %dma_start3A_191 = tpu.memref_squeeze %dma_start3A_190 : memref<1x128xi32, #tpu.memory_space<vmem>> -> memref<128xi32, #tpu.memory_space<vmem>>
          %dma_start3A_192 = arith.constant 0 : i32
          %dma_start3A_193 = arith.constant 0 : i32
          %dma_start3A_194 = tpu.memref_slice %arg14[%dma_start3A_192, %dma_start3A_193] : memref<10000x64xbf16, #tpu.memory_space<vmem_shared>> -> memref<10000x64xbf16, #tpu.memory_space<vmem_shared>>
          tpu.enqueue_indirect_dma source(%dma_start3A_194 : memref<10000x64xbf16, #tpu.memory_space<vmem_shared>>) target(%arg9 : memref<128x64xbf16, #tpu.memory_space<vmem>>) offsets(%dma_start3A_191 : memref<128xi32, #tpu.memory_space<vmem>>) semaphore(%arg15 : memref<!tpu.dma_semaphore, #tpu.memory_space<semaphore_mem>>)
        } else {
        }
        %mul3A_131 = arith.constant 4 : i32
        %mul3A_132 = arith.muli %mul3A_131, %scan3A_82 : i32
        %add3A_133 = arith.constant 2 : i32
        %add3A_134 = arith.addi %mul3A_132, %add3A_133 : i32
        %dma_wait3A_135 = arith.constant 0 : i32
        %dma_wait3A_136 = tpu.memref_slice %arg7[%add3A_134, %dma_wait3A_135] : memref<40x128xi32, #tpu.memory_space<vmem>> -> memref<1x128xi32, #tpu.memory_space<vmem>>
        %dma_wait3A_137 = tpu.memref_squeeze %dma_wait3A_136 : memref<1x128xi32, #tpu.memory_space<vmem>> -> memref<128xi32, #tpu.memory_space<vmem>>
        %dma_wait3A_138 = arith.constant 0 : i32
        %dma_wait3A_139 = arith.constant 0 : i32
        %dma_wait3A_140 = tpu.memref_slice %arg14[%dma_wait3A_138, %dma_wait3A_139] : memref<10000x64xbf16, #tpu.memory_space<vmem_shared>> -> memref<10000x64xbf16, #tpu.memory_space<vmem_shared>>
        tpu.wait_indirect_dma semaphore(%arg17 : memref<!tpu.dma_semaphore, #tpu.memory_space<semaphore_mem>>) src(%dma_wait3A_140 : memref<10000x64xbf16, #tpu.memory_space<vmem_shared>>) dst(%arg11 : memref<128x64xbf16, #tpu.memory_space<vmem>>)
        %dma_start3A_141 = arith.constant 0 : i32
        %dma_start3A_142 = tpu.memref_slice %arg8[%add3A_134, %dma_start3A_141] : memref<40x128xi32, #tpu.memory_space<vmem>> -> memref<1x128xi32, #tpu.memory_space<vmem>>
        %dma_start3A_143 = tpu.memref_squeeze %dma_start3A_142 : memref<1x128xi32, #tpu.memory_space<vmem>> -> memref<128xi32, #tpu.memory_space<vmem>>
        %dma_start3A_144 = arith.constant 0 : i32
        %dma_start3A_145 = arith.constant 0 : i32
        %dma_start3A_146 = tpu.memref_slice %arg13[%dma_start3A_144, %dma_start3A_145] : memref<10240x64xbf16, #tpu.memory_space<vmem_shared>> -> memref<10240x64xbf16, #tpu.memory_space<vmem_shared>>
        tpu.enqueue_indirect_dma source(%arg11 : memref<128x64xbf16, #tpu.memory_space<vmem>>) target(%dma_start3A_146 : memref<10240x64xbf16, #tpu.memory_space<vmem_shared>>) offsets(%dma_start3A_143 : memref<128xi32, #tpu.memory_space<vmem>>) semaphore(%arg21 : memref<!tpu.dma_semaphore, #tpu.memory_space<semaphore_mem>>) {add = true}
        %add3A_147 = arith.constant 4 : i32
        %add3A_148 = arith.addi %add3A_134, %add3A_147 : i32
        %sub3A_149 = arith.constant 1 : i32
        %sub3A_150 = arith.subi %add3A_148, %sub3A_149 : i32
        %lt3A_151 = arith.constant 40 : i32
        %lt3A_152 = arith.cmpi slt, %sub3A_150, %lt3A_151 : i32
        %convert_element_type3A_153 = arith.extui %lt3A_152 : i1 to i32
        %cond3A_154 = arith.constant 0 : i32
        %cond3A_155 = arith.cmpi ne, %convert_element_type3A_153, %cond3A_154 : i32
        scf.if %cond3A_155 {
          %ge3A = arith.constant 1 : i32
          %ge3A_181 = arith.cmpi sge, %add3A_134, %ge3A : i32
          %convert_element_type3A_182 = arith.extui %ge3A_181 : i1 to i32
          %cond3A_183 = arith.constant 0 : i32
          %cond3A_184 = arith.cmpi ne, %convert_element_type3A_182, %cond3A_183 : i32
          scf.if %cond3A_184 {
            %sub3A_195 = arith.constant 1 : i32
            %sub3A_196 = arith.subi %add3A_134, %sub3A_195 : i32
            %dma_wait3A_197 = arith.constant 0 : i32
            %dma_wait3A_198 = tpu.memref_slice %arg8[%sub3A_196, %dma_wait3A_197] : memref<40x128xi32, #tpu.memory_space<vmem>> -> memref<1x128xi32, #tpu.memory_space<vmem>>
            %dma_wait3A_199 = tpu.memref_squeeze %dma_wait3A_198 : memref<1x128xi32, #tpu.memory_space<vmem>> -> memref<128xi32, #tpu.memory_space<vmem>>
            %dma_wait3A_200 = arith.constant 0 : i32
            %dma_wait3A_201 = arith.constant 0 : i32
            %dma_wait3A_202 = tpu.memref_slice %arg13[%dma_wait3A_200, %dma_wait3A_201] : memref<10240x64xbf16, #tpu.memory_space<vmem_shared>> -> memref<10240x64xbf16, #tpu.memory_space<vmem_shared>>
            tpu.wait_indirect_dma semaphore(%arg20 : memref<!tpu.dma_semaphore, #tpu.memory_space<semaphore_mem>>) src(%arg10 : memref<128x64xbf16, #tpu.memory_space<vmem>>) dst(%dma_wait3A_202 : memref<10240x64xbf16, #tpu.memory_space<vmem_shared>>)
          } else {
          }
          %add3A_185 = arith.constant 4 : i32
          %add3A_186 = arith.addi %add3A_134, %add3A_185 : i32
          %sub3A_187 = arith.constant 1 : i32
          %sub3A_188 = arith.subi %add3A_186, %sub3A_187 : i32
          %dma_start3A_189 = arith.constant 0 : i32
          %dma_start3A_190 = tpu.memref_slice %arg7[%sub3A_188, %dma_start3A_189] : memref<40x128xi32, #tpu.memory_space<vmem>> -> memref<1x128xi32, #tpu.memory_space<vmem>>
          %dma_start3A_191 = tpu.memref_squeeze %dma_start3A_190 : memref<1x128xi32, #tpu.memory_space<vmem>> -> memref<128xi32, #tpu.memory_space<vmem>>
          %dma_start3A_192 = arith.constant 0 : i32
          %dma_start3A_193 = arith.constant 0 : i32
          %dma_start3A_194 = tpu.memref_slice %arg14[%dma_start3A_192, %dma_start3A_193] : memref<10000x64xbf16, #tpu.memory_space<vmem_shared>> -> memref<10000x64xbf16, #tpu.memory_space<vmem_shared>>
          tpu.enqueue_indirect_dma source(%dma_start3A_194 : memref<10000x64xbf16, #tpu.memory_space<vmem_shared>>) target(%arg10 : memref<128x64xbf16, #tpu.memory_space<vmem>>) offsets(%dma_start3A_191 : memref<128xi32, #tpu.memory_space<vmem>>) semaphore(%arg16 : memref<!tpu.dma_semaphore, #tpu.memory_space<semaphore_mem>>)
        } else {
        }
        %mul3A_156 = arith.constant 4 : i32
        %mul3A_157 = arith.muli %mul3A_156, %scan3A_82 : i32
        %add3A_158 = arith.constant 3 : i32
        %add3A_159 = arith.addi %mul3A_157, %add3A_158 : i32
        %dma_wait3A_160 = arith.constant 0 : i32
        %dma_wait3A_161 = tpu.memref_slice %arg7[%add3A_159, %dma_wait3A_160] : memref<40x128xi32, #tpu.memory_space<vmem>> -> memref<1x128xi32, #tpu.memory_space<vmem>>
        %dma_wait3A_162 = tpu.memref_squeeze %dma_wait3A_161 : memref<1x128xi32, #tpu.memory_space<vmem>> -> memref<128xi32, #tpu.memory_space<vmem>>
        %dma_wait3A_163 = arith.constant 0 : i32
        %dma_wait3A_164 = arith.constant 0 : i32
        %dma_wait3A_165 = tpu.memref_slice %arg14[%dma_wait3A_163, %dma_wait3A_164] : memref<10000x64xbf16, #tpu.memory_space<vmem_shared>> -> memref<10000x64xbf16, #tpu.memory_space<vmem_shared>>
        tpu.wait_indirect_dma semaphore(%arg18 : memref<!tpu.dma_semaphore, #tpu.memory_space<semaphore_mem>>) src(%dma_wait3A_165 : memref<10000x64xbf16, #tpu.memory_space<vmem_shared>>) dst(%arg12 : memref<128x64xbf16, #tpu.memory_space<vmem>>)
        %dma_start3A_166 = arith.constant 0 : i32
        %dma_start3A_167 = tpu.memref_slice %arg8[%add3A_159, %dma_start3A_166] : memref<40x128xi32, #tpu.memory_space<vmem>> -> memref<1x128xi32, #tpu.memory_space<vmem>>
        %dma_start3A_168 = tpu.memref_squeeze %dma_start3A_167 : memref<1x128xi32, #tpu.memory_space<vmem>> -> memref<128xi32, #tpu.memory_space<vmem>>
        %dma_start3A_169 = arith.constant 0 : i32
        %dma_start3A_170 = arith.constant 0 : i32
        %dma_start3A_171 = tpu.memref_slice %arg13[%dma_start3A_169, %dma_start3A_170] : memref<10240x64xbf16, #tpu.memory_space<vmem_shared>> -> memref<10240x64xbf16, #tpu.memory_space<vmem_shared>>
        tpu.enqueue_indirect_dma source(%arg12 : memref<128x64xbf16, #tpu.memory_space<vmem>>) target(%dma_start3A_171 : memref<10240x64xbf16, #tpu.memory_space<vmem_shared>>) offsets(%dma_start3A_168 : memref<128xi32, #tpu.memory_space<vmem>>) semaphore(%arg22 : memref<!tpu.dma_semaphore, #tpu.memory_space<semaphore_mem>>) {add = true}
        %add3A_172 = arith.constant 4 : i32
        %add3A_173 = arith.addi %add3A_159, %add3A_172 : i32
        %sub3A_174 = arith.constant 1 : i32
        %sub3A_175 = arith.subi %add3A_173, %sub3A_174 : i32
        %lt3A_176 = arith.constant 40 : i32
        %lt3A_177 = arith.cmpi slt, %sub3A_175, %lt3A_176 : i32
        %convert_element_type3A_178 = arith.extui %lt3A_177 : i1 to i32
        %cond3A_179 = arith.constant 0 : i32
        %cond3A_180 = arith.cmpi ne, %convert_element_type3A_178, %cond3A_179 : i32
        scf.if %cond3A_180 {
          %ge3A = arith.constant 1 : i32
          %ge3A_181 = arith.cmpi sge, %add3A_159, %ge3A : i32
          %convert_element_type3A_182 = arith.extui %ge3A_181 : i1 to i32
          %cond3A_183 = arith.constant 0 : i32
          %cond3A_184 = arith.cmpi ne, %convert_element_type3A_182, %cond3A_183 : i32
          scf.if %cond3A_184 {
            %sub3A_195 = arith.constant 1 : i32
            %sub3A_196 = arith.subi %add3A_159, %sub3A_195 : i32
            %dma_wait3A_197 = arith.constant 0 : i32
            %dma_wait3A_198 = tpu.memref_slice %arg8[%sub3A_196, %dma_wait3A_197] : memref<40x128xi32, #tpu.memory_space<vmem>> -> memref<1x128xi32, #tpu.memory_space<vmem>>
            %dma_wait3A_199 = tpu.memref_squeeze %dma_wait3A_198 : memref<1x128xi32, #tpu.memory_space<vmem>> -> memref<128xi32, #tpu.memory_space<vmem>>
            %dma_wait3A_200 = arith.constant 0 : i32
            %dma_wait3A_201 = arith.constant 0 : i32
            %dma_wait3A_202 = tpu.memref_slice %arg13[%dma_wait3A_200, %dma_wait3A_201] : memref<10240x64xbf16, #tpu.memory_space<vmem_shared>> -> memref<10240x64xbf16, #tpu.memory_space<vmem_shared>>
            tpu.wait_indirect_dma semaphore(%arg21 : memref<!tpu.dma_semaphore, #tpu.memory_space<semaphore_mem>>) src(%arg11 : memref<128x64xbf16, #tpu.memory_space<vmem>>) dst(%dma_wait3A_202 : memref<10240x64xbf16, #tpu.memory_space<vmem_shared>>)
          } else {
          }
          %add3A_185 = arith.constant 4 : i32
          %add3A_186 = arith.addi %add3A_159, %add3A_185 : i32
          %sub3A_187 = arith.constant 1 : i32
          %sub3A_188 = arith.subi %add3A_186, %sub3A_187 : i32
          %dma_start3A_189 = arith.constant 0 : i32
          %dma_start3A_190 = tpu.memref_slice %arg7[%sub3A_188, %dma_start3A_189] : memref<40x128xi32, #tpu.memory_space<vmem>> -> memref<1x128xi32, #tpu.memory_space<vmem>>
          %dma_start3A_191 = tpu.memref_squeeze %dma_start3A_190 : memref<1x128xi32, #tpu.memory_space<vmem>> -> memref<128xi32, #tpu.memory_space<vmem>>
          %dma_start3A_192 = arith.constant 0 : i32
          %dma_start3A_193 = arith.constant 0 : i32
          %dma_start3A_194 = tpu.memref_slice %arg14[%dma_start3A_192, %dma_start3A_193] : memref<10000x64xbf16, #tpu.memory_space<vmem_shared>> -> memref<10000x64xbf16, #tpu.memory_space<vmem_shared>>
          tpu.enqueue_indirect_dma source(%dma_start3A_194 : memref<10000x64xbf16, #tpu.memory_space<vmem_shared>>) target(%arg11 : memref<128x64xbf16, #tpu.memory_space<vmem>>) offsets(%dma_start3A_191 : memref<128xi32, #tpu.memory_space<vmem>>) semaphore(%arg17 : memref<!tpu.dma_semaphore, #tpu.memory_space<semaphore_mem>>)
        } else {
        }
      }
      %scan3A_54 = arith.constant 10 : i32
      %dma_wait3A = arith.constant 36 : i32
      %dma_wait3A_55 = arith.constant 0 : i32
      %dma_wait3A_56 = tpu.memref_slice %arg8[%dma_wait3A, %dma_wait3A_55] : memref<40x128xi32, #tpu.memory_space<vmem>> -> memref<1x128xi32, #tpu.memory_space<vmem>>
      %dma_wait3A_57 = tpu.memref_squeeze %dma_wait3A_56 : memref<1x128xi32, #tpu.memory_space<vmem>> -> memref<128xi32, #tpu.memory_space<vmem>>
      %dma_wait3A_58 = arith.constant 0 : i32
      %dma_wait3A_59 = arith.constant 0 : i32
      %dma_wait3A_60 = tpu.memref_slice %arg13[%dma_wait3A_58, %dma_wait3A_59] : memref<10240x64xbf16, #tpu.memory_space<vmem_shared>> -> memref<10240x64xbf16, #tpu.memory_space<vmem_shared>>
      tpu.wait_indirect_dma semaphore(%arg19 : memref<!tpu.dma_semaphore, #tpu.memory_space<semaphore_mem>>) src(%arg9 : memref<128x64xbf16, #tpu.memory_space<vmem>>) dst(%dma_wait3A_60 : memref<10240x64xbf16, #tpu.memory_space<vmem_shared>>)
      %dma_wait3A_61 = arith.constant 37 : i32
      %dma_wait3A_62 = arith.constant 0 : i32
      %dma_wait3A_63 = tpu.memref_slice %arg8[%dma_wait3A_61, %dma_wait3A_62] : memref<40x128xi32, #tpu.memory_space<vmem>> -> memref<1x128xi32, #tpu.memory_space<vmem>>
      %dma_wait3A_64 = tpu.memref_squeeze %dma_wait3A_63 : memref<1x128xi32, #tpu.memory_space<vmem>> -> memref<128xi32, #tpu.memory_space<vmem>>
      %dma_wait3A_65 = arith.constant 0 : i32
      %dma_wait3A_66 = arith.constant 0 : i32
      %dma_wait3A_67 = tpu.memref_slice %arg13[%dma_wait3A_65, %dma_wait3A_66] : memref<10240x64xbf16, #tpu.memory_space<vmem_shared>> -> memref<10240x64xbf16, #tpu.memory_space<vmem_shared>>
      tpu.wait_indirect_dma semaphore(%arg20 : memref<!tpu.dma_semaphore, #tpu.memory_space<semaphore_mem>>) src(%arg10 : memref<128x64xbf16, #tpu.memory_space<vmem>>) dst(%dma_wait3A_67 : memref<10240x64xbf16, #tpu.memory_space<vmem_shared>>)
      %dma_wait3A_68 = arith.constant 38 : i32
      %dma_wait3A_69 = arith.constant 0 : i32
      %dma_wait3A_70 = tpu.memref_slice %arg8[%dma_wait3A_68, %dma_wait3A_69] : memref<40x128xi32, #tpu.memory_space<vmem>> -> memref<1x128xi32, #tpu.memory_space<vmem>>
      %dma_wait3A_71 = tpu.memref_squeeze %dma_wait3A_70 : memref<1x128xi32, #tpu.memory_space<vmem>> -> memref<128xi32, #tpu.memory_space<vmem>>
      %dma_wait3A_72 = arith.constant 0 : i32
      %dma_wait3A_73 = arith.constant 0 : i32
      %dma_wait3A_74 = tpu.memref_slice %arg13[%dma_wait3A_72, %dma_wait3A_73] : memref<10240x64xbf16, #tpu.memory_space<vmem_shared>> -> memref<10240x64xbf16, #tpu.memory_space<vmem_shared>>
      tpu.wait_indirect_dma semaphore(%arg21 : memref<!tpu.dma_semaphore, #tpu.memory_space<semaphore_mem>>) src(%arg11 : memref<128x64xbf16, #tpu.memory_space<vmem>>) dst(%dma_wait3A_74 : memref<10240x64xbf16, #tpu.memory_space<vmem_shared>>)
      %dma_wait3A_75 = arith.constant 39 : i32
      %dma_wait3A_76 = arith.constant 0 : i32
      %dma_wait3A_77 = tpu.memref_slice %arg8[%dma_wait3A_75, %dma_wait3A_76] : memref<40x128xi32, #tpu.memory_space<vmem>> -> memref<1x128xi32, #tpu.memory_space<vmem>>
      %dma_wait3A_78 = tpu.memref_squeeze %dma_wait3A_77 : memref<1x128xi32, #tpu.memory_space<vmem>> -> memref<128xi32, #tpu.memory_space<vmem>>
      %dma_wait3A_79 = arith.constant 0 : i32
      %dma_wait3A_80 = arith.constant 0 : i32
      %dma_wait3A_81 = tpu.memref_slice %arg13[%dma_wait3A_79, %dma_wait3A_80] : memref<10240x64xbf16, #tpu.memory_space<vmem_shared>> -> memref<10240x64xbf16, #tpu.memory_space<vmem_shared>>
      tpu.wait_indirect_dma semaphore(%arg22 : memref<!tpu.dma_semaphore, #tpu.memory_space<semaphore_mem>>) src(%arg12 : memref<128x64xbf16, #tpu.memory_space<vmem>>) dst(%dma_wait3A_81 : memref<10240x64xbf16, #tpu.memory_space<vmem_shared>>)
    } else {
    }
    %barrier3A_25 = arith.constant 0 : index
    tpu.barrier barrier_id(%barrier3A_25)
    %mul3A_26 = arith.constant 640 : i32
    %mul3A_27 = arith.muli %arg1, %mul3A_26 : i32
    %mul3A_28 = arith.constant 640 : i32
    %mul3A_29 = arith.muli %arg1, %mul3A_28 : i32
    "tpu.region"() ({
      %run_scoped3A = tpu.sem_alloc : memref<!tpu.dma_semaphore, #tpu.memory_space<semaphore_mem>>
      %dma_start3A = arith.constant 0 : i32
      %dma_start3A_30 = tpu.memref_slice %arg6[%arg0, %mul3A_29, %dma_start3A] : memref<2x10240x64xbf16, #tpu.memory_space<hbm>> -> memref<1x640x64xbf16, #tpu.memory_space<hbm>>
      %dma_start3A_31 = tpu.memref_squeeze %dma_start3A_30 : memref<1x640x64xbf16, #tpu.memory_space<hbm>> -> memref<640x64xbf16, #tpu.memory_space<hbm>>
      %dma_start3A_32 = arith.constant 0 : i32
      %dma_start3A_33 = tpu.memref_slice %arg13[%mul3A_27, %dma_start3A_32] : memref<10240x64xbf16, #tpu.memory_space<vmem_shared>> -> memref<640x64xbf16, #tpu.memory_space<vmem_shared>>
      tpu.enqueue_dma source(%dma_start3A_33 : memref<640x64xbf16, #tpu.memory_space<vmem_shared>>) target(%dma_start3A_31 : memref<640x64xbf16, #tpu.memory_space<hbm>>) target_semaphore(%run_scoped3A : memref<!tpu.dma_semaphore, #tpu.memory_space<semaphore_mem>>)
      %dma_wait3A = arith.constant 0 : i32
      %dma_wait3A_34 = tpu.memref_slice %arg6[%arg0, %mul3A_29, %dma_wait3A] : memref<2x10240x64xbf16, #tpu.memory_space<hbm>> -> memref<1x640x64xbf16, #tpu.memory_space<hbm>>
      %dma_wait3A_35 = tpu.memref_squeeze %dma_wait3A_34 : memref<1x640x64xbf16, #tpu.memory_space<hbm>> -> memref<640x64xbf16, #tpu.memory_space<hbm>>
      %dma_wait3A_36 = arith.constant 0 : i32
      %dma_wait3A_37 = tpu.memref_slice %arg13[%mul3A_27, %dma_wait3A_36] : memref<10240x64xbf16, #tpu.memory_space<vmem_shared>> -> memref<640x64xbf16, #tpu.memory_space<vmem_shared>>
      tpu.wait_dma2 semaphore(%run_scoped3A : memref<!tpu.dma_semaphore, #tpu.memory_space<semaphore_mem>>) src(%dma_wait3A_37 : memref<640x64xbf16, #tpu.memory_space<vmem_shared>>) dst(%dma_wait3A_35 : memref<640x64xbf16, #tpu.memory_space<hbm>>)
      tpu.yield
    }) : () -> ()
    return
  }
}

module attributes {stable_mosaic.version = 14 : i64} {
  func.func @_mm_body(%arg0: i32, %arg1: memref<2000x256xf32, #tpu.memory_space<vmem>>, %arg2: memref<256x64xf32, #tpu.memory_space<vmem>>, %arg3: memref<2000x64xf32, #tpu.memory_space<vmem>>) attributes {dimension_semantics = [#tpu.dimension_semantics<arbitrary>], iteration_bounds = array<i64: 5>, scalar_prefetch = 0 : i64, scratch_operands = 0 : i64, tpu.core_type = #tpu.core_type<tc>, window_params = [{transform_indices = @transform_0, window_bounds = array<i64: 2000, 256>}, {pipeline_mode = #tpu.pipeline_mode<synchronous>, transform_indices = @transform_1, window_bounds = array<i64: 256, 64>}, {transform_indices = @transform_2, window_bounds = array<i64: 2000, 64>}]} {
    %get3A = arith.constant 0 : index
    %get3A_0 = arith.constant 0 : index
    %get3A_1 = vector.load %arg1[%get3A, %get3A_0] : memref<2000x256xf32, #tpu.memory_space<vmem>>, vector<2000x256xf32>
    %get3A_2 = arith.constant 0 : index
    %get3A_3 = arith.constant 0 : index
    %get3A_4 = vector.load %arg2[%get3A_2, %get3A_3] : memref<256x64xf32, #tpu.memory_space<vmem>>, vector<256x64xf32>
    %dot_general3A = arith.constant dense<0.000000e+00> : vector<2000x64xf32>
    %dot_general3A_5 = tpu.matmul %get3A_1, %get3A_4, %dot_general3A {dimension_numbers = #tpu.dot_dimension_numbers<[1], [0], [0], [1], [0, 0, 1, 1], [], []>, transpose_lhs_hint = false} : vector<2000x256xf32>, vector<256x64xf32>, vector<2000x64xf32> -> vector<2000x64xf32>
    %swap3A = arith.constant 0 : index
    %swap3A_6 = arith.constant 0 : index
    %swap3A_7 = vector.load %arg3[%swap3A, %swap3A_6] : memref<2000x64xf32, #tpu.memory_space<vmem>>, vector<2000x64xf32>
    tpu.vector_store %arg3[%swap3A, %swap3A_6], %dot_general3A_5 {strides = array<i32>} : memref<2000x64xf32, #tpu.memory_space<vmem>>, vector<2000x64xf32>,
    return
  }
  func.func @transform_0(%arg0: i32) -> (i32, i32) {
    %c0_i32 = arith.constant 0 : i32
    %c0_i32_0 = arith.constant 0 : i32
    return %arg0, %c0_i32 : i32, i32
  }
  func.func @transform_1(%arg0: i32) -> (i32, i32) {
    %c0_i32 = arith.constant 0 : i32
    %c0_i32_0 = arith.constant 0 : i32
    %c0_i32_1 = arith.constant 0 : i32
    return %c0_i32, %c0_i32_0 : i32, i32
  }
  func.func @transform_2(%arg0: i32) -> (i32, i32) {
    %c0_i32 = arith.constant 0 : i32
    %c0_i32_0 = arith.constant 0 : i32
    return %arg0, %c0_i32 : i32, i32
  }
}

module attributes {stable_mosaic.version = 14 : i64} {
  func.func @_dinv_body(%arg0: i32, %arg1: memref<2x2000x16xf32, #tpu.memory_space<vmem>>, %arg2: memref<2000x64xf32, #tpu.memory_space<vmem>>, %arg3: memref<2000x1xf32, #tpu.memory_space<vmem>>, %arg4: memref<2000x64xbf16, #tpu.memory_space<vmem>>) attributes {dimension_semantics = [#tpu.dimension_semantics<arbitrary>], iteration_bounds = array<i64: 5>, scalar_prefetch = 0 : i64, scratch_operands = 0 : i64, tpu.core_type = #tpu.core_type<tc>, window_params = [{transform_indices = @transform_0, window_bounds = array<i64: 2, 2000, 16>}, {transform_indices = @transform_1, window_bounds = array<i64: 2000, 64>}, {transform_indices = @transform_2, window_bounds = array<i64: 2000, 1>}, {transform_indices = @transform_3, window_bounds = array<i64: 2000, 64>}]} {
    %get3A = arith.constant 0 : index
    %get3A_0 = arith.constant 0 : index
    %get3A_1 = arith.constant 0 : index
    %get3A_2 = vector.load %arg1[%get3A, %get3A_0, %get3A_1] : memref<2x2000x16xf32, #tpu.memory_space<vmem>>, vector<1x2000x1xf32>
    %get3A_3 = vector.shape_cast %get3A_2 : vector<1x2000x1xf32> to vector<2000x1xf32>
    %get3A_4 = arith.constant 1 : index
    %get3A_5 = arith.constant 0 : index
    %get3A_6 = arith.constant 0 : index
    %get3A_7 = vector.load %arg1[%get3A_4, %get3A_5, %get3A_6] : memref<2x2000x16xf32, #tpu.memory_space<vmem>>, vector<1x2000x1xf32>
    %get3A_8 = vector.shape_cast %get3A_7 : vector<1x2000x1xf32> to vector<2000x1xf32>
    %add3A = arith.addf %get3A_3, %get3A_8 : vector<2000x1xf32>
    %add3A_9 = arith.constant 1.000000e+00 : f32
    %add3A_10 = vector.broadcast %add3A_9 : f32 to vector<2000x1xf32>
    %add3A_11 = arith.addf %add3A, %add3A_10 : vector<2000x1xf32>
    %rsqrt3A = math.rsqrt %add3A_11 : vector<2000x1xf32>
    %swap3A = arith.constant 0 : index
    %swap3A_12 = arith.constant 0 : index
    %swap3A_13 = vector.load %arg3[%swap3A, %swap3A_12] : memref<2000x1xf32, #tpu.memory_space<vmem>>, vector<2000x1xf32>
    tpu.vector_store %arg3[%swap3A, %swap3A_12], %rsqrt3A {strides = array<i32>} : memref<2000x1xf32, #tpu.memory_space<vmem>>, vector<2000x1xf32>,
    %get3A_14 = arith.constant 0 : index
    %get3A_15 = arith.constant 0 : index
    %get3A_16 = vector.load %arg2[%get3A_14, %get3A_15] : memref<2000x64xf32, #tpu.memory_space<vmem>>, vector<2000x64xf32>
    %mul3A = vector.broadcast %rsqrt3A : vector<2000x1xf32> to vector<2000x64xf32>
    %mul3A_17 = arith.mulf %get3A_16, %mul3A : vector<2000x64xf32>
    %convert_element_type3A = arith.truncf %mul3A_17 : vector<2000x64xf32> to vector<2000x64xbf16>
    %swap3A_18 = arith.constant 0 : index
    %swap3A_19 = arith.constant 0 : index
    %swap3A_20 = vector.load %arg4[%swap3A_18, %swap3A_19] : memref<2000x64xbf16, #tpu.memory_space<vmem>>, vector<2000x64xbf16>
    tpu.vector_store %arg4[%swap3A_18, %swap3A_19], %convert_element_type3A {strides = array<i32>} : memref<2000x64xbf16, #tpu.memory_space<vmem>>, vector<2000x64xbf16>,
    return
  }
  func.func @transform_0(%arg0: i32) -> (i32, i32, i32) {
    %c0_i32 = arith.constant 0 : i32
    %c0_i32_0 = arith.constant 0 : i32
    %c0_i32_1 = arith.constant 0 : i32
    return %c0_i32, %arg0, %c0_i32_0 : i32, i32, i32
  }
  func.func @transform_1(%arg0: i32) -> (i32, i32) {
    %c0_i32 = arith.constant 0 : i32
    %c0_i32_0 = arith.constant 0 : i32
    return %arg0, %c0_i32 : i32, i32
  }
  func.func @transform_2(%arg0: i32) -> (i32, i32) {
    %c0_i32 = arith.constant 0 : i32
    %c0_i32_0 = arith.constant 0 : i32
    return %arg0, %c0_i32 : i32, i32
  }
  func.func @transform_3(%arg0: i32) -> (i32, i32) {
    %c0_i32 = arith.constant 0 : i32
    %c0_i32_0 = arith.constant 0 : i32
    return %arg0, %c0_i32 : i32, i32
  }
}

module attributes {stable_mosaic.version = 14 : i64} {
  func.func @_junction_body(%arg0: i32, %arg1: memref<2x2000x64xbf16, #tpu.memory_space<vmem>>, %arg2: memref<2000x64xf32, #tpu.memory_space<vmem>>, %arg3: memref<2000x1xf32, #tpu.memory_space<vmem>>, %arg4: memref<1x64xf32, #tpu.memory_space<vmem>>, %arg5: memref<64x128xf32, #tpu.memory_space<vmem>>, %arg6: memref<2000x128xf32, #tpu.memory_space<vmem>>, %arg7: memref<2000x128xbf16, #tpu.memory_space<vmem>>) attributes {dimension_semantics = [#tpu.dimension_semantics<arbitrary>], iteration_bounds = array<i64: 5>, scalar_prefetch = 0 : i64, scratch_operands = 0 : i64, tpu.core_type = #tpu.core_type<tc>, window_params = [{transform_indices = @transform_0, window_bounds = array<i64: 2, 2000, 64>}, {transform_indices = @transform_1, window_bounds = array<i64: 2000, 64>}, {transform_indices = @transform_2, window_bounds = array<i64: 2000, 1>}, {pipeline_mode = #tpu.pipeline_mode<synchronous>, transform_indices = @transform_3, window_bounds = array<i64: 1, 64>}, {pipeline_mode = #tpu.pipeline_mode<synchronous>, transform_indices = @transform_4, window_bounds = array<i64: 64, 128>}, {transform_indices = @transform_5, window_bounds = array<i64: 2000, 128>}, {transform_indices = @transform_6, window_bounds = array<i64: 2000, 128>}]} {
    %get3A = arith.constant 0 : index
    %get3A_0 = arith.constant 0 : index
    %get3A_1 = vector.load %arg3[%get3A, %get3A_0] : memref<2000x1xf32, #tpu.memory_space<vmem>>, vector<2000x1xf32>
    %get3A_2 = arith.constant 0 : index
    %get3A_3 = arith.constant 0 : index
    %get3A_4 = arith.constant 0 : index
    %get3A_5 = vector.load %arg1[%get3A_2, %get3A_3, %get3A_4] : memref<2x2000x64xbf16, #tpu.memory_space<vmem>>, vector<1x2000x64xbf16>
    %get3A_6 = vector.shape_cast %get3A_5 : vector<1x2000x64xbf16> to vector<2000x64xbf16>
    %convert_element_type3A = arith.extf %get3A_6 : vector<2000x64xbf16> to vector<2000x64xf32>
    %get3A_7 = arith.constant 1 : index
    %get3A_8 = arith.constant 0 : index
    %get3A_9 = arith.constant 0 : index
    %get3A_10 = vector.load %arg1[%get3A_7, %get3A_8, %get3A_9] : memref<2x2000x64xbf16, #tpu.memory_space<vmem>>, vector<1x2000x64xbf16>
    %get3A_11 = vector.shape_cast %get3A_10 : vector<1x2000x64xbf16> to vector<2000x64xbf16>
    %convert_element_type3A_12 = arith.extf %get3A_11 : vector<2000x64xbf16> to vector<2000x64xf32>
    %add3A = arith.addf %convert_element_type3A, %convert_element_type3A_12 : vector<2000x64xf32>
    %mul3A = vector.broadcast %get3A_1 : vector<2000x1xf32> to vector<2000x64xf32>
    %mul3A_13 = arith.mulf %add3A, %mul3A : vector<2000x64xf32>
    %get3A_14 = arith.constant 0 : index
    %get3A_15 = arith.constant 0 : index
    %get3A_16 = vector.load %arg2[%get3A_14, %get3A_15] : memref<2000x64xf32, #tpu.memory_space<vmem>>, vector<2000x64xf32>
    %mul3A_17 = arith.mulf %get3A_1, %get3A_1 : vector<2000x1xf32>
    %mul3A_18 = vector.broadcast %mul3A_17 : vector<2000x1xf32> to vector<2000x64xf32>
    %mul3A_19 = arith.mulf %get3A_16, %mul3A_18 : vector<2000x64xf32>
    %add3A_20 = arith.addf %mul3A_13, %mul3A_19 : vector<2000x64xf32>
    %get3A_21 = arith.constant 0 : index
    %get3A_22 = arith.constant 0 : index
    %get3A_23 = vector.load %arg4[%get3A_21, %get3A_22] : memref<1x64xf32, #tpu.memory_space<vmem>>, vector<1x64xf32>
    %add3A_24 = vector.broadcast %get3A_23 : vector<1x64xf32> to vector<2000x64xf32>
    %add3A_25 = arith.addf %add3A_20, %add3A_24 : vector<2000x64xf32>
    %max3A = arith.constant 0.000000e+00 : f32
    %max3A_26 = vector.broadcast %max3A : f32 to vector<2000x64xf32>
    %max3A_27 = arith.maximumf %add3A_25, %max3A_26 : vector<2000x64xf32>
    %get3A_28 = arith.constant 0 : index
    %get3A_29 = arith.constant 0 : index
    %get3A_30 = vector.load %arg5[%get3A_28, %get3A_29] : memref<64x128xf32, #tpu.memory_space<vmem>>, vector<64x128xf32>
    %dot_general3A = arith.constant dense<0.000000e+00> : vector<2000x128xf32>
    %dot_general3A_31 = tpu.matmul %max3A_27, %get3A_30, %dot_general3A {dimension_numbers = #tpu.dot_dimension_numbers<[1], [0], [0], [1], [0, 0, 1, 1], [], []>, transpose_lhs_hint = false} : vector<2000x64xf32>, vector<64x128xf32>, vector<2000x128xf32> -> vector<2000x128xf32>
    %swap3A = arith.constant 0 : index
    %swap3A_32 = arith.constant 0 : index
    %swap3A_33 = vector.load %arg6[%swap3A, %swap3A_32] : memref<2000x128xf32, #tpu.memory_space<vmem>>, vector<2000x128xf32>
    tpu.vector_store %arg6[%swap3A, %swap3A_32], %dot_general3A_31 {strides = array<i32>} : memref<2000x128xf32, #tpu.memory_space<vmem>>, vector<2000x128xf32>,
    %mul3A_34 = vector.broadcast %get3A_1 : vector<2000x1xf32> to vector<2000x128xf32>
    %mul3A_35 = arith.mulf %dot_general3A_31, %mul3A_34 : vector<2000x128xf32>
    %convert_element_type3A_36 = arith.truncf %mul3A_35 : vector<2000x128xf32> to vector<2000x128xbf16>
    %swap3A_37 = arith.constant 0 : index
    %swap3A_38 = arith.constant 0 : index
    %swap3A_39 = vector.load %arg7[%swap3A_37, %swap3A_38] : memref<2000x128xbf16, #tpu.memory_space<vmem>>, vector<2000x128xbf16>
    tpu.vector_store %arg7[%swap3A_37, %swap3A_38], %convert_element_type3A_36 {strides = array<i32>} : memref<2000x128xbf16, #tpu.memory_space<vmem>>, vector<2000x128xbf16>,
    return
  }
  func.func @transform_0(%arg0: i32) -> (i32, i32, i32) {
    %c0_i32 = arith.constant 0 : i32
    %c0_i32_0 = arith.constant 0 : i32
    %c0_i32_1 = arith.constant 0 : i32
    return %c0_i32, %arg0, %c0_i32_0 : i32, i32, i32
  }
  func.func @transform_1(%arg0: i32) -> (i32, i32) {
    %c0_i32 = arith.constant 0 : i32
    %c0_i32_0 = arith.constant 0 : i32
    return %arg0, %c0_i32 : i32, i32
  }
  func.func @transform_2(%arg0: i32) -> (i32, i32) {
    %c0_i32 = arith.constant 0 : i32
    %c0_i32_0 = arith.constant 0 : i32
    return %arg0, %c0_i32 : i32, i32
  }
  func.func @transform_3(%arg0: i32) -> (i32, i32) {
    %c0_i32 = arith.constant 0 : i32
    %c0_i32_0 = arith.constant 0 : i32
    %c0_i32_1 = arith.constant 0 : i32
    return %c0_i32, %c0_i32_0 : i32, i32
  }
  func.func @transform_4(%arg0: i32) -> (i32, i32) {
    %c0_i32 = arith.constant 0 : i32
    %c0_i32_0 = arith.constant 0 : i32
    %c0_i32_1 = arith.constant 0 : i32
    return %c0_i32, %c0_i32_0 : i32, i32
  }
  func.func @transform_5(%arg0: i32) -> (i32, i32) {
    %c0_i32 = arith.constant 0 : i32
    %c0_i32_0 = arith.constant 0 : i32
    return %arg0, %c0_i32 : i32, i32
  }
  func.func @transform_6(%arg0: i32) -> (i32, i32) {
    %c0_i32 = arith.constant 0 : i32
    %c0_i32_0 = arith.constant 0 : i32
    return %arg0, %c0_i32 : i32, i32
  }
}

module attributes {stable_mosaic.version = 14 : i64} {
  func.func @_junction_body(%arg0: i32, %arg1: memref<2x2000x128xbf16, #tpu.memory_space<vmem>>, %arg2: memref<2000x128xf32, #tpu.memory_space<vmem>>, %arg3: memref<2000x1xf32, #tpu.memory_space<vmem>>, %arg4: memref<1x128xf32, #tpu.memory_space<vmem>>, %arg5: memref<128x64xf32, #tpu.memory_space<vmem>>, %arg6: memref<2000x64xf32, #tpu.memory_space<vmem>>, %arg7: memref<2000x64xbf16, #tpu.memory_space<vmem>>) attributes {dimension_semantics = [#tpu.dimension_semantics<arbitrary>], iteration_bounds = array<i64: 5>, scalar_prefetch = 0 : i64, scratch_operands = 0 : i64, tpu.core_type = #tpu.core_type<tc>, window_params = [{transform_indices = @transform_0, window_bounds = array<i64: 2, 2000, 128>}, {transform_indices = @transform_1, window_bounds = array<i64: 2000, 128>}, {transform_indices = @transform_2, window_bounds = array<i64: 2000, 1>}, {pipeline_mode = #tpu.pipeline_mode<synchronous>, transform_indices = @transform_3, window_bounds = array<i64: 1, 128>}, {pipeline_mode = #tpu.pipeline_mode<synchronous>, transform_indices = @transform_4, window_bounds = array<i64: 128, 64>}, {transform_indices = @transform_5, window_bounds = array<i64: 2000, 64>}, {transform_indices = @transform_6, window_bounds = array<i64: 2000, 64>}]} {
    %get3A = arith.constant 0 : index
    %get3A_0 = arith.constant 0 : index
    %get3A_1 = vector.load %arg3[%get3A, %get3A_0] : memref<2000x1xf32, #tpu.memory_space<vmem>>, vector<2000x1xf32>
    %get3A_2 = arith.constant 0 : index
    %get3A_3 = arith.constant 0 : index
    %get3A_4 = arith.constant 0 : index
    %get3A_5 = vector.load %arg1[%get3A_2, %get3A_3, %get3A_4] : memref<2x2000x128xbf16, #tpu.memory_space<vmem>>, vector<1x2000x128xbf16>
    %get3A_6 = vector.shape_cast %get3A_5 : vector<1x2000x128xbf16> to vector<2000x128xbf16>
    %convert_element_type3A = arith.extf %get3A_6 : vector<2000x128xbf16> to vector<2000x128xf32>
    %get3A_7 = arith.constant 1 : index
    %get3A_8 = arith.constant 0 : index
    %get3A_9 = arith.constant 0 : index
    %get3A_10 = vector.load %arg1[%get3A_7, %get3A_8, %get3A_9] : memref<2x2000x128xbf16, #tpu.memory_space<vmem>>, vector<1x2000x128xbf16>
    %get3A_11 = vector.shape_cast %get3A_10 : vector<1x2000x128xbf16> to vector<2000x128xbf16>
    %convert_element_type3A_12 = arith.extf %get3A_11 : vector<2000x128xbf16> to vector<2000x128xf32>
    %add3A = arith.addf %convert_element_type3A, %convert_element_type3A_12 : vector<2000x128xf32>
    %mul3A = vector.broadcast %get3A_1 : vector<2000x1xf32> to vector<2000x128xf32>
    %mul3A_13 = arith.mulf %add3A, %mul3A : vector<2000x128xf32>
    %get3A_14 = arith.constant 0 : index
    %get3A_15 = arith.constant 0 : index
    %get3A_16 = vector.load %arg2[%get3A_14, %get3A_15] : memref<2000x128xf32, #tpu.memory_space<vmem>>, vector<2000x128xf32>
    %mul3A_17 = arith.mulf %get3A_1, %get3A_1 : vector<2000x1xf32>
    %mul3A_18 = vector.broadcast %mul3A_17 : vector<2000x1xf32> to vector<2000x128xf32>
    %mul3A_19 = arith.mulf %get3A_16, %mul3A_18 : vector<2000x128xf32>
    %add3A_20 = arith.addf %mul3A_13, %mul3A_19 : vector<2000x128xf32>
    %get3A_21 = arith.constant 0 : index
    %get3A_22 = arith.constant 0 : index
    %get3A_23 = vector.load %arg4[%get3A_21, %get3A_22] : memref<1x128xf32, #tpu.memory_space<vmem>>, vector<1x128xf32>
    %add3A_24 = vector.broadcast %get3A_23 : vector<1x128xf32> to vector<2000x128xf32>
    %add3A_25 = arith.addf %add3A_20, %add3A_24 : vector<2000x128xf32>
    %max3A = arith.constant 0.000000e+00 : f32
    %max3A_26 = vector.broadcast %max3A : f32 to vector<2000x128xf32>
    %max3A_27 = arith.maximumf %add3A_25, %max3A_26 : vector<2000x128xf32>
    %get3A_28 = arith.constant 0 : index
    %get3A_29 = arith.constant 0 : index
    %get3A_30 = vector.load %arg5[%get3A_28, %get3A_29] : memref<128x64xf32, #tpu.memory_space<vmem>>, vector<128x64xf32>
    %dot_general3A = arith.constant dense<0.000000e+00> : vector<2000x64xf32>
    %dot_general3A_31 = tpu.matmul %max3A_27, %get3A_30, %dot_general3A {dimension_numbers = #tpu.dot_dimension_numbers<[1], [0], [0], [1], [0, 0, 1, 1], [], []>, transpose_lhs_hint = false} : vector<2000x128xf32>, vector<128x64xf32>, vector<2000x64xf32> -> vector<2000x64xf32>
    %swap3A = arith.constant 0 : index
    %swap3A_32 = arith.constant 0 : index
    %swap3A_33 = vector.load %arg6[%swap3A, %swap3A_32] : memref<2000x64xf32, #tpu.memory_space<vmem>>, vector<2000x64xf32>
    tpu.vector_store %arg6[%swap3A, %swap3A_32], %dot_general3A_31 {strides = array<i32>} : memref<2000x64xf32, #tpu.memory_space<vmem>>, vector<2000x64xf32>,
    %mul3A_34 = vector.broadcast %get3A_1 : vector<2000x1xf32> to vector<2000x64xf32>
    %mul3A_35 = arith.mulf %dot_general3A_31, %mul3A_34 : vector<2000x64xf32>
    %convert_element_type3A_36 = arith.truncf %mul3A_35 : vector<2000x64xf32> to vector<2000x64xbf16>
    %swap3A_37 = arith.constant 0 : index
    %swap3A_38 = arith.constant 0 : index
    %swap3A_39 = vector.load %arg7[%swap3A_37, %swap3A_38] : memref<2000x64xbf16, #tpu.memory_space<vmem>>, vector<2000x64xbf16>
    tpu.vector_store %arg7[%swap3A_37, %swap3A_38], %convert_element_type3A_36 {strides = array<i32>} : memref<2000x64xbf16, #tpu.memory_space<vmem>>, vector<2000x64xbf16>,
    return
  }
  func.func @transform_0(%arg0: i32) -> (i32, i32, i32) {
    %c0_i32 = arith.constant 0 : i32
    %c0_i32_0 = arith.constant 0 : i32
    %c0_i32_1 = arith.constant 0 : i32
    return %c0_i32, %arg0, %c0_i32_0 : i32, i32, i32
  }
  func.func @transform_1(%arg0: i32) -> (i32, i32) {
    %c0_i32 = arith.constant 0 : i32
    %c0_i32_0 = arith.constant 0 : i32
    return %arg0, %c0_i32 : i32, i32
  }
  func.func @transform_2(%arg0: i32) -> (i32, i32) {
    %c0_i32 = arith.constant 0 : i32
    %c0_i32_0 = arith.constant 0 : i32
    return %arg0, %c0_i32 : i32, i32
  }
  func.func @transform_3(%arg0: i32) -> (i32, i32) {
    %c0_i32 = arith.constant 0 : i32
    %c0_i32_0 = arith.constant 0 : i32
    %c0_i32_1 = arith.constant 0 : i32
    return %c0_i32, %c0_i32_0 : i32, i32
  }
  func.func @transform_4(%arg0: i32) -> (i32, i32) {
    %c0_i32 = arith.constant 0 : i32
    %c0_i32_0 = arith.constant 0 : i32
    %c0_i32_1 = arith.constant 0 : i32
    return %c0_i32, %c0_i32_0 : i32, i32
  }
  func.func @transform_5(%arg0: i32) -> (i32, i32) {
    %c0_i32 = arith.constant 0 : i32
    %c0_i32_0 = arith.constant 0 : i32
    return %arg0, %c0_i32 : i32, i32
  }
  func.func @transform_6(%arg0: i32) -> (i32, i32) {
    %c0_i32 = arith.constant 0 : i32
    %c0_i32_0 = arith.constant 0 : i32
    return %arg0, %c0_i32 : i32, i32
  }
}

module attributes {stable_mosaic.version = 14 : i64} {
  func.func @_final_body(%arg0: i32, %arg1: memref<2x2000x64xbf16, #tpu.memory_space<vmem>>, %arg2: memref<2000x64xf32, #tpu.memory_space<vmem>>, %arg3: memref<2000x1xf32, #tpu.memory_space<vmem>>, %arg4: memref<1x64xf32, #tpu.memory_space<vmem>>, %arg5: memref<64x40xf32, #tpu.memory_space<vmem>>, %arg6: memref<1x40xf32, #tpu.memory_space<vmem>>, %arg7: memref<2000x40xf32, #tpu.memory_space<vmem>>) attributes {dimension_semantics = [#tpu.dimension_semantics<arbitrary>], iteration_bounds = array<i64: 5>, scalar_prefetch = 0 : i64, scratch_operands = 0 : i64, tpu.core_type = #tpu.core_type<tc>, window_params = [{transform_indices = @transform_0, window_bounds = array<i64: 2, 2000, 64>}, {transform_indices = @transform_1, window_bounds = array<i64: 2000, 64>}, {transform_indices = @transform_2, window_bounds = array<i64: 2000, 1>}, {pipeline_mode = #tpu.pipeline_mode<synchronous>, transform_indices = @transform_3, window_bounds = array<i64: 1, 64>}, {pipeline_mode = #tpu.pipeline_mode<synchronous>, transform_indices = @transform_4, window_bounds = array<i64: 64, 40>}, {pipeline_mode = #tpu.pipeline_mode<synchronous>, transform_indices = @transform_5, window_bounds = array<i64: 1, 40>}, {transform_indices = @transform_6, window_bounds = array<i64: 2000, 40>}]} {
    %get3A = arith.constant 0 : index
    %get3A_0 = arith.constant 0 : index
    %get3A_1 = vector.load %arg3[%get3A, %get3A_0] : memref<2000x1xf32, #tpu.memory_space<vmem>>, vector<2000x1xf32>
    %get3A_2 = arith.constant 0 : index
    %get3A_3 = arith.constant 0 : index
    %get3A_4 = arith.constant 0 : index
    %get3A_5 = vector.load %arg1[%get3A_2, %get3A_3, %get3A_4] : memref<2x2000x64xbf16, #tpu.memory_space<vmem>>, vector<1x2000x64xbf16>
    %get3A_6 = vector.shape_cast %get3A_5 : vector<1x2000x64xbf16> to vector<2000x64xbf16>
    %convert_element_type3A = arith.extf %get3A_6 : vector<2000x64xbf16> to vector<2000x64xf32>
    %get3A_7 = arith.constant 1 : index
    %get3A_8 = arith.constant 0 : index
    %get3A_9 = arith.constant 0 : index
    %get3A_10 = vector.load %arg1[%get3A_7, %get3A_8, %get3A_9] : memref<2x2000x64xbf16, #tpu.memory_space<vmem>>, vector<1x2000x64xbf16>
    %get3A_11 = vector.shape_cast %get3A_10 : vector<1x2000x64xbf16> to vector<2000x64xbf16>
    %convert_element_type3A_12 = arith.extf %get3A_11 : vector<2000x64xbf16> to vector<2000x64xf32>
    %add3A = arith.addf %convert_element_type3A, %convert_element_type3A_12 : vector<2000x64xf32>
    %mul3A = vector.broadcast %get3A_1 : vector<2000x1xf32> to vector<2000x64xf32>
    %mul3A_13 = arith.mulf %add3A, %mul3A : vector<2000x64xf32>
    %get3A_14 = arith.constant 0 : index
    %get3A_15 = arith.constant 0 : index
    %get3A_16 = vector.load %arg2[%get3A_14, %get3A_15] : memref<2000x64xf32, #tpu.memory_space<vmem>>, vector<2000x64xf32>
    %mul3A_17 = arith.mulf %get3A_1, %get3A_1 : vector<2000x1xf32>
    %mul3A_18 = vector.broadcast %mul3A_17 : vector<2000x1xf32> to vector<2000x64xf32>
    %mul3A_19 = arith.mulf %get3A_16, %mul3A_18 : vector<2000x64xf32>
    %add3A_20 = arith.addf %mul3A_13, %mul3A_19 : vector<2000x64xf32>
    %get3A_21 = arith.constant 0 : index
    %get3A_22 = arith.constant 0 : index
    %get3A_23 = vector.load %arg4[%get3A_21, %get3A_22] : memref<1x64xf32, #tpu.memory_space<vmem>>, vector<1x64xf32>
    %add3A_24 = vector.broadcast %get3A_23 : vector<1x64xf32> to vector<2000x64xf32>
    %add3A_25 = arith.addf %add3A_20, %add3A_24 : vector<2000x64xf32>
    %max3A = arith.constant 0.000000e+00 : f32
    %max3A_26 = vector.broadcast %max3A : f32 to vector<2000x64xf32>
    %max3A_27 = arith.maximumf %add3A_25, %max3A_26 : vector<2000x64xf32>
    %get3A_28 = arith.constant 0 : index
    %get3A_29 = arith.constant 0 : index
    %get3A_30 = vector.load %arg5[%get3A_28, %get3A_29] : memref<64x40xf32, #tpu.memory_space<vmem>>, vector<64x40xf32>
    %dot_general3A = arith.constant dense<0.000000e+00> : vector<2000x40xf32>
    %dot_general3A_31 = tpu.matmul %max3A_27, %get3A_30, %dot_general3A {dimension_numbers = #tpu.dot_dimension_numbers<[1], [0], [0], [1], [0, 0, 1, 1], [], []>, transpose_lhs_hint = false} : vector<2000x64xf32>, vector<64x40xf32>, vector<2000x40xf32> -> vector<2000x40xf32>
    %get3A_32 = arith.constant 0 : index
    %get3A_33 = arith.constant 0 : index
    %get3A_34 = vector.load %arg6[%get3A_32, %get3A_33] : memref<1x40xf32, #tpu.memory_space<vmem>>, vector<1x40xf32>
    %add3A_35 = vector.broadcast %get3A_34 : vector<1x40xf32> to vector<2000x40xf32>
    %add3A_36 = arith.addf %dot_general3A_31, %add3A_35 : vector<2000x40xf32>
    %reduce_max3A = arith.constant dense<0xFF800000> : vector<2000xf32>
    %reduce_max3A_37 = vector.multi_reduction <maximumf>, %add3A_36, %reduce_max3A [1] : vector<2000x40xf32> to vector<2000xf32>
    %broadcast_in_dim3A = vector.shape_cast %reduce_max3A_37 : vector<2000xf32> to vector<2000x1xf32>
    %sub3A = vector.broadcast %broadcast_in_dim3A : vector<2000x1xf32> to vector<2000x40xf32>
    %sub3A_38 = arith.subf %add3A_36, %sub3A : vector<2000x40xf32>
    %exp3A = math.exp %sub3A_38 : vector<2000x40xf32>
    %reduce_sum3A = arith.constant dense<0.000000e+00> : vector<2000xf32>
    %reduce_sum3A_39 = vector.multi_reduction <add>, %exp3A, %reduce_sum3A [1] : vector<2000x40xf32> to vector<2000xf32>
    %broadcast_in_dim3A_40 = vector.shape_cast %reduce_sum3A_39 : vector<2000xf32> to vector<2000x1xf32>
    %log3A = math.log %broadcast_in_dim3A_40 : vector<2000x1xf32>
    %add3A_41 = arith.addf %log3A, %broadcast_in_dim3A : vector<2000x1xf32>
    %sub3A_42 = vector.broadcast %add3A_41 : vector<2000x1xf32> to vector<2000x40xf32>
    %sub3A_43 = arith.subf %add3A_36, %sub3A_42 : vector<2000x40xf32>
    %swap3A = arith.constant 0 : index
    %swap3A_44 = arith.constant 0 : index
    %swap3A_45 = vector.load %arg7[%swap3A, %swap3A_44] : memref<2000x40xf32, #tpu.memory_space<vmem>>, vector<2000x40xf32>
    tpu.vector_store %arg7[%swap3A, %swap3A_44], %sub3A_43 {strides = array<i32>} : memref<2000x40xf32, #tpu.memory_space<vmem>>, vector<2000x40xf32>,
    return
  }
  func.func @transform_0(%arg0: i32) -> (i32, i32, i32) {
    %c0_i32 = arith.constant 0 : i32
    %c0_i32_0 = arith.constant 0 : i32
    %c0_i32_1 = arith.constant 0 : i32
    return %c0_i32, %arg0, %c0_i32_0 : i32, i32, i32
  }
  func.func @transform_1(%arg0: i32) -> (i32, i32) {
    %c0_i32 = arith.constant 0 : i32
    %c0_i32_0 = arith.constant 0 : i32
    return %arg0, %c0_i32 : i32, i32
  }
  func.func @transform_2(%arg0: i32) -> (i32, i32) {
    %c0_i32 = arith.constant 0 : i32
    %c0_i32_0 = arith.constant 0 : i32
    return %arg0, %c0_i32 : i32, i32
  }
  func.func @transform_3(%arg0: i32) -> (i32, i32) {
    %c0_i32 = arith.constant 0 : i32
    %c0_i32_0 = arith.constant 0 : i32
    %c0_i32_1 = arith.constant 0 : i32
    return %c0_i32, %c0_i32_0 : i32, i32
  }
  func.func @transform_4(%arg0: i32) -> (i32, i32) {
    %c0_i32 = arith.constant 0 : i32
    %c0_i32_0 = arith.constant 0 : i32
    %c0_i32_1 = arith.constant 0 : i32
    return %c0_i32, %c0_i32_0 : i32, i32
  }
  func.func @transform_5(%arg0: i32) -> (i32, i32) {
    %c0_i32 = arith.constant 0 : i32
    %c0_i32_0 = arith.constant 0 : i32
    %c0_i32_1 = arith.constant 0 : i32
    return %c0_i32, %c0_i32_0 : i32, i32
  }
  func.func @transform_6(%arg0: i32) -> (i32, i32) {
    %c0_i32 = arith.constant 0 : i32
    %c0_i32_0 = arith.constant 0 : i32
    return %arg0, %c0_i32 : i32, i32
  }
}

</mosaic_0001>

<sc_bundles>
// kernel: kernel.11.cloned.1.call-start
scs
__scs_entry_jumppad:
0x0: {  	(pc) =	sbr.rel $0x88, $3  }
0x1: {  	(tag) =	ssettag $0x0;
	lr =	simm.s32 $0x1  }
0x2: {  	[smem:$0x3F97] =	sst lr;
	_ =	strace $0xD0000000  }
0x3: {  	_ = 	snop  }
0x4: {  	_ = 	snop  }
0x5: {  	_ = 	snop  }
0x6: {  	_ = 	snop  }
0x7: {  	_ = 	snop  }
__scs_overlays_trampoline_lowered:
0x8: {  	[smem:$0x3FA6] =	sst s0  }
0x9: {  	[smem:$0x3FA7] =	sst s1  }
0xa: {  	[smem:$0x3FA8] =	sst s2  }
0xb: {  	[smem:$0x3FA9] =	sst s3  }
0xc: {  	[smem:$0x3FAA] =	sst s4  }
0xd: {  	[smem:$0x3FAB] =	sst s5  }
0xe: {  	[smem:$0x3FAC] =	sst s6  }
0xf: {  	[smem:$0x3FAD] =	sst s7  }
0x10: {  	[smem:$0x3FAE] =	sst s8  }
0x11: {  	[smem:$0x3FAF] =	sst s9;
	s0 =	simm.s32 @!p0 $0x0  }
0x12: {  	s1 =	sld [smem:$0x3F95];
	s0 =	simm.s32 @p0 $0x1  }
0x13: {  	[smem:$0x3FB0] =	sst s0;
	s0 =	simm.s32 @!p1 $0x0  }
0x14: {  	s2 =	sld [smem:$0x3F94];
	s0 =	simm.s32 @p1 $0x1  }
0x15: {  	[smem:$0x3FB1] =	sst s0;
	s0 =	simm.s32 @!p2 $0x0  }
0x16: {  	s3 =	sld [smem:$0x3FDB];
	s0 =	simm.s32 @p2 $0x1  }
0x17: {  	s4 =	simm.s32 $0x1BF5;
	[smem:$0x3FB3] =	sst s0  }
0x18: {  	s0 =	sld [smem:$0x3F96];
	_ =	swait.ge [sflag:s4], $0x0  }
0x19: {  	s7 =	sld [smem:$0x3F97]  }
0x1a: {  	s8 =	sadd.s32 $0xFFFFE003, lr  }
0x1b: {  	s9 =	sadd.s32 $0xFFFFFEF7, lr;
	s5 =	simm.s32 $0xFFFFFFFF;
	p2 =	slt.u32 s8, $0xFFFFF086  }
0x1c: {  	p1 =	slt.u32 s9, $0xF7A;
	s5 =	simm.s32 @!p2 $0x0  }
0x1d: {  	s5 =	simm.s32 @p1 $0x1;
	p0 =	seq.s32 s7, s2  }
0x1e: {  	s7 =	smul.u32 @!p0 $0xF7A, s2;
	p2 =	seq.s32 @!p0 s5, $0x0  }
0x1f: {  	s9 =	smul.u32 $0xF7A, s1;
	s8 =	simm.s32 @!p0 $0x1BF5;
	p2 =	por !p2, p0  }
0x20: {  	[sflag:s8] =	ssyncset.s32 @!p0 $0xFFFFF086;
	s6 =	sadd.s32 @!p0 s3, s7;
	s7 =	simm.s32 @!p0 $0x108  }
0x21: {  	s3 =	sadd.s32 s3, s9;
	s6 =	sadd.s32 @!p0 $0x88, s6;
	s7 =	simm.s32 @p2 $0x1082  }
0x22: {  	[simem:s7], [sflag:s8] =	dma.local @!p0 [hbm:s6], $0xF7A  }
0x23: {  	s9 =	sor.u32 $0xD0000000, s2;
	s6 =	simm.s32 $0x108;
	_ =	swait.ge @!p0 [sflag:s8], $0x0  }
0x24: {  	s3 =	sadd.s32 $0x88, s3;
	s6 =	simm.s32 @!p1 $0x1082;
	[sflag:s4] =	ssyncset.s32 $0xFFFFF086  }
0x25: {  	[simem:s6], [sflag:s4] =	dma.local [hbm:s3], $0xF7A  }
0x26: {  	[smem:$0x3F97] =	sst s1;
	(tag) =	ssettag s2;
	_ =	strace s9  }
0x27: {  	s1 =	sld [smem:$0x3FA7]  }
0x28: {  	s2 =	sld [smem:$0x3FA8]  }
0x29: {  	s4 =	sld [smem:$0x3FAA]  }
0x2a: {  	p0 =	seq.s32 s5, $0x0;
	s5 =	sld [smem:$0x3FAB]  }
0x2b: {  	s6 =	sld [smem:$0x3FAC]  }
0x2c: {  	s7 =	sld [smem:$0x3FAD]  }
0x2d: {  	s3 =	simm.s32 $0x108;
	s8 =	sld [smem:$0x3FAE]  }
0x2e: {  	s3 =	simm.s32 @!p0 $0x1082;
	s9 =	sld [smem:$0x3FAF]  }
0x2f: {  	lr =	sadd.s32 s0, s3;
	s0 =	sld [smem:$0x3FA6]  }
0x30: {  	s3 =	sld [smem:$0x3FA9]  }
0x31: {  	[smem:$0x3FB2] =	sst s10  }
0x32: {  	s10 =	sld [smem:$0x3FB0];
	_ =	sdelay $0x3  }
0x33: {  	p0 =	seq.s32 s10, $0x1;
	s10 =	sld [smem:$0x3FB2];
	_ =	sdelay $0x3  }
0x34: {  	[smem:$0x3FB2] =	sst s10  }
0x35: {  	s10 =	sld [smem:$0x3FB1];
	_ =	sdelay $0x3  }
0x36: {  	p1 =	seq.s32 s10, $0x1;
	s10 =	sld [smem:$0x3FB2];
	_ =	sdelay $0x3  }
0x37: {  	[smem:$0x3FB2] =	sst s10  }
0x38: {  	s10 =	sld [smem:$0x3FB3]  }
0x39: {  	_ = 	snop;
	(pc) =	sbr.ind lr, $3  }
0x3a: {  	_ = 	snop  }
0x3b: {  	_ = 	snop  }
0x3c: {  	p2 =	seq.s32 s10, $0x1;
	s10 =	sld [smem:$0x3FB2]  }
0x3d: {  	_ =	shalt  }
0x3e: {  	_ =	shalt  }
0x3f: {  	_ =	shalt  }
0x40: {  	_ =	shalt  }
0x41: {  	_ =	shalt  }
0x42: {  	_ =	shalt  }
0x43: {  	_ =	shalt  }
0x44: {  	_ =	shalt  }
0x45: {  	_ =	shalt  }
0x46: {  	_ =	shalt  }
0x47: {  	_ =	shalt  }
0x48: {  	_ =	shalt  }
0x49: {  	_ =	shalt  }
0x4a: {  	_ =	shalt  }
0x4b: {  	_ =	shalt  }
0x4c: {  	_ =	shalt  }
0x4d: {  	_ =	shalt  }
0x4e: {  	_ =	shalt  }
0x4f: {  	_ =	shalt  }
0x50: {  	_ =	shalt  }
0x51: {  	_ =	shalt  }
0x52: {  	_ =	shalt  }
0x53: {  	_ =	shalt  }
0x54: {  	_ =	shalt  }
0x55: {  	_ =	shalt  }
0x56: {  	_ =	shalt  }
0x57: {  	_ =	shalt  }
0x58: {  	_ =	shalt  }
0x59: {  	_ =	shalt  }
0x5a: {  	_ =	shalt  }
0x5b: {  	_ =	shalt  }
0x5c: {  	_ =	shalt  }
0x5d: {  	_ =	shalt  }
0x5e: {  	_ =	shalt  }
0x5f: {  	_ =	shalt  }
0x60: {  	_ =	shalt  }
0x61: {  	_ =	shalt  }
0x62: {  	_ =	shalt  }
0x63: {  	_ =	shalt  }
0x64: {  	_ =	shalt  }
0x65: {  	_ =	shalt  }
0x66: {  	_ =	shalt  }
0x67: {  	_ =	shalt  }
0x68: {  	_ =	shalt  }
0x69: {  	_ =	shalt  }
0x6a: {  	_ =	shalt  }
0x6b: {  	_ =	shalt  }
0x6c: {  	_ =	shalt  }
0x6d: {  	_ =	shalt  }
0x6e: {  	_ =	shalt  }
0x6f: {  	_ =	shalt  }
0x70: {  	_ =	shalt  }
0x71: {  	_ =	shalt  }
0x72: {  	_ =	shalt  }
0x73: {  	_ =	shalt  }
0x74: {  	_ =	shalt  }
0x75: {  	_ =	shalt  }
0x76: {  	_ =	shalt  }
0x77: {  	_ =	shalt  }
0x78: {  	_ =	shalt  }
0x79: {  	_ =	shalt  }
0x7a: {  	_ =	shalt  }
0x7b: {  	_ =	shalt  }
0x7c: {  	_ =	shalt  }
0x7d: {  	_ =	shalt  }
0x7e: {  	_ =	shalt  }
0x7f: {  	_ =	shalt  }
0x80: {  	_ =	shalt  }
0x81: {  	_ =	shalt  }
0x82: {  	_ =	shalt  }
0x83: {  	_ =	shalt  }
0x84: {  	_ =	shalt  }
0x85: {  	_ =	shalt  }
0x86: {  	_ =	shalt  }
0x87: {  	_ =	shalt  }
.Lfunc_end0:
.L_simem_size_0:
called_computation_lowered:
.L_overlay_start_0:
0x88: {  	s2 =	sld [smem:$0x3FD9]  }
0x89: {  	s3 =	sld [smem:$0x3FFE];
	_ =	sdelay $0x1  }
0x8a: {  	s1 =	srdreg.scid  }
0x8b: {  	s0 =	sand.u32 $0x1, s1  }
0x8c: {  	s17 =	sshll.u32 s0, $0xA;
	s2 =	sadd.s32 s3, s2  }
0x8d: {  	s2 =	sadd.s32 s2, s17  }
0x8e: {  	[smem:$0x3FBE] =	sst s2  }
0x8f: {  	_ = 	snop  }
0x90: {  	s2 =	sld [smem:$0x3FD0];
	(tm) =	ssettm $0x1  }
0x91: {  	s18 =	sld [smem:$0x3FFB];
	_ =	sdelay $0x3  }
0x92: {  	_ =	strace s18  }
0x93: {  	s3 =	sld [smem:$0x3FFC];
	_ =	sdelay $0x3  }
0x94: {  	_ =	strace s3  }
0x95: {  	s3 =	sld [smem:$0x3FFD];
	_ =	sdelay $0x3  }
0x96: {  	_ =	strace s3  }
0x97: {  	_ =	strace $0x8FFFFFFF  }
0x98: {  	s19 =	sld [smem:$0x3FDB];
	_ =	sdelay $0x1  }
0x99: {  	s4 =	simm.s32 $_scs_section_size  }
0x9a: {  	s5 =	simm.s32 $_size__tile_overlayer_lowered;
	s6 =	simm.s32 $_tile_overlayer_lowered  }
0x9b: {  	s22 =	simm.s32 $0x1BFF;
	s21 =	sshll.u32 s6, $0x1;
	s3 =	sadd.s32 s4, s19  }
0x9c: {  	s7 =	simm.s32 $0x0;
	s20 =	sshll.u32 s5, $0x1;
	s5 =	sadd.s32 s21, s3  }
0x9d: {  	[timem:s7], [sflag:s22] =	dma.local [hbm:s5], s20  }
0x9e: {  	_ =	swait.ge [sflag:s22], s20  }
0x9f: {  	s4 =	ssub.s32 $0x0, s20;
	[sflag:s22] =	ssyncset.done $0x0  }
0xa0: {  	[sflag:s22] =	ssyncadd.s32 s4;
	_ =	sdelay $0x1  }
0xa1: {  	s23 =	simm.s32 $0x1B8B  }
0xa2: {  	_ =	swait.ge [sflag:s23], $0x1  }
0xa3: {  	[sflag:s23] =	ssyncset.done $0x0  }
0xa4: {  	s25 =	simm.s32 $0x1B8E;
	s24 =	sld [smem:$0x3FFE];
	[sflag:s23] =	ssyncadd.s32 $0xFFFFFFFF  }
0xa5: {  	s26 =	simm.s32 $execute0_lowered;
	[smem:$0x3FD2] =	sst s25  }
0xa6: {  	s5 =	sshll.u32 s26, $0x1;
	_ =	strace $0x80000046;
	[dreg:$0x1] =	wrdreg $0xFFFFFFFF  }
0xa7: {  	s28 =	simm.s32 $_size_execute0_lowered;
	s3 =	sadd.s32 s3, s5;
	[dreg:$0x0] =	wrdreg $0x0  }
0xa8: {  	s5 =	sshll.u32 s28, $0x1;
	[dreg:$0x2] =	wrdreg s3  }
0xa9: {  	[dreg:$0x3] =	wrdreg s5  }
0xaa: {  	[dreg:$0x4] =	wrdreg $0xC0  }
0xab: {  	_ =	task [dreg:s7], $0x5FFFF  }
0xac: {  	[dreg:$0x1] =	wrdreg $0xFFFFFFFF  }
0xad: {  	[dreg:$0x0] =	wrdreg $0x60  }
0xae: {  	[dreg:$0x2] =	wrdreg s24  }
0xaf: {  	[dreg:$0x3] =	wrdreg s2  }
0xb0: {  	[dreg:$0x4] =	wrdreg $0x1C000  }
0xb1: {  	[dreg:$0x5] =	wrdreg $0x9  }
0xb2: {  	_ =	task.clear_ibuf [dreg:s7], $0x6FFFF;
	_ =	strace $0x90000046  }
0xb3: {  	s29 =	simm.s32 $0x9;
	_ =	strace $0x80000048  }
0xb4: {  	_ =	swait.ge [sflag:s29], $0x1  }
0xb5: {  	[sflag:s29] =	ssyncadd.s32 $0xFFFFFFFF  }
0xb6: {  	_ =	strace $0x90000048  }
0xb7: {  	_ =	sfence  }
0xb8: {  	s30 =	sld [smem:$0x0];
	_ =	sdelay $0x2  }
0xb9: {  	s31 =	sshll.u32 s1, $0xD;
	s1 =	sshrl.u32 s1, $0x2  }
0xba: {  	s3 =	sand.u32 $0x4000, s31;
	s1 =	sadd.s32 s1, s30  }
0xbb: {  	s0 =	sor.u32 s3, s0;
	s1 =	sshll.u32 s1, $0x11  }
0xbc: {  	s0 =	sor.u32 s1, s0  }
0xbd: {  	s0 =	sadd.s32 $0x8F2B, s0  }
0xbe: {  	[sflag:s0] =	ssyncadd.remote.s32 $0x1  }
0xbf: {  	_ =	sfence.sel $0xFFFF  }
0xc0: {  	[dreg:$0x0] =	wrdreg $0xFFFFFFFF;
	(pc) =	sbr.abs _section_cstart, $3  }
0xc1: {  	[dreg:$0x1] =	wrdreg $0xFFFFFFFF  }
0xc2: {  	_ =	task.clear_ibuf [dreg:s7], $0x2FFFF;
	_ =	strace $0x9FFFFFFF  }
0xc3: {  	(tm) =	ssettm $0x7FFFFFFF  }
tec
execute0_lowered:
.L_overlay_start_1:
0x0: {  	(tag) =	ssettag $0x1  }
0x1: {  	s5 =	rddreg [dreg:$0x0]  }
0x2: {  	s8 =	rddreg [dreg:$0x1]  }
0x3: {  	s0 =	srdreg.scid;
	s2 =	rddreg [dreg:$0x2]  }
0x4: {  	s3 =	simm.s32 $0x0;
	s13 =	simm.s32 $0x80;
	s14 =	simm.s32 $0x0  }
0x5: {  	s4 =	sand.u32 $0x1, s0;
	s0 =	stileid.u32;
	[smem:$0x7FF] =	sst s3  }
0x6: {  	s1 =	sshll.u32 s4, $0x4;
	s7 =	smul.u32 $0x2800, s0;
	s9 =	ssub.s32 $0x2, s4  }
0x7: {  	s10 =	smul.u32 $0x28000, s4;
	s4 =	sadd.s32 $0x7600, s5;
	s31 =	sshll.u32 s0, $0x6  }
0x8: {  	s6 =	sor.u32 s0, s1;
	s1 =	rddreg [dreg:$0x3];
	_ =	strace $0x80000047  }
0x9: {  	s28 =	sshrl.u32 s9, $0x1;
	s6 =	smul.u32 $0x280, s6;
	s29 =	sadd.s32 s7, s10  }
0xa: {  	s9 =	ssub.s32 s9, s28;
	s30 =	sadd.s32 s7, s2;
	s12 =	sshrl.u32 s29, $0x3  }
0xb: {  	s9 =	smax.u32 s9, $0x1;
	s10 =	sshrl.u32 s30, $0x3;
	s11 =	sadd.s32 s6, s5  }
0xc: {  	s5 =	sadd.s32 $0x7000, s5;
	s6 =	sor.u32 $0x1C01, s31;
	s8 =	sadd.s32 s8, s12  }
0xd: {  	s12 =	simm.s32 $0x1400;
	s7 =	sadd.s32 $0x2000, s11;
	s11 =	simm.s32 $0x1  }
.LBB2_1:
0xe: {  	[spmem:s10], [sflag:s6] =	dma.local [hbm:s5], $0x500  }
0xf: {  	_ =	swait.ge [sflag:s11], $0x500  }
0x10: {  	[sflag:s11] =	ssyncset.done $0x0  }
0x11: {  	[sflag:s11] =	ssyncadd.s32 $0xFFFFFB00  }
0x12: {  	[tilespmem:s12], [sflag:$0x1] =	stream.linear.gather [hbm4b:s4+s3], $0x800, $0x38;
	[tilespmem:$0x4400] =	vst v63  }
0x13: {  	_ =	swait.ge [sflag:s11], $0x800  }
0x14: {  	[sflag:s11] =	ssyncset.done $0x0  }
0x15: {  	[sflag:s11] =	ssyncadd.s32 $0xFFFFF800  }
0x16: {  	[tilespmem:s3], [sflag:$0x1] =	stream.linear.gather [hbm4b:s7+s3], $0x1400, $0x38;
	[tilespmem:$0x4400] =	vst v63  }
0x17: {  	_ =	swait.ge [sflag:s11], $0x1400  }
0x18: {  	[sflag:s11] =	ssyncset.done $0x0  }
0x19: {  	[sflag:s11] =	ssyncadd.s32 $0xFFFFEC00  }
0x1a: {  	s15 =	simm.s32 $0x0;
	[bflag:$0x0] =	sbarrier.arrive $0xFFFF  }
0x1b: {  	[spmem:s2] =	stream.indirect.scatter.add.f32 [tilespmem:s12], [sflag:$0x1], $0x10, s15, s13, $0xb8;
	[tilespmem:$0x4400] =	vst v63  }
0x1c: {  	_ =	swait.ge [sflag:s11], $0x800  }
0x1d: {  	s15 =	simm.s32 $0x200;
	[sflag:s11] =	ssyncset.done $0x0  }
.LBB2_2:
0x1e: {  	s16 =	sshra.s32 s15, $0x2;
	[sflag:s11] =	ssyncadd.s32 $0xFFFFF800;
	p0 =	sne.s32 s15, $0x4E00  }
0x1f: {  	[spmem:s2] =	stream.indirect.scatter.add.f32 [tilespmem:s12], [sflag:$0x1], $0x10, s16, s13, $0xb8;
	[tilespmem:$0x4400] =	vst v63  }
.Ltmp0:
0x20: {  	_ = 	snop;
	(pc) =	sbr.rel @p0 .LBB2_2-.Ltmp0, $4  }
0x21: {  	_ = 	snop  }
0x22: {  	s15 =	sadd.s32 $0x200, s15  }
0x23: {  	_ =	swait.ge [sflag:s11], $0x800  }
0x24: {  	[sflag:s11] =	ssyncset.done $0x0  }
0x25: {  	s14 =	sadd.s32 $0x1, s14  }
0x26: {  	[sflag:s11] =	ssyncadd.s32 $0xFFFFF800;
	p0 =	sne.s32 s14, s9  }
.Ltmp1:
0x27: {  	[bflag:$0x0] =	sbarrier.arrive $0xFFFF;
	(pc) =	sbr.rel @p0 .LBB2_1-.Ltmp1, $4  }
0x28: {  	[hbm:s8], [sflag:s6] =	dma.local [spmem:s10], $0x500  }
0x29: {  	_ =	swait.ge [sflag:s11], $0x500  }
0x2a: {  	[sflag:s11] =	ssyncset.done $0x0  }
0x2b: {  	[sflag:s11] =	ssyncadd.s32 $0xFFFFFB00  }
0x2c: {  	_ =	sfence.sel $0x180000  }
0x2d: {  	[bflag:$0x0] =	sbarrier.arrive $0xFFFF  }
0x2e: {  	p0 =	sne.s32 s0, $0x0;
	_ =	strace $0x90000047  }
0x2f: {  	s0 =	sadd.s32 @!p0 $0x100000, s1;
	[bflag:$0x2] =	sbarrier.arrive $0xFFFF  }
0x30: {  	[sflag:s0] =	ssyncadd.tile.s32 @!p0 $0x1;
	_ =	shalt  }
.Lfunc_end2:
_tile_overlayer_lowered:
.L_overlay_start_2:
0x31: {  	(tag) =	ssettag $0x2  }
0x32: {  	s0 =	rddreg [dreg:$0x0];
	s2 =	stileid.u32  }
0x33: {  	s1 =	rddreg [dreg:$0x1];
	p0 =	sne.s32 s2, $0x0  }
0x34: {  	s3 =	rddreg [dreg:$0x2];
	[bflag:$0x3] =	sbarrier.arrive $0xFFFF;
	s2 =	simm.s32 @!p0 $0x1C01  }
0x35: {  	[timem:s3], [sflag:s2] =	dma.local @!p0 [hbm:s0], s1  }
0x36: {  	s0 =	simm.s32 @!p0 $0x1  }
0x37: {  	_ =	swait.ge @!p0 [sflag:s0], s1  }
0x38: {  	s1 =	ssub.s32 @!p0 $0x0, s1;
	[sflag:s0] =	ssyncset.done @!p0 $0x0  }
0x39: {  	[sflag:s0] =	ssyncadd.s32 @!p0 s1  }
0x3a: {  	[bflag:$0x3] =	sbarrier.arrive $0xFFFF  }
0x3b: {  	_ =	shalt  }

// kernel: kernel.14.cloned.1.call-start
scs
__scs_entry_jumppad:
0x0: {  	(pc) =	sbr.rel $0x88, $3  }
0x1: {  	(tag) =	ssettag $0x0;
	lr =	simm.s32 $0x1  }
0x2: {  	[smem:$0x3F97] =	sst lr;
	_ =	strace $0xD0000000  }
0x3: {  	_ = 	snop  }
0x4: {  	_ = 	snop  }
0x5: {  	_ = 	snop  }
0x6: {  	_ = 	snop  }
0x7: {  	_ = 	snop  }
__scs_overlays_trampoline_lowered:
0x8: {  	[smem:$0x3FA6] =	sst s0  }
0x9: {  	[smem:$0x3FA7] =	sst s1  }
0xa: {  	[smem:$0x3FA8] =	sst s2  }
0xb: {  	[smem:$0x3FA9] =	sst s3  }
0xc: {  	[smem:$0x3FAA] =	sst s4  }
0xd: {  	[smem:$0x3FAB] =	sst s5  }
0xe: {  	[smem:$0x3FAC] =	sst s6  }
0xf: {  	[smem:$0x3FAD] =	sst s7  }
0x10: {  	[smem:$0x3FAE] =	sst s8  }
0x11: {  	[smem:$0x3FAF] =	sst s9;
	s0 =	simm.s32 @!p0 $0x0  }
0x12: {  	s1 =	sld [smem:$0x3F95];
	s0 =	simm.s32 @p0 $0x1  }
0x13: {  	[smem:$0x3FB0] =	sst s0;
	s0 =	simm.s32 @!p1 $0x0  }
0x14: {  	s2 =	sld [smem:$0x3F94];
	s0 =	simm.s32 @p1 $0x1  }
0x15: {  	[smem:$0x3FB1] =	sst s0;
	s0 =	simm.s32 @!p2 $0x0  }
0x16: {  	s3 =	sld [smem:$0x3FDB];
	s0 =	simm.s32 @p2 $0x1  }
0x17: {  	s4 =	simm.s32 $0x1BF5;
	[smem:$0x3FB3] =	sst s0  }
0x18: {  	s0 =	sld [smem:$0x3F96];
	_ =	swait.ge [sflag:s4], $0x0  }
0x19: {  	s7 =	sld [smem:$0x3F97]  }
0x1a: {  	s8 =	sadd.s32 $0xFFFFE003, lr  }
0x1b: {  	s9 =	sadd.s32 $0xFFFFFEF7, lr;
	s5 =	simm.s32 $0xFFFFFFFF;
	p2 =	slt.u32 s8, $0xFFFFF086  }
0x1c: {  	p1 =	slt.u32 s9, $0xF7A;
	s5 =	simm.s32 @!p2 $0x0  }
0x1d: {  	s5 =	simm.s32 @p1 $0x1;
	p0 =	seq.s32 s7, s2  }
0x1e: {  	s7 =	smul.u32 @!p0 $0xF7A, s2;
	p2 =	seq.s32 @!p0 s5, $0x0  }
0x1f: {  	s9 =	smul.u32 $0xF7A, s1;
	s8 =	simm.s32 @!p0 $0x1BF5;
	p2 =	por !p2, p0  }
0x20: {  	[sflag:s8] =	ssyncset.s32 @!p0 $0xFFFFF086;
	s6 =	sadd.s32 @!p0 s3, s7;
	s7 =	simm.s32 @!p0 $0x108  }
0x21: {  	s3 =	sadd.s32 s3, s9;
	s6 =	sadd.s32 @!p0 $0x88, s6;
	s7 =	simm.s32 @p2 $0x1082  }
0x22: {  	[simem:s7], [sflag:s8] =	dma.local @!p0 [hbm:s6], $0xF7A  }
0x23: {  	s9 =	sor.u32 $0xD0000000, s2;
	s6 =	simm.s32 $0x108;
	_ =	swait.ge @!p0 [sflag:s8], $0x0  }
0x24: {  	s3 =	sadd.s32 $0x88, s3;
	s6 =	simm.s32 @!p1 $0x1082;
	[sflag:s4] =	ssyncset.s32 $0xFFFFF086  }
0x25: {  	[simem:s6], [sflag:s4] =	dma.local [hbm:s3], $0xF7A  }
0x26: {  	[smem:$0x3F97] =	sst s1;
	(tag) =	ssettag s2;
	_ =	strace s9  }
0x27: {  	s1 =	sld [smem:$0x3FA7]  }
0x28: {  	s2 =	sld [smem:$0x3FA8]  }
0x29: {  	s4 =	sld [smem:$0x3FAA]  }
0x2a: {  	p0 =	seq.s32 s5, $0x0;
	s5 =	sld [smem:$0x3FAB]  }
0x2b: {  	s6 =	sld [smem:$0x3FAC]  }
0x2c: {  	s7 =	sld [smem:$0x3FAD]  }
0x2d: {  	s3 =	simm.s32 $0x108;
	s8 =	sld [smem:$0x3FAE]  }
0x2e: {  	s3 =	simm.s32 @!p0 $0x1082;
	s9 =	sld [smem:$0x3FAF]  }
0x2f: {  	lr =	sadd.s32 s0, s3;
	s0 =	sld [smem:$0x3FA6]  }
0x30: {  	s3 =	sld [smem:$0x3FA9]  }
0x31: {  	[smem:$0x3FB2] =	sst s10  }
0x32: {  	s10 =	sld [smem:$0x3FB0];
	_ =	sdelay $0x3  }
0x33: {  	p0 =	seq.s32 s10, $0x1;
	s10 =	sld [smem:$0x3FB2];
	_ =	sdelay $0x3  }
0x34: {  	[smem:$0x3FB2] =	sst s10  }
0x35: {  	s10 =	sld [smem:$0x3FB1];
	_ =	sdelay $0x3  }
0x36: {  	p1 =	seq.s32 s10, $0x1;
	s10 =	sld [smem:$0x3FB2];
	_ =	sdelay $0x3  }
0x37: {  	[smem:$0x3FB2] =	sst s10  }
0x38: {  	s10 =	sld [smem:$0x3FB3]  }
0x39: {  	_ = 	snop;
	(pc) =	sbr.ind lr, $3  }
0x3a: {  	_ = 	snop  }
0x3b: {  	_ = 	snop  }
0x3c: {  	p2 =	seq.s32 s10, $0x1;
	s10 =	sld [smem:$0x3FB2]  }
0x3d: {  	_ =	shalt  }
0x3e: {  	_ =	shalt  }
0x3f: {  	_ =	shalt  }
0x40: {  	_ =	shalt  }
0x41: {  	_ =	shalt  }
0x42: {  	_ =	shalt  }
0x43: {  	_ =	shalt  }
0x44: {  	_ =	shalt  }
0x45: {  	_ =	shalt  }
0x46: {  	_ =	shalt  }
0x47: {  	_ =	shalt  }
0x48: {  	_ =	shalt  }
0x49: {  	_ =	shalt  }
0x4a: {  	_ =	shalt  }
0x4b: {  	_ =	shalt  }
0x4c: {  	_ =	shalt  }
0x4d: {  	_ =	shalt  }
0x4e: {  	_ =	shalt  }
0x4f: {  	_ =	shalt  }
0x50: {  	_ =	shalt  }
0x51: {  	_ =	shalt  }
0x52: {  	_ =	shalt  }
0x53: {  	_ =	shalt  }
0x54: {  	_ =	shalt  }
0x55: {  	_ =	shalt  }
0x56: {  	_ =	shalt  }
0x57: {  	_ =	shalt  }
0x58: {  	_ =	shalt  }
0x59: {  	_ =	shalt  }
0x5a: {  	_ =	shalt  }
0x5b: {  	_ =	shalt  }
0x5c: {  	_ =	shalt  }
0x5d: {  	_ =	shalt  }
0x5e: {  	_ =	shalt  }
0x5f: {  	_ =	shalt  }
0x60: {  	_ =	shalt  }
0x61: {  	_ =	shalt  }
0x62: {  	_ =	shalt  }
0x63: {  	_ =	shalt  }
0x64: {  	_ =	shalt  }
0x65: {  	_ =	shalt  }
0x66: {  	_ =	shalt  }
0x67: {  	_ =	shalt  }
0x68: {  	_ =	shalt  }
0x69: {  	_ =	shalt  }
0x6a: {  	_ =	shalt  }
0x6b: {  	_ =	shalt  }
0x6c: {  	_ =	shalt  }
0x6d: {  	_ =	shalt  }
0x6e: {  	_ =	shalt  }
0x6f: {  	_ =	shalt  }
0x70: {  	_ =	shalt  }
0x71: {  	_ =	shalt  }
0x72: {  	_ =	shalt  }
0x73: {  	_ =	shalt  }
0x74: {  	_ =	shalt  }
0x75: {  	_ =	shalt  }
0x76: {  	_ =	shalt  }
0x77: {  	_ =	shalt  }
0x78: {  	_ =	shalt  }
0x79: {  	_ =	shalt  }
0x7a: {  	_ =	shalt  }
0x7b: {  	_ =	shalt  }
0x7c: {  	_ =	shalt  }
0x7d: {  	_ =	shalt  }
0x7e: {  	_ =	shalt  }
0x7f: {  	_ =	shalt  }
0x80: {  	_ =	shalt  }
0x81: {  	_ =	shalt  }
0x82: {  	_ =	shalt  }
0x83: {  	_ =	shalt  }
0x84: {  	_ =	shalt  }
0x85: {  	_ =	shalt  }
0x86: {  	_ =	shalt  }
0x87: {  	_ =	shalt  }
.Lfunc_end0:
.L_simem_size_0:
called_computation.1_lowered:
.L_overlay_start_0:
0x88: {  	s2 =	sld [smem:$0x3FD9]  }
0x89: {  	s3 =	sld [smem:$0x3FFE];
	_ =	sdelay $0x1  }
0x8a: {  	s1 =	srdreg.scid  }
0x8b: {  	s0 =	sand.u32 $0x1, s1  }
0x8c: {  	s17 =	sshll.u32 s0, $0xA;
	s2 =	sadd.s32 s3, s2  }
0x8d: {  	s2 =	sadd.s32 s2, s17  }
0x8e: {  	[smem:$0x3FBE] =	sst s2  }
0x8f: {  	_ = 	snop  }
0x90: {  	s2 =	sld [smem:$0x3FD0];
	(tm) =	ssettm $0x1  }
0x91: {  	s18 =	sld [smem:$0x3FFB];
	_ =	sdelay $0x3  }
0x92: {  	_ =	strace s18  }
0x93: {  	s3 =	sld [smem:$0x3FFC];
	_ =	sdelay $0x3  }
0x94: {  	_ =	strace s3  }
0x95: {  	s3 =	sld [smem:$0x3FFD];
	_ =	sdelay $0x3  }
0x96: {  	_ =	strace s3  }
0x97: {  	_ =	strace $0x8FFFFFFF  }
0x98: {  	s19 =	sld [smem:$0x3FDB];
	_ =	sdelay $0x1  }
0x99: {  	s4 =	simm.s32 $_scs_section_size  }
0x9a: {  	s5 =	simm.s32 $_size__tile_overlayer_lowered;
	s6 =	simm.s32 $_tile_overlayer_lowered  }
0x9b: {  	s22 =	simm.s32 $0x1BFF;
	s21 =	sshll.u32 s6, $0x1;
	s3 =	sadd.s32 s4, s19  }
0x9c: {  	s7 =	simm.s32 $0x0;
	s20 =	sshll.u32 s5, $0x1;
	s5 =	sadd.s32 s21, s3  }
0x9d: {  	[timem:s7], [sflag:s22] =	dma.local [hbm:s5], s20  }
0x9e: {  	_ =	swait.ge [sflag:s22], s20  }
0x9f: {  	s4 =	ssub.s32 $0x0, s20;
	[sflag:s22] =	ssyncset.done $0x0  }
0xa0: {  	[sflag:s22] =	ssyncadd.s32 s4;
	_ =	sdelay $0x1  }
0xa1: {  	s23 =	simm.s32 $0x1B8B  }
0xa2: {  	_ =	swait.ge [sflag:s23], $0x1  }
0xa3: {  	[sflag:s23] =	ssyncset.done $0x0  }
0xa4: {  	s25 =	simm.s32 $0x1B8E;
	s24 =	sld [smem:$0x3FFE];
	[sflag:s23] =	ssyncadd.s32 $0xFFFFFFFF  }
0xa5: {  	s26 =	simm.s32 $execute0_lowered;
	[smem:$0x3FD2] =	sst s25  }
0xa6: {  	s5 =	sshll.u32 s26, $0x1;
	_ =	strace $0x80000049;
	[dreg:$0x1] =	wrdreg $0xFFFFFFFF  }
0xa7: {  	s28 =	simm.s32 $_size_execute0_lowered;
	s3 =	sadd.s32 s3, s5;
	[dreg:$0x0] =	wrdreg $0x0  }
0xa8: {  	s5 =	sshll.u32 s28, $0x1;
	[dreg:$0x2] =	wrdreg s3  }
0xa9: {  	[dreg:$0x3] =	wrdreg s5  }
0xaa: {  	[dreg:$0x4] =	wrdreg $0xC0  }
0xab: {  	_ =	task [dreg:s7], $0x5FFFF  }
0xac: {  	[dreg:$0x1] =	wrdreg $0xFFFFFFFF  }
0xad: {  	[dreg:$0x0] =	wrdreg $0x60  }
0xae: {  	[dreg:$0x2] =	wrdreg s2  }
0xaf: {  	[dreg:$0x3] =	wrdreg s24  }
0xb0: {  	[dreg:$0x4] =	wrdreg $0x68000  }
0xb1: {  	[dreg:$0x5] =	wrdreg $0xB8000  }
0xb2: {  	[dreg:$0x6] =	wrdreg $0x9  }
0xb3: {  	_ =	task.clear_ibuf [dreg:s7], $0x7FFFF;
	_ =	strace $0x90000049  }
0xb4: {  	s29 =	simm.s32 $0x9;
	_ =	strace $0x8000004B  }
0xb5: {  	_ =	swait.ge [sflag:s29], $0x1  }
0xb6: {  	[sflag:s29] =	ssyncadd.s32 $0xFFFFFFFF  }
0xb7: {  	_ =	strace $0x9000004B  }
0xb8: {  	_ =	sfence  }
0xb9: {  	s30 =	sld [smem:$0x0];
	_ =	sdelay $0x2  }
0xba: {  	s31 =	sshll.u32 s1, $0xD;
	s1 =	sshrl.u32 s1, $0x2  }
0xbb: {  	s3 =	sand.u32 $0x4000, s31;
	s1 =	sadd.s32 s1, s30  }
0xbc: {  	s0 =	sor.u32 s3, s0;
	s1 =	sshll.u32 s1, $0x11  }
0xbd: {  	s0 =	sor.u32 s1, s0  }
0xbe: {  	s0 =	sadd.s32 $0x8F2B, s0  }
0xbf: {  	[sflag:s0] =	ssyncadd.remote.s32 $0x1  }
0xc0: {  	_ =	sfence.sel $0xFFFF  }
0xc1: {  	[dreg:$0x0] =	wrdreg $0xFFFFFFFF;
	(pc) =	sbr.abs _section_cstart, $3  }
0xc2: {  	[dreg:$0x1] =	wrdreg $0xFFFFFFFF  }
0xc3: {  	_ =	task.clear_ibuf [dreg:s7], $0x2FFFF;
	_ =	strace $0x9FFFFFFF  }
0xc4: {  	(tm) =	ssettm $0x7FFFFFFF  }
0xc5: {  	_ =	shalt  }
tec
execute0_lowered:
.L_overlay_start_1:
0x0: {  	(tag) =	ssettag $0x1  }
0x1: {  	s0 =	rddreg [dreg:$0x0]  }
0x2: {  	s1 =	rddreg [dreg:$0x1]  }
0x3: {  	s2 =	rddreg [dreg:$0x2]  }
0x4: {  	s3 =	rddreg [dreg:$0x3]  }
0x5: {  	s5 =	srdreg.scid;
	s13 =	stileid.u32;
	s4 =	simm.s32 $0x0  }
0x6: {  	s15 =	simm.s32 $0x9;
	s17 =	simm.s32 $0x1400;
	s18 =	simm.s32 $0x80  }
0x7: {  	s19 =	simm.s32 $0x2800;
	s20 =	simm.s32 $0x3800;
	s29 =	simm.s32 $0x5  }
0x8: {  	s31 =	simm.s32 $0x3;
	s8 =	sand.u32 $0x1, s5;
	s6 =	smul.u32 $0xA000, s13  }
0x9: {  	[smem:$0x7FF] =	sst s4;
	s9 =	sadd.s32 $0x8200, s1;
	s21 =	smul.u32 $0x9C40, s13  }
0xa: {  	s10 =	sadd.s32 $0x2000, s1;
	s22 =	sshll.u32 s13, $0x6;
	s13 =	smul.u32 $0x500, s13  }
0xb: {  	s5 =	smul.u32 $0xA0000, s8;
	_ =	strace $0x8000004A;
	s11 =	ssub.s32 $0x2, s8  }
0xc: {  	p0 =	sne.s32 s8, $0x0;
	s12 =	sshrl.u32 s11, $0x1;
	s23 =	sshrl.u32 s21, $0x1  }
0xd: {  	s24 =	sadd.s32 $0x280, s13;
	s28 =	sadd.s32 s9, s13;
	s30 =	sadd.s32 s10, s13  }
0xe: {  	s7 =	sadd.s32 s6, s5;
	s5 =	sadd.s32 $0x7800, s1;
	s11 =	ssub.s32 s11, s12  }
0xf: {  	s6 =	sshrl.u32 s6, $0x1;
	s16 =	sadd.s32 s23, s3;
	[dreg:$0x7] =	wrdreg s28  }
0x10: {  	s25 =	sadd.s32 s9, s24;
	s26 =	sadd.s32 s10, s24;
	[dreg:$0x8] =	wrdreg s30  }
0x11: {  	s23 =	simm.s32 $0x1;
	s9 =	simm.s32 $0x4;
	s24 =	simm.s32 $0x8  }
0x12: {  	s7 =	sshrl.u32 s7, $0x4;
	s14 =	sadd.s32 s6, s2;
	[dreg:$0x5] =	wrdreg s25  }
.Ltmp0:
0x13: {  	s6 =	sor.u32 $0x1C09, s22;
	[dreg:$0x6] =	wrdreg s26;
	(pc) =	sbr.rel .LBB2_1-.Ltmp0, $4  }
0x14: {  	s13 =	smax.u32 s11, $0x1;
	s16 =	sshrl.u32 s16, $0x3;
	s22 =	simm.s32 $0x4800  }
0x15: {  	s25 =	simm.s32 $0x5800;
	s26 =	simm.s32 $0x2;
	s11 =	simm.s32 $0x7  }
0x16: {  	s1 =	sadd.s32 s7, s1;
	s7 =	sshrl.u32 s21, $0x4;
	s14 =	sshrl.u32 s14, $0x3  }
0x17: {  	s7 =	sadd.s32 s0, s7;
	s12 =	sadd.s32 $0xD200, s1;
	s1 =	simm.s32 $0x6  }
.LBB2_8:
0x18: {  	_ =	swait.ge [sflag:s29], $0x1000  }
0x19: {  	[sflag:s29] =	ssyncset.done $0x0  }
0x1a: {  	[sflag:s29] =	ssyncadd.s32 $0xFFFFF000  }
0x1b: {  	_ =	swait.ge [sflag:s1], $0x1000  }
0x1c: {  	[sflag:s1] =	ssyncset.done $0x0  }
0x1d: {  	[sflag:s1] =	ssyncadd.s32 $0xFFFFF000  }
0x1e: {  	_ =	swait.ge [sflag:s11], $0x1000  }
0x1f: {  	[sflag:s11] =	ssyncset.done $0x0  }
0x20: {  	[sflag:s11] =	ssyncadd.s32 $0xFFFFF000  }
0x21: {  	_ =	swait.ge [sflag:s24], $0x1000  }
0x22: {  	s4 =	sadd.s32 $0x1, s4;
	[sflag:s24] =	ssyncset.done $0x0  }
0x23: {  	p1 =	sne.s32 s4, s13;
	[sflag:s24] =	ssyncadd.s32 $0xFFFFF000  }
.Ltmp1:
0x24: {  	[bflag:$0x0] =	sbarrier.arrive $0xFFFF;
	(pc) =	sbr.rel @!p1 .LBB2_9-.Ltmp1, $4  }
0x25: {  	[hbm:s12], [sflag:s6] =	dma.local [spmem:s14], $0xA00  }
0x26: {  	_ =	swait.ge [sflag:s15], $0xA00  }
0x27: {  	[sflag:s15] =	ssyncset.done $0x0  }
0x28: {  	[sflag:s15] =	ssyncadd.s32 $0xFFFFF600  }
.LBB2_1:
0x29: {  	[spmem:s14], [sflag:s6] =	dma.local [hbm:s5], $0xA00  }
0x2a: {  	_ =	swait.ge [sflag:s15], $0xA00  }
0x2b: {  	[sflag:s15] =	ssyncset.done $0x0  }
.Ltmp2:
0x2c: {  	[sflag:s15] =	ssyncadd.s32 $0xFFFFF600;
	(pc) =	sbr.rel @p0 .LBB2_5-.Ltmp2, $4  }
0x2d: {  	[spmem:s16], [sflag:s6] =	dma.local [hbm:s7], $0x9C4  }
0x2e: {  	_ =	swait.ge [sflag:s15], $0x9C4  }
0x2f: {  	[sflag:s15] =	ssyncset.done $0x0  }
0x30: {  	s28 =	simm.s32 $0x0;
	[sflag:s15] =	ssyncadd.s32 $0xFFFFF63C  }
0x31: {  	s0 =	rddreg [dreg:$0x7]  }
0x32: {  	[tilespmem:s28], [sflag:$0x9] =	stream.linear.gather [hbm4b:s0+s28], $0x1400, $0x38;
	[tilespmem:$0x10620] =	vst v63  }
0x33: {  	_ =	swait.ge [sflag:s15], $0x1400  }
0x34: {  	[sflag:s15] =	ssyncset.done $0x0  }
0x35: {  	s30 =	rddreg [dreg:$0x8];
	[sflag:s15] =	ssyncadd.s32 $0xFFFFEC00  }
0x36: {  	[tilespmem:s17], [sflag:$0x9] =	stream.linear.gather [hbm4b:s30+s28], $0x1400, $0x38;
	[tilespmem:$0x10620] =	vst v63  }
0x37: {  	_ =	swait.ge [sflag:s15], $0x1400  }
0x38: {  	[sflag:s15] =	ssyncset.done $0x0  }
0x39: {  	[sflag:s15] =	ssyncadd.s32 $0xFFFFEC00  }
0x3a: {  	[bflag:$0x0] =	sbarrier.arrive $0xFFFF  }
0x3b: {  	[tilespmem:s19], [sflag:$0x1] =	stream.indirect.gather [spmem:s3], $0x20, s28, s18, $0xb8;
	[tilespmem:$0x10620] =	vst v63  }
0x3c: {  	_ = 	snop  }
0x3d: {  	[tilespmem:s20], [sflag:$0x2] =	stream.indirect.gather [spmem:s3], $0x20, s18, s18, $0xb8;
	[tilespmem:$0x10620] =	vst v63  }
0x3e: {  	s8 =	simm.s32 $0x100  }
0x3f: {  	[tilespmem:s22], [sflag:$0x3] =	stream.indirect.gather [spmem:s3], $0x20, s8, s18, $0xb8;
	[tilespmem:$0x10620] =	vst v63  }
0x40: {  	_ =	swait.ge [sflag:s23], $0x1000  }
0x41: {  	[sflag:s23] =	ssyncset.done $0x0  }
0x42: {  	[sflag:s23] =	ssyncadd.s32 $0xFFFFF000  }
0x43: {  	[spmem:s2] =	stream.indirect.scatter.add.bf16 [tilespmem:s19], [sflag:$0x5], $0x20, s17, s18, $0xb8;
	[tilespmem:$0x10620] =	vst v63  }
0x44: {  	s10 =	simm.s32 $0x180  }
0x45: {  	[tilespmem:s25], [sflag:$0x4] =	stream.indirect.gather [spmem:s3], $0x20, s10, s18, $0xb8;
	[tilespmem:$0x10620] =	vst v63  }
0x46: {  	_ =	swait.ge [sflag:s26], $0x1000  }
0x47: {  	[sflag:s26] =	ssyncset.done $0x0  }
0x48: {  	s21 =	simm.s32 $0x1480;
	[sflag:s26] =	ssyncadd.s32 $0xFFFFF000  }
0x49: {  	[spmem:s2] =	stream.indirect.scatter.add.bf16 [tilespmem:s20], [sflag:$0x6], $0x20, s21, s18, $0xb8;
	[tilespmem:$0x10620] =	vst v63  }
0x4a: {  	_ =	swait.ge [sflag:s29], $0x1000  }
0x4b: {  	[sflag:s29] =	ssyncset.done $0x0  }
0x4c: {  	s30 =	simm.s32 $0x200;
	[sflag:s29] =	ssyncadd.s32 $0xFFFFF000  }
0x4d: {  	[tilespmem:s19], [sflag:$0x1] =	stream.indirect.gather [spmem:s3], $0x20, s30, s18, $0xb8;
	[tilespmem:$0x10620] =	vst v63  }
0x4e: {  	_ =	swait.ge [sflag:s31], $0x1000  }
0x4f: {  	[sflag:s31] =	ssyncset.done $0x0  }
0x50: {  	s8 =	simm.s32 $0x1500;
	[sflag:s31] =	ssyncadd.s32 $0xFFFFF000  }
0x51: {  	[spmem:s2] =	stream.indirect.scatter.add.bf16 [tilespmem:s22], [sflag:$0x7], $0x20, s8, s18, $0xb8;
	[tilespmem:$0x10620] =	vst v63  }
0x52: {  	_ =	swait.ge [sflag:s1], $0x1000  }
0x53: {  	[sflag:s1] =	ssyncset.done $0x0  }
0x54: {  	s10 =	simm.s32 $0x280;
	[sflag:s1] =	ssyncadd.s32 $0xFFFFF000  }
0x55: {  	[tilespmem:s20], [sflag:$0x2] =	stream.indirect.gather [spmem:s3], $0x20, s10, s18, $0xb8;
	[tilespmem:$0x10620] =	vst v63  }
0x56: {  	_ =	swait.ge [sflag:s9], $0x1000  }
0x57: {  	[sflag:s9] =	ssyncset.done $0x0  }
0x58: {  	s21 =	simm.s32 $0x1580;
	[sflag:s9] =	ssyncadd.s32 $0xFFFFF000  }
0x59: {  	[spmem:s2] =	stream.indirect.scatter.add.bf16 [tilespmem:s25], [sflag:$0x8], $0x20, s21, s18, $0xb8;
	[tilespmem:$0x10620] =	vst v63  }
0x5a: {  	_ =	swait.ge [sflag:s11], $0x1000  }
0x5b: {  	[sflag:s11] =	ssyncset.done $0x0  }
0x5c: {  	s30 =	simm.s32 $0x300;
	[sflag:s11] =	ssyncadd.s32 $0xFFFFF000  }
0x5d: {  	[tilespmem:s22], [sflag:$0x3] =	stream.indirect.gather [spmem:s3], $0x20, s30, s18, $0xb8;
	[tilespmem:$0x10620] =	vst v63  }
.LBB2_3:
0x5e: {  	_ =	swait.ge [sflag:s23], $0x1000  }
0x5f: {  	s30 =	sshra.s32 s28, $0x2;
	[sflag:s23] =	ssyncset.done $0x0  }
0x60: {  	s0 =	sadd.s32 $0x1600, s30;
	[sflag:s23] =	ssyncadd.s32 $0xFFFFF000  }
0x61: {  	[spmem:s2] =	stream.indirect.scatter.add.bf16 [tilespmem:s19], [sflag:$0x5], $0x20, s0, s18, $0xb8;
	[tilespmem:$0x10620] =	vst v63  }
0x62: {  	_ =	swait.ge [sflag:s24], $0x1000  }
0x63: {  	[sflag:s24] =	ssyncset.done $0x0  }
0x64: {  	s8 =	sadd.s32 $0x380, s30;
	[sflag:s24] =	ssyncadd.s32 $0xFFFFF000  }
0x65: {  	[tilespmem:s25], [sflag:$0x4] =	stream.indirect.gather [spmem:s3], $0x20, s8, s18, $0xb8;
	[tilespmem:$0x10620] =	vst v63  }
0x66: {  	_ =	swait.ge [sflag:s26], $0x1000  }
0x67: {  	p1 =	seq.s32 s28, $0x4000;
	[sflag:s26] =	ssyncset.done $0x0  }
0x68: {  	s10 =	sadd.s32 $0x1680, s30;
	s0 =	simm.s32 @p1 $0x3;
	[sflag:s26] =	ssyncadd.s32 $0xFFFFF000  }
0x69: {  	[spmem:s2] =	stream.indirect.scatter.add.bf16 [tilespmem:s20], [sflag:$0x6], $0x20, s10, s18, $0xb8;
	[tilespmem:$0x10620] =	vst v63  }
0x6a: {  	_ =	swait.ge @p1 [sflag:s0], $0x1000  }
0x6b: {  	[sflag:s0] =	ssyncset.done @p1 $0x0  }
0x6c: {  	[sflag:s0] =	ssyncadd.s32 @p1 $0xFFFFF000;
	s0 =	sshra.s32 @p1 s28, $0x2  }
0x6d: {  	s8 =	simm.s32 @p1 $0x80;
	s10 =	simm.s32 @p1 $0x4800;
	s0 =	sadd.s32 @p1 $0x1700, s0  }
0x6e: {  	[spmem:s2] =	stream.indirect.scatter.add.bf16 @p1 [tilespmem:s10], [sflag:$0x7], $0x20, s0, s8, $0xb8;
	[tilespmem:$0x10620] =	vst v63  }
0x6f: {  	s0 =	simm.s32 @!p1 $0x5  }
0x70: {  	_ =	swait.ge @!p1 [sflag:s0], $0x1000  }
0x71: {  	[sflag:s0] =	ssyncset.done @!p1 $0x0  }
0x72: {  	[sflag:s0] =	ssyncadd.s32 @!p1 $0xFFFFF000;
	s0 =	sshra.s32 @!p1 s28, $0x2  }
0x73: {  	s21 =	simm.s32 @!p1 $0x2800;
	s10 =	simm.s32 @!p1 $0x80;
	s8 =	sadd.s32 @!p1 $0x400, s0  }
0x74: {  	[tilespmem:s21], [sflag:$0x1] =	stream.indirect.gather @!p1 [spmem:s3], $0x20, s8, s10, $0xb8;
	[tilespmem:$0x10620] =	vst v63  }
0x75: {  	s8 =	simm.s32 @!p1 $0x3  }
0x76: {  	_ =	swait.ge @!p1 [sflag:s8], $0x1000  }
0x77: {  	[sflag:s8] =	ssyncset.done @!p1 $0x0  }
0x78: {  	s21 =	simm.s32 @!p1 $0x4800;
	[sflag:s8] =	ssyncadd.s32 @!p1 $0xFFFFF000;
	s8 =	sadd.s32 @!p1 $0x1700, s0  }
0x79: {  	[spmem:s2] =	stream.indirect.scatter.add.bf16 @!p1 [tilespmem:s21], [sflag:$0x7], $0x20, s8, s10, $0xb8;
	[tilespmem:$0x10620] =	vst v63  }
0x7a: {  	s8 =	simm.s32 @!p1 $0x6  }
0x7b: {  	_ =	swait.ge @!p1 [sflag:s8], $0x1000  }
0x7c: {  	[sflag:s8] =	ssyncset.done @!p1 $0x0  }
0x7d: {  	s0 =	sadd.s32 @!p1 $0x480, s0;
	[sflag:s8] =	ssyncadd.s32 @!p1 $0xFFFFF000;
	s8 =	simm.s32 @!p1 $0x3800  }
0x7e: {  	[tilespmem:s8], [sflag:$0x2] =	stream.indirect.gather @!p1 [spmem:s3], $0x20, s0, s10, $0xb8;
	[tilespmem:$0x10620] =	vst v63  }
.Ltmp3:
0x7f: {  	_ = 	snop;
	(pc) =	sbr.rel @p1 .LBB2_8-.Ltmp3, $4  }
0x80: {  	_ =	swait.ge [sflag:s9], $0x1000  }
0x81: {  	[sflag:s9] =	ssyncset.done $0x0  }
0x82: {  	s21 =	sadd.s32 $0x1780, s30;
	[sflag:s9] =	ssyncadd.s32 $0xFFFFF000  }
0x83: {  	[spmem:s2] =	stream.indirect.scatter.add.bf16 [tilespmem:s25], [sflag:$0x8], $0x20, s21, s18, $0xb8;
	[tilespmem:$0x10620] =	vst v63  }
.Ltmp4:
0x84: {  	(pc) =	sbr.rel .LBB2_3-.Ltmp4, $4  }
0x85: {  	_ =	swait.ge [sflag:s11], $0x1000  }
0x86: {  	[sflag:s11] =	ssyncset.done $0x0  }
0x87: {  	s0 =	sadd.s32 $0x500, s30;
	s28 =	sadd.s32 $0x800, s28;
	[sflag:s11] =	ssyncadd.s32 $0xFFFFF000  }
0x88: {  	[tilespmem:s22], [sflag:$0x3] =	stream.indirect.gather [spmem:s3], $0x20, s0, s18, $0xb8;
	[tilespmem:$0x10620] =	vst v63  }
.LBB2_5:
0x89: {  	s0 =	rddreg [dreg:$0x5]  }
0x8a: {  	[tilespmem:s28], [sflag:$0x9] =	stream.linear.gather [hbm4b:s0+s28], $0x1400, $0x38;
	[tilespmem:$0x10620] =	vst v63  }
0x8b: {  	_ =	swait.ge [sflag:s15], $0x1400  }
0x8c: {  	[sflag:s15] =	ssyncset.done $0x0  }
0x8d: {  	s30 =	rddreg [dreg:$0x6];
	[sflag:s15] =	ssyncadd.s32 $0xFFFFEC00  }
0x8e: {  	[tilespmem:s17], [sflag:$0x9] =	stream.linear.gather [hbm4b:s30+s28], $0x1400, $0x38;
	[tilespmem:$0x10620] =	vst v63  }
0x8f: {  	_ =	swait.ge [sflag:s15], $0x1400  }
0x90: {  	[sflag:s15] =	ssyncset.done $0x0  }
0x91: {  	[sflag:s15] =	ssyncadd.s32 $0xFFFFEC00  }
0x92: {  	[bflag:$0x0] =	sbarrier.arrive $0xFFFF  }
0x93: {  	[tilespmem:s19], [sflag:$0x1] =	stream.indirect.gather [spmem:s3], $0x20, s28, s18, $0xb8;
	[tilespmem:$0x10620] =	vst v63  }
0x94: {  	_ = 	snop  }
0x95: {  	[tilespmem:s20], [sflag:$0x2] =	stream.indirect.gather [spmem:s3], $0x20, s18, s18, $0xb8;
	[tilespmem:$0x10620] =	vst v63  }
0x96: {  	s8 =	simm.s32 $0x100  }
0x97: {  	[tilespmem:s22], [sflag:$0x3] =	stream.indirect.gather [spmem:s3], $0x20, s8, s18, $0xb8;
	[tilespmem:$0x10620] =	vst v63  }
0x98: {  	_ =	swait.ge [sflag:s23], $0x1000  }
0x99: {  	[sflag:s23] =	ssyncset.done $0x0  }
0x9a: {  	[sflag:s23] =	ssyncadd.s32 $0xFFFFF000  }
0x9b: {  	[spmem:s2] =	stream.indirect.scatter.add.bf16 [tilespmem:s19], [sflag:$0x5], $0x20, s17, s18, $0xb8;
	[tilespmem:$0x10620] =	vst v63  }
0x9c: {  	s10 =	simm.s32 $0x180  }
0x9d: {  	[tilespmem:s25], [sflag:$0x4] =	stream.indirect.gather [spmem:s3], $0x20, s10, s18, $0xb8;
	[tilespmem:$0x10620] =	vst v63  }
0x9e: {  	_ =	swait.ge [sflag:s26], $0x1000  }
0x9f: {  	[sflag:s26] =	ssyncset.done $0x0  }
0xa0: {  	s21 =	simm.s32 $0x1480;
	[sflag:s26] =	ssyncadd.s32 $0xFFFFF000  }
0xa1: {  	[spmem:s2] =	stream.indirect.scatter.add.bf16 [tilespmem:s20], [sflag:$0x6], $0x20, s21, s18, $0xb8;
	[tilespmem:$0x10620] =	vst v63  }
0xa2: {  	_ =	swait.ge [sflag:s29], $0x1000  }
0xa3: {  	[sflag:s29] =	ssyncset.done $0x0  }
0xa4: {  	s30 =	simm.s32 $0x200;
	[sflag:s29] =	ssyncadd.s32 $0xFFFFF000  }
0xa5: {  	[tilespmem:s19], [sflag:$0x1] =	stream.indirect.gather [spmem:s3], $0x20, s30, s18, $0xb8;
	[tilespmem:$0x10620] =	vst v63  }
0xa6: {  	_ =	swait.ge [sflag:s31], $0x1000  }
0xa7: {  	[sflag:s31] =	ssyncset.done $0x0  }
0xa8: {  	s8 =	simm.s32 $0x1500;
	[sflag:s31] =	ssyncadd.s32 $0xFFFFF000  }
0xa9: {  	[spmem:s2] =	stream.indirect.scatter.add.bf16 [tilespmem:s22], [sflag:$0x7], $0x20, s8, s18, $0xb8;
	[tilespmem:$0x10620] =	vst v63  }
0xaa: {  	_ =	swait.ge [sflag:s1], $0x1000  }
0xab: {  	[sflag:s1] =	ssyncset.done $0x0  }
0xac: {  	s10 =	simm.s32 $0x280;
	[sflag:s1] =	ssyncadd.s32 $0xFFFFF000  }
0xad: {  	[tilespmem:s20], [sflag:$0x2] =	stream.indirect.gather [spmem:s3], $0x20, s10, s18, $0xb8;
	[tilespmem:$0x10620] =	vst v63  }
0xae: {  	_ =	swait.ge [sflag:s9], $0x1000  }
0xaf: {  	[sflag:s9] =	ssyncset.done $0x0  }
0xb0: {  	s21 =	simm.s32 $0x1580;
	[sflag:s9] =	ssyncadd.s32 $0xFFFFF000  }
0xb1: {  	[spmem:s2] =	stream.indirect.scatter.add.bf16 [tilespmem:s25], [sflag:$0x8], $0x20, s21, s18, $0xb8;
	[tilespmem:$0x10620] =	vst v63  }
0xb2: {  	_ =	swait.ge [sflag:s11], $0x1000  }
0xb3: {  	[sflag:s11] =	ssyncset.done $0x0  }
0xb4: {  	s30 =	simm.s32 $0x300;
	[sflag:s11] =	ssyncadd.s32 $0xFFFFF000  }
0xb5: {  	[tilespmem:s22], [sflag:$0x3] =	stream.indirect.gather [spmem:s3], $0x20, s30, s18, $0xb8;
	[tilespmem:$0x10620] =	vst v63  }
.LBB2_6:
0xb6: {  	_ =	swait.ge [sflag:s23], $0x1000  }
0xb7: {  	s30 =	sshra.s32 s28, $0x2;
	[sflag:s23] =	ssyncset.done $0x0  }
0xb8: {  	s0 =	sadd.s32 $0x1600, s30;
	[sflag:s23] =	ssyncadd.s32 $0xFFFFF000  }
0xb9: {  	[spmem:s2] =	stream.indirect.scatter.add.bf16 [tilespmem:s19], [sflag:$0x5], $0x20, s0, s18, $0xb8;
	[tilespmem:$0x10620] =	vst v63  }
0xba: {  	_ =	swait.ge [sflag:s24], $0x1000  }
0xbb: {  	[sflag:s24] =	ssyncset.done $0x0  }
0xbc: {  	s8 =	sadd.s32 $0x380, s30;
	[sflag:s24] =	ssyncadd.s32 $0xFFFFF000  }
0xbd: {  	[tilespmem:s25], [sflag:$0x4] =	stream.indirect.gather [spmem:s3], $0x20, s8, s18, $0xb8;
	[tilespmem:$0x10620] =	vst v63  }
0xbe: {  	_ =	swait.ge [sflag:s26], $0x1000  }
0xbf: {  	p1 =	seq.s32 s28, $0x4000;
	[sflag:s26] =	ssyncset.done $0x0  }
0xc0: {  	s10 =	sadd.s32 $0x1680, s30;
	s0 =	simm.s32 @p1 $0x3;
	[sflag:s26] =	ssyncadd.s32 $0xFFFFF000  }
0xc1: {  	[spmem:s2] =	stream.indirect.scatter.add.bf16 [tilespmem:s20], [sflag:$0x6], $0x20, s10, s18, $0xb8;
	[tilespmem:$0x10620] =	vst v63  }
0xc2: {  	_ =	swait.ge @p1 [sflag:s0], $0x1000  }
0xc3: {  	[sflag:s0] =	ssyncset.done @p1 $0x0  }
0xc4: {  	[sflag:s0] =	ssyncadd.s32 @p1 $0xFFFFF000;
	s0 =	sshra.s32 @p1 s28, $0x2  }
0xc5: {  	s8 =	simm.s32 @p1 $0x80;
	s10 =	simm.s32 @p1 $0x4800;
	s0 =	sadd.s32 @p1 $0x1700, s0  }
0xc6: {  	[spmem:s2] =	stream.indirect.scatter.add.bf16 @p1 [tilespmem:s10], [sflag:$0x7], $0x20, s0, s8, $0xb8;
	[tilespmem:$0x10620] =	vst v63  }
0xc7: {  	s0 =	simm.s32 @!p1 $0x5  }
0xc8: {  	_ =	swait.ge @!p1 [sflag:s0], $0x1000  }
0xc9: {  	[sflag:s0] =	ssyncset.done @!p1 $0x0  }
0xca: {  	[sflag:s0] =	ssyncadd.s32 @!p1 $0xFFFFF000;
	s0 =	sshra.s32 @!p1 s28, $0x2  }
0xcb: {  	s21 =	simm.s32 @!p1 $0x2800;
	s10 =	simm.s32 @!p1 $0x80;
	s8 =	sadd.s32 @!p1 $0x400, s0  }
0xcc: {  	[tilespmem:s21], [sflag:$0x1] =	stream.indirect.gather @!p1 [spmem:s3], $0x20, s8, s10, $0xb8;
	[tilespmem:$0x10620] =	vst v63  }
0xcd: {  	s8 =	simm.s32 @!p1 $0x3  }
0xce: {  	_ =	swait.ge @!p1 [sflag:s8], $0x1000  }
0xcf: {  	[sflag:s8] =	ssyncset.done @!p1 $0x0  }
0xd0: {  	s21 =	simm.s32 @!p1 $0x4800;
	[sflag:s8] =	ssyncadd.s32 @!p1 $0xFFFFF000;
	s8 =	sadd.s32 @!p1 $0x1700, s0  }
0xd1: {  	[spmem:s2] =	stream.indirect.scatter.add.bf16 @!p1 [tilespmem:s21], [sflag:$0x7], $0x20, s8, s10, $0xb8;
	[tilespmem:$0x10620] =	vst v63  }
0xd2: {  	s8 =	simm.s32 @!p1 $0x6  }
0xd3: {  	_ =	swait.ge @!p1 [sflag:s8], $0x1000  }
0xd4: {  	[sflag:s8] =	ssyncset.done @!p1 $0x0  }
0xd5: {  	s0 =	sadd.s32 @!p1 $0x480, s0;
	[sflag:s8] =	ssyncadd.s32 @!p1 $0xFFFFF000;
	s8 =	simm.s32 @!p1 $0x3800  }
0xd6: {  	[tilespmem:s8], [sflag:$0x2] =	stream.indirect.gather @!p1 [spmem:s3], $0x20, s0, s10, $0xb8;
	[tilespmem:$0x10620] =	vst v63  }
.Ltmp5:
0xd7: {  	_ = 	snop;
	(pc) =	sbr.rel @p1 .LBB2_8-.Ltmp5, $4  }
0xd8: {  	_ =	swait.ge [sflag:s9], $0x1000  }
0xd9: {  	[sflag:s9] =	ssyncset.done $0x0  }
0xda: {  	s21 =	sadd.s32 $0x1780, s30;
	[sflag:s9] =	ssyncadd.s32 $0xFFFFF000  }
0xdb: {  	[spmem:s2] =	stream.indirect.scatter.add.bf16 [tilespmem:s25], [sflag:$0x8], $0x20, s21, s18, $0xb8;
	[tilespmem:$0x10620] =	vst v63  }
.Ltmp6:
0xdc: {  	(pc) =	sbr.rel .LBB2_6-.Ltmp6, $4  }
0xdd: {  	_ =	swait.ge [sflag:s11], $0x1000  }
0xde: {  	[sflag:s11] =	ssyncset.done $0x0  }
0xdf: {  	s0 =	sadd.s32 $0x500, s30;
	s28 =	sadd.s32 $0x800, s28;
	[sflag:s11] =	ssyncadd.s32 $0xFFFFF000  }
0xe0: {  	[tilespmem:s22], [sflag:$0x3] =	stream.indirect.gather [spmem:s3], $0x20, s0, s18, $0xb8;
	[tilespmem:$0x10620] =	vst v63  }
.LBB2_9:
0xe1: {  	_ =	sfence.sel $0x180000  }
0xe2: {  	[bflag:$0x0] =	sbarrier.arrive $0xFFFF  }
0xe3: {  	_ =	strace $0x9000004A  }
0xe4: {  	s0 =	stileid.u32;
	[bflag:$0x2] =	sbarrier.arrive $0xFFFF  }
0xe5: {  	p0 =	sne.s32 s0, $0x0;
	s0 =	rddreg [dreg:$0x4]  }
0xe6: {  	s0 =	sadd.s32 @!p0 $0x100000, s0  }
0xe7: {  	[sflag:s0] =	ssyncadd.tile.s32 @!p0 $0x1;
	_ =	shalt  }
.Lfunc_end2:
_tile_overlayer_lowered:
.L_overlay_start_2:
0xe8: {  	(tag) =	ssettag $0x2  }
0xe9: {  	s0 =	rddreg [dreg:$0x0];
	s2 =	stileid.u32  }
0xea: {  	s1 =	rddreg [dreg:$0x1];
	p0 =	sne.s32 s2, $0x0  }
0xeb: {  	s3 =	rddreg [dreg:$0x2];
	[bflag:$0x3] =	sbarrier.arrive $0xFFFF;
	s2 =	simm.s32 @!p0 $0x1C09  }
0xec: {  	[timem:s3], [sflag:s2] =	dma.local @!p0 [hbm:s0], s1  }
0xed: {  	s0 =	simm.s32 @!p0 $0x9  }
0xee: {  	_ =	swait.ge @!p0 [sflag:s0], s1  }
0xef: {  	s1 =	ssub.s32 @!p0 $0x0, s1;
	[sflag:s0] =	ssyncset.done @!p0 $0x0  }
0xf0: {  	[sflag:s0] =	ssyncadd.s32 @!p0 s1  }
0xf1: {  	[bflag:$0x3] =	sbarrier.arrive $0xFFFF  }
0xf2: {  	_ =	shalt  }

// kernel: kernel.17.cloned.1.call-start
scs
__scs_entry_jumppad:
0x0: {  	(pc) =	sbr.rel $0x88, $3  }
0x1: {  	(tag) =	ssettag $0x0;
	lr =	simm.s32 $0x1  }
0x2: {  	[smem:$0x3F97] =	sst lr;
	_ =	strace $0xD0000000  }
0x3: {  	_ = 	snop  }
0x4: {  	_ = 	snop  }
0x5: {  	_ = 	snop  }
0x6: {  	_ = 	snop  }
0x7: {  	_ = 	snop  }
__scs_overlays_trampoline_lowered:
0x8: {  	[smem:$0x3FA6] =	sst s0  }
0x9: {  	[smem:$0x3FA7] =	sst s1  }
0xa: {  	[smem:$0x3FA8] =	sst s2  }
0xb: {  	[smem:$0x3FA9] =	sst s3  }
0xc: {  	[smem:$0x3FAA] =	sst s4  }
0xd: {  	[smem:$0x3FAB] =	sst s5  }
0xe: {  	[smem:$0x3FAC] =	sst s6  }
0xf: {  	[smem:$0x3FAD] =	sst s7  }
0x10: {  	[smem:$0x3FAE] =	sst s8  }
0x11: {  	[smem:$0x3FAF] =	sst s9;
	s0 =	simm.s32 @!p0 $0x0  }
0x12: {  	s1 =	sld [smem:$0x3F95];
	s0 =	simm.s32 @p0 $0x1  }
0x13: {  	[smem:$0x3FB0] =	sst s0;
	s0 =	simm.s32 @!p1 $0x0  }
0x14: {  	s2 =	sld [smem:$0x3F94];
	s0 =	simm.s32 @p1 $0x1  }
0x15: {  	[smem:$0x3FB1] =	sst s0;
	s0 =	simm.s32 @!p2 $0x0  }
0x16: {  	s3 =	sld [smem:$0x3FDB];
	s0 =	simm.s32 @p2 $0x1  }
0x17: {  	s4 =	simm.s32 $0x1BF5;
	[smem:$0x3FB3] =	sst s0  }
0x18: {  	s0 =	sld [smem:$0x3F96];
	_ =	swait.ge [sflag:s4], $0x0  }
0x19: {  	s7 =	sld [smem:$0x3F97]  }
0x1a: {  	s8 =	sadd.s32 $0xFFFFE003, lr  }
0x1b: {  	s9 =	sadd.s32 $0xFFFFFEF7, lr;
	s5 =	simm.s32 $0xFFFFFFFF;
	p2 =	slt.u32 s8, $0xFFFFF086  }
0x1c: {  	p1 =	slt.u32 s9, $0xF7A;
	s5 =	simm.s32 @!p2 $0x0  }
0x1d: {  	s5 =	simm.s32 @p1 $0x1;
	p0 =	seq.s32 s7, s2  }
0x1e: {  	s7 =	smul.u32 @!p0 $0xF7A, s2;
	p2 =	seq.s32 @!p0 s5, $0x0  }
0x1f: {  	s9 =	smul.u32 $0xF7A, s1;
	s8 =	simm.s32 @!p0 $0x1BF5;
	p2 =	por !p2, p0  }
0x20: {  	[sflag:s8] =	ssyncset.s32 @!p0 $0xFFFFF086;
	s6 =	sadd.s32 @!p0 s3, s7;
	s7 =	simm.s32 @!p0 $0x108  }
0x21: {  	s3 =	sadd.s32 s3, s9;
	s6 =	sadd.s32 @!p0 $0x88, s6;
	s7 =	simm.s32 @p2 $0x1082  }
0x22: {  	[simem:s7], [sflag:s8] =	dma.local @!p0 [hbm:s6], $0xF7A  }
0x23: {  	s9 =	sor.u32 $0xD0000000, s2;
	s6 =	simm.s32 $0x108;
	_ =	swait.ge @!p0 [sflag:s8], $0x0  }
0x24: {  	s3 =	sadd.s32 $0x88, s3;
	s6 =	simm.s32 @!p1 $0x1082;
	[sflag:s4] =	ssyncset.s32 $0xFFFFF086  }
0x25: {  	[simem:s6], [sflag:s4] =	dma.local [hbm:s3], $0xF7A  }
0x26: {  	[smem:$0x3F97] =	sst s1;
	(tag) =	ssettag s2;
	_ =	strace s9  }
0x27: {  	s1 =	sld [smem:$0x3FA7]  }
0x28: {  	s2 =	sld [smem:$0x3FA8]  }
0x29: {  	s4 =	sld [smem:$0x3FAA]  }
0x2a: {  	p0 =	seq.s32 s5, $0x0;
	s5 =	sld [smem:$0x3FAB]  }
0x2b: {  	s6 =	sld [smem:$0x3FAC]  }
0x2c: {  	s7 =	sld [smem:$0x3FAD]  }
0x2d: {  	s3 =	simm.s32 $0x108;
	s8 =	sld [smem:$0x3FAE]  }
0x2e: {  	s3 =	simm.s32 @!p0 $0x1082;
	s9 =	sld [smem:$0x3FAF]  }
0x2f: {  	lr =	sadd.s32 s0, s3;
	s0 =	sld [smem:$0x3FA6]  }
0x30: {  	s3 =	sld [smem:$0x3FA9]  }
0x31: {  	[smem:$0x3FB2] =	sst s10  }
0x32: {  	s10 =	sld [smem:$0x3FB0];
	_ =	sdelay $0x3  }
0x33: {  	p0 =	seq.s32 s10, $0x1;
	s10 =	sld [smem:$0x3FB2];
	_ =	sdelay $0x3  }
0x34: {  	[smem:$0x3FB2] =	sst s10  }
0x35: {  	s10 =	sld [smem:$0x3FB1];
	_ =	sdelay $0x3  }
0x36: {  	p1 =	seq.s32 s10, $0x1;
	s10 =	sld [smem:$0x3FB2];
	_ =	sdelay $0x3  }
0x37: {  	[smem:$0x3FB2] =	sst s10  }
0x38: {  	s10 =	sld [smem:$0x3FB3]  }
0x39: {  	_ = 	snop;
	(pc) =	sbr.ind lr, $3  }
0x3a: {  	_ = 	snop  }
0x3b: {  	_ = 	snop  }
0x3c: {  	p2 =	seq.s32 s10, $0x1;
	s10 =	sld [smem:$0x3FB2]  }
0x3d: {  	_ =	shalt  }
0x3e: {  	_ =	shalt  }
0x3f: {  	_ =	shalt  }
0x40: {  	_ =	shalt  }
0x41: {  	_ =	shalt  }
0x42: {  	_ =	shalt  }
0x43: {  	_ =	shalt  }
0x44: {  	_ =	shalt  }
0x45: {  	_ =	shalt  }
0x46: {  	_ =	shalt  }
0x47: {  	_ =	shalt  }
0x48: {  	_ =	shalt  }
0x49: {  	_ =	shalt  }
0x4a: {  	_ =	shalt  }
0x4b: {  	_ =	shalt  }
0x4c: {  	_ =	shalt  }
0x4d: {  	_ =	shalt  }
0x4e: {  	_ =	shalt  }
0x4f: {  	_ =	shalt  }
0x50: {  	_ =	shalt  }
0x51: {  	_ =	shalt  }
0x52: {  	_ =	shalt  }
0x53: {  	_ =	shalt  }
0x54: {  	_ =	shalt  }
0x55: {  	_ =	shalt  }
0x56: {  	_ =	shalt  }
0x57: {  	_ =	shalt  }
0x58: {  	_ =	shalt  }
0x59: {  	_ =	shalt  }
0x5a: {  	_ =	shalt  }
0x5b: {  	_ =	shalt  }
0x5c: {  	_ =	shalt  }
0x5d: {  	_ =	shalt  }
0x5e: {  	_ =	shalt  }
0x5f: {  	_ =	shalt  }
0x60: {  	_ =	shalt  }
0x61: {  	_ =	shalt  }
0x62: {  	_ =	shalt  }
0x63: {  	_ =	shalt  }
0x64: {  	_ =	shalt  }
0x65: {  	_ =	shalt  }
0x66: {  	_ =	shalt  }
0x67: {  	_ =	shalt  }
0x68: {  	_ =	shalt  }
0x69: {  	_ =	shalt  }
0x6a: {  	_ =	shalt  }
0x6b: {  	_ =	shalt  }
0x6c: {  	_ =	shalt  }
0x6d: {  	_ =	shalt  }
0x6e: {  	_ =	shalt  }
0x6f: {  	_ =	shalt  }
0x70: {  	_ =	shalt  }
0x71: {  	_ =	shalt  }
0x72: {  	_ =	shalt  }
0x73: {  	_ =	shalt  }
0x74: {  	_ =	shalt  }
0x75: {  	_ =	shalt  }
0x76: {  	_ =	shalt  }
0x77: {  	_ =	shalt  }
0x78: {  	_ =	shalt  }
0x79: {  	_ =	shalt  }
0x7a: {  	_ =	shalt  }
0x7b: {  	_ =	shalt  }
0x7c: {  	_ =	shalt  }
0x7d: {  	_ =	shalt  }
0x7e: {  	_ =	shalt  }
0x7f: {  	_ =	shalt  }
0x80: {  	_ =	shalt  }
0x81: {  	_ =	shalt  }
0x82: {  	_ =	shalt  }
0x83: {  	_ =	shalt  }
0x84: {  	_ =	shalt  }
0x85: {  	_ =	shalt  }
0x86: {  	_ =	shalt  }
0x87: {  	_ =	shalt  }
.Lfunc_end0:
.L_simem_size_0:
called_computation.2_lowered:
.L_overlay_start_0:
0x88: {  	s2 =	sld [smem:$0x3FD9]  }
0x89: {  	s3 =	sld [smem:$0x3FFE];
	_ =	sdelay $0x1  }
0x8a: {  	s1 =	srdreg.scid  }
0x8b: {  	s0 =	sand.u32 $0x1, s1  }
0x8c: {  	s16 =	sshll.u32 s0, $0xA;
	s2 =	sadd.s32 s3, s2  }
0x8d: {  	s2 =	sadd.s32 s2, s16  }
0x8e: {  	[smem:$0x3FBE] =	sst s2  }
0x8f: {  	_ = 	snop  }
0x90: {  	(tm) =	ssettm $0x1  }
0x91: {  	s17 =	sld [smem:$0x3FFB];
	_ =	sdelay $0x3  }
0x92: {  	_ =	strace s17  }
0x93: {  	s2 =	sld [smem:$0x3FFC];
	_ =	sdelay $0x3  }
0x94: {  	_ =	strace s2  }
0x95: {  	s2 =	sld [smem:$0x3FFD];
	_ =	sdelay $0x3  }
0x96: {  	_ =	strace s2  }
0x97: {  	_ =	strace $0x8FFFFFFF  }
0x98: {  	s18 =	sld [smem:$0x3FDB];
	_ =	sdelay $0x1  }
0x99: {  	s19 =	simm.s32 $_scs_section_size  }
0x9a: {  	s4 =	simm.s32 $_size__tile_overlayer_lowered;
	s5 =	simm.s32 $_tile_overlayer_lowered  }
0x9b: {  	s22 =	simm.s32 $0x1BFF;
	s21 =	sshll.u32 s5, $0x1;
	s2 =	sadd.s32 s19, s18  }
0x9c: {  	s6 =	simm.s32 $0x0;
	s20 =	sshll.u32 s4, $0x1;
	s4 =	sadd.s32 s21, s2  }
0x9d: {  	[timem:s6], [sflag:s22] =	dma.local [hbm:s4], s20  }
0x9e: {  	_ =	swait.ge [sflag:s22], s20  }
0x9f: {  	s3 =	ssub.s32 $0x0, s20;
	[sflag:s22] =	ssyncset.done $0x0  }
0xa0: {  	[sflag:s22] =	ssyncadd.s32 s3;
	_ =	sdelay $0x1  }
0xa1: {  	s23 =	simm.s32 $0x1B8B  }
0xa2: {  	_ =	swait.ge [sflag:s23], $0x1  }
0xa3: {  	[sflag:s23] =	ssyncset.done $0x0  }
0xa4: {  	s25 =	simm.s32 $0x1B8E;
	s24 =	sld [smem:$0x3FFE];
	[sflag:s23] =	ssyncadd.s32 $0xFFFFFFFF  }
0xa5: {  	s26 =	simm.s32 $execute0_lowered;
	[smem:$0x3FD2] =	sst s25  }
0xa6: {  	s4 =	sshll.u32 s26, $0x1;
	_ =	strace $0x8000004C;
	[dreg:$0x1] =	wrdreg $0xFFFFFFFF  }
0xa7: {  	s28 =	simm.s32 $_size_execute0_lowered;
	s2 =	sadd.s32 s2, s4;
	[dreg:$0x0] =	wrdreg $0x0  }
0xa8: {  	s4 =	sshll.u32 s28, $0x1;
	[dreg:$0x2] =	wrdreg s2  }
0xa9: {  	[dreg:$0x3] =	wrdreg s4  }
0xaa: {  	[dreg:$0x4] =	wrdreg $0xC0  }
0xab: {  	_ =	task [dreg:s6], $0x5FFFF  }
0xac: {  	[dreg:$0x1] =	wrdreg $0xFFFFFFFF  }
0xad: {  	[dreg:$0x0] =	wrdreg $0x60  }
0xae: {  	[dreg:$0x2] =	wrdreg s24  }
0xaf: {  	[dreg:$0x3] =	wrdreg $0xA8000  }
0xb0: {  	[dreg:$0x4] =	wrdreg $0x148000  }
0xb1: {  	[dreg:$0x5] =	wrdreg $0x9  }
0xb2: {  	_ =	task.clear_ibuf [dreg:s6], $0x6FFFF;
	_ =	strace $0x9000004C  }
0xb3: {  	s29 =	simm.s32 $0x9;
	_ =	strace $0x8000004E  }
0xb4: {  	_ =	swait.ge [sflag:s29], $0x1  }
0xb5: {  	[sflag:s29] =	ssyncadd.s32 $0xFFFFFFFF  }
0xb6: {  	_ =	strace $0x9000004E  }
0xb7: {  	_ =	sfence  }
0xb8: {  	s30 =	sld [smem:$0x0];
	_ =	sdelay $0x2  }
0xb9: {  	s31 =	sshll.u32 s1, $0xD;
	s1 =	sshrl.u32 s1, $0x2  }
0xba: {  	s3 =	sand.u32 $0x4000, s31;
	s1 =	sadd.s32 s1, s30  }
0xbb: {  	s0 =	sor.u32 s3, s0;
	s1 =	sshll.u32 s1, $0x11  }
0xbc: {  	s0 =	sor.u32 s1, s0  }
0xbd: {  	s0 =	sadd.s32 $0x8F2B, s0  }
0xbe: {  	[sflag:s0] =	ssyncadd.remote.s32 $0x1  }
0xbf: {  	_ =	sfence.sel $0xFFFF  }
0xc0: {  	[dreg:$0x0] =	wrdreg $0xFFFFFFFF;
	(pc) =	sbr.abs _section_cstart, $3  }
0xc1: {  	[dreg:$0x1] =	wrdreg $0xFFFFFFFF  }
0xc2: {  	_ =	task.clear_ibuf [dreg:s6], $0x2FFFF;
	_ =	strace $0x9FFFFFFF  }
0xc3: {  	(tm) =	ssettm $0x7FFFFFFF  }
tec
execute0_lowered:
.L_overlay_start_1:
0x0: {  	(tag) =	ssettag $0x1  }
0x1: {  	s0 =	rddreg [dreg:$0x0]  }
0x2: {  	s2 =	rddreg [dreg:$0x1]  }
0x3: {  	s3 =	rddreg [dreg:$0x2];
	s13 =	stileid.u32  }
0x4: {  	s5 =	srdreg.scid;
	s4 =	simm.s32 $0x0;
	s17 =	simm.s32 $0x1400  }
0x5: {  	s18 =	simm.s32 $0x80;
	s19 =	simm.s32 $0x2800;
	s20 =	simm.s32 $0x4800  }
0x6: {  	s22 =	simm.s32 $0x6800;
	s23 =	simm.s32 $0x1;
	s29 =	simm.s32 $0x5  }
0x7: {  	s31 =	simm.s32 $0x3;
	s1 =	smul.u32 $0x13880, s13;
	s8 =	sand.u32 $0x1, s5  }
0x8: {  	s6 =	smul.u32 $0x14000, s13;
	[smem:$0x7FF] =	sst s4;
	s9 =	sadd.s32 $0x8200, s0  }
0x9: {  	s10 =	sadd.s32 $0x2000, s0;
	s25 =	smul.u32 $0x500, s13;
	s26 =	sshll.u32 s13, $0x6  }
0xa: {  	s5 =	smul.u32 $0x140000, s8;
	_ =	strace $0x8000004D;
	s12 =	ssub.s32 $0x2, s8  }
0xb: {  	p0 =	sne.s32 s8, $0x0;
	s7 =	sshrl.u32 s1, $0x4;
	s24 =	sshrl.u32 s12, $0x1  }
0xc: {  	s1 =	sshrl.u32 s1, $0x1;
	s28 =	sadd.s32 $0x280, s25;
	s30 =	sadd.s32 s10, s25  }
0xd: {  	s7 =	sadd.s32 s7, s0;
	s5 =	sadd.s32 s6, s5;
	s6 =	sshrl.u32 s6, $0x1  }
0xe: {  	s1 =	sadd.s32 s1, s3;
	s15 =	sadd.s32 s9, s28;
	s13 =	sadd.s32 s10, s28  }
0xf: {  	s9 =	sadd.s32 s9, s25;
	[dreg:$0x7] =	wrdreg s30;
	s25 =	simm.s32 $0x8800  }
0x10: {  	s11 =	sshrl.u32 s5, $0x4;
	s5 =	sadd.s32 $0x21200, s0;
	[dreg:$0x4] =	wrdreg s15  }
0x11: {  	s14 =	sadd.s32 s6, s2;
	s6 =	sor.u32 $0x1C09, s26;
	[dreg:$0x5] =	wrdreg s13  }
.Ltmp0:
0x12: {  	s7 =	sadd.s32 $0xD200, s7;
	[dreg:$0x6] =	wrdreg s9;
	(pc) =	sbr.rel .LBB2_1-.Ltmp0, $4  }
0x13: {  	s15 =	simm.s32 $0x9;
	s16 =	sshrl.u32 s1, $0x3;
	s26 =	simm.s32 $0x2  }
0x14: {  	s1 =	simm.s32 $0x6;
	s9 =	simm.s32 $0x4;
	s0 =	sadd.s32 s11, s0  }
0x15: {  	s11 =	ssub.s32 s12, s24;
	s14 =	sshrl.u32 s14, $0x3;
	s24 =	simm.s32 $0x8  }
0x16: {  	s12 =	sadd.s32 $0x22600, s0;
	s13 =	smax.u32 s11, $0x1;
	s11 =	simm.s32 $0x7  }
.LBB2_8:
0x17: {  	_ =	swait.ge [sflag:s29], $0x2000  }
0x18: {  	[sflag:s29] =	ssyncset.done $0x0  }
0x19: {  	[sflag:s29] =	ssyncadd.s32 $0xFFFFE000  }
0x1a: {  	_ =	swait.ge [sflag:s1], $0x2000  }
0x1b: {  	[sflag:s1] =	ssyncset.done $0x0  }
0x1c: {  	[sflag:s1] =	ssyncadd.s32 $0xFFFFE000  }
0x1d: {  	_ =	swait.ge [sflag:s11], $0x2000  }
0x1e: {  	[sflag:s11] =	ssyncset.done $0x0  }
0x1f: {  	[sflag:s11] =	ssyncadd.s32 $0xFFFFE000  }
0x20: {  	_ =	swait.ge [sflag:s24], $0x2000  }
0x21: {  	s4 =	sadd.s32 $0x1, s4;
	[sflag:s24] =	ssyncset.done $0x0  }
0x22: {  	p1 =	sne.s32 s4, s13;
	[sflag:s24] =	ssyncadd.s32 $0xFFFFE000  }
.Ltmp1:
0x23: {  	[bflag:$0x0] =	sbarrier.arrive $0xFFFF;
	(pc) =	sbr.rel @!p1 .LBB2_9-.Ltmp1, $4  }
0x24: {  	[hbm:s12], [sflag:s6] =	dma.local [spmem:s14], $0x1400  }
0x25: {  	_ =	swait.ge [sflag:s15], $0x1400  }
0x26: {  	[sflag:s15] =	ssyncset.done $0x0  }
0x27: {  	[sflag:s15] =	ssyncadd.s32 $0xFFFFEC00  }
.LBB2_1:
0x28: {  	[spmem:s14], [sflag:s6] =	dma.local [hbm:s5], $0x1400  }
0x29: {  	_ =	swait.ge [sflag:s15], $0x1400  }
0x2a: {  	[sflag:s15] =	ssyncset.done $0x0  }
.Ltmp2:
0x2b: {  	[sflag:s15] =	ssyncadd.s32 $0xFFFFEC00;
	(pc) =	sbr.rel @p0 .LBB2_5-.Ltmp2, $4  }
0x2c: {  	[spmem:s16], [sflag:s6] =	dma.local [hbm:s7], $0x1388  }
0x2d: {  	_ =	swait.ge [sflag:s15], $0x1388  }
0x2e: {  	[sflag:s15] =	ssyncset.done $0x0  }
0x2f: {  	s28 =	simm.s32 $0x0;
	[sflag:s15] =	ssyncadd.s32 $0xFFFFEC78  }
0x30: {  	s0 =	rddreg [dreg:$0x6]  }
0x31: {  	[tilespmem:s28], [sflag:$0x9] =	stream.linear.gather [hbm4b:s0+s28], $0x1400, $0x38;
	[tilespmem:$0x1E440] =	vst v63  }
0x32: {  	_ =	swait.ge [sflag:s15], $0x1400  }
0x33: {  	[sflag:s15] =	ssyncset.done $0x0  }
0x34: {  	s30 =	rddreg [dreg:$0x7];
	[sflag:s15] =	ssyncadd.s32 $0xFFFFEC00  }
0x35: {  	[tilespmem:s17], [sflag:$0x9] =	stream.linear.gather [hbm4b:s30+s28], $0x1400, $0x38;
	[tilespmem:$0x1E440] =	vst v63  }
0x36: {  	_ =	swait.ge [sflag:s15], $0x1400  }
0x37: {  	[sflag:s15] =	ssyncset.done $0x0  }
0x38: {  	[sflag:s15] =	ssyncadd.s32 $0xFFFFEC00  }
0x39: {  	[bflag:$0x0] =	sbarrier.arrive $0xFFFF  }
0x3a: {  	[tilespmem:s19], [sflag:$0x1] =	stream.indirect.gather [spmem:s3], $0x40, s28, s18, $0xb8;
	[tilespmem:$0x1E440] =	vst v63  }
0x3b: {  	_ = 	snop  }
0x3c: {  	[tilespmem:s20], [sflag:$0x2] =	stream.indirect.gather [spmem:s3], $0x40, s18, s18, $0xb8;
	[tilespmem:$0x1E440] =	vst v63  }
0x3d: {  	s8 =	simm.s32 $0x100  }
0x3e: {  	[tilespmem:s22], [sflag:$0x3] =	stream.indirect.gather [spmem:s3], $0x40, s8, s18, $0xb8;
	[tilespmem:$0x1E440] =	vst v63  }
0x3f: {  	_ =	swait.ge [sflag:s23], $0x2000  }
0x40: {  	[sflag:s23] =	ssyncset.done $0x0  }
0x41: {  	[sflag:s23] =	ssyncadd.s32 $0xFFFFE000  }
0x42: {  	[spmem:s2] =	stream.indirect.scatter.add.bf16 [tilespmem:s19], [sflag:$0x5], $0x40, s17, s18, $0xb8;
	[tilespmem:$0x1E440] =	vst v63  }
0x43: {  	s10 =	simm.s32 $0x180  }
0x44: {  	[tilespmem:s25], [sflag:$0x4] =	stream.indirect.gather [spmem:s3], $0x40, s10, s18, $0xb8;
	[tilespmem:$0x1E440] =	vst v63  }
0x45: {  	_ =	swait.ge [sflag:s26], $0x2000  }
0x46: {  	[sflag:s26] =	ssyncset.done $0x0  }
0x47: {  	s21 =	simm.s32 $0x1480;
	[sflag:s26] =	ssyncadd.s32 $0xFFFFE000  }
0x48: {  	[spmem:s2] =	stream.indirect.scatter.add.bf16 [tilespmem:s20], [sflag:$0x6], $0x40, s21, s18, $0xb8;
	[tilespmem:$0x1E440] =	vst v63  }
0x49: {  	_ =	swait.ge [sflag:s29], $0x2000  }
0x4a: {  	[sflag:s29] =	ssyncset.done $0x0  }
0x4b: {  	s30 =	simm.s32 $0x200;
	[sflag:s29] =	ssyncadd.s32 $0xFFFFE000  }
0x4c: {  	[tilespmem:s19], [sflag:$0x1] =	stream.indirect.gather [spmem:s3], $0x40, s30, s18, $0xb8;
	[tilespmem:$0x1E440] =	vst v63  }
0x4d: {  	_ =	swait.ge [sflag:s31], $0x2000  }
0x4e: {  	[sflag:s31] =	ssyncset.done $0x0  }
0x4f: {  	s8 =	simm.s32 $0x1500;
	[sflag:s31] =	ssyncadd.s32 $0xFFFFE000  }
0x50: {  	[spmem:s2] =	stream.indirect.scatter.add.bf16 [tilespmem:s22], [sflag:$0x7], $0x40, s8, s18, $0xb8;
	[tilespmem:$0x1E440] =	vst v63  }
0x51: {  	_ =	swait.ge [sflag:s1], $0x2000  }
0x52: {  	[sflag:s1] =	ssyncset.done $0x0  }
0x53: {  	s10 =	simm.s32 $0x280;
	[sflag:s1] =	ssyncadd.s32 $0xFFFFE000  }
0x54: {  	[tilespmem:s20], [sflag:$0x2] =	stream.indirect.gather [spmem:s3], $0x40, s10, s18, $0xb8;
	[tilespmem:$0x1E440] =	vst v63  }
0x55: {  	_ =	swait.ge [sflag:s9], $0x2000  }
0x56: {  	[sflag:s9] =	ssyncset.done $0x0  }
0x57: {  	s21 =	simm.s32 $0x1580;
	[sflag:s9] =	ssyncadd.s32 $0xFFFFE000  }
0x58: {  	[spmem:s2] =	stream.indirect.scatter.add.bf16 [tilespmem:s25], [sflag:$0x8], $0x40, s21, s18, $0xb8;
	[tilespmem:$0x1E440] =	vst v63  }
0x59: {  	_ =	swait.ge [sflag:s11], $0x2000  }
0x5a: {  	[sflag:s11] =	ssyncset.done $0x0  }
0x5b: {  	s30 =	simm.s32 $0x300;
	[sflag:s11] =	ssyncadd.s32 $0xFFFFE000  }
0x5c: {  	[tilespmem:s22], [sflag:$0x3] =	stream.indirect.gather [spmem:s3], $0x40, s30, s18, $0xb8;
	[tilespmem:$0x1E440] =	vst v63  }
.LBB2_3:
0x5d: {  	_ =	swait.ge [sflag:s23], $0x2000  }
0x5e: {  	s30 =	sshra.s32 s28, $0x2;
	[sflag:s23] =	ssyncset.done $0x0  }
0x5f: {  	s0 =	sadd.s32 $0x1600, s30;
	[sflag:s23] =	ssyncadd.s32 $0xFFFFE000  }
0x60: {  	[spmem:s2] =	stream.indirect.scatter.add.bf16 [tilespmem:s19], [sflag:$0x5], $0x40, s0, s18, $0xb8;
	[tilespmem:$0x1E440] =	vst v63  }
0x61: {  	_ =	swait.ge [sflag:s24], $0x2000  }
0x62: {  	[sflag:s24] =	ssyncset.done $0x0  }
0x63: {  	s8 =	sadd.s32 $0x380, s30;
	[sflag:s24] =	ssyncadd.s32 $0xFFFFE000  }
0x64: {  	[tilespmem:s25], [sflag:$0x4] =	stream.indirect.gather [spmem:s3], $0x40, s8, s18, $0xb8;
	[tilespmem:$0x1E440] =	vst v63  }
0x65: {  	_ =	swait.ge [sflag:s26], $0x2000  }
0x66: {  	p1 =	seq.s32 s28, $0x4000;
	[sflag:s26] =	ssyncset.done $0x0  }
0x67: {  	s10 =	sadd.s32 $0x1680, s30;
	s0 =	simm.s32 @p1 $0x3;
	[sflag:s26] =	ssyncadd.s32 $0xFFFFE000  }
0x68: {  	[spmem:s2] =	stream.indirect.scatter.add.bf16 [tilespmem:s20], [sflag:$0x6], $0x40, s10, s18, $0xb8;
	[tilespmem:$0x1E440] =	vst v63  }
0x69: {  	_ =	swait.ge @p1 [sflag:s0], $0x2000  }
0x6a: {  	[sflag:s0] =	ssyncset.done @p1 $0x0  }
0x6b: {  	[sflag:s0] =	ssyncadd.s32 @p1 $0xFFFFE000;
	s0 =	sshra.s32 @p1 s28, $0x2  }
0x6c: {  	s8 =	simm.s32 @p1 $0x80;
	s10 =	simm.s32 @p1 $0x6800;
	s0 =	sadd.s32 @p1 $0x1700, s0  }
0x6d: {  	[spmem:s2] =	stream.indirect.scatter.add.bf16 @p1 [tilespmem:s10], [sflag:$0x7], $0x40, s0, s8, $0xb8;
	[tilespmem:$0x1E440] =	vst v63  }
0x6e: {  	s0 =	simm.s32 @!p1 $0x5  }
0x6f: {  	_ =	swait.ge @!p1 [sflag:s0], $0x2000  }
0x70: {  	[sflag:s0] =	ssyncset.done @!p1 $0x0  }
0x71: {  	[sflag:s0] =	ssyncadd.s32 @!p1 $0xFFFFE000;
	s0 =	sshra.s32 @!p1 s28, $0x2  }
0x72: {  	s21 =	simm.s32 @!p1 $0x2800;
	s10 =	simm.s32 @!p1 $0x80;
	s8 =	sadd.s32 @!p1 $0x400, s0  }
0x73: {  	[tilespmem:s21], [sflag:$0x1] =	stream.indirect.gather @!p1 [spmem:s3], $0x40, s8, s10, $0xb8;
	[tilespmem:$0x1E440] =	vst v63  }
0x74: {  	s8 =	simm.s32 @!p1 $0x3  }
0x75: {  	_ =	swait.ge @!p1 [sflag:s8], $0x2000  }
0x76: {  	[sflag:s8] =	ssyncset.done @!p1 $0x0  }
0x77: {  	s21 =	simm.s32 @!p1 $0x6800;
	[sflag:s8] =	ssyncadd.s32 @!p1 $0xFFFFE000;
	s8 =	sadd.s32 @!p1 $0x1700, s0  }
0x78: {  	[spmem:s2] =	stream.indirect.scatter.add.bf16 @!p1 [tilespmem:s21], [sflag:$0x7], $0x40, s8, s10, $0xb8;
	[tilespmem:$0x1E440] =	vst v63  }
0x79: {  	s8 =	simm.s32 @!p1 $0x6  }
0x7a: {  	_ =	swait.ge @!p1 [sflag:s8], $0x2000  }
0x7b: {  	[sflag:s8] =	ssyncset.done @!p1 $0x0  }
0x7c: {  	s0 =	sadd.s32 @!p1 $0x480, s0;
	[sflag:s8] =	ssyncadd.s32 @!p1 $0xFFFFE000;
	s8 =	simm.s32 @!p1 $0x4800  }
0x7d: {  	[tilespmem:s8], [sflag:$0x2] =	stream.indirect.gather @!p1 [spmem:s3], $0x40, s0, s10, $0xb8;
	[tilespmem:$0x1E440] =	vst v63  }
.Ltmp3:
0x7e: {  	_ = 	snop;
	(pc) =	sbr.rel @p1 .LBB2_8-.Ltmp3, $4  }
0x7f: {  	_ =	swait.ge [sflag:s9], $0x2000  }
0x80: {  	[sflag:s9] =	ssyncset.done $0x0  }
0x81: {  	s21 =	sadd.s32 $0x1780, s30;
	[sflag:s9] =	ssyncadd.s32 $0xFFFFE000  }
0x82: {  	[spmem:s2] =	stream.indirect.scatter.add.bf16 [tilespmem:s25], [sflag:$0x8], $0x40, s21, s18, $0xb8;
	[tilespmem:$0x1E440] =	vst v63  }
.Ltmp4:
0x83: {  	(pc) =	sbr.rel .LBB2_3-.Ltmp4, $4  }
0x84: {  	_ =	swait.ge [sflag:s11], $0x2000  }
0x85: {  	[sflag:s11] =	ssyncset.done $0x0  }
0x86: {  	s0 =	sadd.s32 $0x500, s30;
	s28 =	sadd.s32 $0x800, s28;
	[sflag:s11] =	ssyncadd.s32 $0xFFFFE000  }
0x87: {  	[tilespmem:s22], [sflag:$0x3] =	stream.indirect.gather [spmem:s3], $0x40, s0, s18, $0xb8;
	[tilespmem:$0x1E440] =	vst v63  }
.LBB2_5:
0x88: {  	s0 =	rddreg [dreg:$0x4]  }
0x89: {  	[tilespmem:s28], [sflag:$0x9] =	stream.linear.gather [hbm4b:s0+s28], $0x1400, $0x38;
	[tilespmem:$0x1E440] =	vst v63  }
0x8a: {  	_ =	swait.ge [sflag:s15], $0x1400  }
0x8b: {  	[sflag:s15] =	ssyncset.done $0x0  }
0x8c: {  	s30 =	rddreg [dreg:$0x5];
	[sflag:s15] =	ssyncadd.s32 $0xFFFFEC00  }
0x8d: {  	[tilespmem:s17], [sflag:$0x9] =	stream.linear.gather [hbm4b:s30+s28], $0x1400, $0x38;
	[tilespmem:$0x1E440] =	vst v63  }
0x8e: {  	_ =	swait.ge [sflag:s15], $0x1400  }
0x8f: {  	[sflag:s15] =	ssyncset.done $0x0  }
0x90: {  	[sflag:s15] =	ssyncadd.s32 $0xFFFFEC00  }
0x91: {  	[bflag:$0x0] =	sbarrier.arrive $0xFFFF  }
0x92: {  	[tilespmem:s19], [sflag:$0x1] =	stream.indirect.gather [spmem:s3], $0x40, s28, s18, $0xb8;
	[tilespmem:$0x1E440] =	vst v63  }
0x93: {  	_ = 	snop  }
0x94: {  	[tilespmem:s20], [sflag:$0x2] =	stream.indirect.gather [spmem:s3], $0x40, s18, s18, $0xb8;
	[tilespmem:$0x1E440] =	vst v63  }
0x95: {  	s8 =	simm.s32 $0x100  }
0x96: {  	[tilespmem:s22], [sflag:$0x3] =	stream.indirect.gather [spmem:s3], $0x40, s8, s18, $0xb8;
	[tilespmem:$0x1E440] =	vst v63  }
0x97: {  	_ =	swait.ge [sflag:s23], $0x2000  }
0x98: {  	[sflag:s23] =	ssyncset.done $0x0  }
0x99: {  	[sflag:s23] =	ssyncadd.s32 $0xFFFFE000  }
0x9a: {  	[spmem:s2] =	stream.indirect.scatter.add.bf16 [tilespmem:s19], [sflag:$0x5], $0x40, s17, s18, $0xb8;
	[tilespmem:$0x1E440] =	vst v63  }
0x9b: {  	s10 =	simm.s32 $0x180  }
0x9c: {  	[tilespmem:s25], [sflag:$0x4] =	stream.indirect.gather [spmem:s3], $0x40, s10, s18, $0xb8;
	[tilespmem:$0x1E440] =	vst v63  }
0x9d: {  	_ =	swait.ge [sflag:s26], $0x2000  }
0x9e: {  	[sflag:s26] =	ssyncset.done $0x0  }
0x9f: {  	s21 =	simm.s32 $0x1480;
	[sflag:s26] =	ssyncadd.s32 $0xFFFFE000  }
0xa0: {  	[spmem:s2] =	stream.indirect.scatter.add.bf16 [tilespmem:s20], [sflag:$0x6], $0x40, s21, s18, $0xb8;
	[tilespmem:$0x1E440] =	vst v63  }
0xa1: {  	_ =	swait.ge [sflag:s29], $0x2000  }
0xa2: {  	[sflag:s29] =	ssyncset.done $0x0  }
0xa3: {  	s30 =	simm.s32 $0x200;
	[sflag:s29] =	ssyncadd.s32 $0xFFFFE000  }
0xa4: {  	[tilespmem:s19], [sflag:$0x1] =	stream.indirect.gather [spmem:s3], $0x40, s30, s18, $0xb8;
	[tilespmem:$0x1E440] =	vst v63  }
0xa5: {  	_ =	swait.ge [sflag:s31], $0x2000  }
0xa6: {  	[sflag:s31] =	ssyncset.done $0x0  }
0xa7: {  	s8 =	simm.s32 $0x1500;
	[sflag:s31] =	ssyncadd.s32 $0xFFFFE000  }
0xa8: {  	[spmem:s2] =	stream.indirect.scatter.add.bf16 [tilespmem:s22], [sflag:$0x7], $0x40, s8, s18, $0xb8;
	[tilespmem:$0x1E440] =	vst v63  }
0xa9: {  	_ =	swait.ge [sflag:s1], $0x2000  }
0xaa: {  	[sflag:s1] =	ssyncset.done $0x0  }
0xab: {  	s10 =	simm.s32 $0x280;
	[sflag:s1] =	ssyncadd.s32 $0xFFFFE000  }
0xac: {  	[tilespmem:s20], [sflag:$0x2] =	stream.indirect.gather [spmem:s3], $0x40, s10, s18, $0xb8;
	[tilespmem:$0x1E440] =	vst v63  }
0xad: {  	_ =	swait.ge [sflag:s9], $0x2000  }
0xae: {  	[sflag:s9] =	ssyncset.done $0x0  }
0xaf: {  	s21 =	simm.s32 $0x1580;
	[sflag:s9] =	ssyncadd.s32 $0xFFFFE000  }
0xb0: {  	[spmem:s2] =	stream.indirect.scatter.add.bf16 [tilespmem:s25], [sflag:$0x8], $0x40, s21, s18, $0xb8;
	[tilespmem:$0x1E440] =	vst v63  }
0xb1: {  	_ =	swait.ge [sflag:s11], $0x2000  }
0xb2: {  	[sflag:s11] =	ssyncset.done $0x0  }
0xb3: {  	s30 =	simm.s32 $0x300;
	[sflag:s11] =	ssyncadd.s32 $0xFFFFE000  }
0xb4: {  	[tilespmem:s22], [sflag:$0x3] =	stream.indirect.gather [spmem:s3], $0x40, s30, s18, $0xb8;
	[tilespmem:$0x1E440] =	vst v63  }
.LBB2_6:
0xb5: {  	_ =	swait.ge [sflag:s23], $0x2000  }
0xb6: {  	s30 =	sshra.s32 s28, $0x2;
	[sflag:s23] =	ssyncset.done $0x0  }
0xb7: {  	s0 =	sadd.s32 $0x1600, s30;
	[sflag:s23] =	ssyncadd.s32 $0xFFFFE000  }
0xb8: {  	[spmem:s2] =	stream.indirect.scatter.add.bf16 [tilespmem:s19], [sflag:$0x5], $0x40, s0, s18, $0xb8;
	[tilespmem:$0x1E440] =	vst v63  }
0xb9: {  	_ =	swait.ge [sflag:s24], $0x2000  }
0xba: {  	[sflag:s24] =	ssyncset.done $0x0  }
0xbb: {  	s8 =	sadd.s32 $0x380, s30;
	[sflag:s24] =	ssyncadd.s32 $0xFFFFE000  }
0xbc: {  	[tilespmem:s25], [sflag:$0x4] =	stream.indirect.gather [spmem:s3], $0x40, s8, s18, $0xb8;
	[tilespmem:$0x1E440] =	vst v63  }
0xbd: {  	_ =	swait.ge [sflag:s26], $0x2000  }
0xbe: {  	p1 =	seq.s32 s28, $0x4000;
	[sflag:s26] =	ssyncset.done $0x0  }
0xbf: {  	s10 =	sadd.s32 $0x1680, s30;
	s0 =	simm.s32 @p1 $0x3;
	[sflag:s26] =	ssyncadd.s32 $0xFFFFE000  }
0xc0: {  	[spmem:s2] =	stream.indirect.scatter.add.bf16 [tilespmem:s20], [sflag:$0x6], $0x40, s10, s18, $0xb8;
	[tilespmem:$0x1E440] =	vst v63  }
0xc1: {  	_ =	swait.ge @p1 [sflag:s0], $0x2000  }
0xc2: {  	[sflag:s0] =	ssyncset.done @p1 $0x0  }
0xc3: {  	[sflag:s0] =	ssyncadd.s32 @p1 $0xFFFFE000;
	s0 =	sshra.s32 @p1 s28, $0x2  }
0xc4: {  	s8 =	simm.s32 @p1 $0x80;
	s10 =	simm.s32 @p1 $0x6800;
	s0 =	sadd.s32 @p1 $0x1700, s0  }
0xc5: {  	[spmem:s2] =	stream.indirect.scatter.add.bf16 @p1 [tilespmem:s10], [sflag:$0x7], $0x40, s0, s8, $0xb8;
	[tilespmem:$0x1E440] =	vst v63  }
0xc6: {  	s0 =	simm.s32 @!p1 $0x5  }
0xc7: {  	_ =	swait.ge @!p1 [sflag:s0], $0x2000  }
0xc8: {  	[sflag:s0] =	ssyncset.done @!p1 $0x0  }
0xc9: {  	[sflag:s0] =	ssyncadd.s32 @!p1 $0xFFFFE000;
	s0 =	sshra.s32 @!p1 s28, $0x2  }
0xca: {  	s21 =	simm.s32 @!p1 $0x2800;
	s10 =	simm.s32 @!p1 $0x80;
	s8 =	sadd.s32 @!p1 $0x400, s0  }
0xcb: {  	[tilespmem:s21], [sflag:$0x1] =	stream.indirect.gather @!p1 [spmem:s3], $0x40, s8, s10, $0xb8;
	[tilespmem:$0x1E440] =	vst v63  }
0xcc: {  	s8 =	simm.s32 @!p1 $0x3  }
0xcd: {  	_ =	swait.ge @!p1 [sflag:s8], $0x2000  }
0xce: {  	[sflag:s8] =	ssyncset.done @!p1 $0x0  }
0xcf: {  	s21 =	simm.s32 @!p1 $0x6800;
	[sflag:s8] =	ssyncadd.s32 @!p1 $0xFFFFE000;
	s8 =	sadd.s32 @!p1 $0x1700, s0  }
0xd0: {  	[spmem:s2] =	stream.indirect.scatter.add.bf16 @!p1 [tilespmem:s21], [sflag:$0x7], $0x40, s8, s10, $0xb8;
	[tilespmem:$0x1E440] =	vst v63  }
0xd1: {  	s8 =	simm.s32 @!p1 $0x6  }
0xd2: {  	_ =	swait.ge @!p1 [sflag:s8], $0x2000  }
0xd3: {  	[sflag:s8] =	ssyncset.done @!p1 $0x0  }
0xd4: {  	s0 =	sadd.s32 @!p1 $0x480, s0;
	[sflag:s8] =	ssyncadd.s32 @!p1 $0xFFFFE000;
	s8 =	simm.s32 @!p1 $0x4800  }
0xd5: {  	[tilespmem:s8], [sflag:$0x2] =	stream.indirect.gather @!p1 [spmem:s3], $0x40, s0, s10, $0xb8;
	[tilespmem:$0x1E440] =	vst v63  }
.Ltmp5:
0xd6: {  	_ = 	snop;
	(pc) =	sbr.rel @p1 .LBB2_8-.Ltmp5, $4  }
0xd7: {  	_ =	swait.ge [sflag:s9], $0x2000  }
0xd8: {  	[sflag:s9] =	ssyncset.done $0x0  }
0xd9: {  	s21 =	sadd.s32 $0x1780, s30;
	[sflag:s9] =	ssyncadd.s32 $0xFFFFE000  }
0xda: {  	[spmem:s2] =	stream.indirect.scatter.add.bf16 [tilespmem:s25], [sflag:$0x8], $0x40, s21, s18, $0xb8;
	[tilespmem:$0x1E440] =	vst v63  }
.Ltmp6:
0xdb: {  	(pc) =	sbr.rel .LBB2_6-.Ltmp6, $4  }
0xdc: {  	_ =	swait.ge [sflag:s11], $0x2000  }
0xdd: {  	[sflag:s11] =	ssyncset.done $0x0  }
0xde: {  	s0 =	sadd.s32 $0x500, s30;
	s28 =	sadd.s32 $0x800, s28;
	[sflag:s11] =	ssyncadd.s32 $0xFFFFE000  }
0xdf: {  	[tilespmem:s22], [sflag:$0x3] =	stream.indirect.gather [spmem:s3], $0x40, s0, s18, $0xb8;
	[tilespmem:$0x1E440] =	vst v63  }
.LBB2_9:
0xe0: {  	_ =	sfence.sel $0x180000  }
0xe1: {  	[bflag:$0x0] =	sbarrier.arrive $0xFFFF  }
0xe2: {  	_ =	strace $0x9000004D  }
0xe3: {  	s0 =	stileid.u32;
	[bflag:$0x2] =	sbarrier.arrive $0xFFFF  }
0xe4: {  	p0 =	sne.s32 s0, $0x0;
	s0 =	rddreg [dreg:$0x3]  }
0xe5: {  	s0 =	sadd.s32 @!p0 $0x100000, s0  }
0xe6: {  	[sflag:s0] =	ssyncadd.tile.s32 @!p0 $0x1;
	_ =	shalt  }
.Lfunc_end2:
_tile_overlayer_lowered:
.L_overlay_start_2:
0xe7: {  	(tag) =	ssettag $0x2  }
0xe8: {  	s0 =	rddreg [dreg:$0x0];
	s2 =	stileid.u32  }
0xe9: {  	s1 =	rddreg [dreg:$0x1];
	p0 =	sne.s32 s2, $0x0  }
0xea: {  	s3 =	rddreg [dreg:$0x2];
	[bflag:$0x3] =	sbarrier.arrive $0xFFFF;
	s2 =	simm.s32 @!p0 $0x1C09  }
0xeb: {  	[timem:s3], [sflag:s2] =	dma.local @!p0 [hbm:s0], s1  }
0xec: {  	s0 =	simm.s32 @!p0 $0x9  }
0xed: {  	_ =	swait.ge @!p0 [sflag:s0], s1  }
0xee: {  	s1 =	ssub.s32 @!p0 $0x0, s1;
	[sflag:s0] =	ssyncset.done @!p0 $0x0  }
0xef: {  	[sflag:s0] =	ssyncadd.s32 @!p0 s1  }
0xf0: {  	[bflag:$0x3] =	sbarrier.arrive $0xFFFF  }
0xf1: {  	_ =	shalt  }

// kernel: kernel.20.cloned.1.call-start
scs
__scs_entry_jumppad:
0x0: {  	(pc) =	sbr.rel $0x88, $3  }
0x1: {  	(tag) =	ssettag $0x0;
	lr =	simm.s32 $0x1  }
0x2: {  	[smem:$0x3F97] =	sst lr;
	_ =	strace $0xD0000000  }
0x3: {  	_ = 	snop  }
0x4: {  	_ = 	snop  }
0x5: {  	_ = 	snop  }
0x6: {  	_ = 	snop  }
0x7: {  	_ = 	snop  }
__scs_overlays_trampoline_lowered:
0x8: {  	[smem:$0x3FA6] =	sst s0  }
0x9: {  	[smem:$0x3FA7] =	sst s1  }
0xa: {  	[smem:$0x3FA8] =	sst s2  }
0xb: {  	[smem:$0x3FA9] =	sst s3  }
0xc: {  	[smem:$0x3FAA] =	sst s4  }
0xd: {  	[smem:$0x3FAB] =	sst s5  }
0xe: {  	[smem:$0x3FAC] =	sst s6  }
0xf: {  	[smem:$0x3FAD] =	sst s7  }
0x10: {  	[smem:$0x3FAE] =	sst s8  }
0x11: {  	[smem:$0x3FAF] =	sst s9;
	s0 =	simm.s32 @!p0 $0x0  }
0x12: {  	s1 =	sld [smem:$0x3F95];
	s0 =	simm.s32 @p0 $0x1  }
0x13: {  	[smem:$0x3FB0] =	sst s0;
	s0 =	simm.s32 @!p1 $0x0  }
0x14: {  	s2 =	sld [smem:$0x3F94];
	s0 =	simm.s32 @p1 $0x1  }
0x15: {  	[smem:$0x3FB1] =	sst s0;
	s0 =	simm.s32 @!p2 $0x0  }
0x16: {  	s3 =	sld [smem:$0x3FDB];
	s0 =	simm.s32 @p2 $0x1  }
0x17: {  	s4 =	simm.s32 $0x1BF5;
	[smem:$0x3FB3] =	sst s0  }
0x18: {  	s0 =	sld [smem:$0x3F96];
	_ =	swait.ge [sflag:s4], $0x0  }
0x19: {  	s7 =	sld [smem:$0x3F97]  }
0x1a: {  	s8 =	sadd.s32 $0xFFFFE003, lr  }
0x1b: {  	s9 =	sadd.s32 $0xFFFFFEF7, lr;
	s5 =	simm.s32 $0xFFFFFFFF;
	p2 =	slt.u32 s8, $0xFFFFF086  }
0x1c: {  	p1 =	slt.u32 s9, $0xF7A;
	s5 =	simm.s32 @!p2 $0x0  }
0x1d: {  	s5 =	simm.s32 @p1 $0x1;
	p0 =	seq.s32 s7, s2  }
0x1e: {  	s7 =	smul.u32 @!p0 $0xF7A, s2;
	p2 =	seq.s32 @!p0 s5, $0x0  }
0x1f: {  	s9 =	smul.u32 $0xF7A, s1;
	s8 =	simm.s32 @!p0 $0x1BF5;
	p2 =	por !p2, p0  }
0x20: {  	[sflag:s8] =	ssyncset.s32 @!p0 $0xFFFFF086;
	s6 =	sadd.s32 @!p0 s3, s7;
	s7 =	simm.s32 @!p0 $0x108  }
0x21: {  	s3 =	sadd.s32 s3, s9;
	s6 =	sadd.s32 @!p0 $0x88, s6;
	s7 =	simm.s32 @p2 $0x1082  }
0x22: {  	[simem:s7], [sflag:s8] =	dma.local @!p0 [hbm:s6], $0xF7A  }
0x23: {  	s9 =	sor.u32 $0xD0000000, s2;
	s6 =	simm.s32 $0x108;
	_ =	swait.ge @!p0 [sflag:s8], $0x0  }
0x24: {  	s3 =	sadd.s32 $0x88, s3;
	s6 =	simm.s32 @!p1 $0x1082;
	[sflag:s4] =	ssyncset.s32 $0xFFFFF086  }
0x25: {  	[simem:s6], [sflag:s4] =	dma.local [hbm:s3], $0xF7A  }
0x26: {  	[smem:$0x3F97] =	sst s1;
	(tag) =	ssettag s2;
	_ =	strace s9  }
0x27: {  	s1 =	sld [smem:$0x3FA7]  }
0x28: {  	s2 =	sld [smem:$0x3FA8]  }
0x29: {  	s4 =	sld [smem:$0x3FAA]  }
0x2a: {  	p0 =	seq.s32 s5, $0x0;
	s5 =	sld [smem:$0x3FAB]  }
0x2b: {  	s6 =	sld [smem:$0x3FAC]  }
0x2c: {  	s7 =	sld [smem:$0x3FAD]  }
0x2d: {  	s3 =	simm.s32 $0x108;
	s8 =	sld [smem:$0x3FAE]  }
0x2e: {  	s3 =	simm.s32 @!p0 $0x1082;
	s9 =	sld [smem:$0x3FAF]  }
0x2f: {  	lr =	sadd.s32 s0, s3;
	s0 =	sld [smem:$0x3FA6]  }
0x30: {  	s3 =	sld [smem:$0x3FA9]  }
0x31: {  	[smem:$0x3FB2] =	sst s10  }
0x32: {  	s10 =	sld [smem:$0x3FB0];
	_ =	sdelay $0x3  }
0x33: {  	p0 =	seq.s32 s10, $0x1;
	s10 =	sld [smem:$0x3FB2];
	_ =	sdelay $0x3  }
0x34: {  	[smem:$0x3FB2] =	sst s10  }
0x35: {  	s10 =	sld [smem:$0x3FB1];
	_ =	sdelay $0x3  }
0x36: {  	p1 =	seq.s32 s10, $0x1;
	s10 =	sld [smem:$0x3FB2];
	_ =	sdelay $0x3  }
0x37: {  	[smem:$0x3FB2] =	sst s10  }
0x38: {  	s10 =	sld [smem:$0x3FB3]  }
0x39: {  	_ = 	snop;
	(pc) =	sbr.ind lr, $3  }
0x3a: {  	_ = 	snop  }
0x3b: {  	_ = 	snop  }
0x3c: {  	p2 =	seq.s32 s10, $0x1;
	s10 =	sld [smem:$0x3FB2]  }
0x3d: {  	_ =	shalt  }
0x3e: {  	_ =	shalt  }
0x3f: {  	_ =	shalt  }
0x40: {  	_ =	shalt  }
0x41: {  	_ =	shalt  }
0x42: {  	_ =	shalt  }
0x43: {  	_ =	shalt  }
0x44: {  	_ =	shalt  }
0x45: {  	_ =	shalt  }
0x46: {  	_ =	shalt  }
0x47: {  	_ =	shalt  }
0x48: {  	_ =	shalt  }
0x49: {  	_ =	shalt  }
0x4a: {  	_ =	shalt  }
0x4b: {  	_ =	shalt  }
0x4c: {  	_ =	shalt  }
0x4d: {  	_ =	shalt  }
0x4e: {  	_ =	shalt  }
0x4f: {  	_ =	shalt  }
0x50: {  	_ =	shalt  }
0x51: {  	_ =	shalt  }
0x52: {  	_ =	shalt  }
0x53: {  	_ =	shalt  }
0x54: {  	_ =	shalt  }
0x55: {  	_ =	shalt  }
0x56: {  	_ =	shalt  }
0x57: {  	_ =	shalt  }
0x58: {  	_ =	shalt  }
0x59: {  	_ =	shalt  }
0x5a: {  	_ =	shalt  }
0x5b: {  	_ =	shalt  }
0x5c: {  	_ =	shalt  }
0x5d: {  	_ =	shalt  }
0x5e: {  	_ =	shalt  }
0x5f: {  	_ =	shalt  }
0x60: {  	_ =	shalt  }
0x61: {  	_ =	shalt  }
0x62: {  	_ =	shalt  }
0x63: {  	_ =	shalt  }
0x64: {  	_ =	shalt  }
0x65: {  	_ =	shalt  }
0x66: {  	_ =	shalt  }
0x67: {  	_ =	shalt  }
0x68: {  	_ =	shalt  }
0x69: {  	_ =	shalt  }
0x6a: {  	_ =	shalt  }
0x6b: {  	_ =	shalt  }
0x6c: {  	_ =	shalt  }
0x6d: {  	_ =	shalt  }
0x6e: {  	_ =	shalt  }
0x6f: {  	_ =	shalt  }
0x70: {  	_ =	shalt  }
0x71: {  	_ =	shalt  }
0x72: {  	_ =	shalt  }
0x73: {  	_ =	shalt  }
0x74: {  	_ =	shalt  }
0x75: {  	_ =	shalt  }
0x76: {  	_ =	shalt  }
0x77: {  	_ =	shalt  }
0x78: {  	_ =	shalt  }
0x79: {  	_ =	shalt  }
0x7a: {  	_ =	shalt  }
0x7b: {  	_ =	shalt  }
0x7c: {  	_ =	shalt  }
0x7d: {  	_ =	shalt  }
0x7e: {  	_ =	shalt  }
0x7f: {  	_ =	shalt  }
0x80: {  	_ =	shalt  }
0x81: {  	_ =	shalt  }
0x82: {  	_ =	shalt  }
0x83: {  	_ =	shalt  }
0x84: {  	_ =	shalt  }
0x85: {  	_ =	shalt  }
0x86: {  	_ =	shalt  }
0x87: {  	_ =	shalt  }
.Lfunc_end0:
.L_simem_size_0:
called_computation.3_lowered:
.L_overlay_start_0:
0x88: {  	s2 =	sld [smem:$0x3FD9]  }
0x89: {  	s3 =	sld [smem:$0x3FFE];
	_ =	sdelay $0x1  }
0x8a: {  	s1 =	srdreg.scid  }
0x8b: {  	s0 =	sand.u32 $0x1, s1  }
0x8c: {  	s17 =	sshll.u32 s0, $0xA;
	s2 =	sadd.s32 s3, s2  }
0x8d: {  	s2 =	sadd.s32 s2, s17  }
0x8e: {  	[smem:$0x3FBE] =	sst s2  }
0x8f: {  	_ = 	snop  }
0x90: {  	s2 =	sld [smem:$0x3FD0];
	(tm) =	ssettm $0x1  }
0x91: {  	s18 =	sld [smem:$0x3FFB];
	_ =	sdelay $0x3  }
0x92: {  	_ =	strace s18  }
0x93: {  	s3 =	sld [smem:$0x3FFC];
	_ =	sdelay $0x3  }
0x94: {  	_ =	strace s3  }
0x95: {  	s3 =	sld [smem:$0x3FFD];
	_ =	sdelay $0x3  }
0x96: {  	_ =	strace s3  }
0x97: {  	_ =	strace $0x8FFFFFFF  }
0x98: {  	s19 =	sld [smem:$0x3FDB];
	_ =	sdelay $0x1  }
0x99: {  	s4 =	simm.s32 $_scs_section_size  }
0x9a: {  	s5 =	simm.s32 $_size__tile_overlayer_lowered;
	s6 =	simm.s32 $_tile_overlayer_lowered  }
0x9b: {  	s22 =	simm.s32 $0x1BFF;
	s21 =	sshll.u32 s6, $0x1;
	s3 =	sadd.s32 s4, s19  }
0x9c: {  	s7 =	simm.s32 $0x0;
	s20 =	sshll.u32 s5, $0x1;
	s5 =	sadd.s32 s21, s3  }
0x9d: {  	[timem:s7], [sflag:s22] =	dma.local [hbm:s5], s20  }
0x9e: {  	_ =	swait.ge [sflag:s22], s20  }
0x9f: {  	s4 =	ssub.s32 $0x0, s20;
	[sflag:s22] =	ssyncset.done $0x0  }
0xa0: {  	[sflag:s22] =	ssyncadd.s32 s4;
	_ =	sdelay $0x1  }
0xa1: {  	s23 =	simm.s32 $0x1B8B  }
0xa2: {  	_ =	swait.ge [sflag:s23], $0x1  }
0xa3: {  	[sflag:s23] =	ssyncset.done $0x0  }
0xa4: {  	s25 =	simm.s32 $0x1B8E;
	s24 =	sld [smem:$0x3FFE];
	[sflag:s23] =	ssyncadd.s32 $0xFFFFFFFF  }
0xa5: {  	s26 =	simm.s32 $execute0_lowered;
	[smem:$0x3FD2] =	sst s25  }
0xa6: {  	s5 =	sshll.u32 s26, $0x1;
	_ =	strace $0x8000004F;
	[dreg:$0x1] =	wrdreg $0xFFFFFFFF  }
0xa7: {  	s28 =	simm.s32 $_size_execute0_lowered;
	s3 =	sadd.s32 s3, s5;
	[dreg:$0x0] =	wrdreg $0x0  }
0xa8: {  	s5 =	sshll.u32 s28, $0x1;
	[dreg:$0x2] =	wrdreg s3  }
0xa9: {  	[dreg:$0x3] =	wrdreg s5  }
0xaa: {  	[dreg:$0x4] =	wrdreg $0xC0  }
0xab: {  	_ =	task [dreg:s7], $0x5FFFF  }
0xac: {  	[dreg:$0x1] =	wrdreg $0xFFFFFFFF  }
0xad: {  	[dreg:$0x0] =	wrdreg $0x60  }
0xae: {  	[dreg:$0x2] =	wrdreg s2  }
0xaf: {  	[dreg:$0x3] =	wrdreg s24  }
0xb0: {  	[dreg:$0x4] =	wrdreg $0x68000  }
0xb1: {  	[dreg:$0x5] =	wrdreg $0xB8000  }
0xb2: {  	[dreg:$0x6] =	wrdreg $0x9  }
0xb3: {  	_ =	task.clear_ibuf [dreg:s7], $0x7FFFF;
	_ =	strace $0x9000004F  }
0xb4: {  	s29 =	simm.s32 $0x9;
	_ =	strace $0x80000051  }
0xb5: {  	_ =	swait.ge [sflag:s29], $0x1  }
0xb6: {  	[sflag:s29] =	ssyncadd.s32 $0xFFFFFFFF  }
0xb7: {  	_ =	strace $0x90000051  }
0xb8: {  	_ =	sfence  }
0xb9: {  	s30 =	sld [smem:$0x0];
	_ =	sdelay $0x2  }
0xba: {  	s31 =	sshll.u32 s1, $0xD;
	s1 =	sshrl.u32 s1, $0x2  }
0xbb: {  	s3 =	sand.u32 $0x4000, s31;
	s1 =	sadd.s32 s1, s30  }
0xbc: {  	s0 =	sor.u32 s3, s0;
	s1 =	sshll.u32 s1, $0x11  }
0xbd: {  	s0 =	sor.u32 s1, s0  }
0xbe: {  	s0 =	sadd.s32 $0x8F2B, s0  }
0xbf: {  	[sflag:s0] =	ssyncadd.remote.s32 $0x1  }
0xc0: {  	_ =	sfence.sel $0xFFFF  }
0xc1: {  	[dreg:$0x0] =	wrdreg $0xFFFFFFFF;
	(pc) =	sbr.abs _section_cstart, $3  }
0xc2: {  	[dreg:$0x1] =	wrdreg $0xFFFFFFFF  }
0xc3: {  	_ =	task.clear_ibuf [dreg:s7], $0x2FFFF;
	_ =	strace $0x9FFFFFFF  }
0xc4: {  	(tm) =	ssettm $0x7FFFFFFF  }
0xc5: {  	_ =	shalt  }
tec
execute0_lowered:
.L_overlay_start_1:
0x0: {  	(tag) =	ssettag $0x1  }
0x1: {  	s0 =	rddreg [dreg:$0x0]  }
0x2: {  	s1 =	rddreg [dreg:$0x1]  }
0x3: {  	s2 =	rddreg [dreg:$0x2]  }
0x4: {  	s3 =	rddreg [dreg:$0x3]  }
0x5: {  	s5 =	srdreg.scid;
	s13 =	stileid.u32;
	s4 =	simm.s32 $0x0  }
0x6: {  	s15 =	simm.s32 $0x9;
	s17 =	simm.s32 $0x1400;
	s18 =	simm.s32 $0x80  }
0x7: {  	s19 =	simm.s32 $0x2800;
	s20 =	simm.s32 $0x3800;
	s29 =	simm.s32 $0x5  }
0x8: {  	s31 =	simm.s32 $0x3;
	s8 =	sand.u32 $0x1, s5;
	s6 =	smul.u32 $0xA000, s13  }
0x9: {  	[smem:$0x7FF] =	sst s4;
	s9 =	sadd.s32 $0x8200, s1;
	s21 =	smul.u32 $0x9C40, s13  }
0xa: {  	s10 =	sadd.s32 $0x2000, s1;
	s22 =	sshll.u32 s13, $0x6;
	s13 =	smul.u32 $0x500, s13  }
0xb: {  	s5 =	smul.u32 $0xA0000, s8;
	_ =	strace $0x80000050;
	s11 =	ssub.s32 $0x2, s8  }
0xc: {  	p0 =	sne.s32 s8, $0x0;
	s12 =	sshrl.u32 s11, $0x1;
	s23 =	sshrl.u32 s21, $0x1  }
0xd: {  	s24 =	sadd.s32 $0x280, s13;
	s28 =	sadd.s32 s9, s13;
	s30 =	sadd.s32 s10, s13  }
0xe: {  	s7 =	sadd.s32 s6, s5;
	s5 =	sadd.s32 $0x7800, s1;
	s11 =	ssub.s32 s11, s12  }
0xf: {  	s6 =	sshrl.u32 s6, $0x1;
	s16 =	sadd.s32 s23, s3;
	[dreg:$0x7] =	wrdreg s28  }
0x10: {  	s25 =	sadd.s32 s9, s24;
	s26 =	sadd.s32 s10, s24;
	[dreg:$0x8] =	wrdreg s30  }
0x11: {  	s23 =	simm.s32 $0x1;
	s9 =	simm.s32 $0x4;
	s24 =	simm.s32 $0x8  }
0x12: {  	s7 =	sshrl.u32 s7, $0x4;
	s14 =	sadd.s32 s6, s2;
	[dreg:$0x5] =	wrdreg s25  }
.Ltmp0:
0x13: {  	s6 =	sor.u32 $0x1C09, s22;
	[dreg:$0x6] =	wrdreg s26;
	(pc) =	sbr.rel .LBB2_1-.Ltmp0, $4  }
0x14: {  	s13 =	smax.u32 s11, $0x1;
	s16 =	sshrl.u32 s16, $0x3;
	s22 =	simm.s32 $0x4800  }
0x15: {  	s25 =	simm.s32 $0x5800;
	s26 =	simm.s32 $0x2;
	s11 =	simm.s32 $0x7  }
0x16: {  	s1 =	sadd.s32 s7, s1;
	s7 =	sshrl.u32 s21, $0x4;
	s14 =	sshrl.u32 s14, $0x3  }
0x17: {  	s7 =	sadd.s32 s0, s7;
	s12 =	sadd.s32 $0xD200, s1;
	s1 =	simm.s32 $0x6  }
.LBB2_8:
0x18: {  	_ =	swait.ge [sflag:s29], $0x1000  }
0x19: {  	[sflag:s29] =	ssyncset.done $0x0  }
0x1a: {  	[sflag:s29] =	ssyncadd.s32 $0xFFFFF000  }
0x1b: {  	_ =	swait.ge [sflag:s1], $0x1000  }
0x1c: {  	[sflag:s1] =	ssyncset.done $0x0  }
0x1d: {  	[sflag:s1] =	ssyncadd.s32 $0xFFFFF000  }
0x1e: {  	_ =	swait.ge [sflag:s11], $0x1000  }
0x1f: {  	[sflag:s11] =	ssyncset.done $0x0  }
0x20: {  	[sflag:s11] =	ssyncadd.s32 $0xFFFFF000  }
0x21: {  	_ =	swait.ge [sflag:s24], $0x1000  }
0x22: {  	s4 =	sadd.s32 $0x1, s4;
	[sflag:s24] =	ssyncset.done $0x0  }
0x23: {  	p1 =	sne.s32 s4, s13;
	[sflag:s24] =	ssyncadd.s32 $0xFFFFF000  }
.Ltmp1:
0x24: {  	[bflag:$0x0] =	sbarrier.arrive $0xFFFF;
	(pc) =	sbr.rel @!p1 .LBB2_9-.Ltmp1, $4  }
0x25: {  	[hbm:s12], [sflag:s6] =	dma.local [spmem:s14], $0xA00  }
0x26: {  	_ =	swait.ge [sflag:s15], $0xA00  }
0x27: {  	[sflag:s15] =	ssyncset.done $0x0  }
0x28: {  	[sflag:s15] =	ssyncadd.s32 $0xFFFFF600  }
.LBB2_1:
0x29: {  	[spmem:s14], [sflag:s6] =	dma.local [hbm:s5], $0xA00  }
0x2a: {  	_ =	swait.ge [sflag:s15], $0xA00  }
0x2b: {  	[sflag:s15] =	ssyncset.done $0x0  }
.Ltmp2:
0x2c: {  	[sflag:s15] =	ssyncadd.s32 $0xFFFFF600;
	(pc) =	sbr.rel @p0 .LBB2_5-.Ltmp2, $4  }
0x2d: {  	[spmem:s16], [sflag:s6] =	dma.local [hbm:s7], $0x9C4  }
0x2e: {  	_ =	swait.ge [sflag:s15], $0x9C4  }
0x2f: {  	[sflag:s15] =	ssyncset.done $0x0  }
0x30: {  	s28 =	simm.s32 $0x0;
	[sflag:s15] =	ssyncadd.s32 $0xFFFFF63C  }
0x31: {  	s0 =	rddreg [dreg:$0x7]  }
0x32: {  	[tilespmem:s28], [sflag:$0x9] =	stream.linear.gather [hbm4b:s0+s28], $0x1400, $0x38;
	[tilespmem:$0x10620] =	vst v63  }
0x33: {  	_ =	swait.ge [sflag:s15], $0x1400  }
0x34: {  	[sflag:s15] =	ssyncset.done $0x0  }
0x35: {  	s30 =	rddreg [dreg:$0x8];
	[sflag:s15] =	ssyncadd.s32 $0xFFFFEC00  }
0x36: {  	[tilespmem:s17], [sflag:$0x9] =	stream.linear.gather [hbm4b:s30+s28], $0x1400, $0x38;
	[tilespmem:$0x10620] =	vst v63  }
0x37: {  	_ =	swait.ge [sflag:s15], $0x1400  }
0x38: {  	[sflag:s15] =	ssyncset.done $0x0  }
0x39: {  	[sflag:s15] =	ssyncadd.s32 $0xFFFFEC00  }
0x3a: {  	[bflag:$0x0] =	sbarrier.arrive $0xFFFF  }
0x3b: {  	[tilespmem:s19], [sflag:$0x1] =	stream.indirect.gather [spmem:s3], $0x20, s28, s18, $0xb8;
	[tilespmem:$0x10620] =	vst v63  }
0x3c: {  	_ = 	snop  }
0x3d: {  	[tilespmem:s20], [sflag:$0x2] =	stream.indirect.gather [spmem:s3], $0x20, s18, s18, $0xb8;
	[tilespmem:$0x10620] =	vst v63  }
0x3e: {  	s8 =	simm.s32 $0x100  }
0x3f: {  	[tilespmem:s22], [sflag:$0x3] =	stream.indirect.gather [spmem:s3], $0x20, s8, s18, $0xb8;
	[tilespmem:$0x10620] =	vst v63  }
0x40: {  	_ =	swait.ge [sflag:s23], $0x1000  }
0x41: {  	[sflag:s23] =	ssyncset.done $0x0  }
0x42: {  	[sflag:s23] =	ssyncadd.s32 $0xFFFFF000  }
0x43: {  	[spmem:s2] =	stream.indirect.scatter.add.bf16 [tilespmem:s19], [sflag:$0x5], $0x20, s17, s18, $0xb8;
	[tilespmem:$0x10620] =	vst v63  }
0x44: {  	s10 =	simm.s32 $0x180  }
0x45: {  	[tilespmem:s25], [sflag:$0x4] =	stream.indirect.gather [spmem:s3], $0x20, s10, s18, $0xb8;
	[tilespmem:$0x10620] =	vst v63  }
0x46: {  	_ =	swait.ge [sflag:s26], $0x1000  }
0x47: {  	[sflag:s26] =	ssyncset.done $0x0  }
0x48: {  	s21 =	simm.s32 $0x1480;
	[sflag:s26] =	ssyncadd.s32 $0xFFFFF000  }
0x49: {  	[spmem:s2] =	stream.indirect.scatter.add.bf16 [tilespmem:s20], [sflag:$0x6], $0x20, s21, s18, $0xb8;
	[tilespmem:$0x10620] =	vst v63  }
0x4a: {  	_ =	swait.ge [sflag:s29], $0x1000  }
0x4b: {  	[sflag:s29] =	ssyncset.done $0x0  }
0x4c: {  	s30 =	simm.s32 $0x200;
	[sflag:s29] =	ssyncadd.s32 $0xFFFFF000  }
0x4d: {  	[tilespmem:s19], [sflag:$0x1] =	stream.indirect.gather [spmem:s3], $0x20, s30, s18, $0xb8;
	[tilespmem:$0x10620] =	vst v63  }
0x4e: {  	_ =	swait.ge [sflag:s31], $0x1000  }
0x4f: {  	[sflag:s31] =	ssyncset.done $0x0  }
0x50: {  	s8 =	simm.s32 $0x1500;
	[sflag:s31] =	ssyncadd.s32 $0xFFFFF000  }
0x51: {  	[spmem:s2] =	stream.indirect.scatter.add.bf16 [tilespmem:s22], [sflag:$0x7], $0x20, s8, s18, $0xb8;
	[tilespmem:$0x10620] =	vst v63  }
0x52: {  	_ =	swait.ge [sflag:s1], $0x1000  }
0x53: {  	[sflag:s1] =	ssyncset.done $0x0  }
0x54: {  	s10 =	simm.s32 $0x280;
	[sflag:s1] =	ssyncadd.s32 $0xFFFFF000  }
0x55: {  	[tilespmem:s20], [sflag:$0x2] =	stream.indirect.gather [spmem:s3], $0x20, s10, s18, $0xb8;
	[tilespmem:$0x10620] =	vst v63  }
0x56: {  	_ =	swait.ge [sflag:s9], $0x1000  }
0x57: {  	[sflag:s9] =	ssyncset.done $0x0  }
0x58: {  	s21 =	simm.s32 $0x1580;
	[sflag:s9] =	ssyncadd.s32 $0xFFFFF000  }
0x59: {  	[spmem:s2] =	stream.indirect.scatter.add.bf16 [tilespmem:s25], [sflag:$0x8], $0x20, s21, s18, $0xb8;
	[tilespmem:$0x10620] =	vst v63  }
0x5a: {  	_ =	swait.ge [sflag:s11], $0x1000  }
0x5b: {  	[sflag:s11] =	ssyncset.done $0x0  }
0x5c: {  	s30 =	simm.s32 $0x300;
	[sflag:s11] =	ssyncadd.s32 $0xFFFFF000  }
0x5d: {  	[tilespmem:s22], [sflag:$0x3] =	stream.indirect.gather [spmem:s3], $0x20, s30, s18, $0xb8;
	[tilespmem:$0x10620] =	vst v63  }
.LBB2_3:
0x5e: {  	_ =	swait.ge [sflag:s23], $0x1000  }
0x5f: {  	s30 =	sshra.s32 s28, $0x2;
	[sflag:s23] =	ssyncset.done $0x0  }
0x60: {  	s0 =	sadd.s32 $0x1600, s30;
	[sflag:s23] =	ssyncadd.s32 $0xFFFFF000  }
0x61: {  	[spmem:s2] =	stream.indirect.scatter.add.bf16 [tilespmem:s19], [sflag:$0x5], $0x20, s0, s18, $0xb8;
	[tilespmem:$0x10620] =	vst v63  }
0x62: {  	_ =	swait.ge [sflag:s24], $0x1000  }
0x63: {  	[sflag:s24] =	ssyncset.done $0x0  }
0x64: {  	s8 =	sadd.s32 $0x380, s30;
	[sflag:s24] =	ssyncadd.s32 $0xFFFFF000  }
0x65: {  	[tilespmem:s25], [sflag:$0x4] =	stream.indirect.gather [spmem:s3], $0x20, s8, s18, $0xb8;
	[tilespmem:$0x10620] =	vst v63  }
0x66: {  	_ =	swait.ge [sflag:s26], $0x1000  }
0x67: {  	p1 =	seq.s32 s28, $0x4000;
	[sflag:s26] =	ssyncset.done $0x0  }
0x68: {  	s10 =	sadd.s32 $0x1680, s30;
	s0 =	simm.s32 @p1 $0x3;
	[sflag:s26] =	ssyncadd.s32 $0xFFFFF000  }
0x69: {  	[spmem:s2] =	stream.indirect.scatter.add.bf16 [tilespmem:s20], [sflag:$0x6], $0x20, s10, s18, $0xb8;
	[tilespmem:$0x10620] =	vst v63  }
0x6a: {  	_ =	swait.ge @p1 [sflag:s0], $0x1000  }
0x6b: {  	[sflag:s0] =	ssyncset.done @p1 $0x0  }
0x6c: {  	[sflag:s0] =	ssyncadd.s32 @p1 $0xFFFFF000;
	s0 =	sshra.s32 @p1 s28, $0x2  }
0x6d: {  	s8 =	simm.s32 @p1 $0x80;
	s10 =	simm.s32 @p1 $0x4800;
	s0 =	sadd.s32 @p1 $0x1700, s0  }
0x6e: {  	[spmem:s2] =	stream.indirect.scatter.add.bf16 @p1 [tilespmem:s10], [sflag:$0x7], $0x20, s0, s8, $0xb8;
	[tilespmem:$0x10620] =	vst v63  }
0x6f: {  	s0 =	simm.s32 @!p1 $0x5  }
0x70: {  	_ =	swait.ge @!p1 [sflag:s0], $0x1000  }
0x71: {  	[sflag:s0] =	ssyncset.done @!p1 $0x0  }
0x72: {  	[sflag:s0] =	ssyncadd.s32 @!p1 $0xFFFFF000;
	s0 =	sshra.s32 @!p1 s28, $0x2  }
0x73: {  	s21 =	simm.s32 @!p1 $0x2800;
	s10 =	simm.s32 @!p1 $0x80;
	s8 =	sadd.s32 @!p1 $0x400, s0  }
0x74: {  	[tilespmem:s21], [sflag:$0x1] =	stream.indirect.gather @!p1 [spmem:s3], $0x20, s8, s10, $0xb8;
	[tilespmem:$0x10620] =	vst v63  }
0x75: {  	s8 =	simm.s32 @!p1 $0x3  }
0x76: {  	_ =	swait.ge @!p1 [sflag:s8], $0x1000  }
0x77: {  	[sflag:s8] =	ssyncset.done @!p1 $0x0  }
0x78: {  	s21 =	simm.s32 @!p1 $0x4800;
	[sflag:s8] =	ssyncadd.s32 @!p1 $0xFFFFF000;
	s8 =	sadd.s32 @!p1 $0x1700, s0  }
0x79: {  	[spmem:s2] =	stream.indirect.scatter.add.bf16 @!p1 [tilespmem:s21], [sflag:$0x7], $0x20, s8, s10, $0xb8;
	[tilespmem:$0x10620] =	vst v63  }
0x7a: {  	s8 =	simm.s32 @!p1 $0x6  }
0x7b: {  	_ =	swait.ge @!p1 [sflag:s8], $0x1000  }
0x7c: {  	[sflag:s8] =	ssyncset.done @!p1 $0x0  }
0x7d: {  	s0 =	sadd.s32 @!p1 $0x480, s0;
	[sflag:s8] =	ssyncadd.s32 @!p1 $0xFFFFF000;
	s8 =	simm.s32 @!p1 $0x3800  }
0x7e: {  	[tilespmem:s8], [sflag:$0x2] =	stream.indirect.gather @!p1 [spmem:s3], $0x20, s0, s10, $0xb8;
	[tilespmem:$0x10620] =	vst v63  }
.Ltmp3:
0x7f: {  	_ = 	snop;
	(pc) =	sbr.rel @p1 .LBB2_8-.Ltmp3, $4  }
0x80: {  	_ =	swait.ge [sflag:s9], $0x1000  }
0x81: {  	[sflag:s9] =	ssyncset.done $0x0  }
0x82: {  	s21 =	sadd.s32 $0x1780, s30;
	[sflag:s9] =	ssyncadd.s32 $0xFFFFF000  }
0x83: {  	[spmem:s2] =	stream.indirect.scatter.add.bf16 [tilespmem:s25], [sflag:$0x8], $0x20, s21, s18, $0xb8;
	[tilespmem:$0x10620] =	vst v63  }
.Ltmp4:
0x84: {  	(pc) =	sbr.rel .LBB2_3-.Ltmp4, $4  }
0x85: {  	_ =	swait.ge [sflag:s11], $0x1000  }
0x86: {  	[sflag:s11] =	ssyncset.done $0x0  }
0x87: {  	s0 =	sadd.s32 $0x500, s30;
	s28 =	sadd.s32 $0x800, s28;
	[sflag:s11] =	ssyncadd.s32 $0xFFFFF000  }
0x88: {  	[tilespmem:s22], [sflag:$0x3] =	stream.indirect.gather [spmem:s3], $0x20, s0, s18, $0xb8;
	[tilespmem:$0x10620] =	vst v63  }
.LBB2_5:
0x89: {  	s0 =	rddreg [dreg:$0x5]  }
0x8a: {  	[tilespmem:s28], [sflag:$0x9] =	stream.linear.gather [hbm4b:s0+s28], $0x1400, $0x38;
	[tilespmem:$0x10620] =	vst v63  }
0x8b: {  	_ =	swait.ge [sflag:s15], $0x1400  }
0x8c: {  	[sflag:s15] =	ssyncset.done $0x0  }
0x8d: {  	s30 =	rddreg [dreg:$0x6];
	[sflag:s15] =	ssyncadd.s32 $0xFFFFEC00  }
0x8e: {  	[tilespmem:s17], [sflag:$0x9] =	stream.linear.gather [hbm4b:s30+s28], $0x1400, $0x38;
	[tilespmem:$0x10620] =	vst v63  }
0x8f: {  	_ =	swait.ge [sflag:s15], $0x1400  }
0x90: {  	[sflag:s15] =	ssyncset.done $0x0  }
0x91: {  	[sflag:s15] =	ssyncadd.s32 $0xFFFFEC00  }
0x92: {  	[bflag:$0x0] =	sbarrier.arrive $0xFFFF  }
0x93: {  	[tilespmem:s19], [sflag:$0x1] =	stream.indirect.gather [spmem:s3], $0x20, s28, s18, $0xb8;
	[tilespmem:$0x10620] =	vst v63  }
0x94: {  	_ = 	snop  }
0x95: {  	[tilespmem:s20], [sflag:$0x2] =	stream.indirect.gather [spmem:s3], $0x20, s18, s18, $0xb8;
	[tilespmem:$0x10620] =	vst v63  }
0x96: {  	s8 =	simm.s32 $0x100  }
0x97: {  	[tilespmem:s22], [sflag:$0x3] =	stream.indirect.gather [spmem:s3], $0x20, s8, s18, $0xb8;
	[tilespmem:$0x10620] =	vst v63  }
0x98: {  	_ =	swait.ge [sflag:s23], $0x1000  }
0x99: {  	[sflag:s23] =	ssyncset.done $0x0  }
0x9a: {  	[sflag:s23] =	ssyncadd.s32 $0xFFFFF000  }
0x9b: {  	[spmem:s2] =	stream.indirect.scatter.add.bf16 [tilespmem:s19], [sflag:$0x5], $0x20, s17, s18, $0xb8;
	[tilespmem:$0x10620] =	vst v63  }
0x9c: {  	s10 =	simm.s32 $0x180  }
0x9d: {  	[tilespmem:s25], [sflag:$0x4] =	stream.indirect.gather [spmem:s3], $0x20, s10, s18, $0xb8;
	[tilespmem:$0x10620] =	vst v63  }
0x9e: {  	_ =	swait.ge [sflag:s26], $0x1000  }
0x9f: {  	[sflag:s26] =	ssyncset.done $0x0  }
0xa0: {  	s21 =	simm.s32 $0x1480;
	[sflag:s26] =	ssyncadd.s32 $0xFFFFF000  }
0xa1: {  	[spmem:s2] =	stream.indirect.scatter.add.bf16 [tilespmem:s20], [sflag:$0x6], $0x20, s21, s18, $0xb8;
	[tilespmem:$0x10620] =	vst v63  }
0xa2: {  	_ =	swait.ge [sflag:s29], $0x1000  }
0xa3: {  	[sflag:s29] =	ssyncset.done $0x0  }
0xa4: {  	s30 =	simm.s32 $0x200;
	[sflag:s29] =	ssyncadd.s32 $0xFFFFF000  }
0xa5: {  	[tilespmem:s19], [sflag:$0x1] =	stream.indirect.gather [spmem:s3], $0x20, s30, s18, $0xb8;
	[tilespmem:$0x10620] =	vst v63  }
0xa6: {  	_ =	swait.ge [sflag:s31], $0x1000  }
0xa7: {  	[sflag:s31] =	ssyncset.done $0x0  }
0xa8: {  	s8 =	simm.s32 $0x1500;
	[sflag:s31] =	ssyncadd.s32 $0xFFFFF000  }
0xa9: {  	[spmem:s2] =	stream.indirect.scatter.add.bf16 [tilespmem:s22], [sflag:$0x7], $0x20, s8, s18, $0xb8;
	[tilespmem:$0x10620] =	vst v63  }
0xaa: {  	_ =	swait.ge [sflag:s1], $0x1000  }
0xab: {  	[sflag:s1] =	ssyncset.done $0x0  }
0xac: {  	s10 =	simm.s32 $0x280;
	[sflag:s1] =	ssyncadd.s32 $0xFFFFF000  }
0xad: {  	[tilespmem:s20], [sflag:$0x2] =	stream.indirect.gather [spmem:s3], $0x20, s10, s18, $0xb8;
	[tilespmem:$0x10620] =	vst v63  }
0xae: {  	_ =	swait.ge [sflag:s9], $0x1000  }
0xaf: {  	[sflag:s9] =	ssyncset.done $0x0  }
0xb0: {  	s21 =	simm.s32 $0x1580;
	[sflag:s9] =	ssyncadd.s32 $0xFFFFF000  }
0xb1: {  	[spmem:s2] =	stream.indirect.scatter.add.bf16 [tilespmem:s25], [sflag:$0x8], $0x20, s21, s18, $0xb8;
	[tilespmem:$0x10620] =	vst v63  }
0xb2: {  	_ =	swait.ge [sflag:s11], $0x1000  }
0xb3: {  	[sflag:s11] =	ssyncset.done $0x0  }
0xb4: {  	s30 =	simm.s32 $0x300;
	[sflag:s11] =	ssyncadd.s32 $0xFFFFF000  }
0xb5: {  	[tilespmem:s22], [sflag:$0x3] =	stream.indirect.gather [spmem:s3], $0x20, s30, s18, $0xb8;
	[tilespmem:$0x10620] =	vst v63  }
.LBB2_6:
0xb6: {  	_ =	swait.ge [sflag:s23], $0x1000  }
0xb7: {  	s30 =	sshra.s32 s28, $0x2;
	[sflag:s23] =	ssyncset.done $0x0  }
0xb8: {  	s0 =	sadd.s32 $0x1600, s30;
	[sflag:s23] =	ssyncadd.s32 $0xFFFFF000  }
0xb9: {  	[spmem:s2] =	stream.indirect.scatter.add.bf16 [tilespmem:s19], [sflag:$0x5], $0x20, s0, s18, $0xb8;
	[tilespmem:$0x10620] =	vst v63  }
0xba: {  	_ =	swait.ge [sflag:s24], $0x1000  }
0xbb: {  	[sflag:s24] =	ssyncset.done $0x0  }
0xbc: {  	s8 =	sadd.s32 $0x380, s30;
	[sflag:s24] =	ssyncadd.s32 $0xFFFFF000  }
0xbd: {  	[tilespmem:s25], [sflag:$0x4] =	stream.indirect.gather [spmem:s3], $0x20, s8, s18, $0xb8;
	[tilespmem:$0x10620] =	vst v63  }
0xbe: {  	_ =	swait.ge [sflag:s26], $0x1000  }
0xbf: {  	p1 =	seq.s32 s28, $0x4000;
	[sflag:s26] =	ssyncset.done $0x0  }
0xc0: {  	s10 =	sadd.s32 $0x1680, s30;
	s0 =	simm.s32 @p1 $0x3;
	[sflag:s26] =	ssyncadd.s32 $0xFFFFF000  }
0xc1: {  	[spmem:s2] =	stream.indirect.scatter.add.bf16 [tilespmem:s20], [sflag:$0x6], $0x20, s10, s18, $0xb8;
	[tilespmem:$0x10620] =	vst v63  }
0xc2: {  	_ =	swait.ge @p1 [sflag:s0], $0x1000  }
0xc3: {  	[sflag:s0] =	ssyncset.done @p1 $0x0  }
0xc4: {  	[sflag:s0] =	ssyncadd.s32 @p1 $0xFFFFF000;
	s0 =	sshra.s32 @p1 s28, $0x2  }
0xc5: {  	s8 =	simm.s32 @p1 $0x80;
	s10 =	simm.s32 @p1 $0x4800;
	s0 =	sadd.s32 @p1 $0x1700, s0  }
0xc6: {  	[spmem:s2] =	stream.indirect.scatter.add.bf16 @p1 [tilespmem:s10], [sflag:$0x7], $0x20, s0, s8, $0xb8;
	[tilespmem:$0x10620] =	vst v63  }
0xc7: {  	s0 =	simm.s32 @!p1 $0x5  }
0xc8: {  	_ =	swait.ge @!p1 [sflag:s0], $0x1000  }
0xc9: {  	[sflag:s0] =	ssyncset.done @!p1 $0x0  }
0xca: {  	[sflag:s0] =	ssyncadd.s32 @!p1 $0xFFFFF000;
	s0 =	sshra.s32 @!p1 s28, $0x2  }
0xcb: {  	s21 =	simm.s32 @!p1 $0x2800;
	s10 =	simm.s32 @!p1 $0x80;
	s8 =	sadd.s32 @!p1 $0x400, s0  }
0xcc: {  	[tilespmem:s21], [sflag:$0x1] =	stream.indirect.gather @!p1 [spmem:s3], $0x20, s8, s10, $0xb8;
	[tilespmem:$0x10620] =	vst v63  }
0xcd: {  	s8 =	simm.s32 @!p1 $0x3  }
0xce: {  	_ =	swait.ge @!p1 [sflag:s8], $0x1000  }
0xcf: {  	[sflag:s8] =	ssyncset.done @!p1 $0x0  }
0xd0: {  	s21 =	simm.s32 @!p1 $0x4800;
	[sflag:s8] =	ssyncadd.s32 @!p1 $0xFFFFF000;
	s8 =	sadd.s32 @!p1 $0x1700, s0  }
0xd1: {  	[spmem:s2] =	stream.indirect.scatter.add.bf16 @!p1 [tilespmem:s21], [sflag:$0x7], $0x20, s8, s10, $0xb8;
	[tilespmem:$0x10620] =	vst v63  }
0xd2: {  	s8 =	simm.s32 @!p1 $0x6  }
0xd3: {  	_ =	swait.ge @!p1 [sflag:s8], $0x1000  }
0xd4: {  	[sflag:s8] =	ssyncset.done @!p1 $0x0  }
0xd5: {  	s0 =	sadd.s32 @!p1 $0x480, s0;
	[sflag:s8] =	ssyncadd.s32 @!p1 $0xFFFFF000;
	s8 =	simm.s32 @!p1 $0x3800  }
0xd6: {  	[tilespmem:s8], [sflag:$0x2] =	stream.indirect.gather @!p1 [spmem:s3], $0x20, s0, s10, $0xb8;
	[tilespmem:$0x10620] =	vst v63  }
.Ltmp5:
0xd7: {  	_ = 	snop;
	(pc) =	sbr.rel @p1 .LBB2_8-.Ltmp5, $4  }
0xd8: {  	_ =	swait.ge [sflag:s9], $0x1000  }
0xd9: {  	[sflag:s9] =	ssyncset.done $0x0  }
0xda: {  	s21 =	sadd.s32 $0x1780, s30;
	[sflag:s9] =	ssyncadd.s32 $0xFFFFF000  }
0xdb: {  	[spmem:s2] =	stream.indirect.scatter.add.bf16 [tilespmem:s25], [sflag:$0x8], $0x20, s21, s18, $0xb8;
	[tilespmem:$0x10620] =	vst v63  }
.Ltmp6:
0xdc: {  	(pc) =	sbr.rel .LBB2_6-.Ltmp6, $4  }
0xdd: {  	_ =	swait.ge [sflag:s11], $0x1000  }
0xde: {  	[sflag:s11] =	ssyncset.done $0x0  }
0xdf: {  	s0 =	sadd.s32 $0x500, s30;
	s28 =	sadd.s32 $0x800, s28;
	[sflag:s11] =	ssyncadd.s32 $0xFFFFF000  }
0xe0: {  	[tilespmem:s22], [sflag:$0x3] =	stream.indirect.gather [spmem:s3], $0x20, s0, s18, $0xb8;
	[tilespmem:$0x10620] =	vst v63  }
.LBB2_9:
0xe1: {  	_ =	sfence.sel $0x180000  }
0xe2: {  	[bflag:$0x0] =	sbarrier.arrive $0xFFFF  }
0xe3: {  	_ =	strace $0x90000050  }
0xe4: {  	s0 =	stileid.u32;
	[bflag:$0x2] =	sbarrier.arrive $0xFFFF  }
0xe5: {  	p0 =	sne.s32 s0, $0x0;
	s0 =	rddreg [dreg:$0x4]  }
0xe6: {  	s0 =	sadd.s32 @!p0 $0x100000, s0  }
0xe7: {  	[sflag:s0] =	ssyncadd.tile.s32 @!p0 $0x1;
	_ =	shalt  }
.Lfunc_end2:
_tile_overlayer_lowered:
.L_overlay_start_2:
0xe8: {  	(tag) =	ssettag $0x2  }
0xe9: {  	s0 =	rddreg [dreg:$0x0];
	s2 =	stileid.u32  }
0xea: {  	s1 =	rddreg [dreg:$0x1];
	p0 =	sne.s32 s2, $0x0  }
0xeb: {  	s3 =	rddreg [dreg:$0x2];
	[bflag:$0x3] =	sbarrier.arrive $0xFFFF;
	s2 =	simm.s32 @!p0 $0x1C09  }
0xec: {  	[timem:s3], [sflag:s2] =	dma.local @!p0 [hbm:s0], s1  }
0xed: {  	s0 =	simm.s32 @!p0 $0x9  }
0xee: {  	_ =	swait.ge @!p0 [sflag:s0], s1  }
0xef: {  	s1 =	ssub.s32 @!p0 $0x0, s1;
	[sflag:s0] =	ssyncset.done @!p0 $0x0  }
0xf0: {  	[sflag:s0] =	ssyncadd.s32 @!p0 s1  }
0xf1: {  	[bflag:$0x3] =	sbarrier.arrive $0xFFFF  }
0xf2: {  	_ =	shalt  }

</sc_bundles>
